<compile_context>
chip_gen: v7x
topology: tpu7x:2x2x1
jax: 0.10.2.dev20260603
libtpu: 0.0.44.dev20260713+nightly
codegen_flags: <defaults>
</compile_context>

<pallas_src>
import functools

import jax
import jax.numpy as jnp
from jax import lax
from jax.experimental import pallas as pl
from jax.experimental.pallas import tpu as pltpu
from jax.experimental.pallas import tpu_sc as plsc

_NC = 2
_NS = 16
_NW = _NC * _NS
_L = 16

_CH = 128
_G = 8


def _sc_segment_sum(f1, srcx2d, eff2d, n_pad, chunks_per_worker):
    n, d = f1.shape
    rps = n_pad // _NS
    groups = chunks_per_worker // _G
    dump = n

    mesh = plsc.VectorSubcoreMesh(
        core_axis_name="c", subcore_axis_name="s",
        num_cores=_NC, num_subcores=_NS)

    @functools.partial(
        pl.kernel,
        out_type=jax.ShapeDtypeStruct((_NC, n_pad, d), jnp.float32),
        mesh=mesh,
        scratch_types=[
            pltpu.VMEM((_G, _CH), jnp.int32),
            pltpu.VMEM((_G, _CH), jnp.int32),
            pltpu.VMEM((_G * _CH + _CH,), jnp.int32),
            pltpu.VMEM((_G * _CH + _CH,), jnp.int32),
            pltpu.VMEM((_G, _CH), jnp.int32),
            pltpu.VMEM((_G, _CH, 16), jnp.float32),
            pltpu.VMEM_SHARED((n_pad, 16), jnp.float32),
            pltpu.SemaphoreType.DMA,
        ],
        compiler_params=pltpu.CompilerParams(use_tc_tiling_on_sc=False,
                                             needs_layout_passes=False),
    )
    def sc_kernel(f1_hbm, src_hbm, eff_hbm, zrows_hbm,
                  acc_out,
                  srcv, effv, csrc, ceff, c2eff, rowsv,
                  acc_sh, sem):
        cid = lax.axis_index("c")
        sid = lax.axis_index("s")
        w = cid * _NS + sid
        base = sid * rps

        pltpu.sync_copy(zrows_hbm, acc_sh.at[pl.ds(base, rps)])
        plsc.subcore_barrier()

        iota = lax.iota(jnp.int32, _L)

        def body(g, carry):
            cbase = w * chunks_per_worker + g * _G
            pltpu.sync_copy(src_hbm.at[pl.ds(cbase, _G)], srcv)
            pltpu.sync_copy(eff_hbm.at[pl.ds(cbase, _G)], effv)
            off = jnp.int32(0)
            for j in range(_G):
                for i in range(_CH // _L):
                    sl = pl.ds(i * _L, _L)
                    sv = srcv[j, sl]
                    ev = effv[j, sl]
                    ev_s, sv_s = plsc.sort_key_val(ev, sv)
                    csrc[pl.ds(off, _L)] = sv_s
                    ceff[pl.ds(off, _L)] = ev_s
                    off = off + jnp.sum(jnp.where(ev < dump, 1, 0))
            hi = lax.shift_left(lax.shift_right_logical(off + _CH - 1, 7), 7)
            for k in range(_CH // _L):
                @pl.when(off + k * _L < hi)
                def _pad(k=k):
                    ceff[pl.ds(off + k * _L, _L)] = jnp.full(
                        (_L,), dump, jnp.int32)
                    csrc[pl.ds(off + k * _L, _L)] = iota * 61 + (k * _L)
            for j in range(_G):
                @pl.when(j * _CH < off)
                def _copy(j=j):
                    for i in range(_CH // _L):
                        d = pl.ds(i * _L, _L)
                        c2eff[j, d] = ceff[pl.ds(j * _CH + i * _L, _L)]
            cps = []
            for j in range(_G):
                @pl.when(j * _CH < off)
                def _fire(j=j):
                    cps.append(pltpu.async_copy(
                        f1_hbm.at[csrc.at[pl.ds(j * _CH, _CH)]],
                        rowsv.at[j], sem))
            for j in range(_G):
                @pl.when(j * _CH < off)
                def _drain(j=j):
                    cps[j].wait()
            for j in range(_G):
                @pl.when(j * _CH < off)
                def _scatter(j=j):
                    pltpu.sync_copy(rowsv.at[j], acc_sh.at[c2eff.at[j]],
                                    add=True)
            return carry

        lax.fori_loop(0, groups, body, 0)
        plsc.subcore_barrier()
        pltpu.sync_copy(acc_sh.at[pl.ds(base, rps)],
                        acc_out.at[cid].at[pl.ds(base, rps)])

    zrows = jnp.zeros((rps, 16), jnp.float32)
    return sc_kernel(f1, srcx2d, eff2d, zrows)


def _tc_prep(features, w1t, b1r, src2d, dst2d, typ2d, nchunks_pad):
    n, d = features.shape
    nreal = src2d.shape[0]
    rb = 256
    nblk = pl.cdiv(nchunks_pad, rb)
    r1 = (((n + nblk - 1) // nblk) + 7) // 8 * 8
    g1 = pl.cdiv(n, r1)
    dump = n

    def body(feat_ref, w1_ref, b1_ref, src_ref, dst_ref, typ_ref,
             f1_ref, sx_ref, ef_ref, ts_ref):
        i = pl.program_id(0)
        f1_ref[...] = (jnp.dot(feat_ref[...], w1_ref[...],
                               preferred_element_type=jnp.float32)
                       + b1_ref[...])

        t = typ_ref[...]
        rows = lax.broadcasted_iota(jnp.int32, (rb, _CH), 0) + i * rb
        cols = lax.broadcasted_iota(jnp.int32, (rb, _CH), 1)
        valid = rows < nreal
        spread = (rows - i * rb) * 131 + cols
        sx_ref[...] = jnp.where(valid, src_ref[...], spread)
        ef_ref[...] = jnp.where(valid & (t == 0), dst_ref[...], dump)

        @pl.when(i == 0)
        def _():
            ts_ref[...] = jnp.zeros((8, 128), jnp.int32)

        ts_ref[...] = ts_ref[...] + jnp.sum(jnp.where(valid, t, 0))

    clamp = g1 - 1

    return pl.pallas_call(
        body,
        grid=(nblk,),
        in_specs=[
            pl.BlockSpec((r1, d), lambda i: (jnp.minimum(i, clamp), 0)),
            pl.BlockSpec((d, d), lambda i: (0, 0)),
            pl.BlockSpec((1, d), lambda i: (0, 0)),
            pl.BlockSpec((rb, _CH), lambda i: (i, 0)),
            pl.BlockSpec((rb, _CH), lambda i: (i, 0)),
            pl.BlockSpec((rb, _CH), lambda i: (i, 0)),
        ],
        out_specs=(
            pl.BlockSpec((r1, d), lambda i: (jnp.minimum(i, clamp), 0)),
            pl.BlockSpec((rb, _CH), lambda i: (i, 0)),
            pl.BlockSpec((rb, _CH), lambda i: (i, 0)),
            pl.BlockSpec((8, 128), lambda i: (0, 0)),
        ),
        out_shape=(
            jax.ShapeDtypeStruct((n, d), jnp.float32),
            jax.ShapeDtypeStruct((nchunks_pad, _CH), jnp.int32),
            jax.ShapeDtypeStruct((nchunks_pad, _CH), jnp.int32),
            jax.ShapeDtypeStruct((8, 128), jnp.int32),
        ),
    )(features, w1t, b1r, src2d, dst2d, typ2d)


def _tc_dense(acc_parts, features, misc, fab,
              w0t, b0r, wg, bg, woutt, boutr):
    n, d = features.shape
    c = woutt.shape[1]
    r = 4096

    def body(acc_ref, feat_ref, misc_ref, fab_ref,
             w0_ref, b0_ref, wg_ref, bg_ref,
             wout_ref, bout_ref, out_ref):
        pid = pl.program_id(0)
        feat = feat_ref[...]

        count0 = misc_ref[0, 0]
        count1 = misc_ref[0, 1]
        idx_a = misc_ref[0, 2]
        idx_b = misc_ref[0, 3]

        row_a = jnp.dot(fab_ref[0:1, :], w0_ref[...],
                        preferred_element_type=jnp.float32) + b0_ref[...]
        row_b = jnp.dot(fab_ref[1:2, :], w0_ref[...],
                        preferred_element_type=jnp.float32) + b0_ref[...]

        rowf = (lax.broadcasted_iota(jnp.int32, (r, 1), 0)
                + pid * r).astype(jnp.float32)
        corr = ((rowf == idx_a).astype(jnp.float32) * (count0 * row_a)
                + (rowf == idx_b).astype(jnp.float32) * (count1 * row_b))

        reduced = acc_ref[0] + acc_ref[1] + corr

        i_r = jnp.dot(reduced, wg_ref[0], preferred_element_type=jnp.float32) + bg_ref[0:1, :]
        i_z = jnp.dot(reduced, wg_ref[1], preferred_element_type=jnp.float32) + bg_ref[1:2, :]
        i_n = jnp.dot(reduced, wg_ref[2], preferred_element_type=jnp.float32) + bg_ref[2:3, :]
        h_r = jnp.dot(feat, wg_ref[3], preferred_element_type=jnp.float32) + bg_ref[3:4, :]
        h_z = jnp.dot(feat, wg_ref[4], preferred_element_type=jnp.float32) + bg_ref[4:5, :]
        h_n = jnp.dot(feat, wg_ref[5], preferred_element_type=jnp.float32) + bg_ref[5:6, :]

        rr = 1.0 / (1.0 + jnp.exp(-(i_r + h_r)))
        zz = 1.0 / (1.0 + jnp.exp(-(i_z + h_z)))
        nn = jnp.tanh(i_n + rr * h_n)
        h_new = (1.0 - zz) * nn + zz * feat
        out_ref[...] = jnp.dot(h_new, wout_ref[...],
                               preferred_element_type=jnp.float32) + bout_ref[...]

    return pl.pallas_call(
        body,
        grid=(pl.cdiv(n, r),),
        in_specs=[
            pl.BlockSpec((2, r, d), lambda i: (0, i, 0)),
            pl.BlockSpec((r, d), lambda i: (i, 0)),
            pl.BlockSpec((1, 8), lambda i: (0, 0)),
            pl.BlockSpec((2, d), lambda i: (0, 0)),
            pl.BlockSpec((d, d), lambda i: (0, 0)),
            pl.BlockSpec((1, d), lambda i: (0, 0)),
            pl.BlockSpec((6, d, d), lambda i: (0, 0, 0)),
            pl.BlockSpec((6, d), lambda i: (0, 0)),
            pl.BlockSpec((d, c), lambda i: (0, 0)),
            pl.BlockSpec((1, c), lambda i: (0, 0)),
        ],
        out_specs=pl.BlockSpec((r, c), lambda i: (i, 0)),
        out_shape=jax.ShapeDtypeStruct((n, c), jnp.float32),
    )(acc_parts, features, misc, fab, w0t, b0r, wg, bg, woutt, boutr)


def kernel(features, src_list, dst_list, edge_types,
           W0, b0, W1, b1, W_ih, W_hh, b_ih, b_hh, W_out, b_out):
    n, d = features.shape
    e = src_list.shape[0]

    if e % _CH:
        tail = _CH - e % _CH
        src_p = jnp.concatenate([src_list, jnp.zeros((tail,), jnp.int32)])
        dst_list2 = jnp.concatenate([dst_list, jnp.zeros((tail,), jnp.int32)])
        typ_p = jnp.concatenate([edge_types, jnp.ones((tail,), jnp.int32)])
        extra1 = tail
    else:
        src_p, dst_list2, typ_p = src_list, dst_list, edge_types
        extra1 = 0
    nreal = src_p.shape[0] // _CH
    unit = _NW * _G
    nchunks_pad = ((nreal + unit - 1) // unit) * unit
    chunks_per_worker = nchunks_pad // _NW
    src2d = src_p.reshape(nreal, _CH)
    dst2d = dst_list2.reshape(nreal, _CH)
    typ2d = typ_p.reshape(nreal, _CH)

    n_pad = ((n + 1 + _NS * 128 - 1) // (_NS * 128)) * (_NS * 128)

    f1, srcx2d, eff2d, typsums = _tc_prep(
        features, W1.T, b1.reshape(1, d), src2d, dst2d, typ2d, nchunks_pad)
    acc_parts = _sc_segment_sum(f1, srcx2d, eff2d, n_pad, chunks_per_worker)

    count1 = (typsums[0, 0] - extra1).astype(jnp.float32)
    count0 = jnp.float32(e) - count1
    idx_a = dst_list[0].astype(jnp.float32)
    idx_b = dst_list[1].astype(jnp.float32)
    misc = jnp.stack([count0, count1, idx_a, idx_b,
                      jnp.float32(0), jnp.float32(0),
                      jnp.float32(0), jnp.float32(0)]).reshape(1, 8)
    fab = jnp.stack([features[src_list[0]], features[src_list[1]]])

    wg = jnp.stack([W_ih[:d].T, W_ih[d:2 * d].T, W_ih[2 * d:].T,
                    W_hh[:d].T, W_hh[d:2 * d].T, W_hh[2 * d:].T])
    bg = jnp.stack([b_ih[:d], b_ih[d:2 * d], b_ih[2 * d:],
                    b_hh[:d], b_hh[d:2 * d], b_hh[2 * d:]])

    return _tc_dense(acc_parts, features, misc, fab,
                     W0.T, b0.reshape(1, d), wg, bg,
                     W_out.T, b_out.reshape(1, 64))

# --- scband reference (transcript-rebuilt; emitter-appended) ---
"""Pipeline reference for scband-ggnn-87917980549370 (READ-ONLY COPY).

The authoritative reference and input builder live on the scoring server;
editing this copy changes nothing except your own understanding.
"""

import jax, jax.numpy as jnp
import numpy as np

N = 100000
E = 1600000
D = 16   # hidden_dim == msg_dim (required by the scatter into a features-shaped buffer)
C = 64   # num_classes


def setup_inputs(seed: int = 0) -> dict:
    key = jax.random.key(seed)
    ks = jax.random.split(key, 16)
    s = 1.0 / np.sqrt(D)
    features = jax.random.normal(ks[0], (N, D), dtype=jnp.float32)
    src_list = jax.random.randint(ks[1], (E,), 0, N, dtype=jnp.int32)
    dst_list = jax.random.randint(ks[2], (E,), 0, N, dtype=jnp.int32)
    edge_types = jax.random.randint(ks[3], (E,), 0, 2, dtype=jnp.int32)
    # edge-type linear layers (torch Linear: weight [out, in])
    W0 = jax.random.normal(ks[4], (D, D), dtype=jnp.float32) * s
    b0 = jax.random.normal(ks[5], (D,), dtype=jnp.float32) * s
    W1 = jax.random.normal(ks[6], (D, D), dtype=jnp.float32) * s
    b1 = jax.random.normal(ks[7], (D,), dtype=jnp.float32) * s
    # GRU params (torch layout: [W_ir; W_iz; W_in] stacked -> [3*hidden, in])
    W_ih = jax.random.normal(ks[8], (3 * D, D), dtype=jnp.float32) * s
    W_hh = jax.random.normal(ks[9], (3 * D, D), dtype=jnp.float32) * s
    b_ih = jax.random.normal(ks[10], (3 * D,), dtype=jnp.float32) * s
    b_hh = jax.random.normal(ks[11], (3 * D,), dtype=jnp.float32) * s
    # output head
    W_out = jax.random.normal(ks[12], (C, D), dtype=jnp.float32) * s
    b_out = jax.random.normal(ks[13], (C,), dtype=jnp.float32) * s
    return {
        'features': features, 'src_list': src_list, 'dst_list': dst_list,
        'edge_types': edge_types, 'W0': W0, 'b0': b0, 'W1': W1, 'b1': b1,
        'W_ih': W_ih, 'W_hh': W_hh, 'b_ih': b_ih, 'b_hh': b_hh,
        'W_out': W_out, 'b_out': b_out,
    }


def reference(features, src_list, dst_list, edge_types,
              W0, b0, W1, b1, W_ih, W_hh, b_ih, b_hh, W_out, b_out):
    # Faithful to the torch forward:
    # typed 0: src_list[edge_types] (integer gather, as written in the module)
    # typed 1: src_list[edge_types == 0] (boolean mask)
    src0 = src_list[edge_types]
    dst0 = dst_list[edge_types]
    mask = (edge_types == 0)
    f0 = features[src0]
    f1 = features[src_list]
    m0 = f0 @ W0.T + b0
    m1 = (f1 @ W1.T + b1) * mask[:, None].astype(jnp.float32)
    # scatter_add over dst indices (torch's new_empty + scatter_add, taken as zero-init)
    reduced = jax.ops.segment_sum(m0, dst0, num_segments=N) \
            + jax.ops.segment_sum(m1, dst_list, num_segments=N)
    # one GRU step: input = reduced [N, D], h0 = features [N, D]
    gi = reduced @ W_ih.T + b_ih
    gh = features @ W_hh.T + b_hh
    i_r, i_z, i_n = jnp.split(gi, 3, axis=1)
    h_r, h_z, h_n = jnp.split(gh, 3, axis=1)
    r = jax.nn.sigmoid(i_r + h_r)
    z = jax.nn.sigmoid(i_z + h_z)
    n = jnp.tanh(i_n + r * h_n)
    h_new = (1.0 - z) * n + z * features
    out = h_new @ W_out.T + b_out
    return out

if __name__ == "__main__":
    import jax
    _d = setup_inputs()
    print(jax.jit(kernel)(*tuple(_d.values())))

</pallas_src>

<mosaic_0001>
#map = affine_map<(d0, d1) -> (0, 0)>
#map1 = affine_map<(d0, d1) -> (0)>
#map2 = affine_map<(d0, d1) -> (0, 0, 0)>
module attributes {stable_mosaic.version = 14 : i64} {
  func.func @_rewritten_body(%arg0: i32, %arg1: i32, %arg2: memref<100000x16xf32, #tpu.memory_space<hbm>>, %arg3: memref<12544x128xi32, #tpu.memory_space<hbm>>, %arg4: memref<12544x128xi32, #tpu.memory_space<hbm>>, %arg5: memref<6272x16xf32, #tpu.memory_space<hbm>>, %arg6: memref<1xi32, #tpu.memory_space<hbm>>, %arg7: memref<1xi32, #tpu.memory_space<hbm>>, %arg8: memref<1xi32, #tpu.memory_space<hbm>>, %arg9: memref<1xi32, #tpu.memory_space<hbm>>, %arg10: memref<1xi32, #tpu.memory_space<hbm>>, %arg11: memref<1xi32, #tpu.memory_space<hbm>>, %arg12: memref<1xi32, #tpu.memory_space<hbm>>, %arg13: memref<1xi32, #tpu.memory_space<hbm>>, %arg14: memref<2x100352x16xf32, #tpu.memory_space<hbm>>, %arg15: memref<8x128xi32, #tpu.memory_space<vmem>>, %arg16: memref<8x128xi32, #tpu.memory_space<vmem>>, %arg17: memref<1152xi32, #tpu.memory_space<vmem>>, %arg18: memref<1152xi32, #tpu.memory_space<vmem>>, %arg19: memref<8x128xi32, #tpu.memory_space<vmem>>, %arg20: memref<8x128x16xf32, #tpu.memory_space<vmem>>, %arg21: memref<100352x16xf32, #tpu.memory_space<vmem_shared>>, %arg22: memref<!tpu.dma_semaphore, #tpu.memory_space<semaphore_mem>>) attributes {dimension_semantics = [#tpu.dimension_semantics<core_parallel>, #tpu.dimension_semantics<subcore_parallel>], iteration_bounds = array<i64: 2, 16>, scalar_prefetch = 0 : i64, scratch_operands = 8 : i64, tpu.core_type = #tpu.core_type<sc_vector_subcore>, window_params = [{transform_indices = #map}, {transform_indices = #map}, {transform_indices = #map}, {transform_indices = #map}, {transform_indices = #map1}, {transform_indices = #map1}, {transform_indices = #map1}, {transform_indices = #map1}, {transform_indices = #map1}, {transform_indices = #map1}, {transform_indices = #map1}, {transform_indices = #map1}, {transform_indices = #map2}]} {
    %empty_ref3A = memref.alloca() : memref<16xi32, #tpu.memory_space<vmem>>
    %empty_ref3A_0 = memref.alloca() : memref<16xi32, #tpu.memory_space<vmem>>
    %empty_ref3A_1 = memref.alloca() : memref<16xi32, #tpu.memory_space<vmem>>
    %empty_ref3A_2 = memref.alloca() : memref<16xi32, #tpu.memory_space<vmem>>
    %empty_ref3A_3 = memref.alloca() : memref<16xi32, #tpu.memory_space<vmem>>
    %empty_ref3A_4 = memref.alloca() : memref<16xi32, #tpu.memory_space<vmem>>
    %empty_ref3A_5 = memref.alloca() : memref<16xi32, #tpu.memory_space<vmem>>
    %empty_ref3A_6 = memref.alloca() : memref<16xi32, #tpu.memory_space<vmem>>
    "tpu.region"() ({
      %run_scoped3A = tpu.sem_alloc : memref<!tpu.dma_semaphore, #tpu.memory_space<semaphore_mem>>
      %dma_start3A = arith.constant 0 : i32
      %dma_start3A_45 = tpu.memref_slice %empty_ref3A[%dma_start3A] : memref<16xi32, #tpu.memory_space<vmem>> -> memref<1xi32, #tpu.memory_space<vmem>>
      %dma_start3A_46 = arith.constant 0 : i32
      %dma_start3A_47 = tpu.memref_slice %empty_ref3A[%dma_start3A_46] : memref<16xi32, #tpu.memory_space<vmem>> -> memref<1xi32, #tpu.memory_space<vmem>>
      tpu.enqueue_dma source(%arg6 : memref<1xi32, #tpu.memory_space<hbm>>) target(%dma_start3A_47 : memref<1xi32, #tpu.memory_space<vmem>>) target_semaphore(%run_scoped3A : memref<!tpu.dma_semaphore, #tpu.memory_space<semaphore_mem>>)
      %dma_start3A_48 = arith.constant 0 : i32
      %dma_start3A_49 = tpu.memref_slice %empty_ref3A_0[%dma_start3A_48] : memref<16xi32, #tpu.memory_space<vmem>> -> memref<1xi32, #tpu.memory_space<vmem>>
      %dma_start3A_50 = arith.constant 0 : i32
      %dma_start3A_51 = tpu.memref_slice %empty_ref3A_0[%dma_start3A_50] : memref<16xi32, #tpu.memory_space<vmem>> -> memref<1xi32, #tpu.memory_space<vmem>>
      tpu.enqueue_dma source(%arg7 : memref<1xi32, #tpu.memory_space<hbm>>) target(%dma_start3A_51 : memref<1xi32, #tpu.memory_space<vmem>>) target_semaphore(%run_scoped3A : memref<!tpu.dma_semaphore, #tpu.memory_space<semaphore_mem>>)
      %dma_start3A_52 = arith.constant 0 : i32
      %dma_start3A_53 = tpu.memref_slice %empty_ref3A_1[%dma_start3A_52] : memref<16xi32, #tpu.memory_space<vmem>> -> memref<1xi32, #tpu.memory_space<vmem>>
      %dma_start3A_54 = arith.constant 0 : i32
      %dma_start3A_55 = tpu.memref_slice %empty_ref3A_1[%dma_start3A_54] : memref<16xi32, #tpu.memory_space<vmem>> -> memref<1xi32, #tpu.memory_space<vmem>>
      tpu.enqueue_dma source(%arg8 : memref<1xi32, #tpu.memory_space<hbm>>) target(%dma_start3A_55 : memref<1xi32, #tpu.memory_space<vmem>>) target_semaphore(%run_scoped3A : memref<!tpu.dma_semaphore, #tpu.memory_space<semaphore_mem>>)
      %dma_start3A_56 = arith.constant 0 : i32
      %dma_start3A_57 = tpu.memref_slice %empty_ref3A_2[%dma_start3A_56] : memref<16xi32, #tpu.memory_space<vmem>> -> memref<1xi32, #tpu.memory_space<vmem>>
      %dma_start3A_58 = arith.constant 0 : i32
      %dma_start3A_59 = tpu.memref_slice %empty_ref3A_2[%dma_start3A_58] : memref<16xi32, #tpu.memory_space<vmem>> -> memref<1xi32, #tpu.memory_space<vmem>>
      tpu.enqueue_dma source(%arg9 : memref<1xi32, #tpu.memory_space<hbm>>) target(%dma_start3A_59 : memref<1xi32, #tpu.memory_space<vmem>>) target_semaphore(%run_scoped3A : memref<!tpu.dma_semaphore, #tpu.memory_space<semaphore_mem>>)
      %dma_start3A_60 = arith.constant 0 : i32
      %dma_start3A_61 = tpu.memref_slice %empty_ref3A_3[%dma_start3A_60] : memref<16xi32, #tpu.memory_space<vmem>> -> memref<1xi32, #tpu.memory_space<vmem>>
      %dma_start3A_62 = arith.constant 0 : i32
      %dma_start3A_63 = tpu.memref_slice %empty_ref3A_3[%dma_start3A_62] : memref<16xi32, #tpu.memory_space<vmem>> -> memref<1xi32, #tpu.memory_space<vmem>>
      tpu.enqueue_dma source(%arg10 : memref<1xi32, #tpu.memory_space<hbm>>) target(%dma_start3A_63 : memref<1xi32, #tpu.memory_space<vmem>>) target_semaphore(%run_scoped3A : memref<!tpu.dma_semaphore, #tpu.memory_space<semaphore_mem>>)
      %dma_start3A_64 = arith.constant 0 : i32
      %dma_start3A_65 = tpu.memref_slice %empty_ref3A_4[%dma_start3A_64] : memref<16xi32, #tpu.memory_space<vmem>> -> memref<1xi32, #tpu.memory_space<vmem>>
      %dma_start3A_66 = arith.constant 0 : i32
      %dma_start3A_67 = tpu.memref_slice %empty_ref3A_4[%dma_start3A_66] : memref<16xi32, #tpu.memory_space<vmem>> -> memref<1xi32, #tpu.memory_space<vmem>>
      tpu.enqueue_dma source(%arg11 : memref<1xi32, #tpu.memory_space<hbm>>) target(%dma_start3A_67 : memref<1xi32, #tpu.memory_space<vmem>>) target_semaphore(%run_scoped3A : memref<!tpu.dma_semaphore, #tpu.memory_space<semaphore_mem>>)
      %dma_start3A_68 = arith.constant 0 : i32
      %dma_start3A_69 = tpu.memref_slice %empty_ref3A_5[%dma_start3A_68] : memref<16xi32, #tpu.memory_space<vmem>> -> memref<1xi32, #tpu.memory_space<vmem>>
      %dma_start3A_70 = arith.constant 0 : i32
      %dma_start3A_71 = tpu.memref_slice %empty_ref3A_5[%dma_start3A_70] : memref<16xi32, #tpu.memory_space<vmem>> -> memref<1xi32, #tpu.memory_space<vmem>>
      tpu.enqueue_dma source(%arg12 : memref<1xi32, #tpu.memory_space<hbm>>) target(%dma_start3A_71 : memref<1xi32, #tpu.memory_space<vmem>>) target_semaphore(%run_scoped3A : memref<!tpu.dma_semaphore, #tpu.memory_space<semaphore_mem>>)
      %dma_start3A_72 = arith.constant 0 : i32
      %dma_start3A_73 = tpu.memref_slice %empty_ref3A_6[%dma_start3A_72] : memref<16xi32, #tpu.memory_space<vmem>> -> memref<1xi32, #tpu.memory_space<vmem>>
      %dma_start3A_74 = arith.constant 0 : i32
      %dma_start3A_75 = tpu.memref_slice %empty_ref3A_6[%dma_start3A_74] : memref<16xi32, #tpu.memory_space<vmem>> -> memref<1xi32, #tpu.memory_space<vmem>>
      tpu.enqueue_dma source(%arg13 : memref<1xi32, #tpu.memory_space<hbm>>) target(%dma_start3A_75 : memref<1xi32, #tpu.memory_space<vmem>>) target_semaphore(%run_scoped3A : memref<!tpu.dma_semaphore, #tpu.memory_space<semaphore_mem>>)
      %dma_wait3A = arith.constant 0 : i32
      %dma_wait3A_76 = tpu.memref_slice %empty_ref3A[%dma_wait3A] : memref<16xi32, #tpu.memory_space<vmem>> -> memref<1xi32, #tpu.memory_space<vmem>>
      %dma_wait3A_77 = arith.constant 0 : i32
      %dma_wait3A_78 = tpu.memref_slice %empty_ref3A[%dma_wait3A_77] : memref<16xi32, #tpu.memory_space<vmem>> -> memref<1xi32, #tpu.memory_space<vmem>>
      tpu.wait_dma2 semaphore(%run_scoped3A : memref<!tpu.dma_semaphore, #tpu.memory_space<semaphore_mem>>) src(%arg6 : memref<1xi32, #tpu.memory_space<hbm>>) dst(%dma_wait3A_78 : memref<1xi32, #tpu.memory_space<vmem>>)
      %dma_wait3A_79 = arith.constant 0 : i32
      %dma_wait3A_80 = tpu.memref_slice %empty_ref3A_0[%dma_wait3A_79] : memref<16xi32, #tpu.memory_space<vmem>> -> memref<1xi32, #tpu.memory_space<vmem>>
      %dma_wait3A_81 = arith.constant 0 : i32
      %dma_wait3A_82 = tpu.memref_slice %empty_ref3A_0[%dma_wait3A_81] : memref<16xi32, #tpu.memory_space<vmem>> -> memref<1xi32, #tpu.memory_space<vmem>>
      tpu.wait_dma2 semaphore(%run_scoped3A : memref<!tpu.dma_semaphore, #tpu.memory_space<semaphore_mem>>) src(%arg7 : memref<1xi32, #tpu.memory_space<hbm>>) dst(%dma_wait3A_82 : memref<1xi32, #tpu.memory_space<vmem>>)
      %dma_wait3A_83 = arith.constant 0 : i32
      %dma_wait3A_84 = tpu.memref_slice %empty_ref3A_1[%dma_wait3A_83] : memref<16xi32, #tpu.memory_space<vmem>> -> memref<1xi32, #tpu.memory_space<vmem>>
      %dma_wait3A_85 = arith.constant 0 : i32
      %dma_wait3A_86 = tpu.memref_slice %empty_ref3A_1[%dma_wait3A_85] : memref<16xi32, #tpu.memory_space<vmem>> -> memref<1xi32, #tpu.memory_space<vmem>>
      tpu.wait_dma2 semaphore(%run_scoped3A : memref<!tpu.dma_semaphore, #tpu.memory_space<semaphore_mem>>) src(%arg8 : memref<1xi32, #tpu.memory_space<hbm>>) dst(%dma_wait3A_86 : memref<1xi32, #tpu.memory_space<vmem>>)
      %dma_wait3A_87 = arith.constant 0 : i32
      %dma_wait3A_88 = tpu.memref_slice %empty_ref3A_2[%dma_wait3A_87] : memref<16xi32, #tpu.memory_space<vmem>> -> memref<1xi32, #tpu.memory_space<vmem>>
      %dma_wait3A_89 = arith.constant 0 : i32
      %dma_wait3A_90 = tpu.memref_slice %empty_ref3A_2[%dma_wait3A_89] : memref<16xi32, #tpu.memory_space<vmem>> -> memref<1xi32, #tpu.memory_space<vmem>>
      tpu.wait_dma2 semaphore(%run_scoped3A : memref<!tpu.dma_semaphore, #tpu.memory_space<semaphore_mem>>) src(%arg9 : memref<1xi32, #tpu.memory_space<hbm>>) dst(%dma_wait3A_90 : memref<1xi32, #tpu.memory_space<vmem>>)
      %dma_wait3A_91 = arith.constant 0 : i32
      %dma_wait3A_92 = tpu.memref_slice %empty_ref3A_3[%dma_wait3A_91] : memref<16xi32, #tpu.memory_space<vmem>> -> memref<1xi32, #tpu.memory_space<vmem>>
      %dma_wait3A_93 = arith.constant 0 : i32
      %dma_wait3A_94 = tpu.memref_slice %empty_ref3A_3[%dma_wait3A_93] : memref<16xi32, #tpu.memory_space<vmem>> -> memref<1xi32, #tpu.memory_space<vmem>>
      tpu.wait_dma2 semaphore(%run_scoped3A : memref<!tpu.dma_semaphore, #tpu.memory_space<semaphore_mem>>) src(%arg10 : memref<1xi32, #tpu.memory_space<hbm>>) dst(%dma_wait3A_94 : memref<1xi32, #tpu.memory_space<vmem>>)
      %dma_wait3A_95 = arith.constant 0 : i32
      %dma_wait3A_96 = tpu.memref_slice %empty_ref3A_4[%dma_wait3A_95] : memref<16xi32, #tpu.memory_space<vmem>> -> memref<1xi32, #tpu.memory_space<vmem>>
      %dma_wait3A_97 = arith.constant 0 : i32
      %dma_wait3A_98 = tpu.memref_slice %empty_ref3A_4[%dma_wait3A_97] : memref<16xi32, #tpu.memory_space<vmem>> -> memref<1xi32, #tpu.memory_space<vmem>>
      tpu.wait_dma2 semaphore(%run_scoped3A : memref<!tpu.dma_semaphore, #tpu.memory_space<semaphore_mem>>) src(%arg11 : memref<1xi32, #tpu.memory_space<hbm>>) dst(%dma_wait3A_98 : memref<1xi32, #tpu.memory_space<vmem>>)
      %dma_wait3A_99 = arith.constant 0 : i32
      %dma_wait3A_100 = tpu.memref_slice %empty_ref3A_5[%dma_wait3A_99] : memref<16xi32, #tpu.memory_space<vmem>> -> memref<1xi32, #tpu.memory_space<vmem>>
      %dma_wait3A_101 = arith.constant 0 : i32
      %dma_wait3A_102 = tpu.memref_slice %empty_ref3A_5[%dma_wait3A_101] : memref<16xi32, #tpu.memory_space<vmem>> -> memref<1xi32, #tpu.memory_space<vmem>>
      tpu.wait_dma2 semaphore(%run_scoped3A : memref<!tpu.dma_semaphore, #tpu.memory_space<semaphore_mem>>) src(%arg12 : memref<1xi32, #tpu.memory_space<hbm>>) dst(%dma_wait3A_102 : memref<1xi32, #tpu.memory_space<vmem>>)
      %dma_wait3A_103 = arith.constant 0 : i32
      %dma_wait3A_104 = tpu.memref_slice %empty_ref3A_6[%dma_wait3A_103] : memref<16xi32, #tpu.memory_space<vmem>> -> memref<1xi32, #tpu.memory_space<vmem>>
      %dma_wait3A_105 = arith.constant 0 : i32
      %dma_wait3A_106 = tpu.memref_slice %empty_ref3A_6[%dma_wait3A_105] : memref<16xi32, #tpu.memory_space<vmem>> -> memref<1xi32, #tpu.memory_space<vmem>>
      tpu.wait_dma2 semaphore(%run_scoped3A : memref<!tpu.dma_semaphore, #tpu.memory_space<semaphore_mem>>) src(%arg13 : memref<1xi32, #tpu.memory_space<hbm>>) dst(%dma_wait3A_106 : memref<1xi32, #tpu.memory_space<vmem>>)
      tpu.yield
    }) : () -> ()
    %get3A = arith.constant 0 : index
    %get3A_7 = tpu.vector_load %empty_ref3A[%get3A] {strides = array<i32>} : memref<16xi32, #tpu.memory_space<vmem>>, vector<16xi32>,
    %slice3A = vector.extract_strided_slice %get3A_7 {offsets = [0], sizes = [1], strides = [1]} : vector<16xi32> to vector<1xi32>
    %squeeze3A = vector.extract %slice3A[0] : i32 from vector<1xi32>
    %get3A_8 = arith.constant 0 : index
    %get3A_9 = tpu.vector_load %empty_ref3A_0[%get3A_8] {strides = array<i32>} : memref<16xi32, #tpu.memory_space<vmem>>, vector<16xi32>,
    %slice3A_10 = vector.extract_strided_slice %get3A_9 {offsets = [0], sizes = [1], strides = [1]} : vector<16xi32> to vector<1xi32>
    %squeeze3A_11 = vector.extract %slice3A_10[0] : i32 from vector<1xi32>
    %get3A_12 = arith.constant 0 : index
    %get3A_13 = tpu.vector_load %empty_ref3A_1[%get3A_12] {strides = array<i32>} : memref<16xi32, #tpu.memory_space<vmem>>, vector<16xi32>,
    %slice3A_14 = vector.extract_strided_slice %get3A_13 {offsets = [0], sizes = [1], strides = [1]} : vector<16xi32> to vector<1xi32>
    %squeeze3A_15 = vector.extract %slice3A_14[0] : i32 from vector<1xi32>
    %get3A_16 = arith.constant 0 : index
    %get3A_17 = tpu.vector_load %empty_ref3A_2[%get3A_16] {strides = array<i32>} : memref<16xi32, #tpu.memory_space<vmem>>, vector<16xi32>,
    %slice3A_18 = vector.extract_strided_slice %get3A_17 {offsets = [0], sizes = [1], strides = [1]} : vector<16xi32> to vector<1xi32>
    %squeeze3A_19 = vector.extract %slice3A_18[0] : i32 from vector<1xi32>
    %get3A_20 = arith.constant 0 : index
    %get3A_21 = tpu.vector_load %empty_ref3A_3[%get3A_20] {strides = array<i32>} : memref<16xi32, #tpu.memory_space<vmem>>, vector<16xi32>,
    %slice3A_22 = vector.extract_strided_slice %get3A_21 {offsets = [0], sizes = [1], strides = [1]} : vector<16xi32> to vector<1xi32>
    %squeeze3A_23 = vector.extract %slice3A_22[0] : i32 from vector<1xi32>
    %get3A_24 = arith.constant 0 : index
    %get3A_25 = tpu.vector_load %empty_ref3A_4[%get3A_24] {strides = array<i32>} : memref<16xi32, #tpu.memory_space<vmem>>, vector<16xi32>,
    %slice3A_26 = vector.extract_strided_slice %get3A_25 {offsets = [0], sizes = [1], strides = [1]} : vector<16xi32> to vector<1xi32>
    %squeeze3A_27 = vector.extract %slice3A_26[0] : i32 from vector<1xi32>
    %get3A_28 = arith.constant 0 : index
    %get3A_29 = tpu.vector_load %empty_ref3A_5[%get3A_28] {strides = array<i32>} : memref<16xi32, #tpu.memory_space<vmem>>, vector<16xi32>,
    %slice3A_30 = vector.extract_strided_slice %get3A_29 {offsets = [0], sizes = [1], strides = [1]} : vector<16xi32> to vector<1xi32>
    %squeeze3A_31 = vector.extract %slice3A_30[0] : i32 from vector<1xi32>
    %get3A_32 = arith.constant 0 : index
    %get3A_33 = tpu.vector_load %empty_ref3A_6[%get3A_32] {strides = array<i32>} : memref<16xi32, #tpu.memory_space<vmem>>, vector<16xi32>,
    %slice3A_34 = vector.extract_strided_slice %get3A_33 {offsets = [0], sizes = [1], strides = [1]} : vector<16xi32> to vector<1xi32>
    %squeeze3A_35 = vector.extract %slice3A_34[0] : i32 from vector<1xi32>
    %mul3A = arith.constant 16 : i32
    %mul3A_36 = arith.muli %arg0, %mul3A : i32
    %add3A = arith.addi %mul3A_36, %arg1 : i32
    %mul3A_37 = arith.constant 6272 : i32
    %mul3A_38 = arith.muli %arg1, %mul3A_37 : i32
    "tpu.region"() ({
      %run_scoped3A = tpu.sem_alloc : memref<!tpu.dma_semaphore, #tpu.memory_space<semaphore_mem>>
      %dma_start3A = arith.constant 0 : i32
      %dma_start3A_45 = tpu.memref_slice %arg21[%mul3A_38, %dma_start3A] : memref<100352x16xf32, #tpu.memory_space<vmem_shared>> -> memref<6272x16xf32, #tpu.memory_space<vmem_shared>>
      tpu.enqueue_dma source(%arg5 : memref<6272x16xf32, #tpu.memory_space<hbm>>) target(%dma_start3A_45 : memref<6272x16xf32, #tpu.memory_space<vmem_shared>>) target_semaphore(%run_scoped3A : memref<!tpu.dma_semaphore, #tpu.memory_space<semaphore_mem>>)
      %dma_wait3A = arith.constant 0 : i32
      %dma_wait3A_46 = tpu.memref_slice %arg21[%mul3A_38, %dma_wait3A] : memref<100352x16xf32, #tpu.memory_space<vmem_shared>> -> memref<6272x16xf32, #tpu.memory_space<vmem_shared>>
      tpu.wait_dma2 semaphore(%run_scoped3A : memref<!tpu.dma_semaphore, #tpu.memory_space<semaphore_mem>>) src(%arg5 : memref<6272x16xf32, #tpu.memory_space<hbm>>) dst(%dma_wait3A_46 : memref<6272x16xf32, #tpu.memory_space<vmem_shared>>)
      tpu.yield
    }) : () -> ()
    %barrier3A = arith.constant 0 : index
    tpu.barrier barrier_id(%barrier3A)
    %iota3A = tpu.iota {dimensions = array<i32: 0>} : vector<16xi32>
    %scan3A = arith.constant 0 : i32
    %scan3A_39 = arith.constant 0 : i32
    %scan3A_40 = arith.constant 49 : i32
    %scan3A_41 = arith.addi %scan3A_39, %scan3A_40 : i32
    %scan3A_42 = arith.constant 1 : i32
    scf.for %scan3A_45 = %scan3A_39 to %scan3A_41 step %scan3A_42  : i32 {
      %mul3A_46 = arith.constant 392 : i32
      %mul3A_47 = arith.muli %add3A, %mul3A_46 : i32
      %mul3A_48 = arith.constant 8 : i32
      %mul3A_49 = arith.muli %scan3A_45, %mul3A_48 : i32
      %add3A_50 = arith.addi %mul3A_47, %mul3A_49 : i32
      "tpu.region"() ({
        %run_scoped3A = tpu.sem_alloc : memref<!tpu.dma_semaphore, #tpu.memory_space<semaphore_mem>>
        %dma_start3A = arith.constant 0 : i32
        %dma_start3A_2369 = tpu.memref_slice %arg3[%add3A_50, %dma_start3A] : memref<12544x128xi32, #tpu.memory_space<hbm>> -> memref<8x128xi32, #tpu.memory_space<hbm>>
        %dma_start3A_2370 = arith.constant 0 : i32
        %dma_start3A_2371 = tpu.memref_slice %arg3[%add3A_50, %dma_start3A_2370] : memref<12544x128xi32, #tpu.memory_space<hbm>> -> memref<8x128xi32, #tpu.memory_space<hbm>>
        tpu.enqueue_dma source(%dma_start3A_2371 : memref<8x128xi32, #tpu.memory_space<hbm>>) target(%arg15 : memref<8x128xi32, #tpu.memory_space<vmem>>) target_semaphore(%run_scoped3A : memref<!tpu.dma_semaphore, #tpu.memory_space<semaphore_mem>>)
        %dma_wait3A = arith.constant 0 : i32
        %dma_wait3A_2372 = tpu.memref_slice %arg3[%add3A_50, %dma_wait3A] : memref<12544x128xi32, #tpu.memory_space<hbm>> -> memref<8x128xi32, #tpu.memory_space<hbm>>
        %dma_wait3A_2373 = arith.constant 0 : i32
        %dma_wait3A_2374 = tpu.memref_slice %arg3[%add3A_50, %dma_wait3A_2373] : memref<12544x128xi32, #tpu.memory_space<hbm>> -> memref<8x128xi32, #tpu.memory_space<hbm>>
        tpu.wait_dma2 semaphore(%run_scoped3A : memref<!tpu.dma_semaphore, #tpu.memory_space<semaphore_mem>>) src(%dma_wait3A_2374 : memref<8x128xi32, #tpu.memory_space<hbm>>) dst(%arg15 : memref<8x128xi32, #tpu.memory_space<vmem>>)
        tpu.yield
      }) : () -> ()
      "tpu.region"() ({
        %run_scoped3A = tpu.sem_alloc : memref<!tpu.dma_semaphore, #tpu.memory_space<semaphore_mem>>
        %dma_start3A = arith.constant 0 : i32
        %dma_start3A_2369 = tpu.memref_slice %arg4[%add3A_50, %dma_start3A] : memref<12544x128xi32, #tpu.memory_space<hbm>> -> memref<8x128xi32, #tpu.memory_space<hbm>>
        %dma_start3A_2370 = arith.constant 0 : i32
        %dma_start3A_2371 = tpu.memref_slice %arg4[%add3A_50, %dma_start3A_2370] : memref<12544x128xi32, #tpu.memory_space<hbm>> -> memref<8x128xi32, #tpu.memory_space<hbm>>
        tpu.enqueue_dma source(%dma_start3A_2371 : memref<8x128xi32, #tpu.memory_space<hbm>>) target(%arg16 : memref<8x128xi32, #tpu.memory_space<vmem>>) target_semaphore(%run_scoped3A : memref<!tpu.dma_semaphore, #tpu.memory_space<semaphore_mem>>)
        %dma_wait3A = arith.constant 0 : i32
        %dma_wait3A_2372 = tpu.memref_slice %arg4[%add3A_50, %dma_wait3A] : memref<12544x128xi32, #tpu.memory_space<hbm>> -> memref<8x128xi32, #tpu.memory_space<hbm>>
        %dma_wait3A_2373 = arith.constant 0 : i32
        %dma_wait3A_2374 = tpu.memref_slice %arg4[%add3A_50, %dma_wait3A_2373] : memref<12544x128xi32, #tpu.memory_space<hbm>> -> memref<8x128xi32, #tpu.memory_space<hbm>>
        tpu.wait_dma2 semaphore(%run_scoped3A : memref<!tpu.dma_semaphore, #tpu.memory_space<semaphore_mem>>) src(%dma_wait3A_2374 : memref<8x128xi32, #tpu.memory_space<hbm>>) dst(%arg16 : memref<8x128xi32, #tpu.memory_space<vmem>>)
        tpu.yield
      }) : () -> ()
      %get3A_51 = arith.constant 0 : i32
      %get3A_52 = arith.index_cast %get3A_51 : i32 to index
      %get3A_53 = arith.constant 0 : index
      %get3A_54 = tpu.vector_load %arg15[%get3A_52, %get3A_53] {strides = array<i32>} : memref<8x128xi32, #tpu.memory_space<vmem>>, vector<16xi32>,
      %get3A_55 = arith.constant 0 : i32
      %get3A_56 = arith.index_cast %get3A_55 : i32 to index
      %get3A_57 = arith.constant 0 : index
      %get3A_58 = tpu.vector_load %arg16[%get3A_56, %get3A_57] {strides = array<i32>} : memref<8x128xi32, #tpu.memory_space<vmem>>, vector<16xi32>,
      %masked_sort3A = arith.constant dense<true> : vector<16xi1>
      %masked_sort3A_59 = arith.constant -2147483648 : i32
      %masked_sort3A_60 = vector.broadcast %masked_sort3A_59 : i32 to vector<16xi32>
      %masked_sort3A_61 = arith.xori %get3A_58, %masked_sort3A_60 : vector<16xi32>
      %masked_sort3A_62, %masked_sort3A_63, %masked_sort3A_64 = tpu.sort %masked_sort3A_61, %get3A_54 masked %masked_sort3A : (vector<16xi32>, vector<16xi32>, vector<16xi1>) -> (vector<16xi1>, vector<16xi32>, vector<16xi32>)
      %masked_sort3A_65 = arith.xori %masked_sort3A_63, %masked_sort3A_60 : vector<16xi32>
      %swap3A = arith.constant 0 : i32
      %swap3A_66 = arith.index_cast %swap3A : i32 to index
      %swap3A_67 = tpu.vector_load %arg17[%swap3A_66] {strides = array<i32>} : memref<1152xi32, #tpu.memory_space<vmem>>, vector<16xi32>,
      tpu.vector_store %arg17[%swap3A_66], %masked_sort3A_64 {strides = array<i32>} : memref<1152xi32, #tpu.memory_space<vmem>>, vector<16xi32>,
      %swap3A_68 = arith.constant 0 : i32
      %swap3A_69 = arith.index_cast %swap3A_68 : i32 to index
      %swap3A_70 = tpu.vector_load %arg18[%swap3A_69] {strides = array<i32>} : memref<1152xi32, #tpu.memory_space<vmem>>, vector<16xi32>,
      tpu.vector_store %arg18[%swap3A_69], %masked_sort3A_65 {strides = array<i32>} : memref<1152xi32, #tpu.memory_space<vmem>>, vector<16xi32>,
      %lt3A = arith.constant 100000 : i32
      %lt3A_71 = vector.broadcast %lt3A : i32 to vector<16xi32>
      %lt3A_72 = arith.cmpi slt, %get3A_58, %lt3A_71 : vector<16xi32>
      %jit3A = arith.constant 1 : i32
      %jit3A_73 = arith.constant 0 : i32
      %broadcast_in_dim3A = vector.broadcast %jit3A : i32 to vector<16xi32>
      %broadcast_in_dim3A_74 = vector.broadcast %jit3A_73 : i32 to vector<16xi32>
      %select_n3A = arith.select %lt3A_72, %broadcast_in_dim3A, %broadcast_in_dim3A_74 : vector<16xi1>, vector<16xi32>
      %reduce_sum3A = arith.constant true
      %reduce_sum3A_75 = vector.broadcast %reduce_sum3A : i1 to vector<16xi1>
      %reduce_sum3A_76 = tpu.scan <sum>, %select_n3A masked %reduce_sum3A_75 : vector<16xi32>, vector<16xi1> -> vector<16xi32>
      %reduce_sum3A_77 = vector.extract %reduce_sum3A_76[15] : i32 from vector<16xi32>
      %add3A_78 = arith.constant 0 : i32
      %add3A_79 = arith.addi %add3A_78, %reduce_sum3A_77 : i32
      %get3A_80 = arith.constant 0 : i32
      %get3A_81 = arith.index_cast %get3A_80 : i32 to index
      %get3A_82 = arith.constant 16 : index
      %get3A_83 = tpu.vector_load %arg15[%get3A_81, %get3A_82] {strides = array<i32>} : memref<8x128xi32, #tpu.memory_space<vmem>>, vector<16xi32>,
      %get3A_84 = arith.constant 0 : i32
      %get3A_85 = arith.index_cast %get3A_84 : i32 to index
      %get3A_86 = arith.constant 16 : index
      %get3A_87 = tpu.vector_load %arg16[%get3A_85, %get3A_86] {strides = array<i32>} : memref<8x128xi32, #tpu.memory_space<vmem>>, vector<16xi32>,
      %masked_sort3A_88 = arith.constant dense<true> : vector<16xi1>
      %masked_sort3A_89 = arith.constant -2147483648 : i32
      %masked_sort3A_90 = vector.broadcast %masked_sort3A_89 : i32 to vector<16xi32>
      %masked_sort3A_91 = arith.xori %get3A_87, %masked_sort3A_90 : vector<16xi32>
      %masked_sort3A_92, %masked_sort3A_93, %masked_sort3A_94 = tpu.sort %masked_sort3A_91, %get3A_83 masked %masked_sort3A_88 : (vector<16xi32>, vector<16xi32>, vector<16xi1>) -> (vector<16xi1>, vector<16xi32>, vector<16xi32>)
      %masked_sort3A_95 = arith.xori %masked_sort3A_93, %masked_sort3A_90 : vector<16xi32>
      %swap3A_96 = arith.index_cast %add3A_79 : i32 to index
      %swap3A_97 = tpu.vector_load %arg17[%swap3A_96] {strides = array<i32>} : memref<1152xi32, #tpu.memory_space<vmem>>, vector<16xi32>,
      tpu.vector_store %arg17[%swap3A_96], %masked_sort3A_94 {strides = array<i32>} : memref<1152xi32, #tpu.memory_space<vmem>>, vector<16xi32>,
      %swap3A_98 = arith.index_cast %add3A_79 : i32 to index
      %swap3A_99 = tpu.vector_load %arg18[%swap3A_98] {strides = array<i32>} : memref<1152xi32, #tpu.memory_space<vmem>>, vector<16xi32>,
      tpu.vector_store %arg18[%swap3A_98], %masked_sort3A_95 {strides = array<i32>} : memref<1152xi32, #tpu.memory_space<vmem>>, vector<16xi32>,
      %lt3A_100 = arith.constant 100000 : i32
      %lt3A_101 = vector.broadcast %lt3A_100 : i32 to vector<16xi32>
      %lt3A_102 = arith.cmpi slt, %get3A_87, %lt3A_101 : vector<16xi32>
      %jit3A_103 = arith.constant 1 : i32
      %jit3A_104 = arith.constant 0 : i32
      %broadcast_in_dim3A_105 = vector.broadcast %jit3A_103 : i32 to vector<16xi32>
      %broadcast_in_dim3A_106 = vector.broadcast %jit3A_104 : i32 to vector<16xi32>
      %select_n3A_107 = arith.select %lt3A_102, %broadcast_in_dim3A_105, %broadcast_in_dim3A_106 : vector<16xi1>, vector<16xi32>
      %reduce_sum3A_108 = arith.constant true
      %reduce_sum3A_109 = vector.broadcast %reduce_sum3A_108 : i1 to vector<16xi1>
      %reduce_sum3A_110 = tpu.scan <sum>, %select_n3A_107 masked %reduce_sum3A_109 : vector<16xi32>, vector<16xi1> -> vector<16xi32>
      %reduce_sum3A_111 = vector.extract %reduce_sum3A_110[15] : i32 from vector<16xi32>
      %add3A_112 = arith.addi %add3A_79, %reduce_sum3A_111 : i32
      %get3A_113 = arith.constant 0 : i32
      %get3A_114 = arith.index_cast %get3A_113 : i32 to index
      %get3A_115 = arith.constant 32 : index
      %get3A_116 = tpu.vector_load %arg15[%get3A_114, %get3A_115] {strides = array<i32>} : memref<8x128xi32, #tpu.memory_space<vmem>>, vector<16xi32>,
      %get3A_117 = arith.constant 0 : i32
      %get3A_118 = arith.index_cast %get3A_117 : i32 to index
      %get3A_119 = arith.constant 32 : index
      %get3A_120 = tpu.vector_load %arg16[%get3A_118, %get3A_119] {strides = array<i32>} : memref<8x128xi32, #tpu.memory_space<vmem>>, vector<16xi32>,
      %masked_sort3A_121 = arith.constant dense<true> : vector<16xi1>
      %masked_sort3A_122 = arith.constant -2147483648 : i32
      %masked_sort3A_123 = vector.broadcast %masked_sort3A_122 : i32 to vector<16xi32>
      %masked_sort3A_124 = arith.xori %get3A_120, %masked_sort3A_123 : vector<16xi32>
      %masked_sort3A_125, %masked_sort3A_126, %masked_sort3A_127 = tpu.sort %masked_sort3A_124, %get3A_116 masked %masked_sort3A_121 : (vector<16xi32>, vector<16xi32>, vector<16xi1>) -> (vector<16xi1>, vector<16xi32>, vector<16xi32>)
      %masked_sort3A_128 = arith.xori %masked_sort3A_126, %masked_sort3A_123 : vector<16xi32>
      %swap3A_129 = arith.index_cast %add3A_112 : i32 to index
      %swap3A_130 = tpu.vector_load %arg17[%swap3A_129] {strides = array<i32>} : memref<1152xi32, #tpu.memory_space<vmem>>, vector<16xi32>,
      tpu.vector_store %arg17[%swap3A_129], %masked_sort3A_127 {strides = array<i32>} : memref<1152xi32, #tpu.memory_space<vmem>>, vector<16xi32>,
      %swap3A_131 = arith.index_cast %add3A_112 : i32 to index
      %swap3A_132 = tpu.vector_load %arg18[%swap3A_131] {strides = array<i32>} : memref<1152xi32, #tpu.memory_space<vmem>>, vector<16xi32>,
      tpu.vector_store %arg18[%swap3A_131], %masked_sort3A_128 {strides = array<i32>} : memref<1152xi32, #tpu.memory_space<vmem>>, vector<16xi32>,
      %lt3A_133 = arith.constant 100000 : i32
      %lt3A_134 = vector.broadcast %lt3A_133 : i32 to vector<16xi32>
      %lt3A_135 = arith.cmpi slt, %get3A_120, %lt3A_134 : vector<16xi32>
      %jit3A_136 = arith.constant 1 : i32
      %jit3A_137 = arith.constant 0 : i32
      %broadcast_in_dim3A_138 = vector.broadcast %jit3A_136 : i32 to vector<16xi32>
      %broadcast_in_dim3A_139 = vector.broadcast %jit3A_137 : i32 to vector<16xi32>
      %select_n3A_140 = arith.select %lt3A_135, %broadcast_in_dim3A_138, %broadcast_in_dim3A_139 : vector<16xi1>, vector<16xi32>
      %reduce_sum3A_141 = arith.constant true
      %reduce_sum3A_142 = vector.broadcast %reduce_sum3A_141 : i1 to vector<16xi1>
      %reduce_sum3A_143 = tpu.scan <sum>, %select_n3A_140 masked %reduce_sum3A_142 : vector<16xi32>, vector<16xi1> -> vector<16xi32>
      %reduce_sum3A_144 = vector.extract %reduce_sum3A_143[15] : i32 from vector<16xi32>
      %add3A_145 = arith.addi %add3A_112, %reduce_sum3A_144 : i32
      %get3A_146 = arith.constant 0 : i32
      %get3A_147 = arith.index_cast %get3A_146 : i32 to index
      %get3A_148 = arith.constant 48 : index
      %get3A_149 = tpu.vector_load %arg15[%get3A_147, %get3A_148] {strides = array<i32>} : memref<8x128xi32, #tpu.memory_space<vmem>>, vector<16xi32>,
      %get3A_150 = arith.constant 0 : i32
      %get3A_151 = arith.index_cast %get3A_150 : i32 to index
      %get3A_152 = arith.constant 48 : index
      %get3A_153 = tpu.vector_load %arg16[%get3A_151, %get3A_152] {strides = array<i32>} : memref<8x128xi32, #tpu.memory_space<vmem>>, vector<16xi32>,
      %masked_sort3A_154 = arith.constant dense<true> : vector<16xi1>
      %masked_sort3A_155 = arith.constant -2147483648 : i32
      %masked_sort3A_156 = vector.broadcast %masked_sort3A_155 : i32 to vector<16xi32>
      %masked_sort3A_157 = arith.xori %get3A_153, %masked_sort3A_156 : vector<16xi32>
      %masked_sort3A_158, %masked_sort3A_159, %masked_sort3A_160 = tpu.sort %masked_sort3A_157, %get3A_149 masked %masked_sort3A_154 : (vector<16xi32>, vector<16xi32>, vector<16xi1>) -> (vector<16xi1>, vector<16xi32>, vector<16xi32>)
      %masked_sort3A_161 = arith.xori %masked_sort3A_159, %masked_sort3A_156 : vector<16xi32>
      %swap3A_162 = arith.index_cast %add3A_145 : i32 to index
      %swap3A_163 = tpu.vector_load %arg17[%swap3A_162] {strides = array<i32>} : memref<1152xi32, #tpu.memory_space<vmem>>, vector<16xi32>,
      tpu.vector_store %arg17[%swap3A_162], %masked_sort3A_160 {strides = array<i32>} : memref<1152xi32, #tpu.memory_space<vmem>>, vector<16xi32>,
      %swap3A_164 = arith.index_cast %add3A_145 : i32 to index
      %swap3A_165 = tpu.vector_load %arg18[%swap3A_164] {strides = array<i32>} : memref<1152xi32, #tpu.memory_space<vmem>>, vector<16xi32>,
      tpu.vector_store %arg18[%swap3A_164], %masked_sort3A_161 {strides = array<i32>} : memref<1152xi32, #tpu.memory_space<vmem>>, vector<16xi32>,
      %lt3A_166 = arith.constant 100000 : i32
      %lt3A_167 = vector.broadcast %lt3A_166 : i32 to vector<16xi32>
      %lt3A_168 = arith.cmpi slt, %get3A_153, %lt3A_167 : vector<16xi32>
      %jit3A_169 = arith.constant 1 : i32
      %jit3A_170 = arith.constant 0 : i32
      %broadcast_in_dim3A_171 = vector.broadcast %jit3A_169 : i32 to vector<16xi32>
      %broadcast_in_dim3A_172 = vector.broadcast %jit3A_170 : i32 to vector<16xi32>
      %select_n3A_173 = arith.select %lt3A_168, %broadcast_in_dim3A_171, %broadcast_in_dim3A_172 : vector<16xi1>, vector<16xi32>
      %reduce_sum3A_174 = arith.constant true
      %reduce_sum3A_175 = vector.broadcast %reduce_sum3A_174 : i1 to vector<16xi1>
      %reduce_sum3A_176 = tpu.scan <sum>, %select_n3A_173 masked %reduce_sum3A_175 : vector<16xi32>, vector<16xi1> -> vector<16xi32>
      %reduce_sum3A_177 = vector.extract %reduce_sum3A_176[15] : i32 from vector<16xi32>
      %add3A_178 = arith.addi %add3A_145, %reduce_sum3A_177 : i32
      %get3A_179 = arith.constant 0 : i32
      %get3A_180 = arith.index_cast %get3A_179 : i32 to index
      %get3A_181 = arith.constant 64 : index
      %get3A_182 = tpu.vector_load %arg15[%get3A_180, %get3A_181] {strides = array<i32>} : memref<8x128xi32, #tpu.memory_space<vmem>>, vector<16xi32>,
      %get3A_183 = arith.constant 0 : i32
      %get3A_184 = arith.index_cast %get3A_183 : i32 to index
      %get3A_185 = arith.constant 64 : index
      %get3A_186 = tpu.vector_load %arg16[%get3A_184, %get3A_185] {strides = array<i32>} : memref<8x128xi32, #tpu.memory_space<vmem>>, vector<16xi32>,
      %masked_sort3A_187 = arith.constant dense<true> : vector<16xi1>
      %masked_sort3A_188 = arith.constant -2147483648 : i32
      %masked_sort3A_189 = vector.broadcast %masked_sort3A_188 : i32 to vector<16xi32>
      %masked_sort3A_190 = arith.xori %get3A_186, %masked_sort3A_189 : vector<16xi32>
      %masked_sort3A_191, %masked_sort3A_192, %masked_sort3A_193 = tpu.sort %masked_sort3A_190, %get3A_182 masked %masked_sort3A_187 : (vector<16xi32>, vector<16xi32>, vector<16xi1>) -> (vector<16xi1>, vector<16xi32>, vector<16xi32>)
      %masked_sort3A_194 = arith.xori %masked_sort3A_192, %masked_sort3A_189 : vector<16xi32>
      %swap3A_195 = arith.index_cast %add3A_178 : i32 to index
      %swap3A_196 = tpu.vector_load %arg17[%swap3A_195] {strides = array<i32>} : memref<1152xi32, #tpu.memory_space<vmem>>, vector<16xi32>,
      tpu.vector_store %arg17[%swap3A_195], %masked_sort3A_193 {strides = array<i32>} : memref<1152xi32, #tpu.memory_space<vmem>>, vector<16xi32>,
      %swap3A_197 = arith.index_cast %add3A_178 : i32 to index
      %swap3A_198 = tpu.vector_load %arg18[%swap3A_197] {strides = array<i32>} : memref<1152xi32, #tpu.memory_space<vmem>>, vector<16xi32>,
      tpu.vector_store %arg18[%swap3A_197], %masked_sort3A_194 {strides = array<i32>} : memref<1152xi32, #tpu.memory_space<vmem>>, vector<16xi32>,
      %lt3A_199 = arith.constant 100000 : i32
      %lt3A_200 = vector.broadcast %lt3A_199 : i32 to vector<16xi32>
      %lt3A_201 = arith.cmpi slt, %get3A_186, %lt3A_200 : vector<16xi32>
      %jit3A_202 = arith.constant 1 : i32
      %jit3A_203 = arith.constant 0 : i32
      %broadcast_in_dim3A_204 = vector.broadcast %jit3A_202 : i32 to vector<16xi32>
      %broadcast_in_dim3A_205 = vector.broadcast %jit3A_203 : i32 to vector<16xi32>
      %select_n3A_206 = arith.select %lt3A_201, %broadcast_in_dim3A_204, %broadcast_in_dim3A_205 : vector<16xi1>, vector<16xi32>
      %reduce_sum3A_207 = arith.constant true
      %reduce_sum3A_208 = vector.broadcast %reduce_sum3A_207 : i1 to vector<16xi1>
      %reduce_sum3A_209 = tpu.scan <sum>, %select_n3A_206 masked %reduce_sum3A_208 : vector<16xi32>, vector<16xi1> -> vector<16xi32>
      %reduce_sum3A_210 = vector.extract %reduce_sum3A_209[15] : i32 from vector<16xi32>
      %add3A_211 = arith.addi %add3A_178, %reduce_sum3A_210 : i32
      %get3A_212 = arith.constant 0 : i32
      %get3A_213 = arith.index_cast %get3A_212 : i32 to index
      %get3A_214 = arith.constant 80 : index
      %get3A_215 = tpu.vector_load %arg15[%get3A_213, %get3A_214] {strides = array<i32>} : memref<8x128xi32, #tpu.memory_space<vmem>>, vector<16xi32>,
      %get3A_216 = arith.constant 0 : i32
      %get3A_217 = arith.index_cast %get3A_216 : i32 to index
      %get3A_218 = arith.constant 80 : index
      %get3A_219 = tpu.vector_load %arg16[%get3A_217, %get3A_218] {strides = array<i32>} : memref<8x128xi32, #tpu.memory_space<vmem>>, vector<16xi32>,
      %masked_sort3A_220 = arith.constant dense<true> : vector<16xi1>
      %masked_sort3A_221 = arith.constant -2147483648 : i32
      %masked_sort3A_222 = vector.broadcast %masked_sort3A_221 : i32 to vector<16xi32>
      %masked_sort3A_223 = arith.xori %get3A_219, %masked_sort3A_222 : vector<16xi32>
      %masked_sort3A_224, %masked_sort3A_225, %masked_sort3A_226 = tpu.sort %masked_sort3A_223, %get3A_215 masked %masked_sort3A_220 : (vector<16xi32>, vector<16xi32>, vector<16xi1>) -> (vector<16xi1>, vector<16xi32>, vector<16xi32>)
      %masked_sort3A_227 = arith.xori %masked_sort3A_225, %masked_sort3A_222 : vector<16xi32>
      %swap3A_228 = arith.index_cast %add3A_211 : i32 to index
      %swap3A_229 = tpu.vector_load %arg17[%swap3A_228] {strides = array<i32>} : memref<1152xi32, #tpu.memory_space<vmem>>, vector<16xi32>,
      tpu.vector_store %arg17[%swap3A_228], %masked_sort3A_226 {strides = array<i32>} : memref<1152xi32, #tpu.memory_space<vmem>>, vector<16xi32>,
      %swap3A_230 = arith.index_cast %add3A_211 : i32 to index
      %swap3A_231 = tpu.vector_load %arg18[%swap3A_230] {strides = array<i32>} : memref<1152xi32, #tpu.memory_space<vmem>>, vector<16xi32>,
      tpu.vector_store %arg18[%swap3A_230], %masked_sort3A_227 {strides = array<i32>} : memref<1152xi32, #tpu.memory_space<vmem>>, vector<16xi32>,
      %lt3A_232 = arith.constant 100000 : i32
      %lt3A_233 = vector.broadcast %lt3A_232 : i32 to vector<16xi32>
      %lt3A_234 = arith.cmpi slt, %get3A_219, %lt3A_233 : vector<16xi32>
      %jit3A_235 = arith.constant 1 : i32
      %jit3A_236 = arith.constant 0 : i32
      %broadcast_in_dim3A_237 = vector.broadcast %jit3A_235 : i32 to vector<16xi32>
      %broadcast_in_dim3A_238 = vector.broadcast %jit3A_236 : i32 to vector<16xi32>
      %select_n3A_239 = arith.select %lt3A_234, %broadcast_in_dim3A_237, %broadcast_in_dim3A_238 : vector<16xi1>, vector<16xi32>
      %reduce_sum3A_240 = arith.constant true
      %reduce_sum3A_241 = vector.broadcast %reduce_sum3A_240 : i1 to vector<16xi1>
      %reduce_sum3A_242 = tpu.scan <sum>, %select_n3A_239 masked %reduce_sum3A_241 : vector<16xi32>, vector<16xi1> -> vector<16xi32>
      %reduce_sum3A_243 = vector.extract %reduce_sum3A_242[15] : i32 from vector<16xi32>
      %add3A_244 = arith.addi %add3A_211, %reduce_sum3A_243 : i32
      %get3A_245 = arith.constant 0 : i32
      %get3A_246 = arith.index_cast %get3A_245 : i32 to index
      %get3A_247 = arith.constant 96 : index
      %get3A_248 = tpu.vector_load %arg15[%get3A_246, %get3A_247] {strides = array<i32>} : memref<8x128xi32, #tpu.memory_space<vmem>>, vector<16xi32>,
      %get3A_249 = arith.constant 0 : i32
      %get3A_250 = arith.index_cast %get3A_249 : i32 to index
      %get3A_251 = arith.constant 96 : index
      %get3A_252 = tpu.vector_load %arg16[%get3A_250, %get3A_251] {strides = array<i32>} : memref<8x128xi32, #tpu.memory_space<vmem>>, vector<16xi32>,
      %masked_sort3A_253 = arith.constant dense<true> : vector<16xi1>
      %masked_sort3A_254 = arith.constant -2147483648 : i32
      %masked_sort3A_255 = vector.broadcast %masked_sort3A_254 : i32 to vector<16xi32>
      %masked_sort3A_256 = arith.xori %get3A_252, %masked_sort3A_255 : vector<16xi32>
      %masked_sort3A_257, %masked_sort3A_258, %masked_sort3A_259 = tpu.sort %masked_sort3A_256, %get3A_248 masked %masked_sort3A_253 : (vector<16xi32>, vector<16xi32>, vector<16xi1>) -> (vector<16xi1>, vector<16xi32>, vector<16xi32>)
      %masked_sort3A_260 = arith.xori %masked_sort3A_258, %masked_sort3A_255 : vector<16xi32>
      %swap3A_261 = arith.index_cast %add3A_244 : i32 to index
      %swap3A_262 = tpu.vector_load %arg17[%swap3A_261] {strides = array<i32>} : memref<1152xi32, #tpu.memory_space<vmem>>, vector<16xi32>,
      tpu.vector_store %arg17[%swap3A_261], %masked_sort3A_259 {strides = array<i32>} : memref<1152xi32, #tpu.memory_space<vmem>>, vector<16xi32>,
      %swap3A_263 = arith.index_cast %add3A_244 : i32 to index
      %swap3A_264 = tpu.vector_load %arg18[%swap3A_263] {strides = array<i32>} : memref<1152xi32, #tpu.memory_space<vmem>>, vector<16xi32>,
      tpu.vector_store %arg18[%swap3A_263], %masked_sort3A_260 {strides = array<i32>} : memref<1152xi32, #tpu.memory_space<vmem>>, vector<16xi32>,
      %lt3A_265 = arith.constant 100000 : i32
      %lt3A_266 = vector.broadcast %lt3A_265 : i32 to vector<16xi32>
      %lt3A_267 = arith.cmpi slt, %get3A_252, %lt3A_266 : vector<16xi32>
      %jit3A_268 = arith.constant 1 : i32
      %jit3A_269 = arith.constant 0 : i32
      %broadcast_in_dim3A_270 = vector.broadcast %jit3A_268 : i32 to vector<16xi32>
      %broadcast_in_dim3A_271 = vector.broadcast %jit3A_269 : i32 to vector<16xi32>
      %select_n3A_272 = arith.select %lt3A_267, %broadcast_in_dim3A_270, %broadcast_in_dim3A_271 : vector<16xi1>, vector<16xi32>
      %reduce_sum3A_273 = arith.constant true
      %reduce_sum3A_274 = vector.broadcast %reduce_sum3A_273 : i1 to vector<16xi1>
      %reduce_sum3A_275 = tpu.scan <sum>, %select_n3A_272 masked %reduce_sum3A_274 : vector<16xi32>, vector<16xi1> -> vector<16xi32>
      %reduce_sum3A_276 = vector.extract %reduce_sum3A_275[15] : i32 from vector<16xi32>
      %add3A_277 = arith.addi %add3A_244, %reduce_sum3A_276 : i32
      %get3A_278 = arith.constant 0 : i32
      %get3A_279 = arith.index_cast %get3A_278 : i32 to index
      %get3A_280 = arith.constant 112 : index
      %get3A_281 = tpu.vector_load %arg15[%get3A_279, %get3A_280] {strides = array<i32>} : memref<8x128xi32, #tpu.memory_space<vmem>>, vector<16xi32>,
      %get3A_282 = arith.constant 0 : i32
      %get3A_283 = arith.index_cast %get3A_282 : i32 to index
      %get3A_284 = arith.constant 112 : index
      %get3A_285 = tpu.vector_load %arg16[%get3A_283, %get3A_284] {strides = array<i32>} : memref<8x128xi32, #tpu.memory_space<vmem>>, vector<16xi32>,
      %masked_sort3A_286 = arith.constant dense<true> : vector<16xi1>
      %masked_sort3A_287 = arith.constant -2147483648 : i32
      %masked_sort3A_288 = vector.broadcast %masked_sort3A_287 : i32 to vector<16xi32>
      %masked_sort3A_289 = arith.xori %get3A_285, %masked_sort3A_288 : vector<16xi32>
      %masked_sort3A_290, %masked_sort3A_291, %masked_sort3A_292 = tpu.sort %masked_sort3A_289, %get3A_281 masked %masked_sort3A_286 : (vector<16xi32>, vector<16xi32>, vector<16xi1>) -> (vector<16xi1>, vector<16xi32>, vector<16xi32>)
      %masked_sort3A_293 = arith.xori %masked_sort3A_291, %masked_sort3A_288 : vector<16xi32>
      %swap3A_294 = arith.index_cast %add3A_277 : i32 to index
      %swap3A_295 = tpu.vector_load %arg17[%swap3A_294] {strides = array<i32>} : memref<1152xi32, #tpu.memory_space<vmem>>, vector<16xi32>,
      tpu.vector_store %arg17[%swap3A_294], %masked_sort3A_292 {strides = array<i32>} : memref<1152xi32, #tpu.memory_space<vmem>>, vector<16xi32>,
      %swap3A_296 = arith.index_cast %add3A_277 : i32 to index
      %swap3A_297 = tpu.vector_load %arg18[%swap3A_296] {strides = array<i32>} : memref<1152xi32, #tpu.memory_space<vmem>>, vector<16xi32>,
      tpu.vector_store %arg18[%swap3A_296], %masked_sort3A_293 {strides = array<i32>} : memref<1152xi32, #tpu.memory_space<vmem>>, vector<16xi32>,
      %lt3A_298 = arith.constant 100000 : i32
      %lt3A_299 = vector.broadcast %lt3A_298 : i32 to vector<16xi32>
      %lt3A_300 = arith.cmpi slt, %get3A_285, %lt3A_299 : vector<16xi32>
      %jit3A_301 = arith.constant 1 : i32
      %jit3A_302 = arith.constant 0 : i32
      %broadcast_in_dim3A_303 = vector.broadcast %jit3A_301 : i32 to vector<16xi32>
      %broadcast_in_dim3A_304 = vector.broadcast %jit3A_302 : i32 to vector<16xi32>
      %select_n3A_305 = arith.select %lt3A_300, %broadcast_in_dim3A_303, %broadcast_in_dim3A_304 : vector<16xi1>, vector<16xi32>
      %reduce_sum3A_306 = arith.constant true
      %reduce_sum3A_307 = vector.broadcast %reduce_sum3A_306 : i1 to vector<16xi1>
      %reduce_sum3A_308 = tpu.scan <sum>, %select_n3A_305 masked %reduce_sum3A_307 : vector<16xi32>, vector<16xi1> -> vector<16xi32>
      %reduce_sum3A_309 = vector.extract %reduce_sum3A_308[15] : i32 from vector<16xi32>
      %add3A_310 = arith.addi %add3A_277, %reduce_sum3A_309 : i32
      %get3A_311 = arith.constant 1 : i32
      %get3A_312 = arith.index_cast %get3A_311 : i32 to index
      %get3A_313 = arith.constant 0 : index
      %get3A_314 = tpu.vector_load %arg15[%get3A_312, %get3A_313] {strides = array<i32>} : memref<8x128xi32, #tpu.memory_space<vmem>>, vector<16xi32>,
      %get3A_315 = arith.constant 1 : i32
      %get3A_316 = arith.index_cast %get3A_315 : i32 to index
      %get3A_317 = arith.constant 0 : index
      %get3A_318 = tpu.vector_load %arg16[%get3A_316, %get3A_317] {strides = array<i32>} : memref<8x128xi32, #tpu.memory_space<vmem>>, vector<16xi32>,
      %masked_sort3A_319 = arith.constant dense<true> : vector<16xi1>
      %masked_sort3A_320 = arith.constant -2147483648 : i32
      %masked_sort3A_321 = vector.broadcast %masked_sort3A_320 : i32 to vector<16xi32>
      %masked_sort3A_322 = arith.xori %get3A_318, %masked_sort3A_321 : vector<16xi32>
      %masked_sort3A_323, %masked_sort3A_324, %masked_sort3A_325 = tpu.sort %masked_sort3A_322, %get3A_314 masked %masked_sort3A_319 : (vector<16xi32>, vector<16xi32>, vector<16xi1>) -> (vector<16xi1>, vector<16xi32>, vector<16xi32>)
      %masked_sort3A_326 = arith.xori %masked_sort3A_324, %masked_sort3A_321 : vector<16xi32>
      %swap3A_327 = arith.index_cast %add3A_310 : i32 to index
      %swap3A_328 = tpu.vector_load %arg17[%swap3A_327] {strides = array<i32>} : memref<1152xi32, #tpu.memory_space<vmem>>, vector<16xi32>,
      tpu.vector_store %arg17[%swap3A_327], %masked_sort3A_325 {strides = array<i32>} : memref<1152xi32, #tpu.memory_space<vmem>>, vector<16xi32>,
      %swap3A_329 = arith.index_cast %add3A_310 : i32 to index
      %swap3A_330 = tpu.vector_load %arg18[%swap3A_329] {strides = array<i32>} : memref<1152xi32, #tpu.memory_space<vmem>>, vector<16xi32>,
      tpu.vector_store %arg18[%swap3A_329], %masked_sort3A_326 {strides = array<i32>} : memref<1152xi32, #tpu.memory_space<vmem>>, vector<16xi32>,
      %lt3A_331 = arith.constant 100000 : i32
      %lt3A_332 = vector.broadcast %lt3A_331 : i32 to vector<16xi32>
      %lt3A_333 = arith.cmpi slt, %get3A_318, %lt3A_332 : vector<16xi32>
      %jit3A_334 = arith.constant 1 : i32
      %jit3A_335 = arith.constant 0 : i32
      %broadcast_in_dim3A_336 = vector.broadcast %jit3A_334 : i32 to vector<16xi32>
      %broadcast_in_dim3A_337 = vector.broadcast %jit3A_335 : i32 to vector<16xi32>
      %select_n3A_338 = arith.select %lt3A_333, %broadcast_in_dim3A_336, %broadcast_in_dim3A_337 : vector<16xi1>, vector<16xi32>
      %reduce_sum3A_339 = arith.constant true
      %reduce_sum3A_340 = vector.broadcast %reduce_sum3A_339 : i1 to vector<16xi1>
      %reduce_sum3A_341 = tpu.scan <sum>, %select_n3A_338 masked %reduce_sum3A_340 : vector<16xi32>, vector<16xi1> -> vector<16xi32>
      %reduce_sum3A_342 = vector.extract %reduce_sum3A_341[15] : i32 from vector<16xi32>
      %add3A_343 = arith.addi %add3A_310, %reduce_sum3A_342 : i32
      %get3A_344 = arith.constant 1 : i32
      %get3A_345 = arith.index_cast %get3A_344 : i32 to index
      %get3A_346 = arith.constant 16 : index
      %get3A_347 = tpu.vector_load %arg15[%get3A_345, %get3A_346] {strides = array<i32>} : memref<8x128xi32, #tpu.memory_space<vmem>>, vector<16xi32>,
      %get3A_348 = arith.constant 1 : i32
      %get3A_349 = arith.index_cast %get3A_348 : i32 to index
      %get3A_350 = arith.constant 16 : index
      %get3A_351 = tpu.vector_load %arg16[%get3A_349, %get3A_350] {strides = array<i32>} : memref<8x128xi32, #tpu.memory_space<vmem>>, vector<16xi32>,
      %masked_sort3A_352 = arith.constant dense<true> : vector<16xi1>
      %masked_sort3A_353 = arith.constant -2147483648 : i32
      %masked_sort3A_354 = vector.broadcast %masked_sort3A_353 : i32 to vector<16xi32>
      %masked_sort3A_355 = arith.xori %get3A_351, %masked_sort3A_354 : vector<16xi32>
      %masked_sort3A_356, %masked_sort3A_357, %masked_sort3A_358 = tpu.sort %masked_sort3A_355, %get3A_347 masked %masked_sort3A_352 : (vector<16xi32>, vector<16xi32>, vector<16xi1>) -> (vector<16xi1>, vector<16xi32>, vector<16xi32>)
      %masked_sort3A_359 = arith.xori %masked_sort3A_357, %masked_sort3A_354 : vector<16xi32>
      %swap3A_360 = arith.index_cast %add3A_343 : i32 to index
      %swap3A_361 = tpu.vector_load %arg17[%swap3A_360] {strides = array<i32>} : memref<1152xi32, #tpu.memory_space<vmem>>, vector<16xi32>,
      tpu.vector_store %arg17[%swap3A_360], %masked_sort3A_358 {strides = array<i32>} : memref<1152xi32, #tpu.memory_space<vmem>>, vector<16xi32>,
      %swap3A_362 = arith.index_cast %add3A_343 : i32 to index
      %swap3A_363 = tpu.vector_load %arg18[%swap3A_362] {strides = array<i32>} : memref<1152xi32, #tpu.memory_space<vmem>>, vector<16xi32>,
      tpu.vector_store %arg18[%swap3A_362], %masked_sort3A_359 {strides = array<i32>} : memref<1152xi32, #tpu.memory_space<vmem>>, vector<16xi32>,
      %lt3A_364 = arith.constant 100000 : i32
      %lt3A_365 = vector.broadcast %lt3A_364 : i32 to vector<16xi32>
      %lt3A_366 = arith.cmpi slt, %get3A_351, %lt3A_365 : vector<16xi32>
      %jit3A_367 = arith.constant 1 : i32
      %jit3A_368 = arith.constant 0 : i32
      %broadcast_in_dim3A_369 = vector.broadcast %jit3A_367 : i32 to vector<16xi32>
      %broadcast_in_dim3A_370 = vector.broadcast %jit3A_368 : i32 to vector<16xi32>
      %select_n3A_371 = arith.select %lt3A_366, %broadcast_in_dim3A_369, %broadcast_in_dim3A_370 : vector<16xi1>, vector<16xi32>
      %reduce_sum3A_372 = arith.constant true
      %reduce_sum3A_373 = vector.broadcast %reduce_sum3A_372 : i1 to vector<16xi1>
      %reduce_sum3A_374 = tpu.scan <sum>, %select_n3A_371 masked %reduce_sum3A_373 : vector<16xi32>, vector<16xi1> -> vector<16xi32>
      %reduce_sum3A_375 = vector.extract %reduce_sum3A_374[15] : i32 from vector<16xi32>
      %add3A_376 = arith.addi %add3A_343, %reduce_sum3A_375 : i32
      %get3A_377 = arith.constant 1 : i32
      %get3A_378 = arith.index_cast %get3A_377 : i32 to index
      %get3A_379 = arith.constant 32 : index
      %get3A_380 = tpu.vector_load %arg15[%get3A_378, %get3A_379] {strides = array<i32>} : memref<8x128xi32, #tpu.memory_space<vmem>>, vector<16xi32>,
      %get3A_381 = arith.constant 1 : i32
      %get3A_382 = arith.index_cast %get3A_381 : i32 to index
      %get3A_383 = arith.constant 32 : index
      %get3A_384 = tpu.vector_load %arg16[%get3A_382, %get3A_383] {strides = array<i32>} : memref<8x128xi32, #tpu.memory_space<vmem>>, vector<16xi32>,
      %masked_sort3A_385 = arith.constant dense<true> : vector<16xi1>
      %masked_sort3A_386 = arith.constant -2147483648 : i32
      %masked_sort3A_387 = vector.broadcast %masked_sort3A_386 : i32 to vector<16xi32>
      %masked_sort3A_388 = arith.xori %get3A_384, %masked_sort3A_387 : vector<16xi32>
      %masked_sort3A_389, %masked_sort3A_390, %masked_sort3A_391 = tpu.sort %masked_sort3A_388, %get3A_380 masked %masked_sort3A_385 : (vector<16xi32>, vector<16xi32>, vector<16xi1>) -> (vector<16xi1>, vector<16xi32>, vector<16xi32>)
      %masked_sort3A_392 = arith.xori %masked_sort3A_390, %masked_sort3A_387 : vector<16xi32>
      %swap3A_393 = arith.index_cast %add3A_376 : i32 to index
      %swap3A_394 = tpu.vector_load %arg17[%swap3A_393] {strides = array<i32>} : memref<1152xi32, #tpu.memory_space<vmem>>, vector<16xi32>,
      tpu.vector_store %arg17[%swap3A_393], %masked_sort3A_391 {strides = array<i32>} : memref<1152xi32, #tpu.memory_space<vmem>>, vector<16xi32>,
      %swap3A_395 = arith.index_cast %add3A_376 : i32 to index
      %swap3A_396 = tpu.vector_load %arg18[%swap3A_395] {strides = array<i32>} : memref<1152xi32, #tpu.memory_space<vmem>>, vector<16xi32>,
      tpu.vector_store %arg18[%swap3A_395], %masked_sort3A_392 {strides = array<i32>} : memref<1152xi32, #tpu.memory_space<vmem>>, vector<16xi32>,
      %lt3A_397 = arith.constant 100000 : i32
      %lt3A_398 = vector.broadcast %lt3A_397 : i32 to vector<16xi32>
      %lt3A_399 = arith.cmpi slt, %get3A_384, %lt3A_398 : vector<16xi32>
      %jit3A_400 = arith.constant 1 : i32
      %jit3A_401 = arith.constant 0 : i32
      %broadcast_in_dim3A_402 = vector.broadcast %jit3A_400 : i32 to vector<16xi32>
      %broadcast_in_dim3A_403 = vector.broadcast %jit3A_401 : i32 to vector<16xi32>
      %select_n3A_404 = arith.select %lt3A_399, %broadcast_in_dim3A_402, %broadcast_in_dim3A_403 : vector<16xi1>, vector<16xi32>
      %reduce_sum3A_405 = arith.constant true
      %reduce_sum3A_406 = vector.broadcast %reduce_sum3A_405 : i1 to vector<16xi1>
      %reduce_sum3A_407 = tpu.scan <sum>, %select_n3A_404 masked %reduce_sum3A_406 : vector<16xi32>, vector<16xi1> -> vector<16xi32>
      %reduce_sum3A_408 = vector.extract %reduce_sum3A_407[15] : i32 from vector<16xi32>
      %add3A_409 = arith.addi %add3A_376, %reduce_sum3A_408 : i32
      %get3A_410 = arith.constant 1 : i32
      %get3A_411 = arith.index_cast %get3A_410 : i32 to index
      %get3A_412 = arith.constant 48 : index
      %get3A_413 = tpu.vector_load %arg15[%get3A_411, %get3A_412] {strides = array<i32>} : memref<8x128xi32, #tpu.memory_space<vmem>>, vector<16xi32>,
      %get3A_414 = arith.constant 1 : i32
      %get3A_415 = arith.index_cast %get3A_414 : i32 to index
      %get3A_416 = arith.constant 48 : index
      %get3A_417 = tpu.vector_load %arg16[%get3A_415, %get3A_416] {strides = array<i32>} : memref<8x128xi32, #tpu.memory_space<vmem>>, vector<16xi32>,
      %masked_sort3A_418 = arith.constant dense<true> : vector<16xi1>
      %masked_sort3A_419 = arith.constant -2147483648 : i32
      %masked_sort3A_420 = vector.broadcast %masked_sort3A_419 : i32 to vector<16xi32>
      %masked_sort3A_421 = arith.xori %get3A_417, %masked_sort3A_420 : vector<16xi32>
      %masked_sort3A_422, %masked_sort3A_423, %masked_sort3A_424 = tpu.sort %masked_sort3A_421, %get3A_413 masked %masked_sort3A_418 : (vector<16xi32>, vector<16xi32>, vector<16xi1>) -> (vector<16xi1>, vector<16xi32>, vector<16xi32>)
      %masked_sort3A_425 = arith.xori %masked_sort3A_423, %masked_sort3A_420 : vector<16xi32>
      %swap3A_426 = arith.index_cast %add3A_409 : i32 to index
      %swap3A_427 = tpu.vector_load %arg17[%swap3A_426] {strides = array<i32>} : memref<1152xi32, #tpu.memory_space<vmem>>, vector<16xi32>,
      tpu.vector_store %arg17[%swap3A_426], %masked_sort3A_424 {strides = array<i32>} : memref<1152xi32, #tpu.memory_space<vmem>>, vector<16xi32>,
      %swap3A_428 = arith.index_cast %add3A_409 : i32 to index
      %swap3A_429 = tpu.vector_load %arg18[%swap3A_428] {strides = array<i32>} : memref<1152xi32, #tpu.memory_space<vmem>>, vector<16xi32>,
      tpu.vector_store %arg18[%swap3A_428], %masked_sort3A_425 {strides = array<i32>} : memref<1152xi32, #tpu.memory_space<vmem>>, vector<16xi32>,
      %lt3A_430 = arith.constant 100000 : i32
      %lt3A_431 = vector.broadcast %lt3A_430 : i32 to vector<16xi32>
      %lt3A_432 = arith.cmpi slt, %get3A_417, %lt3A_431 : vector<16xi32>
      %jit3A_433 = arith.constant 1 : i32
      %jit3A_434 = arith.constant 0 : i32
      %broadcast_in_dim3A_435 = vector.broadcast %jit3A_433 : i32 to vector<16xi32>
      %broadcast_in_dim3A_436 = vector.broadcast %jit3A_434 : i32 to vector<16xi32>
      %select_n3A_437 = arith.select %lt3A_432, %broadcast_in_dim3A_435, %broadcast_in_dim3A_436 : vector<16xi1>, vector<16xi32>
      %reduce_sum3A_438 = arith.constant true
      %reduce_sum3A_439 = vector.broadcast %reduce_sum3A_438 : i1 to vector<16xi1>
      %reduce_sum3A_440 = tpu.scan <sum>, %select_n3A_437 masked %reduce_sum3A_439 : vector<16xi32>, vector<16xi1> -> vector<16xi32>
      %reduce_sum3A_441 = vector.extract %reduce_sum3A_440[15] : i32 from vector<16xi32>
      %add3A_442 = arith.addi %add3A_409, %reduce_sum3A_441 : i32
      %get3A_443 = arith.constant 1 : i32
      %get3A_444 = arith.index_cast %get3A_443 : i32 to index
      %get3A_445 = arith.constant 64 : index
      %get3A_446 = tpu.vector_load %arg15[%get3A_444, %get3A_445] {strides = array<i32>} : memref<8x128xi32, #tpu.memory_space<vmem>>, vector<16xi32>,
      %get3A_447 = arith.constant 1 : i32
      %get3A_448 = arith.index_cast %get3A_447 : i32 to index
      %get3A_449 = arith.constant 64 : index
      %get3A_450 = tpu.vector_load %arg16[%get3A_448, %get3A_449] {strides = array<i32>} : memref<8x128xi32, #tpu.memory_space<vmem>>, vector<16xi32>,
      %masked_sort3A_451 = arith.constant dense<true> : vector<16xi1>
      %masked_sort3A_452 = arith.constant -2147483648 : i32
      %masked_sort3A_453 = vector.broadcast %masked_sort3A_452 : i32 to vector<16xi32>
      %masked_sort3A_454 = arith.xori %get3A_450, %masked_sort3A_453 : vector<16xi32>
      %masked_sort3A_455, %masked_sort3A_456, %masked_sort3A_457 = tpu.sort %masked_sort3A_454, %get3A_446 masked %masked_sort3A_451 : (vector<16xi32>, vector<16xi32>, vector<16xi1>) -> (vector<16xi1>, vector<16xi32>, vector<16xi32>)
      %masked_sort3A_458 = arith.xori %masked_sort3A_456, %masked_sort3A_453 : vector<16xi32>
      %swap3A_459 = arith.index_cast %add3A_442 : i32 to index
      %swap3A_460 = tpu.vector_load %arg17[%swap3A_459] {strides = array<i32>} : memref<1152xi32, #tpu.memory_space<vmem>>, vector<16xi32>,
      tpu.vector_store %arg17[%swap3A_459], %masked_sort3A_457 {strides = array<i32>} : memref<1152xi32, #tpu.memory_space<vmem>>, vector<16xi32>,
      %swap3A_461 = arith.index_cast %add3A_442 : i32 to index
      %swap3A_462 = tpu.vector_load %arg18[%swap3A_461] {strides = array<i32>} : memref<1152xi32, #tpu.memory_space<vmem>>, vector<16xi32>,
      tpu.vector_store %arg18[%swap3A_461], %masked_sort3A_458 {strides = array<i32>} : memref<1152xi32, #tpu.memory_space<vmem>>, vector<16xi32>,
      %lt3A_463 = arith.constant 100000 : i32
      %lt3A_464 = vector.broadcast %lt3A_463 : i32 to vector<16xi32>
      %lt3A_465 = arith.cmpi slt, %get3A_450, %lt3A_464 : vector<16xi32>
      %jit3A_466 = arith.constant 1 : i32
      %jit3A_467 = arith.constant 0 : i32
      %broadcast_in_dim3A_468 = vector.broadcast %jit3A_466 : i32 to vector<16xi32>
      %broadcast_in_dim3A_469 = vector.broadcast %jit3A_467 : i32 to vector<16xi32>
      %select_n3A_470 = arith.select %lt3A_465, %broadcast_in_dim3A_468, %broadcast_in_dim3A_469 : vector<16xi1>, vector<16xi32>
      %reduce_sum3A_471 = arith.constant true
      %reduce_sum3A_472 = vector.broadcast %reduce_sum3A_471 : i1 to vector<16xi1>
      %reduce_sum3A_473 = tpu.scan <sum>, %select_n3A_470 masked %reduce_sum3A_472 : vector<16xi32>, vector<16xi1> -> vector<16xi32>
      %reduce_sum3A_474 = vector.extract %reduce_sum3A_473[15] : i32 from vector<16xi32>
      %add3A_475 = arith.addi %add3A_442, %reduce_sum3A_474 : i32
      %get3A_476 = arith.constant 1 : i32
      %get3A_477 = arith.index_cast %get3A_476 : i32 to index
      %get3A_478 = arith.constant 80 : index
      %get3A_479 = tpu.vector_load %arg15[%get3A_477, %get3A_478] {strides = array<i32>} : memref<8x128xi32, #tpu.memory_space<vmem>>, vector<16xi32>,
      %get3A_480 = arith.constant 1 : i32
      %get3A_481 = arith.index_cast %get3A_480 : i32 to index
      %get3A_482 = arith.constant 80 : index
      %get3A_483 = tpu.vector_load %arg16[%get3A_481, %get3A_482] {strides = array<i32>} : memref<8x128xi32, #tpu.memory_space<vmem>>, vector<16xi32>,
      %masked_sort3A_484 = arith.constant dense<true> : vector<16xi1>
      %masked_sort3A_485 = arith.constant -2147483648 : i32
      %masked_sort3A_486 = vector.broadcast %masked_sort3A_485 : i32 to vector<16xi32>
      %masked_sort3A_487 = arith.xori %get3A_483, %masked_sort3A_486 : vector<16xi32>
      %masked_sort3A_488, %masked_sort3A_489, %masked_sort3A_490 = tpu.sort %masked_sort3A_487, %get3A_479 masked %masked_sort3A_484 : (vector<16xi32>, vector<16xi32>, vector<16xi1>) -> (vector<16xi1>, vector<16xi32>, vector<16xi32>)
      %masked_sort3A_491 = arith.xori %masked_sort3A_489, %masked_sort3A_486 : vector<16xi32>
      %swap3A_492 = arith.index_cast %add3A_475 : i32 to index
      %swap3A_493 = tpu.vector_load %arg17[%swap3A_492] {strides = array<i32>} : memref<1152xi32, #tpu.memory_space<vmem>>, vector<16xi32>,
      tpu.vector_store %arg17[%swap3A_492], %masked_sort3A_490 {strides = array<i32>} : memref<1152xi32, #tpu.memory_space<vmem>>, vector<16xi32>,
      %swap3A_494 = arith.index_cast %add3A_475 : i32 to index
      %swap3A_495 = tpu.vector_load %arg18[%swap3A_494] {strides = array<i32>} : memref<1152xi32, #tpu.memory_space<vmem>>, vector<16xi32>,
      tpu.vector_store %arg18[%swap3A_494], %masked_sort3A_491 {strides = array<i32>} : memref<1152xi32, #tpu.memory_space<vmem>>, vector<16xi32>,
      %lt3A_496 = arith.constant 100000 : i32
      %lt3A_497 = vector.broadcast %lt3A_496 : i32 to vector<16xi32>
      %lt3A_498 = arith.cmpi slt, %get3A_483, %lt3A_497 : vector<16xi32>
      %jit3A_499 = arith.constant 1 : i32
      %jit3A_500 = arith.constant 0 : i32
      %broadcast_in_dim3A_501 = vector.broadcast %jit3A_499 : i32 to vector<16xi32>
      %broadcast_in_dim3A_502 = vector.broadcast %jit3A_500 : i32 to vector<16xi32>
      %select_n3A_503 = arith.select %lt3A_498, %broadcast_in_dim3A_501, %broadcast_in_dim3A_502 : vector<16xi1>, vector<16xi32>
      %reduce_sum3A_504 = arith.constant true
      %reduce_sum3A_505 = vector.broadcast %reduce_sum3A_504 : i1 to vector<16xi1>
      %reduce_sum3A_506 = tpu.scan <sum>, %select_n3A_503 masked %reduce_sum3A_505 : vector<16xi32>, vector<16xi1> -> vector<16xi32>
      %reduce_sum3A_507 = vector.extract %reduce_sum3A_506[15] : i32 from vector<16xi32>
      %add3A_508 = arith.addi %add3A_475, %reduce_sum3A_507 : i32
      %get3A_509 = arith.constant 1 : i32
      %get3A_510 = arith.index_cast %get3A_509 : i32 to index
      %get3A_511 = arith.constant 96 : index
      %get3A_512 = tpu.vector_load %arg15[%get3A_510, %get3A_511] {strides = array<i32>} : memref<8x128xi32, #tpu.memory_space<vmem>>, vector<16xi32>,
      %get3A_513 = arith.constant 1 : i32
      %get3A_514 = arith.index_cast %get3A_513 : i32 to index
      %get3A_515 = arith.constant 96 : index
      %get3A_516 = tpu.vector_load %arg16[%get3A_514, %get3A_515] {strides = array<i32>} : memref<8x128xi32, #tpu.memory_space<vmem>>, vector<16xi32>,
      %masked_sort3A_517 = arith.constant dense<true> : vector<16xi1>
      %masked_sort3A_518 = arith.constant -2147483648 : i32
      %masked_sort3A_519 = vector.broadcast %masked_sort3A_518 : i32 to vector<16xi32>
      %masked_sort3A_520 = arith.xori %get3A_516, %masked_sort3A_519 : vector<16xi32>
      %masked_sort3A_521, %masked_sort3A_522, %masked_sort3A_523 = tpu.sort %masked_sort3A_520, %get3A_512 masked %masked_sort3A_517 : (vector<16xi32>, vector<16xi32>, vector<16xi1>) -> (vector<16xi1>, vector<16xi32>, vector<16xi32>)
      %masked_sort3A_524 = arith.xori %masked_sort3A_522, %masked_sort3A_519 : vector<16xi32>
      %swap3A_525 = arith.index_cast %add3A_508 : i32 to index
      %swap3A_526 = tpu.vector_load %arg17[%swap3A_525] {strides = array<i32>} : memref<1152xi32, #tpu.memory_space<vmem>>, vector<16xi32>,
      tpu.vector_store %arg17[%swap3A_525], %masked_sort3A_523 {strides = array<i32>} : memref<1152xi32, #tpu.memory_space<vmem>>, vector<16xi32>,
      %swap3A_527 = arith.index_cast %add3A_508 : i32 to index
      %swap3A_528 = tpu.vector_load %arg18[%swap3A_527] {strides = array<i32>} : memref<1152xi32, #tpu.memory_space<vmem>>, vector<16xi32>,
      tpu.vector_store %arg18[%swap3A_527], %masked_sort3A_524 {strides = array<i32>} : memref<1152xi32, #tpu.memory_space<vmem>>, vector<16xi32>,
      %lt3A_529 = arith.constant 100000 : i32
      %lt3A_530 = vector.broadcast %lt3A_529 : i32 to vector<16xi32>
      %lt3A_531 = arith.cmpi slt, %get3A_516, %lt3A_530 : vector<16xi32>
      %jit3A_532 = arith.constant 1 : i32
      %jit3A_533 = arith.constant 0 : i32
      %broadcast_in_dim3A_534 = vector.broadcast %jit3A_532 : i32 to vector<16xi32>
      %broadcast_in_dim3A_535 = vector.broadcast %jit3A_533 : i32 to vector<16xi32>
      %select_n3A_536 = arith.select %lt3A_531, %broadcast_in_dim3A_534, %broadcast_in_dim3A_535 : vector<16xi1>, vector<16xi32>
      %reduce_sum3A_537 = arith.constant true
      %reduce_sum3A_538 = vector.broadcast %reduce_sum3A_537 : i1 to vector<16xi1>
      %reduce_sum3A_539 = tpu.scan <sum>, %select_n3A_536 masked %reduce_sum3A_538 : vector<16xi32>, vector<16xi1> -> vector<16xi32>
      %reduce_sum3A_540 = vector.extract %reduce_sum3A_539[15] : i32 from vector<16xi32>
      %add3A_541 = arith.addi %add3A_508, %reduce_sum3A_540 : i32
      %get3A_542 = arith.constant 1 : i32
      %get3A_543 = arith.index_cast %get3A_542 : i32 to index
      %get3A_544 = arith.constant 112 : index
      %get3A_545 = tpu.vector_load %arg15[%get3A_543, %get3A_544] {strides = array<i32>} : memref<8x128xi32, #tpu.memory_space<vmem>>, vector<16xi32>,
      %get3A_546 = arith.constant 1 : i32
      %get3A_547 = arith.index_cast %get3A_546 : i32 to index
      %get3A_548 = arith.constant 112 : index
      %get3A_549 = tpu.vector_load %arg16[%get3A_547, %get3A_548] {strides = array<i32>} : memref<8x128xi32, #tpu.memory_space<vmem>>, vector<16xi32>,
      %masked_sort3A_550 = arith.constant dense<true> : vector<16xi1>
      %masked_sort3A_551 = arith.constant -2147483648 : i32
      %masked_sort3A_552 = vector.broadcast %masked_sort3A_551 : i32 to vector<16xi32>
      %masked_sort3A_553 = arith.xori %get3A_549, %masked_sort3A_552 : vector<16xi32>
      %masked_sort3A_554, %masked_sort3A_555, %masked_sort3A_556 = tpu.sort %masked_sort3A_553, %get3A_545 masked %masked_sort3A_550 : (vector<16xi32>, vector<16xi32>, vector<16xi1>) -> (vector<16xi1>, vector<16xi32>, vector<16xi32>)
      %masked_sort3A_557 = arith.xori %masked_sort3A_555, %masked_sort3A_552 : vector<16xi32>
      %swap3A_558 = arith.index_cast %add3A_541 : i32 to index
      %swap3A_559 = tpu.vector_load %arg17[%swap3A_558] {strides = array<i32>} : memref<1152xi32, #tpu.memory_space<vmem>>, vector<16xi32>,
      tpu.vector_store %arg17[%swap3A_558], %masked_sort3A_556 {strides = array<i32>} : memref<1152xi32, #tpu.memory_space<vmem>>, vector<16xi32>,
      %swap3A_560 = arith.index_cast %add3A_541 : i32 to index
      %swap3A_561 = tpu.vector_load %arg18[%swap3A_560] {strides = array<i32>} : memref<1152xi32, #tpu.memory_space<vmem>>, vector<16xi32>,
      tpu.vector_store %arg18[%swap3A_560], %masked_sort3A_557 {strides = array<i32>} : memref<1152xi32, #tpu.memory_space<vmem>>, vector<16xi32>,
      %lt3A_562 = arith.constant 100000 : i32
      %lt3A_563 = vector.broadcast %lt3A_562 : i32 to vector<16xi32>
      %lt3A_564 = arith.cmpi slt, %get3A_549, %lt3A_563 : vector<16xi32>
      %jit3A_565 = arith.constant 1 : i32
      %jit3A_566 = arith.constant 0 : i32
      %broadcast_in_dim3A_567 = vector.broadcast %jit3A_565 : i32 to vector<16xi32>
      %broadcast_in_dim3A_568 = vector.broadcast %jit3A_566 : i32 to vector<16xi32>
      %select_n3A_569 = arith.select %lt3A_564, %broadcast_in_dim3A_567, %broadcast_in_dim3A_568 : vector<16xi1>, vector<16xi32>
      %reduce_sum3A_570 = arith.constant true
      %reduce_sum3A_571 = vector.broadcast %reduce_sum3A_570 : i1 to vector<16xi1>
      %reduce_sum3A_572 = tpu.scan <sum>, %select_n3A_569 masked %reduce_sum3A_571 : vector<16xi32>, vector<16xi1> -> vector<16xi32>
      %reduce_sum3A_573 = vector.extract %reduce_sum3A_572[15] : i32 from vector<16xi32>
      %add3A_574 = arith.addi %add3A_541, %reduce_sum3A_573 : i32
      %get3A_575 = arith.constant 2 : i32
      %get3A_576 = arith.index_cast %get3A_575 : i32 to index
      %get3A_577 = arith.constant 0 : index
      %get3A_578 = tpu.vector_load %arg15[%get3A_576, %get3A_577] {strides = array<i32>} : memref<8x128xi32, #tpu.memory_space<vmem>>, vector<16xi32>,
      %get3A_579 = arith.constant 2 : i32
      %get3A_580 = arith.index_cast %get3A_579 : i32 to index
      %get3A_581 = arith.constant 0 : index
      %get3A_582 = tpu.vector_load %arg16[%get3A_580, %get3A_581] {strides = array<i32>} : memref<8x128xi32, #tpu.memory_space<vmem>>, vector<16xi32>,
      %masked_sort3A_583 = arith.constant dense<true> : vector<16xi1>
      %masked_sort3A_584 = arith.constant -2147483648 : i32
      %masked_sort3A_585 = vector.broadcast %masked_sort3A_584 : i32 to vector<16xi32>
      %masked_sort3A_586 = arith.xori %get3A_582, %masked_sort3A_585 : vector<16xi32>
      %masked_sort3A_587, %masked_sort3A_588, %masked_sort3A_589 = tpu.sort %masked_sort3A_586, %get3A_578 masked %masked_sort3A_583 : (vector<16xi32>, vector<16xi32>, vector<16xi1>) -> (vector<16xi1>, vector<16xi32>, vector<16xi32>)
      %masked_sort3A_590 = arith.xori %masked_sort3A_588, %masked_sort3A_585 : vector<16xi32>
      %swap3A_591 = arith.index_cast %add3A_574 : i32 to index
      %swap3A_592 = tpu.vector_load %arg17[%swap3A_591] {strides = array<i32>} : memref<1152xi32, #tpu.memory_space<vmem>>, vector<16xi32>,
      tpu.vector_store %arg17[%swap3A_591], %masked_sort3A_589 {strides = array<i32>} : memref<1152xi32, #tpu.memory_space<vmem>>, vector<16xi32>,
      %swap3A_593 = arith.index_cast %add3A_574 : i32 to index
      %swap3A_594 = tpu.vector_load %arg18[%swap3A_593] {strides = array<i32>} : memref<1152xi32, #tpu.memory_space<vmem>>, vector<16xi32>,
      tpu.vector_store %arg18[%swap3A_593], %masked_sort3A_590 {strides = array<i32>} : memref<1152xi32, #tpu.memory_space<vmem>>, vector<16xi32>,
      %lt3A_595 = arith.constant 100000 : i32
      %lt3A_596 = vector.broadcast %lt3A_595 : i32 to vector<16xi32>
      %lt3A_597 = arith.cmpi slt, %get3A_582, %lt3A_596 : vector<16xi32>
      %jit3A_598 = arith.constant 1 : i32
      %jit3A_599 = arith.constant 0 : i32
      %broadcast_in_dim3A_600 = vector.broadcast %jit3A_598 : i32 to vector<16xi32>
      %broadcast_in_dim3A_601 = vector.broadcast %jit3A_599 : i32 to vector<16xi32>
      %select_n3A_602 = arith.select %lt3A_597, %broadcast_in_dim3A_600, %broadcast_in_dim3A_601 : vector<16xi1>, vector<16xi32>
      %reduce_sum3A_603 = arith.constant true
      %reduce_sum3A_604 = vector.broadcast %reduce_sum3A_603 : i1 to vector<16xi1>
      %reduce_sum3A_605 = tpu.scan <sum>, %select_n3A_602 masked %reduce_sum3A_604 : vector<16xi32>, vector<16xi1> -> vector<16xi32>
      %reduce_sum3A_606 = vector.extract %reduce_sum3A_605[15] : i32 from vector<16xi32>
      %add3A_607 = arith.addi %add3A_574, %reduce_sum3A_606 : i32
      %get3A_608 = arith.constant 2 : i32
      %get3A_609 = arith.index_cast %get3A_608 : i32 to index
      %get3A_610 = arith.constant 16 : index
      %get3A_611 = tpu.vector_load %arg15[%get3A_609, %get3A_610] {strides = array<i32>} : memref<8x128xi32, #tpu.memory_space<vmem>>, vector<16xi32>,
      %get3A_612 = arith.constant 2 : i32
      %get3A_613 = arith.index_cast %get3A_612 : i32 to index
      %get3A_614 = arith.constant 16 : index
      %get3A_615 = tpu.vector_load %arg16[%get3A_613, %get3A_614] {strides = array<i32>} : memref<8x128xi32, #tpu.memory_space<vmem>>, vector<16xi32>,
      %masked_sort3A_616 = arith.constant dense<true> : vector<16xi1>
      %masked_sort3A_617 = arith.constant -2147483648 : i32
      %masked_sort3A_618 = vector.broadcast %masked_sort3A_617 : i32 to vector<16xi32>
      %masked_sort3A_619 = arith.xori %get3A_615, %masked_sort3A_618 : vector<16xi32>
      %masked_sort3A_620, %masked_sort3A_621, %masked_sort3A_622 = tpu.sort %masked_sort3A_619, %get3A_611 masked %masked_sort3A_616 : (vector<16xi32>, vector<16xi32>, vector<16xi1>) -> (vector<16xi1>, vector<16xi32>, vector<16xi32>)
      %masked_sort3A_623 = arith.xori %masked_sort3A_621, %masked_sort3A_618 : vector<16xi32>
      %swap3A_624 = arith.index_cast %add3A_607 : i32 to index
      %swap3A_625 = tpu.vector_load %arg17[%swap3A_624] {strides = array<i32>} : memref<1152xi32, #tpu.memory_space<vmem>>, vector<16xi32>,
      tpu.vector_store %arg17[%swap3A_624], %masked_sort3A_622 {strides = array<i32>} : memref<1152xi32, #tpu.memory_space<vmem>>, vector<16xi32>,
      %swap3A_626 = arith.index_cast %add3A_607 : i32 to index
      %swap3A_627 = tpu.vector_load %arg18[%swap3A_626] {strides = array<i32>} : memref<1152xi32, #tpu.memory_space<vmem>>, vector<16xi32>,
      tpu.vector_store %arg18[%swap3A_626], %masked_sort3A_623 {strides = array<i32>} : memref<1152xi32, #tpu.memory_space<vmem>>, vector<16xi32>,
      %lt3A_628 = arith.constant 100000 : i32
      %lt3A_629 = vector.broadcast %lt3A_628 : i32 to vector<16xi32>
      %lt3A_630 = arith.cmpi slt, %get3A_615, %lt3A_629 : vector<16xi32>
      %jit3A_631 = arith.constant 1 : i32
      %jit3A_632 = arith.constant 0 : i32
      %broadcast_in_dim3A_633 = vector.broadcast %jit3A_631 : i32 to vector<16xi32>
      %broadcast_in_dim3A_634 = vector.broadcast %jit3A_632 : i32 to vector<16xi32>
      %select_n3A_635 = arith.select %lt3A_630, %broadcast_in_dim3A_633, %broadcast_in_dim3A_634 : vector<16xi1>, vector<16xi32>
      %reduce_sum3A_636 = arith.constant true
      %reduce_sum3A_637 = vector.broadcast %reduce_sum3A_636 : i1 to vector<16xi1>
      %reduce_sum3A_638 = tpu.scan <sum>, %select_n3A_635 masked %reduce_sum3A_637 : vector<16xi32>, vector<16xi1> -> vector<16xi32>
      %reduce_sum3A_639 = vector.extract %reduce_sum3A_638[15] : i32 from vector<16xi32>
      %add3A_640 = arith.addi %add3A_607, %reduce_sum3A_639 : i32
      %get3A_641 = arith.constant 2 : i32
      %get3A_642 = arith.index_cast %get3A_641 : i32 to index
      %get3A_643 = arith.constant 32 : index
      %get3A_644 = tpu.vector_load %arg15[%get3A_642, %get3A_643] {strides = array<i32>} : memref<8x128xi32, #tpu.memory_space<vmem>>, vector<16xi32>,
      %get3A_645 = arith.constant 2 : i32
      %get3A_646 = arith.index_cast %get3A_645 : i32 to index
      %get3A_647 = arith.constant 32 : index
      %get3A_648 = tpu.vector_load %arg16[%get3A_646, %get3A_647] {strides = array<i32>} : memref<8x128xi32, #tpu.memory_space<vmem>>, vector<16xi32>,
      %masked_sort3A_649 = arith.constant dense<true> : vector<16xi1>
      %masked_sort3A_650 = arith.constant -2147483648 : i32
      %masked_sort3A_651 = vector.broadcast %masked_sort3A_650 : i32 to vector<16xi32>
      %masked_sort3A_652 = arith.xori %get3A_648, %masked_sort3A_651 : vector<16xi32>
      %masked_sort3A_653, %masked_sort3A_654, %masked_sort3A_655 = tpu.sort %masked_sort3A_652, %get3A_644 masked %masked_sort3A_649 : (vector<16xi32>, vector<16xi32>, vector<16xi1>) -> (vector<16xi1>, vector<16xi32>, vector<16xi32>)
      %masked_sort3A_656 = arith.xori %masked_sort3A_654, %masked_sort3A_651 : vector<16xi32>
      %swap3A_657 = arith.index_cast %add3A_640 : i32 to index
      %swap3A_658 = tpu.vector_load %arg17[%swap3A_657] {strides = array<i32>} : memref<1152xi32, #tpu.memory_space<vmem>>, vector<16xi32>,
      tpu.vector_store %arg17[%swap3A_657], %masked_sort3A_655 {strides = array<i32>} : memref<1152xi32, #tpu.memory_space<vmem>>, vector<16xi32>,
      %swap3A_659 = arith.index_cast %add3A_640 : i32 to index
      %swap3A_660 = tpu.vector_load %arg18[%swap3A_659] {strides = array<i32>} : memref<1152xi32, #tpu.memory_space<vmem>>, vector<16xi32>,
      tpu.vector_store %arg18[%swap3A_659], %masked_sort3A_656 {strides = array<i32>} : memref<1152xi32, #tpu.memory_space<vmem>>, vector<16xi32>,
      %lt3A_661 = arith.constant 100000 : i32
      %lt3A_662 = vector.broadcast %lt3A_661 : i32 to vector<16xi32>
      %lt3A_663 = arith.cmpi slt, %get3A_648, %lt3A_662 : vector<16xi32>
      %jit3A_664 = arith.constant 1 : i32
      %jit3A_665 = arith.constant 0 : i32
      %broadcast_in_dim3A_666 = vector.broadcast %jit3A_664 : i32 to vector<16xi32>
      %broadcast_in_dim3A_667 = vector.broadcast %jit3A_665 : i32 to vector<16xi32>
      %select_n3A_668 = arith.select %lt3A_663, %broadcast_in_dim3A_666, %broadcast_in_dim3A_667 : vector<16xi1>, vector<16xi32>
      %reduce_sum3A_669 = arith.constant true
      %reduce_sum3A_670 = vector.broadcast %reduce_sum3A_669 : i1 to vector<16xi1>
      %reduce_sum3A_671 = tpu.scan <sum>, %select_n3A_668 masked %reduce_sum3A_670 : vector<16xi32>, vector<16xi1> -> vector<16xi32>
      %reduce_sum3A_672 = vector.extract %reduce_sum3A_671[15] : i32 from vector<16xi32>
      %add3A_673 = arith.addi %add3A_640, %reduce_sum3A_672 : i32
      %get3A_674 = arith.constant 2 : i32
      %get3A_675 = arith.index_cast %get3A_674 : i32 to index
      %get3A_676 = arith.constant 48 : index
      %get3A_677 = tpu.vector_load %arg15[%get3A_675, %get3A_676] {strides = array<i32>} : memref<8x128xi32, #tpu.memory_space<vmem>>, vector<16xi32>,
      %get3A_678 = arith.constant 2 : i32
      %get3A_679 = arith.index_cast %get3A_678 : i32 to index
      %get3A_680 = arith.constant 48 : index
      %get3A_681 = tpu.vector_load %arg16[%get3A_679, %get3A_680] {strides = array<i32>} : memref<8x128xi32, #tpu.memory_space<vmem>>, vector<16xi32>,
      %masked_sort3A_682 = arith.constant dense<true> : vector<16xi1>
      %masked_sort3A_683 = arith.constant -2147483648 : i32
      %masked_sort3A_684 = vector.broadcast %masked_sort3A_683 : i32 to vector<16xi32>
      %masked_sort3A_685 = arith.xori %get3A_681, %masked_sort3A_684 : vector<16xi32>
      %masked_sort3A_686, %masked_sort3A_687, %masked_sort3A_688 = tpu.sort %masked_sort3A_685, %get3A_677 masked %masked_sort3A_682 : (vector<16xi32>, vector<16xi32>, vector<16xi1>) -> (vector<16xi1>, vector<16xi32>, vector<16xi32>)
      %masked_sort3A_689 = arith.xori %masked_sort3A_687, %masked_sort3A_684 : vector<16xi32>
      %swap3A_690 = arith.index_cast %add3A_673 : i32 to index
      %swap3A_691 = tpu.vector_load %arg17[%swap3A_690] {strides = array<i32>} : memref<1152xi32, #tpu.memory_space<vmem>>, vector<16xi32>,
      tpu.vector_store %arg17[%swap3A_690], %masked_sort3A_688 {strides = array<i32>} : memref<1152xi32, #tpu.memory_space<vmem>>, vector<16xi32>,
      %swap3A_692 = arith.index_cast %add3A_673 : i32 to index
      %swap3A_693 = tpu.vector_load %arg18[%swap3A_692] {strides = array<i32>} : memref<1152xi32, #tpu.memory_space<vmem>>, vector<16xi32>,
      tpu.vector_store %arg18[%swap3A_692], %masked_sort3A_689 {strides = array<i32>} : memref<1152xi32, #tpu.memory_space<vmem>>, vector<16xi32>,
      %lt3A_694 = arith.constant 100000 : i32
      %lt3A_695 = vector.broadcast %lt3A_694 : i32 to vector<16xi32>
      %lt3A_696 = arith.cmpi slt, %get3A_681, %lt3A_695 : vector<16xi32>
      %jit3A_697 = arith.constant 1 : i32
      %jit3A_698 = arith.constant 0 : i32
      %broadcast_in_dim3A_699 = vector.broadcast %jit3A_697 : i32 to vector<16xi32>
      %broadcast_in_dim3A_700 = vector.broadcast %jit3A_698 : i32 to vector<16xi32>
      %select_n3A_701 = arith.select %lt3A_696, %broadcast_in_dim3A_699, %broadcast_in_dim3A_700 : vector<16xi1>, vector<16xi32>
      %reduce_sum3A_702 = arith.constant true
      %reduce_sum3A_703 = vector.broadcast %reduce_sum3A_702 : i1 to vector<16xi1>
      %reduce_sum3A_704 = tpu.scan <sum>, %select_n3A_701 masked %reduce_sum3A_703 : vector<16xi32>, vector<16xi1> -> vector<16xi32>
      %reduce_sum3A_705 = vector.extract %reduce_sum3A_704[15] : i32 from vector<16xi32>
      %add3A_706 = arith.addi %add3A_673, %reduce_sum3A_705 : i32
      %get3A_707 = arith.constant 2 : i32
      %get3A_708 = arith.index_cast %get3A_707 : i32 to index
      %get3A_709 = arith.constant 64 : index
      %get3A_710 = tpu.vector_load %arg15[%get3A_708, %get3A_709] {strides = array<i32>} : memref<8x128xi32, #tpu.memory_space<vmem>>, vector<16xi32>,
      %get3A_711 = arith.constant 2 : i32
      %get3A_712 = arith.index_cast %get3A_711 : i32 to index
      %get3A_713 = arith.constant 64 : index
      %get3A_714 = tpu.vector_load %arg16[%get3A_712, %get3A_713] {strides = array<i32>} : memref<8x128xi32, #tpu.memory_space<vmem>>, vector<16xi32>,
      %masked_sort3A_715 = arith.constant dense<true> : vector<16xi1>
      %masked_sort3A_716 = arith.constant -2147483648 : i32
      %masked_sort3A_717 = vector.broadcast %masked_sort3A_716 : i32 to vector<16xi32>
      %masked_sort3A_718 = arith.xori %get3A_714, %masked_sort3A_717 : vector<16xi32>
      %masked_sort3A_719, %masked_sort3A_720, %masked_sort3A_721 = tpu.sort %masked_sort3A_718, %get3A_710 masked %masked_sort3A_715 : (vector<16xi32>, vector<16xi32>, vector<16xi1>) -> (vector<16xi1>, vector<16xi32>, vector<16xi32>)
      %masked_sort3A_722 = arith.xori %masked_sort3A_720, %masked_sort3A_717 : vector<16xi32>
      %swap3A_723 = arith.index_cast %add3A_706 : i32 to index
      %swap3A_724 = tpu.vector_load %arg17[%swap3A_723] {strides = array<i32>} : memref<1152xi32, #tpu.memory_space<vmem>>, vector<16xi32>,
      tpu.vector_store %arg17[%swap3A_723], %masked_sort3A_721 {strides = array<i32>} : memref<1152xi32, #tpu.memory_space<vmem>>, vector<16xi32>,
      %swap3A_725 = arith.index_cast %add3A_706 : i32 to index
      %swap3A_726 = tpu.vector_load %arg18[%swap3A_725] {strides = array<i32>} : memref<1152xi32, #tpu.memory_space<vmem>>, vector<16xi32>,
      tpu.vector_store %arg18[%swap3A_725], %masked_sort3A_722 {strides = array<i32>} : memref<1152xi32, #tpu.memory_space<vmem>>, vector<16xi32>,
      %lt3A_727 = arith.constant 100000 : i32
      %lt3A_728 = vector.broadcast %lt3A_727 : i32 to vector<16xi32>
      %lt3A_729 = arith.cmpi slt, %get3A_714, %lt3A_728 : vector<16xi32>
      %jit3A_730 = arith.constant 1 : i32
      %jit3A_731 = arith.constant 0 : i32
      %broadcast_in_dim3A_732 = vector.broadcast %jit3A_730 : i32 to vector<16xi32>
      %broadcast_in_dim3A_733 = vector.broadcast %jit3A_731 : i32 to vector<16xi32>
      %select_n3A_734 = arith.select %lt3A_729, %broadcast_in_dim3A_732, %broadcast_in_dim3A_733 : vector<16xi1>, vector<16xi32>
      %reduce_sum3A_735 = arith.constant true
      %reduce_sum3A_736 = vector.broadcast %reduce_sum3A_735 : i1 to vector<16xi1>
      %reduce_sum3A_737 = tpu.scan <sum>, %select_n3A_734 masked %reduce_sum3A_736 : vector<16xi32>, vector<16xi1> -> vector<16xi32>
      %reduce_sum3A_738 = vector.extract %reduce_sum3A_737[15] : i32 from vector<16xi32>
      %add3A_739 = arith.addi %add3A_706, %reduce_sum3A_738 : i32
      %get3A_740 = arith.constant 2 : i32
      %get3A_741 = arith.index_cast %get3A_740 : i32 to index
      %get3A_742 = arith.constant 80 : index
      %get3A_743 = tpu.vector_load %arg15[%get3A_741, %get3A_742] {strides = array<i32>} : memref<8x128xi32, #tpu.memory_space<vmem>>, vector<16xi32>,
      %get3A_744 = arith.constant 2 : i32
      %get3A_745 = arith.index_cast %get3A_744 : i32 to index
      %get3A_746 = arith.constant 80 : index
      %get3A_747 = tpu.vector_load %arg16[%get3A_745, %get3A_746] {strides = array<i32>} : memref<8x128xi32, #tpu.memory_space<vmem>>, vector<16xi32>,
      %masked_sort3A_748 = arith.constant dense<true> : vector<16xi1>
      %masked_sort3A_749 = arith.constant -2147483648 : i32
      %masked_sort3A_750 = vector.broadcast %masked_sort3A_749 : i32 to vector<16xi32>
      %masked_sort3A_751 = arith.xori %get3A_747, %masked_sort3A_750 : vector<16xi32>
      %masked_sort3A_752, %masked_sort3A_753, %masked_sort3A_754 = tpu.sort %masked_sort3A_751, %get3A_743 masked %masked_sort3A_748 : (vector<16xi32>, vector<16xi32>, vector<16xi1>) -> (vector<16xi1>, vector<16xi32>, vector<16xi32>)
      %masked_sort3A_755 = arith.xori %masked_sort3A_753, %masked_sort3A_750 : vector<16xi32>
      %swap3A_756 = arith.index_cast %add3A_739 : i32 to index
      %swap3A_757 = tpu.vector_load %arg17[%swap3A_756] {strides = array<i32>} : memref<1152xi32, #tpu.memory_space<vmem>>, vector<16xi32>,
      tpu.vector_store %arg17[%swap3A_756], %masked_sort3A_754 {strides = array<i32>} : memref<1152xi32, #tpu.memory_space<vmem>>, vector<16xi32>,
      %swap3A_758 = arith.index_cast %add3A_739 : i32 to index
      %swap3A_759 = tpu.vector_load %arg18[%swap3A_758] {strides = array<i32>} : memref<1152xi32, #tpu.memory_space<vmem>>, vector<16xi32>,
      tpu.vector_store %arg18[%swap3A_758], %masked_sort3A_755 {strides = array<i32>} : memref<1152xi32, #tpu.memory_space<vmem>>, vector<16xi32>,
      %lt3A_760 = arith.constant 100000 : i32
      %lt3A_761 = vector.broadcast %lt3A_760 : i32 to vector<16xi32>
      %lt3A_762 = arith.cmpi slt, %get3A_747, %lt3A_761 : vector<16xi32>
      %jit3A_763 = arith.constant 1 : i32
      %jit3A_764 = arith.constant 0 : i32
      %broadcast_in_dim3A_765 = vector.broadcast %jit3A_763 : i32 to vector<16xi32>
      %broadcast_in_dim3A_766 = vector.broadcast %jit3A_764 : i32 to vector<16xi32>
      %select_n3A_767 = arith.select %lt3A_762, %broadcast_in_dim3A_765, %broadcast_in_dim3A_766 : vector<16xi1>, vector<16xi32>
      %reduce_sum3A_768 = arith.constant true
      %reduce_sum3A_769 = vector.broadcast %reduce_sum3A_768 : i1 to vector<16xi1>
      %reduce_sum3A_770 = tpu.scan <sum>, %select_n3A_767 masked %reduce_sum3A_769 : vector<16xi32>, vector<16xi1> -> vector<16xi32>
      %reduce_sum3A_771 = vector.extract %reduce_sum3A_770[15] : i32 from vector<16xi32>
      %add3A_772 = arith.addi %add3A_739, %reduce_sum3A_771 : i32
      %get3A_773 = arith.constant 2 : i32
      %get3A_774 = arith.index_cast %get3A_773 : i32 to index
      %get3A_775 = arith.constant 96 : index
      %get3A_776 = tpu.vector_load %arg15[%get3A_774, %get3A_775] {strides = array<i32>} : memref<8x128xi32, #tpu.memory_space<vmem>>, vector<16xi32>,
      %get3A_777 = arith.constant 2 : i32
      %get3A_778 = arith.index_cast %get3A_777 : i32 to index
      %get3A_779 = arith.constant 96 : index
      %get3A_780 = tpu.vector_load %arg16[%get3A_778, %get3A_779] {strides = array<i32>} : memref<8x128xi32, #tpu.memory_space<vmem>>, vector<16xi32>,
      %masked_sort3A_781 = arith.constant dense<true> : vector<16xi1>
      %masked_sort3A_782 = arith.constant -2147483648 : i32
      %masked_sort3A_783 = vector.broadcast %masked_sort3A_782 : i32 to vector<16xi32>
      %masked_sort3A_784 = arith.xori %get3A_780, %masked_sort3A_783 : vector<16xi32>
      %masked_sort3A_785, %masked_sort3A_786, %masked_sort3A_787 = tpu.sort %masked_sort3A_784, %get3A_776 masked %masked_sort3A_781 : (vector<16xi32>, vector<16xi32>, vector<16xi1>) -> (vector<16xi1>, vector<16xi32>, vector<16xi32>)
      %masked_sort3A_788 = arith.xori %masked_sort3A_786, %masked_sort3A_783 : vector<16xi32>
      %swap3A_789 = arith.index_cast %add3A_772 : i32 to index
      %swap3A_790 = tpu.vector_load %arg17[%swap3A_789] {strides = array<i32>} : memref<1152xi32, #tpu.memory_space<vmem>>, vector<16xi32>,
      tpu.vector_store %arg17[%swap3A_789], %masked_sort3A_787 {strides = array<i32>} : memref<1152xi32, #tpu.memory_space<vmem>>, vector<16xi32>,
      %swap3A_791 = arith.index_cast %add3A_772 : i32 to index
      %swap3A_792 = tpu.vector_load %arg18[%swap3A_791] {strides = array<i32>} : memref<1152xi32, #tpu.memory_space<vmem>>, vector<16xi32>,
      tpu.vector_store %arg18[%swap3A_791], %masked_sort3A_788 {strides = array<i32>} : memref<1152xi32, #tpu.memory_space<vmem>>, vector<16xi32>,
      %lt3A_793 = arith.constant 100000 : i32
      %lt3A_794 = vector.broadcast %lt3A_793 : i32 to vector<16xi32>
      %lt3A_795 = arith.cmpi slt, %get3A_780, %lt3A_794 : vector<16xi32>
      %jit3A_796 = arith.constant 1 : i32
      %jit3A_797 = arith.constant 0 : i32
      %broadcast_in_dim3A_798 = vector.broadcast %jit3A_796 : i32 to vector<16xi32>
      %broadcast_in_dim3A_799 = vector.broadcast %jit3A_797 : i32 to vector<16xi32>
      %select_n3A_800 = arith.select %lt3A_795, %broadcast_in_dim3A_798, %broadcast_in_dim3A_799 : vector<16xi1>, vector<16xi32>
      %reduce_sum3A_801 = arith.constant true
      %reduce_sum3A_802 = vector.broadcast %reduce_sum3A_801 : i1 to vector<16xi1>
      %reduce_sum3A_803 = tpu.scan <sum>, %select_n3A_800 masked %reduce_sum3A_802 : vector<16xi32>, vector<16xi1> -> vector<16xi32>
      %reduce_sum3A_804 = vector.extract %reduce_sum3A_803[15] : i32 from vector<16xi32>
      %add3A_805 = arith.addi %add3A_772, %reduce_sum3A_804 : i32
      %get3A_806 = arith.constant 2 : i32
      %get3A_807 = arith.index_cast %get3A_806 : i32 to index
      %get3A_808 = arith.constant 112 : index
      %get3A_809 = tpu.vector_load %arg15[%get3A_807, %get3A_808] {strides = array<i32>} : memref<8x128xi32, #tpu.memory_space<vmem>>, vector<16xi32>,
      %get3A_810 = arith.constant 2 : i32
      %get3A_811 = arith.index_cast %get3A_810 : i32 to index
      %get3A_812 = arith.constant 112 : index
      %get3A_813 = tpu.vector_load %arg16[%get3A_811, %get3A_812] {strides = array<i32>} : memref<8x128xi32, #tpu.memory_space<vmem>>, vector<16xi32>,
      %masked_sort3A_814 = arith.constant dense<true> : vector<16xi1>
      %masked_sort3A_815 = arith.constant -2147483648 : i32
      %masked_sort3A_816 = vector.broadcast %masked_sort3A_815 : i32 to vector<16xi32>
      %masked_sort3A_817 = arith.xori %get3A_813, %masked_sort3A_816 : vector<16xi32>
      %masked_sort3A_818, %masked_sort3A_819, %masked_sort3A_820 = tpu.sort %masked_sort3A_817, %get3A_809 masked %masked_sort3A_814 : (vector<16xi32>, vector<16xi32>, vector<16xi1>) -> (vector<16xi1>, vector<16xi32>, vector<16xi32>)
      %masked_sort3A_821 = arith.xori %masked_sort3A_819, %masked_sort3A_816 : vector<16xi32>
      %swap3A_822 = arith.index_cast %add3A_805 : i32 to index
      %swap3A_823 = tpu.vector_load %arg17[%swap3A_822] {strides = array<i32>} : memref<1152xi32, #tpu.memory_space<vmem>>, vector<16xi32>,
      tpu.vector_store %arg17[%swap3A_822], %masked_sort3A_820 {strides = array<i32>} : memref<1152xi32, #tpu.memory_space<vmem>>, vector<16xi32>,
      %swap3A_824 = arith.index_cast %add3A_805 : i32 to index
      %swap3A_825 = tpu.vector_load %arg18[%swap3A_824] {strides = array<i32>} : memref<1152xi32, #tpu.memory_space<vmem>>, vector<16xi32>,
      tpu.vector_store %arg18[%swap3A_824], %masked_sort3A_821 {strides = array<i32>} : memref<1152xi32, #tpu.memory_space<vmem>>, vector<16xi32>,
      %lt3A_826 = arith.constant 100000 : i32
      %lt3A_827 = vector.broadcast %lt3A_826 : i32 to vector<16xi32>
      %lt3A_828 = arith.cmpi slt, %get3A_813, %lt3A_827 : vector<16xi32>
      %jit3A_829 = arith.constant 1 : i32
      %jit3A_830 = arith.constant 0 : i32
      %broadcast_in_dim3A_831 = vector.broadcast %jit3A_829 : i32 to vector<16xi32>
      %broadcast_in_dim3A_832 = vector.broadcast %jit3A_830 : i32 to vector<16xi32>
      %select_n3A_833 = arith.select %lt3A_828, %broadcast_in_dim3A_831, %broadcast_in_dim3A_832 : vector<16xi1>, vector<16xi32>
      %reduce_sum3A_834 = arith.constant true
      %reduce_sum3A_835 = vector.broadcast %reduce_sum3A_834 : i1 to vector<16xi1>
      %reduce_sum3A_836 = tpu.scan <sum>, %select_n3A_833 masked %reduce_sum3A_835 : vector<16xi32>, vector<16xi1> -> vector<16xi32>
      %reduce_sum3A_837 = vector.extract %reduce_sum3A_836[15] : i32 from vector<16xi32>
      %add3A_838 = arith.addi %add3A_805, %reduce_sum3A_837 : i32
      %get3A_839 = arith.constant 3 : i32
      %get3A_840 = arith.index_cast %get3A_839 : i32 to index
      %get3A_841 = arith.constant 0 : index
      %get3A_842 = tpu.vector_load %arg15[%get3A_840, %get3A_841] {strides = array<i32>} : memref<8x128xi32, #tpu.memory_space<vmem>>, vector<16xi32>,
      %get3A_843 = arith.constant 3 : i32
      %get3A_844 = arith.index_cast %get3A_843 : i32 to index
      %get3A_845 = arith.constant 0 : index
      %get3A_846 = tpu.vector_load %arg16[%get3A_844, %get3A_845] {strides = array<i32>} : memref<8x128xi32, #tpu.memory_space<vmem>>, vector<16xi32>,
      %masked_sort3A_847 = arith.constant dense<true> : vector<16xi1>
      %masked_sort3A_848 = arith.constant -2147483648 : i32
      %masked_sort3A_849 = vector.broadcast %masked_sort3A_848 : i32 to vector<16xi32>
      %masked_sort3A_850 = arith.xori %get3A_846, %masked_sort3A_849 : vector<16xi32>
      %masked_sort3A_851, %masked_sort3A_852, %masked_sort3A_853 = tpu.sort %masked_sort3A_850, %get3A_842 masked %masked_sort3A_847 : (vector<16xi32>, vector<16xi32>, vector<16xi1>) -> (vector<16xi1>, vector<16xi32>, vector<16xi32>)
      %masked_sort3A_854 = arith.xori %masked_sort3A_852, %masked_sort3A_849 : vector<16xi32>
      %swap3A_855 = arith.index_cast %add3A_838 : i32 to index
      %swap3A_856 = tpu.vector_load %arg17[%swap3A_855] {strides = array<i32>} : memref<1152xi32, #tpu.memory_space<vmem>>, vector<16xi32>,
      tpu.vector_store %arg17[%swap3A_855], %masked_sort3A_853 {strides = array<i32>} : memref<1152xi32, #tpu.memory_space<vmem>>, vector<16xi32>,
      %swap3A_857 = arith.index_cast %add3A_838 : i32 to index
      %swap3A_858 = tpu.vector_load %arg18[%swap3A_857] {strides = array<i32>} : memref<1152xi32, #tpu.memory_space<vmem>>, vector<16xi32>,
      tpu.vector_store %arg18[%swap3A_857], %masked_sort3A_854 {strides = array<i32>} : memref<1152xi32, #tpu.memory_space<vmem>>, vector<16xi32>,
      %lt3A_859 = arith.constant 100000 : i32
      %lt3A_860 = vector.broadcast %lt3A_859 : i32 to vector<16xi32>
      %lt3A_861 = arith.cmpi slt, %get3A_846, %lt3A_860 : vector<16xi32>
      %jit3A_862 = arith.constant 1 : i32
      %jit3A_863 = arith.constant 0 : i32
      %broadcast_in_dim3A_864 = vector.broadcast %jit3A_862 : i32 to vector<16xi32>
      %broadcast_in_dim3A_865 = vector.broadcast %jit3A_863 : i32 to vector<16xi32>
      %select_n3A_866 = arith.select %lt3A_861, %broadcast_in_dim3A_864, %broadcast_in_dim3A_865 : vector<16xi1>, vector<16xi32>
      %reduce_sum3A_867 = arith.constant true
      %reduce_sum3A_868 = vector.broadcast %reduce_sum3A_867 : i1 to vector<16xi1>
      %reduce_sum3A_869 = tpu.scan <sum>, %select_n3A_866 masked %reduce_sum3A_868 : vector<16xi32>, vector<16xi1> -> vector<16xi32>
      %reduce_sum3A_870 = vector.extract %reduce_sum3A_869[15] : i32 from vector<16xi32>
      %add3A_871 = arith.addi %add3A_838, %reduce_sum3A_870 : i32
      %get3A_872 = arith.constant 3 : i32
      %get3A_873 = arith.index_cast %get3A_872 : i32 to index
      %get3A_874 = arith.constant 16 : index
      %get3A_875 = tpu.vector_load %arg15[%get3A_873, %get3A_874] {strides = array<i32>} : memref<8x128xi32, #tpu.memory_space<vmem>>, vector<16xi32>,
      %get3A_876 = arith.constant 3 : i32
      %get3A_877 = arith.index_cast %get3A_876 : i32 to index
      %get3A_878 = arith.constant 16 : index
      %get3A_879 = tpu.vector_load %arg16[%get3A_877, %get3A_878] {strides = array<i32>} : memref<8x128xi32, #tpu.memory_space<vmem>>, vector<16xi32>,
      %masked_sort3A_880 = arith.constant dense<true> : vector<16xi1>
      %masked_sort3A_881 = arith.constant -2147483648 : i32
      %masked_sort3A_882 = vector.broadcast %masked_sort3A_881 : i32 to vector<16xi32>
      %masked_sort3A_883 = arith.xori %get3A_879, %masked_sort3A_882 : vector<16xi32>
      %masked_sort3A_884, %masked_sort3A_885, %masked_sort3A_886 = tpu.sort %masked_sort3A_883, %get3A_875 masked %masked_sort3A_880 : (vector<16xi32>, vector<16xi32>, vector<16xi1>) -> (vector<16xi1>, vector<16xi32>, vector<16xi32>)
      %masked_sort3A_887 = arith.xori %masked_sort3A_885, %masked_sort3A_882 : vector<16xi32>
      %swap3A_888 = arith.index_cast %add3A_871 : i32 to index
      %swap3A_889 = tpu.vector_load %arg17[%swap3A_888] {strides = array<i32>} : memref<1152xi32, #tpu.memory_space<vmem>>, vector<16xi32>,
      tpu.vector_store %arg17[%swap3A_888], %masked_sort3A_886 {strides = array<i32>} : memref<1152xi32, #tpu.memory_space<vmem>>, vector<16xi32>,
      %swap3A_890 = arith.index_cast %add3A_871 : i32 to index
      %swap3A_891 = tpu.vector_load %arg18[%swap3A_890] {strides = array<i32>} : memref<1152xi32, #tpu.memory_space<vmem>>, vector<16xi32>,
      tpu.vector_store %arg18[%swap3A_890], %masked_sort3A_887 {strides = array<i32>} : memref<1152xi32, #tpu.memory_space<vmem>>, vector<16xi32>,
      %lt3A_892 = arith.constant 100000 : i32
      %lt3A_893 = vector.broadcast %lt3A_892 : i32 to vector<16xi32>
      %lt3A_894 = arith.cmpi slt, %get3A_879, %lt3A_893 : vector<16xi32>
      %jit3A_895 = arith.constant 1 : i32
      %jit3A_896 = arith.constant 0 : i32
      %broadcast_in_dim3A_897 = vector.broadcast %jit3A_895 : i32 to vector<16xi32>
      %broadcast_in_dim3A_898 = vector.broadcast %jit3A_896 : i32 to vector<16xi32>
      %select_n3A_899 = arith.select %lt3A_894, %broadcast_in_dim3A_897, %broadcast_in_dim3A_898 : vector<16xi1>, vector<16xi32>
      %reduce_sum3A_900 = arith.constant true
      %reduce_sum3A_901 = vector.broadcast %reduce_sum3A_900 : i1 to vector<16xi1>
      %reduce_sum3A_902 = tpu.scan <sum>, %select_n3A_899 masked %reduce_sum3A_901 : vector<16xi32>, vector<16xi1> -> vector<16xi32>
      %reduce_sum3A_903 = vector.extract %reduce_sum3A_902[15] : i32 from vector<16xi32>
      %add3A_904 = arith.addi %add3A_871, %reduce_sum3A_903 : i32
      %get3A_905 = arith.constant 3 : i32
      %get3A_906 = arith.index_cast %get3A_905 : i32 to index
      %get3A_907 = arith.constant 32 : index
      %get3A_908 = tpu.vector_load %arg15[%get3A_906, %get3A_907] {strides = array<i32>} : memref<8x128xi32, #tpu.memory_space<vmem>>, vector<16xi32>,
      %get3A_909 = arith.constant 3 : i32
      %get3A_910 = arith.index_cast %get3A_909 : i32 to index
      %get3A_911 = arith.constant 32 : index
      %get3A_912 = tpu.vector_load %arg16[%get3A_910, %get3A_911] {strides = array<i32>} : memref<8x128xi32, #tpu.memory_space<vmem>>, vector<16xi32>,
      %masked_sort3A_913 = arith.constant dense<true> : vector<16xi1>
      %masked_sort3A_914 = arith.constant -2147483648 : i32
      %masked_sort3A_915 = vector.broadcast %masked_sort3A_914 : i32 to vector<16xi32>
      %masked_sort3A_916 = arith.xori %get3A_912, %masked_sort3A_915 : vector<16xi32>
      %masked_sort3A_917, %masked_sort3A_918, %masked_sort3A_919 = tpu.sort %masked_sort3A_916, %get3A_908 masked %masked_sort3A_913 : (vector<16xi32>, vector<16xi32>, vector<16xi1>) -> (vector<16xi1>, vector<16xi32>, vector<16xi32>)
      %masked_sort3A_920 = arith.xori %masked_sort3A_918, %masked_sort3A_915 : vector<16xi32>
      %swap3A_921 = arith.index_cast %add3A_904 : i32 to index
      %swap3A_922 = tpu.vector_load %arg17[%swap3A_921] {strides = array<i32>} : memref<1152xi32, #tpu.memory_space<vmem>>, vector<16xi32>,
      tpu.vector_store %arg17[%swap3A_921], %masked_sort3A_919 {strides = array<i32>} : memref<1152xi32, #tpu.memory_space<vmem>>, vector<16xi32>,
      %swap3A_923 = arith.index_cast %add3A_904 : i32 to index
      %swap3A_924 = tpu.vector_load %arg18[%swap3A_923] {strides = array<i32>} : memref<1152xi32, #tpu.memory_space<vmem>>, vector<16xi32>,
      tpu.vector_store %arg18[%swap3A_923], %masked_sort3A_920 {strides = array<i32>} : memref<1152xi32, #tpu.memory_space<vmem>>, vector<16xi32>,
      %lt3A_925 = arith.constant 100000 : i32
      %lt3A_926 = vector.broadcast %lt3A_925 : i32 to vector<16xi32>
      %lt3A_927 = arith.cmpi slt, %get3A_912, %lt3A_926 : vector<16xi32>
      %jit3A_928 = arith.constant 1 : i32
      %jit3A_929 = arith.constant 0 : i32
      %broadcast_in_dim3A_930 = vector.broadcast %jit3A_928 : i32 to vector<16xi32>
      %broadcast_in_dim3A_931 = vector.broadcast %jit3A_929 : i32 to vector<16xi32>
      %select_n3A_932 = arith.select %lt3A_927, %broadcast_in_dim3A_930, %broadcast_in_dim3A_931 : vector<16xi1>, vector<16xi32>
      %reduce_sum3A_933 = arith.constant true
      %reduce_sum3A_934 = vector.broadcast %reduce_sum3A_933 : i1 to vector<16xi1>
      %reduce_sum3A_935 = tpu.scan <sum>, %select_n3A_932 masked %reduce_sum3A_934 : vector<16xi32>, vector<16xi1> -> vector<16xi32>
      %reduce_sum3A_936 = vector.extract %reduce_sum3A_935[15] : i32 from vector<16xi32>
      %add3A_937 = arith.addi %add3A_904, %reduce_sum3A_936 : i32
      %get3A_938 = arith.constant 3 : i32
      %get3A_939 = arith.index_cast %get3A_938 : i32 to index
      %get3A_940 = arith.constant 48 : index
      %get3A_941 = tpu.vector_load %arg15[%get3A_939, %get3A_940] {strides = array<i32>} : memref<8x128xi32, #tpu.memory_space<vmem>>, vector<16xi32>,
      %get3A_942 = arith.constant 3 : i32
      %get3A_943 = arith.index_cast %get3A_942 : i32 to index
      %get3A_944 = arith.constant 48 : index
      %get3A_945 = tpu.vector_load %arg16[%get3A_943, %get3A_944] {strides = array<i32>} : memref<8x128xi32, #tpu.memory_space<vmem>>, vector<16xi32>,
      %masked_sort3A_946 = arith.constant dense<true> : vector<16xi1>
      %masked_sort3A_947 = arith.constant -2147483648 : i32
      %masked_sort3A_948 = vector.broadcast %masked_sort3A_947 : i32 to vector<16xi32>
      %masked_sort3A_949 = arith.xori %get3A_945, %masked_sort3A_948 : vector<16xi32>
      %masked_sort3A_950, %masked_sort3A_951, %masked_sort3A_952 = tpu.sort %masked_sort3A_949, %get3A_941 masked %masked_sort3A_946 : (vector<16xi32>, vector<16xi32>, vector<16xi1>) -> (vector<16xi1>, vector<16xi32>, vector<16xi32>)
      %masked_sort3A_953 = arith.xori %masked_sort3A_951, %masked_sort3A_948 : vector<16xi32>
      %swap3A_954 = arith.index_cast %add3A_937 : i32 to index
      %swap3A_955 = tpu.vector_load %arg17[%swap3A_954] {strides = array<i32>} : memref<1152xi32, #tpu.memory_space<vmem>>, vector<16xi32>,
      tpu.vector_store %arg17[%swap3A_954], %masked_sort3A_952 {strides = array<i32>} : memref<1152xi32, #tpu.memory_space<vmem>>, vector<16xi32>,
      %swap3A_956 = arith.index_cast %add3A_937 : i32 to index
      %swap3A_957 = tpu.vector_load %arg18[%swap3A_956] {strides = array<i32>} : memref<1152xi32, #tpu.memory_space<vmem>>, vector<16xi32>,
      tpu.vector_store %arg18[%swap3A_956], %masked_sort3A_953 {strides = array<i32>} : memref<1152xi32, #tpu.memory_space<vmem>>, vector<16xi32>,
      %lt3A_958 = arith.constant 100000 : i32
      %lt3A_959 = vector.broadcast %lt3A_958 : i32 to vector<16xi32>
      %lt3A_960 = arith.cmpi slt, %get3A_945, %lt3A_959 : vector<16xi32>
      %jit3A_961 = arith.constant 1 : i32
      %jit3A_962 = arith.constant 0 : i32
      %broadcast_in_dim3A_963 = vector.broadcast %jit3A_961 : i32 to vector<16xi32>
      %broadcast_in_dim3A_964 = vector.broadcast %jit3A_962 : i32 to vector<16xi32>
      %select_n3A_965 = arith.select %lt3A_960, %broadcast_in_dim3A_963, %broadcast_in_dim3A_964 : vector<16xi1>, vector<16xi32>
      %reduce_sum3A_966 = arith.constant true
      %reduce_sum3A_967 = vector.broadcast %reduce_sum3A_966 : i1 to vector<16xi1>
      %reduce_sum3A_968 = tpu.scan <sum>, %select_n3A_965 masked %reduce_sum3A_967 : vector<16xi32>, vector<16xi1> -> vector<16xi32>
      %reduce_sum3A_969 = vector.extract %reduce_sum3A_968[15] : i32 from vector<16xi32>
      %add3A_970 = arith.addi %add3A_937, %reduce_sum3A_969 : i32
      %get3A_971 = arith.constant 3 : i32
      %get3A_972 = arith.index_cast %get3A_971 : i32 to index
      %get3A_973 = arith.constant 64 : index
      %get3A_974 = tpu.vector_load %arg15[%get3A_972, %get3A_973] {strides = array<i32>} : memref<8x128xi32, #tpu.memory_space<vmem>>, vector<16xi32>,
      %get3A_975 = arith.constant 3 : i32
      %get3A_976 = arith.index_cast %get3A_975 : i32 to index
      %get3A_977 = arith.constant 64 : index
      %get3A_978 = tpu.vector_load %arg16[%get3A_976, %get3A_977] {strides = array<i32>} : memref<8x128xi32, #tpu.memory_space<vmem>>, vector<16xi32>,
      %masked_sort3A_979 = arith.constant dense<true> : vector<16xi1>
      %masked_sort3A_980 = arith.constant -2147483648 : i32
      %masked_sort3A_981 = vector.broadcast %masked_sort3A_980 : i32 to vector<16xi32>
      %masked_sort3A_982 = arith.xori %get3A_978, %masked_sort3A_981 : vector<16xi32>
      %masked_sort3A_983, %masked_sort3A_984, %masked_sort3A_985 = tpu.sort %masked_sort3A_982, %get3A_974 masked %masked_sort3A_979 : (vector<16xi32>, vector<16xi32>, vector<16xi1>) -> (vector<16xi1>, vector<16xi32>, vector<16xi32>)
      %masked_sort3A_986 = arith.xori %masked_sort3A_984, %masked_sort3A_981 : vector<16xi32>
      %swap3A_987 = arith.index_cast %add3A_970 : i32 to index
      %swap3A_988 = tpu.vector_load %arg17[%swap3A_987] {strides = array<i32>} : memref<1152xi32, #tpu.memory_space<vmem>>, vector<16xi32>,
      tpu.vector_store %arg17[%swap3A_987], %masked_sort3A_985 {strides = array<i32>} : memref<1152xi32, #tpu.memory_space<vmem>>, vector<16xi32>,
      %swap3A_989 = arith.index_cast %add3A_970 : i32 to index
      %swap3A_990 = tpu.vector_load %arg18[%swap3A_989] {strides = array<i32>} : memref<1152xi32, #tpu.memory_space<vmem>>, vector<16xi32>,
      tpu.vector_store %arg18[%swap3A_989], %masked_sort3A_986 {strides = array<i32>} : memref<1152xi32, #tpu.memory_space<vmem>>, vector<16xi32>,
      %lt3A_991 = arith.constant 100000 : i32
      %lt3A_992 = vector.broadcast %lt3A_991 : i32 to vector<16xi32>
      %lt3A_993 = arith.cmpi slt, %get3A_978, %lt3A_992 : vector<16xi32>
      %jit3A_994 = arith.constant 1 : i32
      %jit3A_995 = arith.constant 0 : i32
      %broadcast_in_dim3A_996 = vector.broadcast %jit3A_994 : i32 to vector<16xi32>
      %broadcast_in_dim3A_997 = vector.broadcast %jit3A_995 : i32 to vector<16xi32>
      %select_n3A_998 = arith.select %lt3A_993, %broadcast_in_dim3A_996, %broadcast_in_dim3A_997 : vector<16xi1>, vector<16xi32>
      %reduce_sum3A_999 = arith.constant true
      %reduce_sum3A_1000 = vector.broadcast %reduce_sum3A_999 : i1 to vector<16xi1>
      %reduce_sum3A_1001 = tpu.scan <sum>, %select_n3A_998 masked %reduce_sum3A_1000 : vector<16xi32>, vector<16xi1> -> vector<16xi32>
      %reduce_sum3A_1002 = vector.extract %reduce_sum3A_1001[15] : i32 from vector<16xi32>
      %add3A_1003 = arith.addi %add3A_970, %reduce_sum3A_1002 : i32
      %get3A_1004 = arith.constant 3 : i32
      %get3A_1005 = arith.index_cast %get3A_1004 : i32 to index
      %get3A_1006 = arith.constant 80 : index
      %get3A_1007 = tpu.vector_load %arg15[%get3A_1005, %get3A_1006] {strides = array<i32>} : memref<8x128xi32, #tpu.memory_space<vmem>>, vector<16xi32>,
      %get3A_1008 = arith.constant 3 : i32
      %get3A_1009 = arith.index_cast %get3A_1008 : i32 to index
      %get3A_1010 = arith.constant 80 : index
      %get3A_1011 = tpu.vector_load %arg16[%get3A_1009, %get3A_1010] {strides = array<i32>} : memref<8x128xi32, #tpu.memory_space<vmem>>, vector<16xi32>,
      %masked_sort3A_1012 = arith.constant dense<true> : vector<16xi1>
      %masked_sort3A_1013 = arith.constant -2147483648 : i32
      %masked_sort3A_1014 = vector.broadcast %masked_sort3A_1013 : i32 to vector<16xi32>
      %masked_sort3A_1015 = arith.xori %get3A_1011, %masked_sort3A_1014 : vector<16xi32>
      %masked_sort3A_1016, %masked_sort3A_1017, %masked_sort3A_1018 = tpu.sort %masked_sort3A_1015, %get3A_1007 masked %masked_sort3A_1012 : (vector<16xi32>, vector<16xi32>, vector<16xi1>) -> (vector<16xi1>, vector<16xi32>, vector<16xi32>)
      %masked_sort3A_1019 = arith.xori %masked_sort3A_1017, %masked_sort3A_1014 : vector<16xi32>
      %swap3A_1020 = arith.index_cast %add3A_1003 : i32 to index
      %swap3A_1021 = tpu.vector_load %arg17[%swap3A_1020] {strides = array<i32>} : memref<1152xi32, #tpu.memory_space<vmem>>, vector<16xi32>,
      tpu.vector_store %arg17[%swap3A_1020], %masked_sort3A_1018 {strides = array<i32>} : memref<1152xi32, #tpu.memory_space<vmem>>, vector<16xi32>,
      %swap3A_1022 = arith.index_cast %add3A_1003 : i32 to index
      %swap3A_1023 = tpu.vector_load %arg18[%swap3A_1022] {strides = array<i32>} : memref<1152xi32, #tpu.memory_space<vmem>>, vector<16xi32>,
      tpu.vector_store %arg18[%swap3A_1022], %masked_sort3A_1019 {strides = array<i32>} : memref<1152xi32, #tpu.memory_space<vmem>>, vector<16xi32>,
      %lt3A_1024 = arith.constant 100000 : i32
      %lt3A_1025 = vector.broadcast %lt3A_1024 : i32 to vector<16xi32>
      %lt3A_1026 = arith.cmpi slt, %get3A_1011, %lt3A_1025 : vector<16xi32>
      %jit3A_1027 = arith.constant 1 : i32
      %jit3A_1028 = arith.constant 0 : i32
      %broadcast_in_dim3A_1029 = vector.broadcast %jit3A_1027 : i32 to vector<16xi32>
      %broadcast_in_dim3A_1030 = vector.broadcast %jit3A_1028 : i32 to vector<16xi32>
      %select_n3A_1031 = arith.select %lt3A_1026, %broadcast_in_dim3A_1029, %broadcast_in_dim3A_1030 : vector<16xi1>, vector<16xi32>
      %reduce_sum3A_1032 = arith.constant true
      %reduce_sum3A_1033 = vector.broadcast %reduce_sum3A_1032 : i1 to vector<16xi1>
      %reduce_sum3A_1034 = tpu.scan <sum>, %select_n3A_1031 masked %reduce_sum3A_1033 : vector<16xi32>, vector<16xi1> -> vector<16xi32>
      %reduce_sum3A_1035 = vector.extract %reduce_sum3A_1034[15] : i32 from vector<16xi32>
      %add3A_1036 = arith.addi %add3A_1003, %reduce_sum3A_1035 : i32
      %get3A_1037 = arith.constant 3 : i32
      %get3A_1038 = arith.index_cast %get3A_1037 : i32 to index
      %get3A_1039 = arith.constant 96 : index
      %get3A_1040 = tpu.vector_load %arg15[%get3A_1038, %get3A_1039] {strides = array<i32>} : memref<8x128xi32, #tpu.memory_space<vmem>>, vector<16xi32>,
      %get3A_1041 = arith.constant 3 : i32
      %get3A_1042 = arith.index_cast %get3A_1041 : i32 to index
      %get3A_1043 = arith.constant 96 : index
      %get3A_1044 = tpu.vector_load %arg16[%get3A_1042, %get3A_1043] {strides = array<i32>} : memref<8x128xi32, #tpu.memory_space<vmem>>, vector<16xi32>,
      %masked_sort3A_1045 = arith.constant dense<true> : vector<16xi1>
      %masked_sort3A_1046 = arith.constant -2147483648 : i32
      %masked_sort3A_1047 = vector.broadcast %masked_sort3A_1046 : i32 to vector<16xi32>
      %masked_sort3A_1048 = arith.xori %get3A_1044, %masked_sort3A_1047 : vector<16xi32>
      %masked_sort3A_1049, %masked_sort3A_1050, %masked_sort3A_1051 = tpu.sort %masked_sort3A_1048, %get3A_1040 masked %masked_sort3A_1045 : (vector<16xi32>, vector<16xi32>, vector<16xi1>) -> (vector<16xi1>, vector<16xi32>, vector<16xi32>)
      %masked_sort3A_1052 = arith.xori %masked_sort3A_1050, %masked_sort3A_1047 : vector<16xi32>
      %swap3A_1053 = arith.index_cast %add3A_1036 : i32 to index
      %swap3A_1054 = tpu.vector_load %arg17[%swap3A_1053] {strides = array<i32>} : memref<1152xi32, #tpu.memory_space<vmem>>, vector<16xi32>,
      tpu.vector_store %arg17[%swap3A_1053], %masked_sort3A_1051 {strides = array<i32>} : memref<1152xi32, #tpu.memory_space<vmem>>, vector<16xi32>,
      %swap3A_1055 = arith.index_cast %add3A_1036 : i32 to index
      %swap3A_1056 = tpu.vector_load %arg18[%swap3A_1055] {strides = array<i32>} : memref<1152xi32, #tpu.memory_space<vmem>>, vector<16xi32>,
      tpu.vector_store %arg18[%swap3A_1055], %masked_sort3A_1052 {strides = array<i32>} : memref<1152xi32, #tpu.memory_space<vmem>>, vector<16xi32>,
      %lt3A_1057 = arith.constant 100000 : i32
      %lt3A_1058 = vector.broadcast %lt3A_1057 : i32 to vector<16xi32>
      %lt3A_1059 = arith.cmpi slt, %get3A_1044, %lt3A_1058 : vector<16xi32>
      %jit3A_1060 = arith.constant 1 : i32
      %jit3A_1061 = arith.constant 0 : i32
      %broadcast_in_dim3A_1062 = vector.broadcast %jit3A_1060 : i32 to vector<16xi32>
      %broadcast_in_dim3A_1063 = vector.broadcast %jit3A_1061 : i32 to vector<16xi32>
      %select_n3A_1064 = arith.select %lt3A_1059, %broadcast_in_dim3A_1062, %broadcast_in_dim3A_1063 : vector<16xi1>, vector<16xi32>
      %reduce_sum3A_1065 = arith.constant true
      %reduce_sum3A_1066 = vector.broadcast %reduce_sum3A_1065 : i1 to vector<16xi1>
      %reduce_sum3A_1067 = tpu.scan <sum>, %select_n3A_1064 masked %reduce_sum3A_1066 : vector<16xi32>, vector<16xi1> -> vector<16xi32>
      %reduce_sum3A_1068 = vector.extract %reduce_sum3A_1067[15] : i32 from vector<16xi32>
      %add3A_1069 = arith.addi %add3A_1036, %reduce_sum3A_1068 : i32
      %get3A_1070 = arith.constant 3 : i32
      %get3A_1071 = arith.index_cast %get3A_1070 : i32 to index
      %get3A_1072 = arith.constant 112 : index
      %get3A_1073 = tpu.vector_load %arg15[%get3A_1071, %get3A_1072] {strides = array<i32>} : memref<8x128xi32, #tpu.memory_space<vmem>>, vector<16xi32>,
      %get3A_1074 = arith.constant 3 : i32
      %get3A_1075 = arith.index_cast %get3A_1074 : i32 to index
      %get3A_1076 = arith.constant 112 : index
      %get3A_1077 = tpu.vector_load %arg16[%get3A_1075, %get3A_1076] {strides = array<i32>} : memref<8x128xi32, #tpu.memory_space<vmem>>, vector<16xi32>,
      %masked_sort3A_1078 = arith.constant dense<true> : vector<16xi1>
      %masked_sort3A_1079 = arith.constant -2147483648 : i32
      %masked_sort3A_1080 = vector.broadcast %masked_sort3A_1079 : i32 to vector<16xi32>
      %masked_sort3A_1081 = arith.xori %get3A_1077, %masked_sort3A_1080 : vector<16xi32>
      %masked_sort3A_1082, %masked_sort3A_1083, %masked_sort3A_1084 = tpu.sort %masked_sort3A_1081, %get3A_1073 masked %masked_sort3A_1078 : (vector<16xi32>, vector<16xi32>, vector<16xi1>) -> (vector<16xi1>, vector<16xi32>, vector<16xi32>)
      %masked_sort3A_1085 = arith.xori %masked_sort3A_1083, %masked_sort3A_1080 : vector<16xi32>
      %swap3A_1086 = arith.index_cast %add3A_1069 : i32 to index
      %swap3A_1087 = tpu.vector_load %arg17[%swap3A_1086] {strides = array<i32>} : memref<1152xi32, #tpu.memory_space<vmem>>, vector<16xi32>,
      tpu.vector_store %arg17[%swap3A_1086], %masked_sort3A_1084 {strides = array<i32>} : memref<1152xi32, #tpu.memory_space<vmem>>, vector<16xi32>,
      %swap3A_1088 = arith.index_cast %add3A_1069 : i32 to index
      %swap3A_1089 = tpu.vector_load %arg18[%swap3A_1088] {strides = array<i32>} : memref<1152xi32, #tpu.memory_space<vmem>>, vector<16xi32>,
      tpu.vector_store %arg18[%swap3A_1088], %masked_sort3A_1085 {strides = array<i32>} : memref<1152xi32, #tpu.memory_space<vmem>>, vector<16xi32>,
      %lt3A_1090 = arith.constant 100000 : i32
      %lt3A_1091 = vector.broadcast %lt3A_1090 : i32 to vector<16xi32>
      %lt3A_1092 = arith.cmpi slt, %get3A_1077, %lt3A_1091 : vector<16xi32>
      %jit3A_1093 = arith.constant 1 : i32
      %jit3A_1094 = arith.constant 0 : i32
      %broadcast_in_dim3A_1095 = vector.broadcast %jit3A_1093 : i32 to vector<16xi32>
      %broadcast_in_dim3A_1096 = vector.broadcast %jit3A_1094 : i32 to vector<16xi32>
      %select_n3A_1097 = arith.select %lt3A_1092, %broadcast_in_dim3A_1095, %broadcast_in_dim3A_1096 : vector<16xi1>, vector<16xi32>
      %reduce_sum3A_1098 = arith.constant true
      %reduce_sum3A_1099 = vector.broadcast %reduce_sum3A_1098 : i1 to vector<16xi1>
      %reduce_sum3A_1100 = tpu.scan <sum>, %select_n3A_1097 masked %reduce_sum3A_1099 : vector<16xi32>, vector<16xi1> -> vector<16xi32>
      %reduce_sum3A_1101 = vector.extract %reduce_sum3A_1100[15] : i32 from vector<16xi32>
      %add3A_1102 = arith.addi %add3A_1069, %reduce_sum3A_1101 : i32
      %get3A_1103 = arith.constant 4 : i32
      %get3A_1104 = arith.index_cast %get3A_1103 : i32 to index
      %get3A_1105 = arith.constant 0 : index
      %get3A_1106 = tpu.vector_load %arg15[%get3A_1104, %get3A_1105] {strides = array<i32>} : memref<8x128xi32, #tpu.memory_space<vmem>>, vector<16xi32>,
      %get3A_1107 = arith.constant 4 : i32
      %get3A_1108 = arith.index_cast %get3A_1107 : i32 to index
      %get3A_1109 = arith.constant 0 : index
      %get3A_1110 = tpu.vector_load %arg16[%get3A_1108, %get3A_1109] {strides = array<i32>} : memref<8x128xi32, #tpu.memory_space<vmem>>, vector<16xi32>,
      %masked_sort3A_1111 = arith.constant dense<true> : vector<16xi1>
      %masked_sort3A_1112 = arith.constant -2147483648 : i32
      %masked_sort3A_1113 = vector.broadcast %masked_sort3A_1112 : i32 to vector<16xi32>
      %masked_sort3A_1114 = arith.xori %get3A_1110, %masked_sort3A_1113 : vector<16xi32>
      %masked_sort3A_1115, %masked_sort3A_1116, %masked_sort3A_1117 = tpu.sort %masked_sort3A_1114, %get3A_1106 masked %masked_sort3A_1111 : (vector<16xi32>, vector<16xi32>, vector<16xi1>) -> (vector<16xi1>, vector<16xi32>, vector<16xi32>)
      %masked_sort3A_1118 = arith.xori %masked_sort3A_1116, %masked_sort3A_1113 : vector<16xi32>
      %swap3A_1119 = arith.index_cast %add3A_1102 : i32 to index
      %swap3A_1120 = tpu.vector_load %arg17[%swap3A_1119] {strides = array<i32>} : memref<1152xi32, #tpu.memory_space<vmem>>, vector<16xi32>,
      tpu.vector_store %arg17[%swap3A_1119], %masked_sort3A_1117 {strides = array<i32>} : memref<1152xi32, #tpu.memory_space<vmem>>, vector<16xi32>,
      %swap3A_1121 = arith.index_cast %add3A_1102 : i32 to index
      %swap3A_1122 = tpu.vector_load %arg18[%swap3A_1121] {strides = array<i32>} : memref<1152xi32, #tpu.memory_space<vmem>>, vector<16xi32>,
      tpu.vector_store %arg18[%swap3A_1121], %masked_sort3A_1118 {strides = array<i32>} : memref<1152xi32, #tpu.memory_space<vmem>>, vector<16xi32>,
      %lt3A_1123 = arith.constant 100000 : i32
      %lt3A_1124 = vector.broadcast %lt3A_1123 : i32 to vector<16xi32>
      %lt3A_1125 = arith.cmpi slt, %get3A_1110, %lt3A_1124 : vector<16xi32>
      %jit3A_1126 = arith.constant 1 : i32
      %jit3A_1127 = arith.constant 0 : i32
      %broadcast_in_dim3A_1128 = vector.broadcast %jit3A_1126 : i32 to vector<16xi32>
      %broadcast_in_dim3A_1129 = vector.broadcast %jit3A_1127 : i32 to vector<16xi32>
      %select_n3A_1130 = arith.select %lt3A_1125, %broadcast_in_dim3A_1128, %broadcast_in_dim3A_1129 : vector<16xi1>, vector<16xi32>
      %reduce_sum3A_1131 = arith.constant true
      %reduce_sum3A_1132 = vector.broadcast %reduce_sum3A_1131 : i1 to vector<16xi1>
      %reduce_sum3A_1133 = tpu.scan <sum>, %select_n3A_1130 masked %reduce_sum3A_1132 : vector<16xi32>, vector<16xi1> -> vector<16xi32>
      %reduce_sum3A_1134 = vector.extract %reduce_sum3A_1133[15] : i32 from vector<16xi32>
      %add3A_1135 = arith.addi %add3A_1102, %reduce_sum3A_1134 : i32
      %get3A_1136 = arith.constant 4 : i32
      %get3A_1137 = arith.index_cast %get3A_1136 : i32 to index
      %get3A_1138 = arith.constant 16 : index
      %get3A_1139 = tpu.vector_load %arg15[%get3A_1137, %get3A_1138] {strides = array<i32>} : memref<8x128xi32, #tpu.memory_space<vmem>>, vector<16xi32>,
      %get3A_1140 = arith.constant 4 : i32
      %get3A_1141 = arith.index_cast %get3A_1140 : i32 to index
      %get3A_1142 = arith.constant 16 : index
      %get3A_1143 = tpu.vector_load %arg16[%get3A_1141, %get3A_1142] {strides = array<i32>} : memref<8x128xi32, #tpu.memory_space<vmem>>, vector<16xi32>,
      %masked_sort3A_1144 = arith.constant dense<true> : vector<16xi1>
      %masked_sort3A_1145 = arith.constant -2147483648 : i32
      %masked_sort3A_1146 = vector.broadcast %masked_sort3A_1145 : i32 to vector<16xi32>
      %masked_sort3A_1147 = arith.xori %get3A_1143, %masked_sort3A_1146 : vector<16xi32>
      %masked_sort3A_1148, %masked_sort3A_1149, %masked_sort3A_1150 = tpu.sort %masked_sort3A_1147, %get3A_1139 masked %masked_sort3A_1144 : (vector<16xi32>, vector<16xi32>, vector<16xi1>) -> (vector<16xi1>, vector<16xi32>, vector<16xi32>)
      %masked_sort3A_1151 = arith.xori %masked_sort3A_1149, %masked_sort3A_1146 : vector<16xi32>
      %swap3A_1152 = arith.index_cast %add3A_1135 : i32 to index
      %swap3A_1153 = tpu.vector_load %arg17[%swap3A_1152] {strides = array<i32>} : memref<1152xi32, #tpu.memory_space<vmem>>, vector<16xi32>,
      tpu.vector_store %arg17[%swap3A_1152], %masked_sort3A_1150 {strides = array<i32>} : memref<1152xi32, #tpu.memory_space<vmem>>, vector<16xi32>,
      %swap3A_1154 = arith.index_cast %add3A_1135 : i32 to index
      %swap3A_1155 = tpu.vector_load %arg18[%swap3A_1154] {strides = array<i32>} : memref<1152xi32, #tpu.memory_space<vmem>>, vector<16xi32>,
      tpu.vector_store %arg18[%swap3A_1154], %masked_sort3A_1151 {strides = array<i32>} : memref<1152xi32, #tpu.memory_space<vmem>>, vector<16xi32>,
      %lt3A_1156 = arith.constant 100000 : i32
      %lt3A_1157 = vector.broadcast %lt3A_1156 : i32 to vector<16xi32>
      %lt3A_1158 = arith.cmpi slt, %get3A_1143, %lt3A_1157 : vector<16xi32>
      %jit3A_1159 = arith.constant 1 : i32
      %jit3A_1160 = arith.constant 0 : i32
      %broadcast_in_dim3A_1161 = vector.broadcast %jit3A_1159 : i32 to vector<16xi32>
      %broadcast_in_dim3A_1162 = vector.broadcast %jit3A_1160 : i32 to vector<16xi32>
      %select_n3A_1163 = arith.select %lt3A_1158, %broadcast_in_dim3A_1161, %broadcast_in_dim3A_1162 : vector<16xi1>, vector<16xi32>
      %reduce_sum3A_1164 = arith.constant true
      %reduce_sum3A_1165 = vector.broadcast %reduce_sum3A_1164 : i1 to vector<16xi1>
      %reduce_sum3A_1166 = tpu.scan <sum>, %select_n3A_1163 masked %reduce_sum3A_1165 : vector<16xi32>, vector<16xi1> -> vector<16xi32>
      %reduce_sum3A_1167 = vector.extract %reduce_sum3A_1166[15] : i32 from vector<16xi32>
      %add3A_1168 = arith.addi %add3A_1135, %reduce_sum3A_1167 : i32
      %get3A_1169 = arith.constant 4 : i32
      %get3A_1170 = arith.index_cast %get3A_1169 : i32 to index
      %get3A_1171 = arith.constant 32 : index
      %get3A_1172 = tpu.vector_load %arg15[%get3A_1170, %get3A_1171] {strides = array<i32>} : memref<8x128xi32, #tpu.memory_space<vmem>>, vector<16xi32>,
      %get3A_1173 = arith.constant 4 : i32
      %get3A_1174 = arith.index_cast %get3A_1173 : i32 to index
      %get3A_1175 = arith.constant 32 : index
      %get3A_1176 = tpu.vector_load %arg16[%get3A_1174, %get3A_1175] {strides = array<i32>} : memref<8x128xi32, #tpu.memory_space<vmem>>, vector<16xi32>,
      %masked_sort3A_1177 = arith.constant dense<true> : vector<16xi1>
      %masked_sort3A_1178 = arith.constant -2147483648 : i32
      %masked_sort3A_1179 = vector.broadcast %masked_sort3A_1178 : i32 to vector<16xi32>
      %masked_sort3A_1180 = arith.xori %get3A_1176, %masked_sort3A_1179 : vector<16xi32>
      %masked_sort3A_1181, %masked_sort3A_1182, %masked_sort3A_1183 = tpu.sort %masked_sort3A_1180, %get3A_1172 masked %masked_sort3A_1177 : (vector<16xi32>, vector<16xi32>, vector<16xi1>) -> (vector<16xi1>, vector<16xi32>, vector<16xi32>)
      %masked_sort3A_1184 = arith.xori %masked_sort3A_1182, %masked_sort3A_1179 : vector<16xi32>
      %swap3A_1185 = arith.index_cast %add3A_1168 : i32 to index
      %swap3A_1186 = tpu.vector_load %arg17[%swap3A_1185] {strides = array<i32>} : memref<1152xi32, #tpu.memory_space<vmem>>, vector<16xi32>,
      tpu.vector_store %arg17[%swap3A_1185], %masked_sort3A_1183 {strides = array<i32>} : memref<1152xi32, #tpu.memory_space<vmem>>, vector<16xi32>,
      %swap3A_1187 = arith.index_cast %add3A_1168 : i32 to index
      %swap3A_1188 = tpu.vector_load %arg18[%swap3A_1187] {strides = array<i32>} : memref<1152xi32, #tpu.memory_space<vmem>>, vector<16xi32>,
      tpu.vector_store %arg18[%swap3A_1187], %masked_sort3A_1184 {strides = array<i32>} : memref<1152xi32, #tpu.memory_space<vmem>>, vector<16xi32>,
      %lt3A_1189 = arith.constant 100000 : i32
      %lt3A_1190 = vector.broadcast %lt3A_1189 : i32 to vector<16xi32>
      %lt3A_1191 = arith.cmpi slt, %get3A_1176, %lt3A_1190 : vector<16xi32>
      %jit3A_1192 = arith.constant 1 : i32
      %jit3A_1193 = arith.constant 0 : i32
      %broadcast_in_dim3A_1194 = vector.broadcast %jit3A_1192 : i32 to vector<16xi32>
      %broadcast_in_dim3A_1195 = vector.broadcast %jit3A_1193 : i32 to vector<16xi32>
      %select_n3A_1196 = arith.select %lt3A_1191, %broadcast_in_dim3A_1194, %broadcast_in_dim3A_1195 : vector<16xi1>, vector<16xi32>
      %reduce_sum3A_1197 = arith.constant true
      %reduce_sum3A_1198 = vector.broadcast %reduce_sum3A_1197 : i1 to vector<16xi1>
      %reduce_sum3A_1199 = tpu.scan <sum>, %select_n3A_1196 masked %reduce_sum3A_1198 : vector<16xi32>, vector<16xi1> -> vector<16xi32>
      %reduce_sum3A_1200 = vector.extract %reduce_sum3A_1199[15] : i32 from vector<16xi32>
      %add3A_1201 = arith.addi %add3A_1168, %reduce_sum3A_1200 : i32
      %get3A_1202 = arith.constant 4 : i32
      %get3A_1203 = arith.index_cast %get3A_1202 : i32 to index
      %get3A_1204 = arith.constant 48 : index
      %get3A_1205 = tpu.vector_load %arg15[%get3A_1203, %get3A_1204] {strides = array<i32>} : memref<8x128xi32, #tpu.memory_space<vmem>>, vector<16xi32>,
      %get3A_1206 = arith.constant 4 : i32
      %get3A_1207 = arith.index_cast %get3A_1206 : i32 to index
      %get3A_1208 = arith.constant 48 : index
      %get3A_1209 = tpu.vector_load %arg16[%get3A_1207, %get3A_1208] {strides = array<i32>} : memref<8x128xi32, #tpu.memory_space<vmem>>, vector<16xi32>,
      %masked_sort3A_1210 = arith.constant dense<true> : vector<16xi1>
      %masked_sort3A_1211 = arith.constant -2147483648 : i32
      %masked_sort3A_1212 = vector.broadcast %masked_sort3A_1211 : i32 to vector<16xi32>
      %masked_sort3A_1213 = arith.xori %get3A_1209, %masked_sort3A_1212 : vector<16xi32>
      %masked_sort3A_1214, %masked_sort3A_1215, %masked_sort3A_1216 = tpu.sort %masked_sort3A_1213, %get3A_1205 masked %masked_sort3A_1210 : (vector<16xi32>, vector<16xi32>, vector<16xi1>) -> (vector<16xi1>, vector<16xi32>, vector<16xi32>)
      %masked_sort3A_1217 = arith.xori %masked_sort3A_1215, %masked_sort3A_1212 : vector<16xi32>
      %swap3A_1218 = arith.index_cast %add3A_1201 : i32 to index
      %swap3A_1219 = tpu.vector_load %arg17[%swap3A_1218] {strides = array<i32>} : memref<1152xi32, #tpu.memory_space<vmem>>, vector<16xi32>,
      tpu.vector_store %arg17[%swap3A_1218], %masked_sort3A_1216 {strides = array<i32>} : memref<1152xi32, #tpu.memory_space<vmem>>, vector<16xi32>,
      %swap3A_1220 = arith.index_cast %add3A_1201 : i32 to index
      %swap3A_1221 = tpu.vector_load %arg18[%swap3A_1220] {strides = array<i32>} : memref<1152xi32, #tpu.memory_space<vmem>>, vector<16xi32>,
      tpu.vector_store %arg18[%swap3A_1220], %masked_sort3A_1217 {strides = array<i32>} : memref<1152xi32, #tpu.memory_space<vmem>>, vector<16xi32>,
      %lt3A_1222 = arith.constant 100000 : i32
      %lt3A_1223 = vector.broadcast %lt3A_1222 : i32 to vector<16xi32>
      %lt3A_1224 = arith.cmpi slt, %get3A_1209, %lt3A_1223 : vector<16xi32>
      %jit3A_1225 = arith.constant 1 : i32
      %jit3A_1226 = arith.constant 0 : i32
      %broadcast_in_dim3A_1227 = vector.broadcast %jit3A_1225 : i32 to vector<16xi32>
      %broadcast_in_dim3A_1228 = vector.broadcast %jit3A_1226 : i32 to vector<16xi32>
      %select_n3A_1229 = arith.select %lt3A_1224, %broadcast_in_dim3A_1227, %broadcast_in_dim3A_1228 : vector<16xi1>, vector<16xi32>
      %reduce_sum3A_1230 = arith.constant true
      %reduce_sum3A_1231 = vector.broadcast %reduce_sum3A_1230 : i1 to vector<16xi1>
      %reduce_sum3A_1232 = tpu.scan <sum>, %select_n3A_1229 masked %reduce_sum3A_1231 : vector<16xi32>, vector<16xi1> -> vector<16xi32>
      %reduce_sum3A_1233 = vector.extract %reduce_sum3A_1232[15] : i32 from vector<16xi32>
      %add3A_1234 = arith.addi %add3A_1201, %reduce_sum3A_1233 : i32
      %get3A_1235 = arith.constant 4 : i32
      %get3A_1236 = arith.index_cast %get3A_1235 : i32 to index
      %get3A_1237 = arith.constant 64 : index
      %get3A_1238 = tpu.vector_load %arg15[%get3A_1236, %get3A_1237] {strides = array<i32>} : memref<8x128xi32, #tpu.memory_space<vmem>>, vector<16xi32>,
      %get3A_1239 = arith.constant 4 : i32
      %get3A_1240 = arith.index_cast %get3A_1239 : i32 to index
      %get3A_1241 = arith.constant 64 : index
      %get3A_1242 = tpu.vector_load %arg16[%get3A_1240, %get3A_1241] {strides = array<i32>} : memref<8x128xi32, #tpu.memory_space<vmem>>, vector<16xi32>,
      %masked_sort3A_1243 = arith.constant dense<true> : vector<16xi1>
      %masked_sort3A_1244 = arith.constant -2147483648 : i32
      %masked_sort3A_1245 = vector.broadcast %masked_sort3A_1244 : i32 to vector<16xi32>
      %masked_sort3A_1246 = arith.xori %get3A_1242, %masked_sort3A_1245 : vector<16xi32>
      %masked_sort3A_1247, %masked_sort3A_1248, %masked_sort3A_1249 = tpu.sort %masked_sort3A_1246, %get3A_1238 masked %masked_sort3A_1243 : (vector<16xi32>, vector<16xi32>, vector<16xi1>) -> (vector<16xi1>, vector<16xi32>, vector<16xi32>)
      %masked_sort3A_1250 = arith.xori %masked_sort3A_1248, %masked_sort3A_1245 : vector<16xi32>
      %swap3A_1251 = arith.index_cast %add3A_1234 : i32 to index
      %swap3A_1252 = tpu.vector_load %arg17[%swap3A_1251] {strides = array<i32>} : memref<1152xi32, #tpu.memory_space<vmem>>, vector<16xi32>,
      tpu.vector_store %arg17[%swap3A_1251], %masked_sort3A_1249 {strides = array<i32>} : memref<1152xi32, #tpu.memory_space<vmem>>, vector<16xi32>,
      %swap3A_1253 = arith.index_cast %add3A_1234 : i32 to index
      %swap3A_1254 = tpu.vector_load %arg18[%swap3A_1253] {strides = array<i32>} : memref<1152xi32, #tpu.memory_space<vmem>>, vector<16xi32>,
      tpu.vector_store %arg18[%swap3A_1253], %masked_sort3A_1250 {strides = array<i32>} : memref<1152xi32, #tpu.memory_space<vmem>>, vector<16xi32>,
      %lt3A_1255 = arith.constant 100000 : i32
      %lt3A_1256 = vector.broadcast %lt3A_1255 : i32 to vector<16xi32>
      %lt3A_1257 = arith.cmpi slt, %get3A_1242, %lt3A_1256 : vector<16xi32>
      %jit3A_1258 = arith.constant 1 : i32
      %jit3A_1259 = arith.constant 0 : i32
      %broadcast_in_dim3A_1260 = vector.broadcast %jit3A_1258 : i32 to vector<16xi32>
      %broadcast_in_dim3A_1261 = vector.broadcast %jit3A_1259 : i32 to vector<16xi32>
      %select_n3A_1262 = arith.select %lt3A_1257, %broadcast_in_dim3A_1260, %broadcast_in_dim3A_1261 : vector<16xi1>, vector<16xi32>
      %reduce_sum3A_1263 = arith.constant true
      %reduce_sum3A_1264 = vector.broadcast %reduce_sum3A_1263 : i1 to vector<16xi1>
      %reduce_sum3A_1265 = tpu.scan <sum>, %select_n3A_1262 masked %reduce_sum3A_1264 : vector<16xi32>, vector<16xi1> -> vector<16xi32>
      %reduce_sum3A_1266 = vector.extract %reduce_sum3A_1265[15] : i32 from vector<16xi32>
      %add3A_1267 = arith.addi %add3A_1234, %reduce_sum3A_1266 : i32
      %get3A_1268 = arith.constant 4 : i32
      %get3A_1269 = arith.index_cast %get3A_1268 : i32 to index
      %get3A_1270 = arith.constant 80 : index
      %get3A_1271 = tpu.vector_load %arg15[%get3A_1269, %get3A_1270] {strides = array<i32>} : memref<8x128xi32, #tpu.memory_space<vmem>>, vector<16xi32>,
      %get3A_1272 = arith.constant 4 : i32
      %get3A_1273 = arith.index_cast %get3A_1272 : i32 to index
      %get3A_1274 = arith.constant 80 : index
      %get3A_1275 = tpu.vector_load %arg16[%get3A_1273, %get3A_1274] {strides = array<i32>} : memref<8x128xi32, #tpu.memory_space<vmem>>, vector<16xi32>,
      %masked_sort3A_1276 = arith.constant dense<true> : vector<16xi1>
      %masked_sort3A_1277 = arith.constant -2147483648 : i32
      %masked_sort3A_1278 = vector.broadcast %masked_sort3A_1277 : i32 to vector<16xi32>
      %masked_sort3A_1279 = arith.xori %get3A_1275, %masked_sort3A_1278 : vector<16xi32>
      %masked_sort3A_1280, %masked_sort3A_1281, %masked_sort3A_1282 = tpu.sort %masked_sort3A_1279, %get3A_1271 masked %masked_sort3A_1276 : (vector<16xi32>, vector<16xi32>, vector<16xi1>) -> (vector<16xi1>, vector<16xi32>, vector<16xi32>)
      %masked_sort3A_1283 = arith.xori %masked_sort3A_1281, %masked_sort3A_1278 : vector<16xi32>
      %swap3A_1284 = arith.index_cast %add3A_1267 : i32 to index
      %swap3A_1285 = tpu.vector_load %arg17[%swap3A_1284] {strides = array<i32>} : memref<1152xi32, #tpu.memory_space<vmem>>, vector<16xi32>,
      tpu.vector_store %arg17[%swap3A_1284], %masked_sort3A_1282 {strides = array<i32>} : memref<1152xi32, #tpu.memory_space<vmem>>, vector<16xi32>,
      %swap3A_1286 = arith.index_cast %add3A_1267 : i32 to index
      %swap3A_1287 = tpu.vector_load %arg18[%swap3A_1286] {strides = array<i32>} : memref<1152xi32, #tpu.memory_space<vmem>>, vector<16xi32>,
      tpu.vector_store %arg18[%swap3A_1286], %masked_sort3A_1283 {strides = array<i32>} : memref<1152xi32, #tpu.memory_space<vmem>>, vector<16xi32>,
      %lt3A_1288 = arith.constant 100000 : i32
      %lt3A_1289 = vector.broadcast %lt3A_1288 : i32 to vector<16xi32>
      %lt3A_1290 = arith.cmpi slt, %get3A_1275, %lt3A_1289 : vector<16xi32>
      %jit3A_1291 = arith.constant 1 : i32
      %jit3A_1292 = arith.constant 0 : i32
      %broadcast_in_dim3A_1293 = vector.broadcast %jit3A_1291 : i32 to vector<16xi32>
      %broadcast_in_dim3A_1294 = vector.broadcast %jit3A_1292 : i32 to vector<16xi32>
      %select_n3A_1295 = arith.select %lt3A_1290, %broadcast_in_dim3A_1293, %broadcast_in_dim3A_1294 : vector<16xi1>, vector<16xi32>
      %reduce_sum3A_1296 = arith.constant true
      %reduce_sum3A_1297 = vector.broadcast %reduce_sum3A_1296 : i1 to vector<16xi1>
      %reduce_sum3A_1298 = tpu.scan <sum>, %select_n3A_1295 masked %reduce_sum3A_1297 : vector<16xi32>, vector<16xi1> -> vector<16xi32>
      %reduce_sum3A_1299 = vector.extract %reduce_sum3A_1298[15] : i32 from vector<16xi32>
      %add3A_1300 = arith.addi %add3A_1267, %reduce_sum3A_1299 : i32
      %get3A_1301 = arith.constant 4 : i32
      %get3A_1302 = arith.index_cast %get3A_1301 : i32 to index
      %get3A_1303 = arith.constant 96 : index
      %get3A_1304 = tpu.vector_load %arg15[%get3A_1302, %get3A_1303] {strides = array<i32>} : memref<8x128xi32, #tpu.memory_space<vmem>>, vector<16xi32>,
      %get3A_1305 = arith.constant 4 : i32
      %get3A_1306 = arith.index_cast %get3A_1305 : i32 to index
      %get3A_1307 = arith.constant 96 : index
      %get3A_1308 = tpu.vector_load %arg16[%get3A_1306, %get3A_1307] {strides = array<i32>} : memref<8x128xi32, #tpu.memory_space<vmem>>, vector<16xi32>,
      %masked_sort3A_1309 = arith.constant dense<true> : vector<16xi1>
      %masked_sort3A_1310 = arith.constant -2147483648 : i32
      %masked_sort3A_1311 = vector.broadcast %masked_sort3A_1310 : i32 to vector<16xi32>
      %masked_sort3A_1312 = arith.xori %get3A_1308, %masked_sort3A_1311 : vector<16xi32>
      %masked_sort3A_1313, %masked_sort3A_1314, %masked_sort3A_1315 = tpu.sort %masked_sort3A_1312, %get3A_1304 masked %masked_sort3A_1309 : (vector<16xi32>, vector<16xi32>, vector<16xi1>) -> (vector<16xi1>, vector<16xi32>, vector<16xi32>)
      %masked_sort3A_1316 = arith.xori %masked_sort3A_1314, %masked_sort3A_1311 : vector<16xi32>
      %swap3A_1317 = arith.index_cast %add3A_1300 : i32 to index
      %swap3A_1318 = tpu.vector_load %arg17[%swap3A_1317] {strides = array<i32>} : memref<1152xi32, #tpu.memory_space<vmem>>, vector<16xi32>,
      tpu.vector_store %arg17[%swap3A_1317], %masked_sort3A_1315 {strides = array<i32>} : memref<1152xi32, #tpu.memory_space<vmem>>, vector<16xi32>,
      %swap3A_1319 = arith.index_cast %add3A_1300 : i32 to index
      %swap3A_1320 = tpu.vector_load %arg18[%swap3A_1319] {strides = array<i32>} : memref<1152xi32, #tpu.memory_space<vmem>>, vector<16xi32>,
      tpu.vector_store %arg18[%swap3A_1319], %masked_sort3A_1316 {strides = array<i32>} : memref<1152xi32, #tpu.memory_space<vmem>>, vector<16xi32>,
      %lt3A_1321 = arith.constant 100000 : i32
      %lt3A_1322 = vector.broadcast %lt3A_1321 : i32 to vector<16xi32>
      %lt3A_1323 = arith.cmpi slt, %get3A_1308, %lt3A_1322 : vector<16xi32>
      %jit3A_1324 = arith.constant 1 : i32
      %jit3A_1325 = arith.constant 0 : i32
      %broadcast_in_dim3A_1326 = vector.broadcast %jit3A_1324 : i32 to vector<16xi32>
      %broadcast_in_dim3A_1327 = vector.broadcast %jit3A_1325 : i32 to vector<16xi32>
      %select_n3A_1328 = arith.select %lt3A_1323, %broadcast_in_dim3A_1326, %broadcast_in_dim3A_1327 : vector<16xi1>, vector<16xi32>
      %reduce_sum3A_1329 = arith.constant true
      %reduce_sum3A_1330 = vector.broadcast %reduce_sum3A_1329 : i1 to vector<16xi1>
      %reduce_sum3A_1331 = tpu.scan <sum>, %select_n3A_1328 masked %reduce_sum3A_1330 : vector<16xi32>, vector<16xi1> -> vector<16xi32>
      %reduce_sum3A_1332 = vector.extract %reduce_sum3A_1331[15] : i32 from vector<16xi32>
      %add3A_1333 = arith.addi %add3A_1300, %reduce_sum3A_1332 : i32
      %get3A_1334 = arith.constant 4 : i32
      %get3A_1335 = arith.index_cast %get3A_1334 : i32 to index
      %get3A_1336 = arith.constant 112 : index
      %get3A_1337 = tpu.vector_load %arg15[%get3A_1335, %get3A_1336] {strides = array<i32>} : memref<8x128xi32, #tpu.memory_space<vmem>>, vector<16xi32>,
      %get3A_1338 = arith.constant 4 : i32
      %get3A_1339 = arith.index_cast %get3A_1338 : i32 to index
      %get3A_1340 = arith.constant 112 : index
      %get3A_1341 = tpu.vector_load %arg16[%get3A_1339, %get3A_1340] {strides = array<i32>} : memref<8x128xi32, #tpu.memory_space<vmem>>, vector<16xi32>,
      %masked_sort3A_1342 = arith.constant dense<true> : vector<16xi1>
      %masked_sort3A_1343 = arith.constant -2147483648 : i32
      %masked_sort3A_1344 = vector.broadcast %masked_sort3A_1343 : i32 to vector<16xi32>
      %masked_sort3A_1345 = arith.xori %get3A_1341, %masked_sort3A_1344 : vector<16xi32>
      %masked_sort3A_1346, %masked_sort3A_1347, %masked_sort3A_1348 = tpu.sort %masked_sort3A_1345, %get3A_1337 masked %masked_sort3A_1342 : (vector<16xi32>, vector<16xi32>, vector<16xi1>) -> (vector<16xi1>, vector<16xi32>, vector<16xi32>)
      %masked_sort3A_1349 = arith.xori %masked_sort3A_1347, %masked_sort3A_1344 : vector<16xi32>
      %swap3A_1350 = arith.index_cast %add3A_1333 : i32 to index
      %swap3A_1351 = tpu.vector_load %arg17[%swap3A_1350] {strides = array<i32>} : memref<1152xi32, #tpu.memory_space<vmem>>, vector<16xi32>,
      tpu.vector_store %arg17[%swap3A_1350], %masked_sort3A_1348 {strides = array<i32>} : memref<1152xi32, #tpu.memory_space<vmem>>, vector<16xi32>,
      %swap3A_1352 = arith.index_cast %add3A_1333 : i32 to index
      %swap3A_1353 = tpu.vector_load %arg18[%swap3A_1352] {strides = array<i32>} : memref<1152xi32, #tpu.memory_space<vmem>>, vector<16xi32>,
      tpu.vector_store %arg18[%swap3A_1352], %masked_sort3A_1349 {strides = array<i32>} : memref<1152xi32, #tpu.memory_space<vmem>>, vector<16xi32>,
      %lt3A_1354 = arith.constant 100000 : i32
      %lt3A_1355 = vector.broadcast %lt3A_1354 : i32 to vector<16xi32>
      %lt3A_1356 = arith.cmpi slt, %get3A_1341, %lt3A_1355 : vector<16xi32>
      %jit3A_1357 = arith.constant 1 : i32
      %jit3A_1358 = arith.constant 0 : i32
      %broadcast_in_dim3A_1359 = vector.broadcast %jit3A_1357 : i32 to vector<16xi32>
      %broadcast_in_dim3A_1360 = vector.broadcast %jit3A_1358 : i32 to vector<16xi32>
      %select_n3A_1361 = arith.select %lt3A_1356, %broadcast_in_dim3A_1359, %broadcast_in_dim3A_1360 : vector<16xi1>, vector<16xi32>
      %reduce_sum3A_1362 = arith.constant true
      %reduce_sum3A_1363 = vector.broadcast %reduce_sum3A_1362 : i1 to vector<16xi1>
      %reduce_sum3A_1364 = tpu.scan <sum>, %select_n3A_1361 masked %reduce_sum3A_1363 : vector<16xi32>, vector<16xi1> -> vector<16xi32>
      %reduce_sum3A_1365 = vector.extract %reduce_sum3A_1364[15] : i32 from vector<16xi32>
      %add3A_1366 = arith.addi %add3A_1333, %reduce_sum3A_1365 : i32
      %get3A_1367 = arith.constant 5 : i32
      %get3A_1368 = arith.index_cast %get3A_1367 : i32 to index
      %get3A_1369 = arith.constant 0 : index
      %get3A_1370 = tpu.vector_load %arg15[%get3A_1368, %get3A_1369] {strides = array<i32>} : memref<8x128xi32, #tpu.memory_space<vmem>>, vector<16xi32>,
      %get3A_1371 = arith.constant 5 : i32
      %get3A_1372 = arith.index_cast %get3A_1371 : i32 to index
      %get3A_1373 = arith.constant 0 : index
      %get3A_1374 = tpu.vector_load %arg16[%get3A_1372, %get3A_1373] {strides = array<i32>} : memref<8x128xi32, #tpu.memory_space<vmem>>, vector<16xi32>,
      %masked_sort3A_1375 = arith.constant dense<true> : vector<16xi1>
      %masked_sort3A_1376 = arith.constant -2147483648 : i32
      %masked_sort3A_1377 = vector.broadcast %masked_sort3A_1376 : i32 to vector<16xi32>
      %masked_sort3A_1378 = arith.xori %get3A_1374, %masked_sort3A_1377 : vector<16xi32>
      %masked_sort3A_1379, %masked_sort3A_1380, %masked_sort3A_1381 = tpu.sort %masked_sort3A_1378, %get3A_1370 masked %masked_sort3A_1375 : (vector<16xi32>, vector<16xi32>, vector<16xi1>) -> (vector<16xi1>, vector<16xi32>, vector<16xi32>)
      %masked_sort3A_1382 = arith.xori %masked_sort3A_1380, %masked_sort3A_1377 : vector<16xi32>
      %swap3A_1383 = arith.index_cast %add3A_1366 : i32 to index
      %swap3A_1384 = tpu.vector_load %arg17[%swap3A_1383] {strides = array<i32>} : memref<1152xi32, #tpu.memory_space<vmem>>, vector<16xi32>,
      tpu.vector_store %arg17[%swap3A_1383], %masked_sort3A_1381 {strides = array<i32>} : memref<1152xi32, #tpu.memory_space<vmem>>, vector<16xi32>,
      %swap3A_1385 = arith.index_cast %add3A_1366 : i32 to index
      %swap3A_1386 = tpu.vector_load %arg18[%swap3A_1385] {strides = array<i32>} : memref<1152xi32, #tpu.memory_space<vmem>>, vector<16xi32>,
      tpu.vector_store %arg18[%swap3A_1385], %masked_sort3A_1382 {strides = array<i32>} : memref<1152xi32, #tpu.memory_space<vmem>>, vector<16xi32>,
      %lt3A_1387 = arith.constant 100000 : i32
      %lt3A_1388 = vector.broadcast %lt3A_1387 : i32 to vector<16xi32>
      %lt3A_1389 = arith.cmpi slt, %get3A_1374, %lt3A_1388 : vector<16xi32>
      %jit3A_1390 = arith.constant 1 : i32
      %jit3A_1391 = arith.constant 0 : i32
      %broadcast_in_dim3A_1392 = vector.broadcast %jit3A_1390 : i32 to vector<16xi32>
      %broadcast_in_dim3A_1393 = vector.broadcast %jit3A_1391 : i32 to vector<16xi32>
      %select_n3A_1394 = arith.select %lt3A_1389, %broadcast_in_dim3A_1392, %broadcast_in_dim3A_1393 : vector<16xi1>, vector<16xi32>
      %reduce_sum3A_1395 = arith.constant true
      %reduce_sum3A_1396 = vector.broadcast %reduce_sum3A_1395 : i1 to vector<16xi1>
      %reduce_sum3A_1397 = tpu.scan <sum>, %select_n3A_1394 masked %reduce_sum3A_1396 : vector<16xi32>, vector<16xi1> -> vector<16xi32>
      %reduce_sum3A_1398 = vector.extract %reduce_sum3A_1397[15] : i32 from vector<16xi32>
      %add3A_1399 = arith.addi %add3A_1366, %reduce_sum3A_1398 : i32
      %get3A_1400 = arith.constant 5 : i32
      %get3A_1401 = arith.index_cast %get3A_1400 : i32 to index
      %get3A_1402 = arith.constant 16 : index
      %get3A_1403 = tpu.vector_load %arg15[%get3A_1401, %get3A_1402] {strides = array<i32>} : memref<8x128xi32, #tpu.memory_space<vmem>>, vector<16xi32>,
      %get3A_1404 = arith.constant 5 : i32
      %get3A_1405 = arith.index_cast %get3A_1404 : i32 to index
      %get3A_1406 = arith.constant 16 : index
      %get3A_1407 = tpu.vector_load %arg16[%get3A_1405, %get3A_1406] {strides = array<i32>} : memref<8x128xi32, #tpu.memory_space<vmem>>, vector<16xi32>,
      %masked_sort3A_1408 = arith.constant dense<true> : vector<16xi1>
      %masked_sort3A_1409 = arith.constant -2147483648 : i32
      %masked_sort3A_1410 = vector.broadcast %masked_sort3A_1409 : i32 to vector<16xi32>
      %masked_sort3A_1411 = arith.xori %get3A_1407, %masked_sort3A_1410 : vector<16xi32>
      %masked_sort3A_1412, %masked_sort3A_1413, %masked_sort3A_1414 = tpu.sort %masked_sort3A_1411, %get3A_1403 masked %masked_sort3A_1408 : (vector<16xi32>, vector<16xi32>, vector<16xi1>) -> (vector<16xi1>, vector<16xi32>, vector<16xi32>)
      %masked_sort3A_1415 = arith.xori %masked_sort3A_1413, %masked_sort3A_1410 : vector<16xi32>
      %swap3A_1416 = arith.index_cast %add3A_1399 : i32 to index
      %swap3A_1417 = tpu.vector_load %arg17[%swap3A_1416] {strides = array<i32>} : memref<1152xi32, #tpu.memory_space<vmem>>, vector<16xi32>,
      tpu.vector_store %arg17[%swap3A_1416], %masked_sort3A_1414 {strides = array<i32>} : memref<1152xi32, #tpu.memory_space<vmem>>, vector<16xi32>,
      %swap3A_1418 = arith.index_cast %add3A_1399 : i32 to index
      %swap3A_1419 = tpu.vector_load %arg18[%swap3A_1418] {strides = array<i32>} : memref<1152xi32, #tpu.memory_space<vmem>>, vector<16xi32>,
      tpu.vector_store %arg18[%swap3A_1418], %masked_sort3A_1415 {strides = array<i32>} : memref<1152xi32, #tpu.memory_space<vmem>>, vector<16xi32>,
      %lt3A_1420 = arith.constant 100000 : i32
      %lt3A_1421 = vector.broadcast %lt3A_1420 : i32 to vector<16xi32>
      %lt3A_1422 = arith.cmpi slt, %get3A_1407, %lt3A_1421 : vector<16xi32>
      %jit3A_1423 = arith.constant 1 : i32
      %jit3A_1424 = arith.constant 0 : i32
      %broadcast_in_dim3A_1425 = vector.broadcast %jit3A_1423 : i32 to vector<16xi32>
      %broadcast_in_dim3A_1426 = vector.broadcast %jit3A_1424 : i32 to vector<16xi32>
      %select_n3A_1427 = arith.select %lt3A_1422, %broadcast_in_dim3A_1425, %broadcast_in_dim3A_1426 : vector<16xi1>, vector<16xi32>
      %reduce_sum3A_1428 = arith.constant true
      %reduce_sum3A_1429 = vector.broadcast %reduce_sum3A_1428 : i1 to vector<16xi1>
      %reduce_sum3A_1430 = tpu.scan <sum>, %select_n3A_1427 masked %reduce_sum3A_1429 : vector<16xi32>, vector<16xi1> -> vector<16xi32>
      %reduce_sum3A_1431 = vector.extract %reduce_sum3A_1430[15] : i32 from vector<16xi32>
      %add3A_1432 = arith.addi %add3A_1399, %reduce_sum3A_1431 : i32
      %get3A_1433 = arith.constant 5 : i32
      %get3A_1434 = arith.index_cast %get3A_1433 : i32 to index
      %get3A_1435 = arith.constant 32 : index
      %get3A_1436 = tpu.vector_load %arg15[%get3A_1434, %get3A_1435] {strides = array<i32>} : memref<8x128xi32, #tpu.memory_space<vmem>>, vector<16xi32>,
      %get3A_1437 = arith.constant 5 : i32
      %get3A_1438 = arith.index_cast %get3A_1437 : i32 to index
      %get3A_1439 = arith.constant 32 : index
      %get3A_1440 = tpu.vector_load %arg16[%get3A_1438, %get3A_1439] {strides = array<i32>} : memref<8x128xi32, #tpu.memory_space<vmem>>, vector<16xi32>,
      %masked_sort3A_1441 = arith.constant dense<true> : vector<16xi1>
      %masked_sort3A_1442 = arith.constant -2147483648 : i32
      %masked_sort3A_1443 = vector.broadcast %masked_sort3A_1442 : i32 to vector<16xi32>
      %masked_sort3A_1444 = arith.xori %get3A_1440, %masked_sort3A_1443 : vector<16xi32>
      %masked_sort3A_1445, %masked_sort3A_1446, %masked_sort3A_1447 = tpu.sort %masked_sort3A_1444, %get3A_1436 masked %masked_sort3A_1441 : (vector<16xi32>, vector<16xi32>, vector<16xi1>) -> (vector<16xi1>, vector<16xi32>, vector<16xi32>)
      %masked_sort3A_1448 = arith.xori %masked_sort3A_1446, %masked_sort3A_1443 : vector<16xi32>
      %swap3A_1449 = arith.index_cast %add3A_1432 : i32 to index
      %swap3A_1450 = tpu.vector_load %arg17[%swap3A_1449] {strides = array<i32>} : memref<1152xi32, #tpu.memory_space<vmem>>, vector<16xi32>,
      tpu.vector_store %arg17[%swap3A_1449], %masked_sort3A_1447 {strides = array<i32>} : memref<1152xi32, #tpu.memory_space<vmem>>, vector<16xi32>,
      %swap3A_1451 = arith.index_cast %add3A_1432 : i32 to index
      %swap3A_1452 = tpu.vector_load %arg18[%swap3A_1451] {strides = array<i32>} : memref<1152xi32, #tpu.memory_space<vmem>>, vector<16xi32>,
      tpu.vector_store %arg18[%swap3A_1451], %masked_sort3A_1448 {strides = array<i32>} : memref<1152xi32, #tpu.memory_space<vmem>>, vector<16xi32>,
      %lt3A_1453 = arith.constant 100000 : i32
      %lt3A_1454 = vector.broadcast %lt3A_1453 : i32 to vector<16xi32>
      %lt3A_1455 = arith.cmpi slt, %get3A_1440, %lt3A_1454 : vector<16xi32>
      %jit3A_1456 = arith.constant 1 : i32
      %jit3A_1457 = arith.constant 0 : i32
      %broadcast_in_dim3A_1458 = vector.broadcast %jit3A_1456 : i32 to vector<16xi32>
      %broadcast_in_dim3A_1459 = vector.broadcast %jit3A_1457 : i32 to vector<16xi32>
      %select_n3A_1460 = arith.select %lt3A_1455, %broadcast_in_dim3A_1458, %broadcast_in_dim3A_1459 : vector<16xi1>, vector<16xi32>
      %reduce_sum3A_1461 = arith.constant true
      %reduce_sum3A_1462 = vector.broadcast %reduce_sum3A_1461 : i1 to vector<16xi1>
      %reduce_sum3A_1463 = tpu.scan <sum>, %select_n3A_1460 masked %reduce_sum3A_1462 : vector<16xi32>, vector<16xi1> -> vector<16xi32>
      %reduce_sum3A_1464 = vector.extract %reduce_sum3A_1463[15] : i32 from vector<16xi32>
      %add3A_1465 = arith.addi %add3A_1432, %reduce_sum3A_1464 : i32
      %get3A_1466 = arith.constant 5 : i32
      %get3A_1467 = arith.index_cast %get3A_1466 : i32 to index
      %get3A_1468 = arith.constant 48 : index
      %get3A_1469 = tpu.vector_load %arg15[%get3A_1467, %get3A_1468] {strides = array<i32>} : memref<8x128xi32, #tpu.memory_space<vmem>>, vector<16xi32>,
      %get3A_1470 = arith.constant 5 : i32
      %get3A_1471 = arith.index_cast %get3A_1470 : i32 to index
      %get3A_1472 = arith.constant 48 : index
      %get3A_1473 = tpu.vector_load %arg16[%get3A_1471, %get3A_1472] {strides = array<i32>} : memref<8x128xi32, #tpu.memory_space<vmem>>, vector<16xi32>,
      %masked_sort3A_1474 = arith.constant dense<true> : vector<16xi1>
      %masked_sort3A_1475 = arith.constant -2147483648 : i32
      %masked_sort3A_1476 = vector.broadcast %masked_sort3A_1475 : i32 to vector<16xi32>
      %masked_sort3A_1477 = arith.xori %get3A_1473, %masked_sort3A_1476 : vector<16xi32>
      %masked_sort3A_1478, %masked_sort3A_1479, %masked_sort3A_1480 = tpu.sort %masked_sort3A_1477, %get3A_1469 masked %masked_sort3A_1474 : (vector<16xi32>, vector<16xi32>, vector<16xi1>) -> (vector<16xi1>, vector<16xi32>, vector<16xi32>)
      %masked_sort3A_1481 = arith.xori %masked_sort3A_1479, %masked_sort3A_1476 : vector<16xi32>
      %swap3A_1482 = arith.index_cast %add3A_1465 : i32 to index
      %swap3A_1483 = tpu.vector_load %arg17[%swap3A_1482] {strides = array<i32>} : memref<1152xi32, #tpu.memory_space<vmem>>, vector<16xi32>,
      tpu.vector_store %arg17[%swap3A_1482], %masked_sort3A_1480 {strides = array<i32>} : memref<1152xi32, #tpu.memory_space<vmem>>, vector<16xi32>,
      %swap3A_1484 = arith.index_cast %add3A_1465 : i32 to index
      %swap3A_1485 = tpu.vector_load %arg18[%swap3A_1484] {strides = array<i32>} : memref<1152xi32, #tpu.memory_space<vmem>>, vector<16xi32>,
      tpu.vector_store %arg18[%swap3A_1484], %masked_sort3A_1481 {strides = array<i32>} : memref<1152xi32, #tpu.memory_space<vmem>>, vector<16xi32>,
      %lt3A_1486 = arith.constant 100000 : i32
      %lt3A_1487 = vector.broadcast %lt3A_1486 : i32 to vector<16xi32>
      %lt3A_1488 = arith.cmpi slt, %get3A_1473, %lt3A_1487 : vector<16xi32>
      %jit3A_1489 = arith.constant 1 : i32
      %jit3A_1490 = arith.constant 0 : i32
      %broadcast_in_dim3A_1491 = vector.broadcast %jit3A_1489 : i32 to vector<16xi32>
      %broadcast_in_dim3A_1492 = vector.broadcast %jit3A_1490 : i32 to vector<16xi32>
      %select_n3A_1493 = arith.select %lt3A_1488, %broadcast_in_dim3A_1491, %broadcast_in_dim3A_1492 : vector<16xi1>, vector<16xi32>
      %reduce_sum3A_1494 = arith.constant true
      %reduce_sum3A_1495 = vector.broadcast %reduce_sum3A_1494 : i1 to vector<16xi1>
      %reduce_sum3A_1496 = tpu.scan <sum>, %select_n3A_1493 masked %reduce_sum3A_1495 : vector<16xi32>, vector<16xi1> -> vector<16xi32>
      %reduce_sum3A_1497 = vector.extract %reduce_sum3A_1496[15] : i32 from vector<16xi32>
      %add3A_1498 = arith.addi %add3A_1465, %reduce_sum3A_1497 : i32
      %get3A_1499 = arith.constant 5 : i32
      %get3A_1500 = arith.index_cast %get3A_1499 : i32 to index
      %get3A_1501 = arith.constant 64 : index
      %get3A_1502 = tpu.vector_load %arg15[%get3A_1500, %get3A_1501] {strides = array<i32>} : memref<8x128xi32, #tpu.memory_space<vmem>>, vector<16xi32>,
      %get3A_1503 = arith.constant 5 : i32
      %get3A_1504 = arith.index_cast %get3A_1503 : i32 to index
      %get3A_1505 = arith.constant 64 : index
      %get3A_1506 = tpu.vector_load %arg16[%get3A_1504, %get3A_1505] {strides = array<i32>} : memref<8x128xi32, #tpu.memory_space<vmem>>, vector<16xi32>,
      %masked_sort3A_1507 = arith.constant dense<true> : vector<16xi1>
      %masked_sort3A_1508 = arith.constant -2147483648 : i32
      %masked_sort3A_1509 = vector.broadcast %masked_sort3A_1508 : i32 to vector<16xi32>
      %masked_sort3A_1510 = arith.xori %get3A_1506, %masked_sort3A_1509 : vector<16xi32>
      %masked_sort3A_1511, %masked_sort3A_1512, %masked_sort3A_1513 = tpu.sort %masked_sort3A_1510, %get3A_1502 masked %masked_sort3A_1507 : (vector<16xi32>, vector<16xi32>, vector<16xi1>) -> (vector<16xi1>, vector<16xi32>, vector<16xi32>)
      %masked_sort3A_1514 = arith.xori %masked_sort3A_1512, %masked_sort3A_1509 : vector<16xi32>
      %swap3A_1515 = arith.index_cast %add3A_1498 : i32 to index
      %swap3A_1516 = tpu.vector_load %arg17[%swap3A_1515] {strides = array<i32>} : memref<1152xi32, #tpu.memory_space<vmem>>, vector<16xi32>,
      tpu.vector_store %arg17[%swap3A_1515], %masked_sort3A_1513 {strides = array<i32>} : memref<1152xi32, #tpu.memory_space<vmem>>, vector<16xi32>,
      %swap3A_1517 = arith.index_cast %add3A_1498 : i32 to index
      %swap3A_1518 = tpu.vector_load %arg18[%swap3A_1517] {strides = array<i32>} : memref<1152xi32, #tpu.memory_space<vmem>>, vector<16xi32>,
      tpu.vector_store %arg18[%swap3A_1517], %masked_sort3A_1514 {strides = array<i32>} : memref<1152xi32, #tpu.memory_space<vmem>>, vector<16xi32>,
      %lt3A_1519 = arith.constant 100000 : i32
      %lt3A_1520 = vector.broadcast %lt3A_1519 : i32 to vector<16xi32>
      %lt3A_1521 = arith.cmpi slt, %get3A_1506, %lt3A_1520 : vector<16xi32>
      %jit3A_1522 = arith.constant 1 : i32
      %jit3A_1523 = arith.constant 0 : i32
      %broadcast_in_dim3A_1524 = vector.broadcast %jit3A_1522 : i32 to vector<16xi32>
      %broadcast_in_dim3A_1525 = vector.broadcast %jit3A_1523 : i32 to vector<16xi32>
      %select_n3A_1526 = arith.select %lt3A_1521, %broadcast_in_dim3A_1524, %broadcast_in_dim3A_1525 : vector<16xi1>, vector<16xi32>
      %reduce_sum3A_1527 = arith.constant true
      %reduce_sum3A_1528 = vector.broadcast %reduce_sum3A_1527 : i1 to vector<16xi1>
      %reduce_sum3A_1529 = tpu.scan <sum>, %select_n3A_1526 masked %reduce_sum3A_1528 : vector<16xi32>, vector<16xi1> -> vector<16xi32>
      %reduce_sum3A_1530 = vector.extract %reduce_sum3A_1529[15] : i32 from vector<16xi32>
      %add3A_1531 = arith.addi %add3A_1498, %reduce_sum3A_1530 : i32
      %get3A_1532 = arith.constant 5 : i32
      %get3A_1533 = arith.index_cast %get3A_1532 : i32 to index
      %get3A_1534 = arith.constant 80 : index
      %get3A_1535 = tpu.vector_load %arg15[%get3A_1533, %get3A_1534] {strides = array<i32>} : memref<8x128xi32, #tpu.memory_space<vmem>>, vector<16xi32>,
      %get3A_1536 = arith.constant 5 : i32
      %get3A_1537 = arith.index_cast %get3A_1536 : i32 to index
      %get3A_1538 = arith.constant 80 : index
      %get3A_1539 = tpu.vector_load %arg16[%get3A_1537, %get3A_1538] {strides = array<i32>} : memref<8x128xi32, #tpu.memory_space<vmem>>, vector<16xi32>,
      %masked_sort3A_1540 = arith.constant dense<true> : vector<16xi1>
      %masked_sort3A_1541 = arith.constant -2147483648 : i32
      %masked_sort3A_1542 = vector.broadcast %masked_sort3A_1541 : i32 to vector<16xi32>
      %masked_sort3A_1543 = arith.xori %get3A_1539, %masked_sort3A_1542 : vector<16xi32>
      %masked_sort3A_1544, %masked_sort3A_1545, %masked_sort3A_1546 = tpu.sort %masked_sort3A_1543, %get3A_1535 masked %masked_sort3A_1540 : (vector<16xi32>, vector<16xi32>, vector<16xi1>) -> (vector<16xi1>, vector<16xi32>, vector<16xi32>)
      %masked_sort3A_1547 = arith.xori %masked_sort3A_1545, %masked_sort3A_1542 : vector<16xi32>
      %swap3A_1548 = arith.index_cast %add3A_1531 : i32 to index
      %swap3A_1549 = tpu.vector_load %arg17[%swap3A_1548] {strides = array<i32>} : memref<1152xi32, #tpu.memory_space<vmem>>, vector<16xi32>,
      tpu.vector_store %arg17[%swap3A_1548], %masked_sort3A_1546 {strides = array<i32>} : memref<1152xi32, #tpu.memory_space<vmem>>, vector<16xi32>,
      %swap3A_1550 = arith.index_cast %add3A_1531 : i32 to index
      %swap3A_1551 = tpu.vector_load %arg18[%swap3A_1550] {strides = array<i32>} : memref<1152xi32, #tpu.memory_space<vmem>>, vector<16xi32>,
      tpu.vector_store %arg18[%swap3A_1550], %masked_sort3A_1547 {strides = array<i32>} : memref<1152xi32, #tpu.memory_space<vmem>>, vector<16xi32>,
      %lt3A_1552 = arith.constant 100000 : i32
      %lt3A_1553 = vector.broadcast %lt3A_1552 : i32 to vector<16xi32>
      %lt3A_1554 = arith.cmpi slt, %get3A_1539, %lt3A_1553 : vector<16xi32>
      %jit3A_1555 = arith.constant 1 : i32
      %jit3A_1556 = arith.constant 0 : i32
      %broadcast_in_dim3A_1557 = vector.broadcast %jit3A_1555 : i32 to vector<16xi32>
      %broadcast_in_dim3A_1558 = vector.broadcast %jit3A_1556 : i32 to vector<16xi32>
      %select_n3A_1559 = arith.select %lt3A_1554, %broadcast_in_dim3A_1557, %broadcast_in_dim3A_1558 : vector<16xi1>, vector<16xi32>
      %reduce_sum3A_1560 = arith.constant true
      %reduce_sum3A_1561 = vector.broadcast %reduce_sum3A_1560 : i1 to vector<16xi1>
      %reduce_sum3A_1562 = tpu.scan <sum>, %select_n3A_1559 masked %reduce_sum3A_1561 : vector<16xi32>, vector<16xi1> -> vector<16xi32>
      %reduce_sum3A_1563 = vector.extract %reduce_sum3A_1562[15] : i32 from vector<16xi32>
      %add3A_1564 = arith.addi %add3A_1531, %reduce_sum3A_1563 : i32
      %get3A_1565 = arith.constant 5 : i32
      %get3A_1566 = arith.index_cast %get3A_1565 : i32 to index
      %get3A_1567 = arith.constant 96 : index
      %get3A_1568 = tpu.vector_load %arg15[%get3A_1566, %get3A_1567] {strides = array<i32>} : memref<8x128xi32, #tpu.memory_space<vmem>>, vector<16xi32>,
      %get3A_1569 = arith.constant 5 : i32
      %get3A_1570 = arith.index_cast %get3A_1569 : i32 to index
      %get3A_1571 = arith.constant 96 : index
      %get3A_1572 = tpu.vector_load %arg16[%get3A_1570, %get3A_1571] {strides = array<i32>} : memref<8x128xi32, #tpu.memory_space<vmem>>, vector<16xi32>,
      %masked_sort3A_1573 = arith.constant dense<true> : vector<16xi1>
      %masked_sort3A_1574 = arith.constant -2147483648 : i32
      %masked_sort3A_1575 = vector.broadcast %masked_sort3A_1574 : i32 to vector<16xi32>
      %masked_sort3A_1576 = arith.xori %get3A_1572, %masked_sort3A_1575 : vector<16xi32>
      %masked_sort3A_1577, %masked_sort3A_1578, %masked_sort3A_1579 = tpu.sort %masked_sort3A_1576, %get3A_1568 masked %masked_sort3A_1573 : (vector<16xi32>, vector<16xi32>, vector<16xi1>) -> (vector<16xi1>, vector<16xi32>, vector<16xi32>)
      %masked_sort3A_1580 = arith.xori %masked_sort3A_1578, %masked_sort3A_1575 : vector<16xi32>
      %swap3A_1581 = arith.index_cast %add3A_1564 : i32 to index
      %swap3A_1582 = tpu.vector_load %arg17[%swap3A_1581] {strides = array<i32>} : memref<1152xi32, #tpu.memory_space<vmem>>, vector<16xi32>,
      tpu.vector_store %arg17[%swap3A_1581], %masked_sort3A_1579 {strides = array<i32>} : memref<1152xi32, #tpu.memory_space<vmem>>, vector<16xi32>,
      %swap3A_1583 = arith.index_cast %add3A_1564 : i32 to index
      %swap3A_1584 = tpu.vector_load %arg18[%swap3A_1583] {strides = array<i32>} : memref<1152xi32, #tpu.memory_space<vmem>>, vector<16xi32>,
      tpu.vector_store %arg18[%swap3A_1583], %masked_sort3A_1580 {strides = array<i32>} : memref<1152xi32, #tpu.memory_space<vmem>>, vector<16xi32>,
      %lt3A_1585 = arith.constant 100000 : i32
      %lt3A_1586 = vector.broadcast %lt3A_1585 : i32 to vector<16xi32>
      %lt3A_1587 = arith.cmpi slt, %get3A_1572, %lt3A_1586 : vector<16xi32>
      %jit3A_1588 = arith.constant 1 : i32
      %jit3A_1589 = arith.constant 0 : i32
      %broadcast_in_dim3A_1590 = vector.broadcast %jit3A_1588 : i32 to vector<16xi32>
      %broadcast_in_dim3A_1591 = vector.broadcast %jit3A_1589 : i32 to vector<16xi32>
      %select_n3A_1592 = arith.select %lt3A_1587, %broadcast_in_dim3A_1590, %broadcast_in_dim3A_1591 : vector<16xi1>, vector<16xi32>
      %reduce_sum3A_1593 = arith.constant true
      %reduce_sum3A_1594 = vector.broadcast %reduce_sum3A_1593 : i1 to vector<16xi1>
      %reduce_sum3A_1595 = tpu.scan <sum>, %select_n3A_1592 masked %reduce_sum3A_1594 : vector<16xi32>, vector<16xi1> -> vector<16xi32>
      %reduce_sum3A_1596 = vector.extract %reduce_sum3A_1595[15] : i32 from vector<16xi32>
      %add3A_1597 = arith.addi %add3A_1564, %reduce_sum3A_1596 : i32
      %get3A_1598 = arith.constant 5 : i32
      %get3A_1599 = arith.index_cast %get3A_1598 : i32 to index
      %get3A_1600 = arith.constant 112 : index
      %get3A_1601 = tpu.vector_load %arg15[%get3A_1599, %get3A_1600] {strides = array<i32>} : memref<8x128xi32, #tpu.memory_space<vmem>>, vector<16xi32>,
      %get3A_1602 = arith.constant 5 : i32
      %get3A_1603 = arith.index_cast %get3A_1602 : i32 to index
      %get3A_1604 = arith.constant 112 : index
      %get3A_1605 = tpu.vector_load %arg16[%get3A_1603, %get3A_1604] {strides = array<i32>} : memref<8x128xi32, #tpu.memory_space<vmem>>, vector<16xi32>,
      %masked_sort3A_1606 = arith.constant dense<true> : vector<16xi1>
      %masked_sort3A_1607 = arith.constant -2147483648 : i32
      %masked_sort3A_1608 = vector.broadcast %masked_sort3A_1607 : i32 to vector<16xi32>
      %masked_sort3A_1609 = arith.xori %get3A_1605, %masked_sort3A_1608 : vector<16xi32>
      %masked_sort3A_1610, %masked_sort3A_1611, %masked_sort3A_1612 = tpu.sort %masked_sort3A_1609, %get3A_1601 masked %masked_sort3A_1606 : (vector<16xi32>, vector<16xi32>, vector<16xi1>) -> (vector<16xi1>, vector<16xi32>, vector<16xi32>)
      %masked_sort3A_1613 = arith.xori %masked_sort3A_1611, %masked_sort3A_1608 : vector<16xi32>
      %swap3A_1614 = arith.index_cast %add3A_1597 : i32 to index
      %swap3A_1615 = tpu.vector_load %arg17[%swap3A_1614] {strides = array<i32>} : memref<1152xi32, #tpu.memory_space<vmem>>, vector<16xi32>,
      tpu.vector_store %arg17[%swap3A_1614], %masked_sort3A_1612 {strides = array<i32>} : memref<1152xi32, #tpu.memory_space<vmem>>, vector<16xi32>,
      %swap3A_1616 = arith.index_cast %add3A_1597 : i32 to index
      %swap3A_1617 = tpu.vector_load %arg18[%swap3A_1616] {strides = array<i32>} : memref<1152xi32, #tpu.memory_space<vmem>>, vector<16xi32>,
      tpu.vector_store %arg18[%swap3A_1616], %masked_sort3A_1613 {strides = array<i32>} : memref<1152xi32, #tpu.memory_space<vmem>>, vector<16xi32>,
      %lt3A_1618 = arith.constant 100000 : i32
      %lt3A_1619 = vector.broadcast %lt3A_1618 : i32 to vector<16xi32>
      %lt3A_1620 = arith.cmpi slt, %get3A_1605, %lt3A_1619 : vector<16xi32>
      %jit3A_1621 = arith.constant 1 : i32
      %jit3A_1622 = arith.constant 0 : i32
      %broadcast_in_dim3A_1623 = vector.broadcast %jit3A_1621 : i32 to vector<16xi32>
      %broadcast_in_dim3A_1624 = vector.broadcast %jit3A_1622 : i32 to vector<16xi32>
      %select_n3A_1625 = arith.select %lt3A_1620, %broadcast_in_dim3A_1623, %broadcast_in_dim3A_1624 : vector<16xi1>, vector<16xi32>
      %reduce_sum3A_1626 = arith.constant true
      %reduce_sum3A_1627 = vector.broadcast %reduce_sum3A_1626 : i1 to vector<16xi1>
      %reduce_sum3A_1628 = tpu.scan <sum>, %select_n3A_1625 masked %reduce_sum3A_1627 : vector<16xi32>, vector<16xi1> -> vector<16xi32>
      %reduce_sum3A_1629 = vector.extract %reduce_sum3A_1628[15] : i32 from vector<16xi32>
      %add3A_1630 = arith.addi %add3A_1597, %reduce_sum3A_1629 : i32
      %get3A_1631 = arith.constant 6 : i32
      %get3A_1632 = arith.index_cast %get3A_1631 : i32 to index
      %get3A_1633 = arith.constant 0 : index
      %get3A_1634 = tpu.vector_load %arg15[%get3A_1632, %get3A_1633] {strides = array<i32>} : memref<8x128xi32, #tpu.memory_space<vmem>>, vector<16xi32>,
      %get3A_1635 = arith.constant 6 : i32
      %get3A_1636 = arith.index_cast %get3A_1635 : i32 to index
      %get3A_1637 = arith.constant 0 : index
      %get3A_1638 = tpu.vector_load %arg16[%get3A_1636, %get3A_1637] {strides = array<i32>} : memref<8x128xi32, #tpu.memory_space<vmem>>, vector<16xi32>,
      %masked_sort3A_1639 = arith.constant dense<true> : vector<16xi1>
      %masked_sort3A_1640 = arith.constant -2147483648 : i32
      %masked_sort3A_1641 = vector.broadcast %masked_sort3A_1640 : i32 to vector<16xi32>
      %masked_sort3A_1642 = arith.xori %get3A_1638, %masked_sort3A_1641 : vector<16xi32>
      %masked_sort3A_1643, %masked_sort3A_1644, %masked_sort3A_1645 = tpu.sort %masked_sort3A_1642, %get3A_1634 masked %masked_sort3A_1639 : (vector<16xi32>, vector<16xi32>, vector<16xi1>) -> (vector<16xi1>, vector<16xi32>, vector<16xi32>)
      %masked_sort3A_1646 = arith.xori %masked_sort3A_1644, %masked_sort3A_1641 : vector<16xi32>
      %swap3A_1647 = arith.index_cast %add3A_1630 : i32 to index
      %swap3A_1648 = tpu.vector_load %arg17[%swap3A_1647] {strides = array<i32>} : memref<1152xi32, #tpu.memory_space<vmem>>, vector<16xi32>,
      tpu.vector_store %arg17[%swap3A_1647], %masked_sort3A_1645 {strides = array<i32>} : memref<1152xi32, #tpu.memory_space<vmem>>, vector<16xi32>,
      %swap3A_1649 = arith.index_cast %add3A_1630 : i32 to index
      %swap3A_1650 = tpu.vector_load %arg18[%swap3A_1649] {strides = array<i32>} : memref<1152xi32, #tpu.memory_space<vmem>>, vector<16xi32>,
      tpu.vector_store %arg18[%swap3A_1649], %masked_sort3A_1646 {strides = array<i32>} : memref<1152xi32, #tpu.memory_space<vmem>>, vector<16xi32>,
      %lt3A_1651 = arith.constant 100000 : i32
      %lt3A_1652 = vector.broadcast %lt3A_1651 : i32 to vector<16xi32>
      %lt3A_1653 = arith.cmpi slt, %get3A_1638, %lt3A_1652 : vector<16xi32>
      %jit3A_1654 = arith.constant 1 : i32
      %jit3A_1655 = arith.constant 0 : i32
      %broadcast_in_dim3A_1656 = vector.broadcast %jit3A_1654 : i32 to vector<16xi32>
      %broadcast_in_dim3A_1657 = vector.broadcast %jit3A_1655 : i32 to vector<16xi32>
      %select_n3A_1658 = arith.select %lt3A_1653, %broadcast_in_dim3A_1656, %broadcast_in_dim3A_1657 : vector<16xi1>, vector<16xi32>
      %reduce_sum3A_1659 = arith.constant true
      %reduce_sum3A_1660 = vector.broadcast %reduce_sum3A_1659 : i1 to vector<16xi1>
      %reduce_sum3A_1661 = tpu.scan <sum>, %select_n3A_1658 masked %reduce_sum3A_1660 : vector<16xi32>, vector<16xi1> -> vector<16xi32>
      %reduce_sum3A_1662 = vector.extract %reduce_sum3A_1661[15] : i32 from vector<16xi32>
      %add3A_1663 = arith.addi %add3A_1630, %reduce_sum3A_1662 : i32
      %get3A_1664 = arith.constant 6 : i32
      %get3A_1665 = arith.index_cast %get3A_1664 : i32 to index
      %get3A_1666 = arith.constant 16 : index
      %get3A_1667 = tpu.vector_load %arg15[%get3A_1665, %get3A_1666] {strides = array<i32>} : memref<8x128xi32, #tpu.memory_space<vmem>>, vector<16xi32>,
      %get3A_1668 = arith.constant 6 : i32
      %get3A_1669 = arith.index_cast %get3A_1668 : i32 to index
      %get3A_1670 = arith.constant 16 : index
      %get3A_1671 = tpu.vector_load %arg16[%get3A_1669, %get3A_1670] {strides = array<i32>} : memref<8x128xi32, #tpu.memory_space<vmem>>, vector<16xi32>,
      %masked_sort3A_1672 = arith.constant dense<true> : vector<16xi1>
      %masked_sort3A_1673 = arith.constant -2147483648 : i32
      %masked_sort3A_1674 = vector.broadcast %masked_sort3A_1673 : i32 to vector<16xi32>
      %masked_sort3A_1675 = arith.xori %get3A_1671, %masked_sort3A_1674 : vector<16xi32>
      %masked_sort3A_1676, %masked_sort3A_1677, %masked_sort3A_1678 = tpu.sort %masked_sort3A_1675, %get3A_1667 masked %masked_sort3A_1672 : (vector<16xi32>, vector<16xi32>, vector<16xi1>) -> (vector<16xi1>, vector<16xi32>, vector<16xi32>)
      %masked_sort3A_1679 = arith.xori %masked_sort3A_1677, %masked_sort3A_1674 : vector<16xi32>
      %swap3A_1680 = arith.index_cast %add3A_1663 : i32 to index
      %swap3A_1681 = tpu.vector_load %arg17[%swap3A_1680] {strides = array<i32>} : memref<1152xi32, #tpu.memory_space<vmem>>, vector<16xi32>,
      tpu.vector_store %arg17[%swap3A_1680], %masked_sort3A_1678 {strides = array<i32>} : memref<1152xi32, #tpu.memory_space<vmem>>, vector<16xi32>,
      %swap3A_1682 = arith.index_cast %add3A_1663 : i32 to index
      %swap3A_1683 = tpu.vector_load %arg18[%swap3A_1682] {strides = array<i32>} : memref<1152xi32, #tpu.memory_space<vmem>>, vector<16xi32>,
      tpu.vector_store %arg18[%swap3A_1682], %masked_sort3A_1679 {strides = array<i32>} : memref<1152xi32, #tpu.memory_space<vmem>>, vector<16xi32>,
      %lt3A_1684 = arith.constant 100000 : i32
      %lt3A_1685 = vector.broadcast %lt3A_1684 : i32 to vector<16xi32>
      %lt3A_1686 = arith.cmpi slt, %get3A_1671, %lt3A_1685 : vector<16xi32>
      %jit3A_1687 = arith.constant 1 : i32
      %jit3A_1688 = arith.constant 0 : i32
      %broadcast_in_dim3A_1689 = vector.broadcast %jit3A_1687 : i32 to vector<16xi32>
      %broadcast_in_dim3A_1690 = vector.broadcast %jit3A_1688 : i32 to vector<16xi32>
      %select_n3A_1691 = arith.select %lt3A_1686, %broadcast_in_dim3A_1689, %broadcast_in_dim3A_1690 : vector<16xi1>, vector<16xi32>
      %reduce_sum3A_1692 = arith.constant true
      %reduce_sum3A_1693 = vector.broadcast %reduce_sum3A_1692 : i1 to vector<16xi1>
      %reduce_sum3A_1694 = tpu.scan <sum>, %select_n3A_1691 masked %reduce_sum3A_1693 : vector<16xi32>, vector<16xi1> -> vector<16xi32>
      %reduce_sum3A_1695 = vector.extract %reduce_sum3A_1694[15] : i32 from vector<16xi32>
      %add3A_1696 = arith.addi %add3A_1663, %reduce_sum3A_1695 : i32
      %get3A_1697 = arith.constant 6 : i32
      %get3A_1698 = arith.index_cast %get3A_1697 : i32 to index
      %get3A_1699 = arith.constant 32 : index
      %get3A_1700 = tpu.vector_load %arg15[%get3A_1698, %get3A_1699] {strides = array<i32>} : memref<8x128xi32, #tpu.memory_space<vmem>>, vector<16xi32>,
      %get3A_1701 = arith.constant 6 : i32
      %get3A_1702 = arith.index_cast %get3A_1701 : i32 to index
      %get3A_1703 = arith.constant 32 : index
      %get3A_1704 = tpu.vector_load %arg16[%get3A_1702, %get3A_1703] {strides = array<i32>} : memref<8x128xi32, #tpu.memory_space<vmem>>, vector<16xi32>,
      %masked_sort3A_1705 = arith.constant dense<true> : vector<16xi1>
      %masked_sort3A_1706 = arith.constant -2147483648 : i32
      %masked_sort3A_1707 = vector.broadcast %masked_sort3A_1706 : i32 to vector<16xi32>
      %masked_sort3A_1708 = arith.xori %get3A_1704, %masked_sort3A_1707 : vector<16xi32>
      %masked_sort3A_1709, %masked_sort3A_1710, %masked_sort3A_1711 = tpu.sort %masked_sort3A_1708, %get3A_1700 masked %masked_sort3A_1705 : (vector<16xi32>, vector<16xi32>, vector<16xi1>) -> (vector<16xi1>, vector<16xi32>, vector<16xi32>)
      %masked_sort3A_1712 = arith.xori %masked_sort3A_1710, %masked_sort3A_1707 : vector<16xi32>
      %swap3A_1713 = arith.index_cast %add3A_1696 : i32 to index
      %swap3A_1714 = tpu.vector_load %arg17[%swap3A_1713] {strides = array<i32>} : memref<1152xi32, #tpu.memory_space<vmem>>, vector<16xi32>,
      tpu.vector_store %arg17[%swap3A_1713], %masked_sort3A_1711 {strides = array<i32>} : memref<1152xi32, #tpu.memory_space<vmem>>, vector<16xi32>,
      %swap3A_1715 = arith.index_cast %add3A_1696 : i32 to index
      %swap3A_1716 = tpu.vector_load %arg18[%swap3A_1715] {strides = array<i32>} : memref<1152xi32, #tpu.memory_space<vmem>>, vector<16xi32>,
      tpu.vector_store %arg18[%swap3A_1715], %masked_sort3A_1712 {strides = array<i32>} : memref<1152xi32, #tpu.memory_space<vmem>>, vector<16xi32>,
      %lt3A_1717 = arith.constant 100000 : i32
      %lt3A_1718 = vector.broadcast %lt3A_1717 : i32 to vector<16xi32>
      %lt3A_1719 = arith.cmpi slt, %get3A_1704, %lt3A_1718 : vector<16xi32>
      %jit3A_1720 = arith.constant 1 : i32
      %jit3A_1721 = arith.constant 0 : i32
      %broadcast_in_dim3A_1722 = vector.broadcast %jit3A_1720 : i32 to vector<16xi32>
      %broadcast_in_dim3A_1723 = vector.broadcast %jit3A_1721 : i32 to vector<16xi32>
      %select_n3A_1724 = arith.select %lt3A_1719, %broadcast_in_dim3A_1722, %broadcast_in_dim3A_1723 : vector<16xi1>, vector<16xi32>
      %reduce_sum3A_1725 = arith.constant true
      %reduce_sum3A_1726 = vector.broadcast %reduce_sum3A_1725 : i1 to vector<16xi1>
      %reduce_sum3A_1727 = tpu.scan <sum>, %select_n3A_1724 masked %reduce_sum3A_1726 : vector<16xi32>, vector<16xi1> -> vector<16xi32>
      %reduce_sum3A_1728 = vector.extract %reduce_sum3A_1727[15] : i32 from vector<16xi32>
      %add3A_1729 = arith.addi %add3A_1696, %reduce_sum3A_1728 : i32
      %get3A_1730 = arith.constant 6 : i32
      %get3A_1731 = arith.index_cast %get3A_1730 : i32 to index
      %get3A_1732 = arith.constant 48 : index
      %get3A_1733 = tpu.vector_load %arg15[%get3A_1731, %get3A_1732] {strides = array<i32>} : memref<8x128xi32, #tpu.memory_space<vmem>>, vector<16xi32>,
      %get3A_1734 = arith.constant 6 : i32
      %get3A_1735 = arith.index_cast %get3A_1734 : i32 to index
      %get3A_1736 = arith.constant 48 : index
      %get3A_1737 = tpu.vector_load %arg16[%get3A_1735, %get3A_1736] {strides = array<i32>} : memref<8x128xi32, #tpu.memory_space<vmem>>, vector<16xi32>,
      %masked_sort3A_1738 = arith.constant dense<true> : vector<16xi1>
      %masked_sort3A_1739 = arith.constant -2147483648 : i32
      %masked_sort3A_1740 = vector.broadcast %masked_sort3A_1739 : i32 to vector<16xi32>
      %masked_sort3A_1741 = arith.xori %get3A_1737, %masked_sort3A_1740 : vector<16xi32>
      %masked_sort3A_1742, %masked_sort3A_1743, %masked_sort3A_1744 = tpu.sort %masked_sort3A_1741, %get3A_1733 masked %masked_sort3A_1738 : (vector<16xi32>, vector<16xi32>, vector<16xi1>) -> (vector<16xi1>, vector<16xi32>, vector<16xi32>)
      %masked_sort3A_1745 = arith.xori %masked_sort3A_1743, %masked_sort3A_1740 : vector<16xi32>
      %swap3A_1746 = arith.index_cast %add3A_1729 : i32 to index
      %swap3A_1747 = tpu.vector_load %arg17[%swap3A_1746] {strides = array<i32>} : memref<1152xi32, #tpu.memory_space<vmem>>, vector<16xi32>,
      tpu.vector_store %arg17[%swap3A_1746], %masked_sort3A_1744 {strides = array<i32>} : memref<1152xi32, #tpu.memory_space<vmem>>, vector<16xi32>,
      %swap3A_1748 = arith.index_cast %add3A_1729 : i32 to index
      %swap3A_1749 = tpu.vector_load %arg18[%swap3A_1748] {strides = array<i32>} : memref<1152xi32, #tpu.memory_space<vmem>>, vector<16xi32>,
      tpu.vector_store %arg18[%swap3A_1748], %masked_sort3A_1745 {strides = array<i32>} : memref<1152xi32, #tpu.memory_space<vmem>>, vector<16xi32>,
      %lt3A_1750 = arith.constant 100000 : i32
      %lt3A_1751 = vector.broadcast %lt3A_1750 : i32 to vector<16xi32>
      %lt3A_1752 = arith.cmpi slt, %get3A_1737, %lt3A_1751 : vector<16xi32>
      %jit3A_1753 = arith.constant 1 : i32
      %jit3A_1754 = arith.constant 0 : i32
      %broadcast_in_dim3A_1755 = vector.broadcast %jit3A_1753 : i32 to vector<16xi32>
      %broadcast_in_dim3A_1756 = vector.broadcast %jit3A_1754 : i32 to vector<16xi32>
      %select_n3A_1757 = arith.select %lt3A_1752, %broadcast_in_dim3A_1755, %broadcast_in_dim3A_1756 : vector<16xi1>, vector<16xi32>
      %reduce_sum3A_1758 = arith.constant true
      %reduce_sum3A_1759 = vector.broadcast %reduce_sum3A_1758 : i1 to vector<16xi1>
      %reduce_sum3A_1760 = tpu.scan <sum>, %select_n3A_1757 masked %reduce_sum3A_1759 : vector<16xi32>, vector<16xi1> -> vector<16xi32>
      %reduce_sum3A_1761 = vector.extract %reduce_sum3A_1760[15] : i32 from vector<16xi32>
      %add3A_1762 = arith.addi %add3A_1729, %reduce_sum3A_1761 : i32
      %get3A_1763 = arith.constant 6 : i32
      %get3A_1764 = arith.index_cast %get3A_1763 : i32 to index
      %get3A_1765 = arith.constant 64 : index
      %get3A_1766 = tpu.vector_load %arg15[%get3A_1764, %get3A_1765] {strides = array<i32>} : memref<8x128xi32, #tpu.memory_space<vmem>>, vector<16xi32>,
      %get3A_1767 = arith.constant 6 : i32
      %get3A_1768 = arith.index_cast %get3A_1767 : i32 to index
      %get3A_1769 = arith.constant 64 : index
      %get3A_1770 = tpu.vector_load %arg16[%get3A_1768, %get3A_1769] {strides = array<i32>} : memref<8x128xi32, #tpu.memory_space<vmem>>, vector<16xi32>,
      %masked_sort3A_1771 = arith.constant dense<true> : vector<16xi1>
      %masked_sort3A_1772 = arith.constant -2147483648 : i32
      %masked_sort3A_1773 = vector.broadcast %masked_sort3A_1772 : i32 to vector<16xi32>
      %masked_sort3A_1774 = arith.xori %get3A_1770, %masked_sort3A_1773 : vector<16xi32>
      %masked_sort3A_1775, %masked_sort3A_1776, %masked_sort3A_1777 = tpu.sort %masked_sort3A_1774, %get3A_1766 masked %masked_sort3A_1771 : (vector<16xi32>, vector<16xi32>, vector<16xi1>) -> (vector<16xi1>, vector<16xi32>, vector<16xi32>)
      %masked_sort3A_1778 = arith.xori %masked_sort3A_1776, %masked_sort3A_1773 : vector<16xi32>
      %swap3A_1779 = arith.index_cast %add3A_1762 : i32 to index
      %swap3A_1780 = tpu.vector_load %arg17[%swap3A_1779] {strides = array<i32>} : memref<1152xi32, #tpu.memory_space<vmem>>, vector<16xi32>,
      tpu.vector_store %arg17[%swap3A_1779], %masked_sort3A_1777 {strides = array<i32>} : memref<1152xi32, #tpu.memory_space<vmem>>, vector<16xi32>,
      %swap3A_1781 = arith.index_cast %add3A_1762 : i32 to index
      %swap3A_1782 = tpu.vector_load %arg18[%swap3A_1781] {strides = array<i32>} : memref<1152xi32, #tpu.memory_space<vmem>>, vector<16xi32>,
      tpu.vector_store %arg18[%swap3A_1781], %masked_sort3A_1778 {strides = array<i32>} : memref<1152xi32, #tpu.memory_space<vmem>>, vector<16xi32>,
      %lt3A_1783 = arith.constant 100000 : i32
      %lt3A_1784 = vector.broadcast %lt3A_1783 : i32 to vector<16xi32>
      %lt3A_1785 = arith.cmpi slt, %get3A_1770, %lt3A_1784 : vector<16xi32>
      %jit3A_1786 = arith.constant 1 : i32
      %jit3A_1787 = arith.constant 0 : i32
      %broadcast_in_dim3A_1788 = vector.broadcast %jit3A_1786 : i32 to vector<16xi32>
      %broadcast_in_dim3A_1789 = vector.broadcast %jit3A_1787 : i32 to vector<16xi32>
      %select_n3A_1790 = arith.select %lt3A_1785, %broadcast_in_dim3A_1788, %broadcast_in_dim3A_1789 : vector<16xi1>, vector<16xi32>
      %reduce_sum3A_1791 = arith.constant true
      %reduce_sum3A_1792 = vector.broadcast %reduce_sum3A_1791 : i1 to vector<16xi1>
      %reduce_sum3A_1793 = tpu.scan <sum>, %select_n3A_1790 masked %reduce_sum3A_1792 : vector<16xi32>, vector<16xi1> -> vector<16xi32>
      %reduce_sum3A_1794 = vector.extract %reduce_sum3A_1793[15] : i32 from vector<16xi32>
      %add3A_1795 = arith.addi %add3A_1762, %reduce_sum3A_1794 : i32
      %get3A_1796 = arith.constant 6 : i32
      %get3A_1797 = arith.index_cast %get3A_1796 : i32 to index
      %get3A_1798 = arith.constant 80 : index
      %get3A_1799 = tpu.vector_load %arg15[%get3A_1797, %get3A_1798] {strides = array<i32>} : memref<8x128xi32, #tpu.memory_space<vmem>>, vector<16xi32>,
      %get3A_1800 = arith.constant 6 : i32
      %get3A_1801 = arith.index_cast %get3A_1800 : i32 to index
      %get3A_1802 = arith.constant 80 : index
      %get3A_1803 = tpu.vector_load %arg16[%get3A_1801, %get3A_1802] {strides = array<i32>} : memref<8x128xi32, #tpu.memory_space<vmem>>, vector<16xi32>,
      %masked_sort3A_1804 = arith.constant dense<true> : vector<16xi1>
      %masked_sort3A_1805 = arith.constant -2147483648 : i32
      %masked_sort3A_1806 = vector.broadcast %masked_sort3A_1805 : i32 to vector<16xi32>
      %masked_sort3A_1807 = arith.xori %get3A_1803, %masked_sort3A_1806 : vector<16xi32>
      %masked_sort3A_1808, %masked_sort3A_1809, %masked_sort3A_1810 = tpu.sort %masked_sort3A_1807, %get3A_1799 masked %masked_sort3A_1804 : (vector<16xi32>, vector<16xi32>, vector<16xi1>) -> (vector<16xi1>, vector<16xi32>, vector<16xi32>)
      %masked_sort3A_1811 = arith.xori %masked_sort3A_1809, %masked_sort3A_1806 : vector<16xi32>
      %swap3A_1812 = arith.index_cast %add3A_1795 : i32 to index
      %swap3A_1813 = tpu.vector_load %arg17[%swap3A_1812] {strides = array<i32>} : memref<1152xi32, #tpu.memory_space<vmem>>, vector<16xi32>,
      tpu.vector_store %arg17[%swap3A_1812], %masked_sort3A_1810 {strides = array<i32>} : memref<1152xi32, #tpu.memory_space<vmem>>, vector<16xi32>,
      %swap3A_1814 = arith.index_cast %add3A_1795 : i32 to index
      %swap3A_1815 = tpu.vector_load %arg18[%swap3A_1814] {strides = array<i32>} : memref<1152xi32, #tpu.memory_space<vmem>>, vector<16xi32>,
      tpu.vector_store %arg18[%swap3A_1814], %masked_sort3A_1811 {strides = array<i32>} : memref<1152xi32, #tpu.memory_space<vmem>>, vector<16xi32>,
      %lt3A_1816 = arith.constant 100000 : i32
      %lt3A_1817 = vector.broadcast %lt3A_1816 : i32 to vector<16xi32>
      %lt3A_1818 = arith.cmpi slt, %get3A_1803, %lt3A_1817 : vector<16xi32>
      %jit3A_1819 = arith.constant 1 : i32
      %jit3A_1820 = arith.constant 0 : i32
      %broadcast_in_dim3A_1821 = vector.broadcast %jit3A_1819 : i32 to vector<16xi32>
      %broadcast_in_dim3A_1822 = vector.broadcast %jit3A_1820 : i32 to vector<16xi32>
      %select_n3A_1823 = arith.select %lt3A_1818, %broadcast_in_dim3A_1821, %broadcast_in_dim3A_1822 : vector<16xi1>, vector<16xi32>
      %reduce_sum3A_1824 = arith.constant true
      %reduce_sum3A_1825 = vector.broadcast %reduce_sum3A_1824 : i1 to vector<16xi1>
      %reduce_sum3A_1826 = tpu.scan <sum>, %select_n3A_1823 masked %reduce_sum3A_1825 : vector<16xi32>, vector<16xi1> -> vector<16xi32>
      %reduce_sum3A_1827 = vector.extract %reduce_sum3A_1826[15] : i32 from vector<16xi32>
      %add3A_1828 = arith.addi %add3A_1795, %reduce_sum3A_1827 : i32
      %get3A_1829 = arith.constant 6 : i32
      %get3A_1830 = arith.index_cast %get3A_1829 : i32 to index
      %get3A_1831 = arith.constant 96 : index
      %get3A_1832 = tpu.vector_load %arg15[%get3A_1830, %get3A_1831] {strides = array<i32>} : memref<8x128xi32, #tpu.memory_space<vmem>>, vector<16xi32>,
      %get3A_1833 = arith.constant 6 : i32
      %get3A_1834 = arith.index_cast %get3A_1833 : i32 to index
      %get3A_1835 = arith.constant 96 : index
      %get3A_1836 = tpu.vector_load %arg16[%get3A_1834, %get3A_1835] {strides = array<i32>} : memref<8x128xi32, #tpu.memory_space<vmem>>, vector<16xi32>,
      %masked_sort3A_1837 = arith.constant dense<true> : vector<16xi1>
      %masked_sort3A_1838 = arith.constant -2147483648 : i32
      %masked_sort3A_1839 = vector.broadcast %masked_sort3A_1838 : i32 to vector<16xi32>
      %masked_sort3A_1840 = arith.xori %get3A_1836, %masked_sort3A_1839 : vector<16xi32>
      %masked_sort3A_1841, %masked_sort3A_1842, %masked_sort3A_1843 = tpu.sort %masked_sort3A_1840, %get3A_1832 masked %masked_sort3A_1837 : (vector<16xi32>, vector<16xi32>, vector<16xi1>) -> (vector<16xi1>, vector<16xi32>, vector<16xi32>)
      %masked_sort3A_1844 = arith.xori %masked_sort3A_1842, %masked_sort3A_1839 : vector<16xi32>
      %swap3A_1845 = arith.index_cast %add3A_1828 : i32 to index
      %swap3A_1846 = tpu.vector_load %arg17[%swap3A_1845] {strides = array<i32>} : memref<1152xi32, #tpu.memory_space<vmem>>, vector<16xi32>,
      tpu.vector_store %arg17[%swap3A_1845], %masked_sort3A_1843 {strides = array<i32>} : memref<1152xi32, #tpu.memory_space<vmem>>, vector<16xi32>,
      %swap3A_1847 = arith.index_cast %add3A_1828 : i32 to index
      %swap3A_1848 = tpu.vector_load %arg18[%swap3A_1847] {strides = array<i32>} : memref<1152xi32, #tpu.memory_space<vmem>>, vector<16xi32>,
      tpu.vector_store %arg18[%swap3A_1847], %masked_sort3A_1844 {strides = array<i32>} : memref<1152xi32, #tpu.memory_space<vmem>>, vector<16xi32>,
      %lt3A_1849 = arith.constant 100000 : i32
      %lt3A_1850 = vector.broadcast %lt3A_1849 : i32 to vector<16xi32>
      %lt3A_1851 = arith.cmpi slt, %get3A_1836, %lt3A_1850 : vector<16xi32>
      %jit3A_1852 = arith.constant 1 : i32
      %jit3A_1853 = arith.constant 0 : i32
      %broadcast_in_dim3A_1854 = vector.broadcast %jit3A_1852 : i32 to vector<16xi32>
      %broadcast_in_dim3A_1855 = vector.broadcast %jit3A_1853 : i32 to vector<16xi32>
      %select_n3A_1856 = arith.select %lt3A_1851, %broadcast_in_dim3A_1854, %broadcast_in_dim3A_1855 : vector<16xi1>, vector<16xi32>
      %reduce_sum3A_1857 = arith.constant true
      %reduce_sum3A_1858 = vector.broadcast %reduce_sum3A_1857 : i1 to vector<16xi1>
      %reduce_sum3A_1859 = tpu.scan <sum>, %select_n3A_1856 masked %reduce_sum3A_1858 : vector<16xi32>, vector<16xi1> -> vector<16xi32>
      %reduce_sum3A_1860 = vector.extract %reduce_sum3A_1859[15] : i32 from vector<16xi32>
      %add3A_1861 = arith.addi %add3A_1828, %reduce_sum3A_1860 : i32
      %get3A_1862 = arith.constant 6 : i32
      %get3A_1863 = arith.index_cast %get3A_1862 : i32 to index
      %get3A_1864 = arith.constant 112 : index
      %get3A_1865 = tpu.vector_load %arg15[%get3A_1863, %get3A_1864] {strides = array<i32>} : memref<8x128xi32, #tpu.memory_space<vmem>>, vector<16xi32>,
      %get3A_1866 = arith.constant 6 : i32
      %get3A_1867 = arith.index_cast %get3A_1866 : i32 to index
      %get3A_1868 = arith.constant 112 : index
      %get3A_1869 = tpu.vector_load %arg16[%get3A_1867, %get3A_1868] {strides = array<i32>} : memref<8x128xi32, #tpu.memory_space<vmem>>, vector<16xi32>,
      %masked_sort3A_1870 = arith.constant dense<true> : vector<16xi1>
      %masked_sort3A_1871 = arith.constant -2147483648 : i32
      %masked_sort3A_1872 = vector.broadcast %masked_sort3A_1871 : i32 to vector<16xi32>
      %masked_sort3A_1873 = arith.xori %get3A_1869, %masked_sort3A_1872 : vector<16xi32>
      %masked_sort3A_1874, %masked_sort3A_1875, %masked_sort3A_1876 = tpu.sort %masked_sort3A_1873, %get3A_1865 masked %masked_sort3A_1870 : (vector<16xi32>, vector<16xi32>, vector<16xi1>) -> (vector<16xi1>, vector<16xi32>, vector<16xi32>)
      %masked_sort3A_1877 = arith.xori %masked_sort3A_1875, %masked_sort3A_1872 : vector<16xi32>
      %swap3A_1878 = arith.index_cast %add3A_1861 : i32 to index
      %swap3A_1879 = tpu.vector_load %arg17[%swap3A_1878] {strides = array<i32>} : memref<1152xi32, #tpu.memory_space<vmem>>, vector<16xi32>,
      tpu.vector_store %arg17[%swap3A_1878], %masked_sort3A_1876 {strides = array<i32>} : memref<1152xi32, #tpu.memory_space<vmem>>, vector<16xi32>,
      %swap3A_1880 = arith.index_cast %add3A_1861 : i32 to index
      %swap3A_1881 = tpu.vector_load %arg18[%swap3A_1880] {strides = array<i32>} : memref<1152xi32, #tpu.memory_space<vmem>>, vector<16xi32>,
      tpu.vector_store %arg18[%swap3A_1880], %masked_sort3A_1877 {strides = array<i32>} : memref<1152xi32, #tpu.memory_space<vmem>>, vector<16xi32>,
      %lt3A_1882 = arith.constant 100000 : i32
      %lt3A_1883 = vector.broadcast %lt3A_1882 : i32 to vector<16xi32>
      %lt3A_1884 = arith.cmpi slt, %get3A_1869, %lt3A_1883 : vector<16xi32>
      %jit3A_1885 = arith.constant 1 : i32
      %jit3A_1886 = arith.constant 0 : i32
      %broadcast_in_dim3A_1887 = vector.broadcast %jit3A_1885 : i32 to vector<16xi32>
      %broadcast_in_dim3A_1888 = vector.broadcast %jit3A_1886 : i32 to vector<16xi32>
      %select_n3A_1889 = arith.select %lt3A_1884, %broadcast_in_dim3A_1887, %broadcast_in_dim3A_1888 : vector<16xi1>, vector<16xi32>
      %reduce_sum3A_1890 = arith.constant true
      %reduce_sum3A_1891 = vector.broadcast %reduce_sum3A_1890 : i1 to vector<16xi1>
      %reduce_sum3A_1892 = tpu.scan <sum>, %select_n3A_1889 masked %reduce_sum3A_1891 : vector<16xi32>, vector<16xi1> -> vector<16xi32>
      %reduce_sum3A_1893 = vector.extract %reduce_sum3A_1892[15] : i32 from vector<16xi32>
      %add3A_1894 = arith.addi %add3A_1861, %reduce_sum3A_1893 : i32
      %get3A_1895 = arith.constant 7 : i32
      %get3A_1896 = arith.index_cast %get3A_1895 : i32 to index
      %get3A_1897 = arith.constant 0 : index
      %get3A_1898 = tpu.vector_load %arg15[%get3A_1896, %get3A_1897] {strides = array<i32>} : memref<8x128xi32, #tpu.memory_space<vmem>>, vector<16xi32>,
      %get3A_1899 = arith.constant 7 : i32
      %get3A_1900 = arith.index_cast %get3A_1899 : i32 to index
      %get3A_1901 = arith.constant 0 : index
      %get3A_1902 = tpu.vector_load %arg16[%get3A_1900, %get3A_1901] {strides = array<i32>} : memref<8x128xi32, #tpu.memory_space<vmem>>, vector<16xi32>,
      %masked_sort3A_1903 = arith.constant dense<true> : vector<16xi1>
      %masked_sort3A_1904 = arith.constant -2147483648 : i32
      %masked_sort3A_1905 = vector.broadcast %masked_sort3A_1904 : i32 to vector<16xi32>
      %masked_sort3A_1906 = arith.xori %get3A_1902, %masked_sort3A_1905 : vector<16xi32>
      %masked_sort3A_1907, %masked_sort3A_1908, %masked_sort3A_1909 = tpu.sort %masked_sort3A_1906, %get3A_1898 masked %masked_sort3A_1903 : (vector<16xi32>, vector<16xi32>, vector<16xi1>) -> (vector<16xi1>, vector<16xi32>, vector<16xi32>)
      %masked_sort3A_1910 = arith.xori %masked_sort3A_1908, %masked_sort3A_1905 : vector<16xi32>
      %swap3A_1911 = arith.index_cast %add3A_1894 : i32 to index
      %swap3A_1912 = tpu.vector_load %arg17[%swap3A_1911] {strides = array<i32>} : memref<1152xi32, #tpu.memory_space<vmem>>, vector<16xi32>,
      tpu.vector_store %arg17[%swap3A_1911], %masked_sort3A_1909 {strides = array<i32>} : memref<1152xi32, #tpu.memory_space<vmem>>, vector<16xi32>,
      %swap3A_1913 = arith.index_cast %add3A_1894 : i32 to index
      %swap3A_1914 = tpu.vector_load %arg18[%swap3A_1913] {strides = array<i32>} : memref<1152xi32, #tpu.memory_space<vmem>>, vector<16xi32>,
      tpu.vector_store %arg18[%swap3A_1913], %masked_sort3A_1910 {strides = array<i32>} : memref<1152xi32, #tpu.memory_space<vmem>>, vector<16xi32>,
      %lt3A_1915 = arith.constant 100000 : i32
      %lt3A_1916 = vector.broadcast %lt3A_1915 : i32 to vector<16xi32>
      %lt3A_1917 = arith.cmpi slt, %get3A_1902, %lt3A_1916 : vector<16xi32>
      %jit3A_1918 = arith.constant 1 : i32
      %jit3A_1919 = arith.constant 0 : i32
      %broadcast_in_dim3A_1920 = vector.broadcast %jit3A_1918 : i32 to vector<16xi32>
      %broadcast_in_dim3A_1921 = vector.broadcast %jit3A_1919 : i32 to vector<16xi32>
      %select_n3A_1922 = arith.select %lt3A_1917, %broadcast_in_dim3A_1920, %broadcast_in_dim3A_1921 : vector<16xi1>, vector<16xi32>
      %reduce_sum3A_1923 = arith.constant true
      %reduce_sum3A_1924 = vector.broadcast %reduce_sum3A_1923 : i1 to vector<16xi1>
      %reduce_sum3A_1925 = tpu.scan <sum>, %select_n3A_1922 masked %reduce_sum3A_1924 : vector<16xi32>, vector<16xi1> -> vector<16xi32>
      %reduce_sum3A_1926 = vector.extract %reduce_sum3A_1925[15] : i32 from vector<16xi32>
      %add3A_1927 = arith.addi %add3A_1894, %reduce_sum3A_1926 : i32
      %get3A_1928 = arith.constant 7 : i32
      %get3A_1929 = arith.index_cast %get3A_1928 : i32 to index
      %get3A_1930 = arith.constant 16 : index
      %get3A_1931 = tpu.vector_load %arg15[%get3A_1929, %get3A_1930] {strides = array<i32>} : memref<8x128xi32, #tpu.memory_space<vmem>>, vector<16xi32>,
      %get3A_1932 = arith.constant 7 : i32
      %get3A_1933 = arith.index_cast %get3A_1932 : i32 to index
      %get3A_1934 = arith.constant 16 : index
      %get3A_1935 = tpu.vector_load %arg16[%get3A_1933, %get3A_1934] {strides = array<i32>} : memref<8x128xi32, #tpu.memory_space<vmem>>, vector<16xi32>,
      %masked_sort3A_1936 = arith.constant dense<true> : vector<16xi1>
      %masked_sort3A_1937 = arith.constant -2147483648 : i32
      %masked_sort3A_1938 = vector.broadcast %masked_sort3A_1937 : i32 to vector<16xi32>
      %masked_sort3A_1939 = arith.xori %get3A_1935, %masked_sort3A_1938 : vector<16xi32>
      %masked_sort3A_1940, %masked_sort3A_1941, %masked_sort3A_1942 = tpu.sort %masked_sort3A_1939, %get3A_1931 masked %masked_sort3A_1936 : (vector<16xi32>, vector<16xi32>, vector<16xi1>) -> (vector<16xi1>, vector<16xi32>, vector<16xi32>)
      %masked_sort3A_1943 = arith.xori %masked_sort3A_1941, %masked_sort3A_1938 : vector<16xi32>
      %swap3A_1944 = arith.index_cast %add3A_1927 : i32 to index
      %swap3A_1945 = tpu.vector_load %arg17[%swap3A_1944] {strides = array<i32>} : memref<1152xi32, #tpu.memory_space<vmem>>, vector<16xi32>,
      tpu.vector_store %arg17[%swap3A_1944], %masked_sort3A_1942 {strides = array<i32>} : memref<1152xi32, #tpu.memory_space<vmem>>, vector<16xi32>,
      %swap3A_1946 = arith.index_cast %add3A_1927 : i32 to index
      %swap3A_1947 = tpu.vector_load %arg18[%swap3A_1946] {strides = array<i32>} : memref<1152xi32, #tpu.memory_space<vmem>>, vector<16xi32>,
      tpu.vector_store %arg18[%swap3A_1946], %masked_sort3A_1943 {strides = array<i32>} : memref<1152xi32, #tpu.memory_space<vmem>>, vector<16xi32>,
      %lt3A_1948 = arith.constant 100000 : i32
      %lt3A_1949 = vector.broadcast %lt3A_1948 : i32 to vector<16xi32>
      %lt3A_1950 = arith.cmpi slt, %get3A_1935, %lt3A_1949 : vector<16xi32>
      %jit3A_1951 = arith.constant 1 : i32
      %jit3A_1952 = arith.constant 0 : i32
      %broadcast_in_dim3A_1953 = vector.broadcast %jit3A_1951 : i32 to vector<16xi32>
      %broadcast_in_dim3A_1954 = vector.broadcast %jit3A_1952 : i32 to vector<16xi32>
      %select_n3A_1955 = arith.select %lt3A_1950, %broadcast_in_dim3A_1953, %broadcast_in_dim3A_1954 : vector<16xi1>, vector<16xi32>
      %reduce_sum3A_1956 = arith.constant true
      %reduce_sum3A_1957 = vector.broadcast %reduce_sum3A_1956 : i1 to vector<16xi1>
      %reduce_sum3A_1958 = tpu.scan <sum>, %select_n3A_1955 masked %reduce_sum3A_1957 : vector<16xi32>, vector<16xi1> -> vector<16xi32>
      %reduce_sum3A_1959 = vector.extract %reduce_sum3A_1958[15] : i32 from vector<16xi32>
      %add3A_1960 = arith.addi %add3A_1927, %reduce_sum3A_1959 : i32
      %get3A_1961 = arith.constant 7 : i32
      %get3A_1962 = arith.index_cast %get3A_1961 : i32 to index
      %get3A_1963 = arith.constant 32 : index
      %get3A_1964 = tpu.vector_load %arg15[%get3A_1962, %get3A_1963] {strides = array<i32>} : memref<8x128xi32, #tpu.memory_space<vmem>>, vector<16xi32>,
      %get3A_1965 = arith.constant 7 : i32
      %get3A_1966 = arith.index_cast %get3A_1965 : i32 to index
      %get3A_1967 = arith.constant 32 : index
      %get3A_1968 = tpu.vector_load %arg16[%get3A_1966, %get3A_1967] {strides = array<i32>} : memref<8x128xi32, #tpu.memory_space<vmem>>, vector<16xi32>,
      %masked_sort3A_1969 = arith.constant dense<true> : vector<16xi1>
      %masked_sort3A_1970 = arith.constant -2147483648 : i32
      %masked_sort3A_1971 = vector.broadcast %masked_sort3A_1970 : i32 to vector<16xi32>
      %masked_sort3A_1972 = arith.xori %get3A_1968, %masked_sort3A_1971 : vector<16xi32>
      %masked_sort3A_1973, %masked_sort3A_1974, %masked_sort3A_1975 = tpu.sort %masked_sort3A_1972, %get3A_1964 masked %masked_sort3A_1969 : (vector<16xi32>, vector<16xi32>, vector<16xi1>) -> (vector<16xi1>, vector<16xi32>, vector<16xi32>)
      %masked_sort3A_1976 = arith.xori %masked_sort3A_1974, %masked_sort3A_1971 : vector<16xi32>
      %swap3A_1977 = arith.index_cast %add3A_1960 : i32 to index
      %swap3A_1978 = tpu.vector_load %arg17[%swap3A_1977] {strides = array<i32>} : memref<1152xi32, #tpu.memory_space<vmem>>, vector<16xi32>,
      tpu.vector_store %arg17[%swap3A_1977], %masked_sort3A_1975 {strides = array<i32>} : memref<1152xi32, #tpu.memory_space<vmem>>, vector<16xi32>,
      %swap3A_1979 = arith.index_cast %add3A_1960 : i32 to index
      %swap3A_1980 = tpu.vector_load %arg18[%swap3A_1979] {strides = array<i32>} : memref<1152xi32, #tpu.memory_space<vmem>>, vector<16xi32>,
      tpu.vector_store %arg18[%swap3A_1979], %masked_sort3A_1976 {strides = array<i32>} : memref<1152xi32, #tpu.memory_space<vmem>>, vector<16xi32>,
      %lt3A_1981 = arith.constant 100000 : i32
      %lt3A_1982 = vector.broadcast %lt3A_1981 : i32 to vector<16xi32>
      %lt3A_1983 = arith.cmpi slt, %get3A_1968, %lt3A_1982 : vector<16xi32>
      %jit3A_1984 = arith.constant 1 : i32
      %jit3A_1985 = arith.constant 0 : i32
      %broadcast_in_dim3A_1986 = vector.broadcast %jit3A_1984 : i32 to vector<16xi32>
      %broadcast_in_dim3A_1987 = vector.broadcast %jit3A_1985 : i32 to vector<16xi32>
      %select_n3A_1988 = arith.select %lt3A_1983, %broadcast_in_dim3A_1986, %broadcast_in_dim3A_1987 : vector<16xi1>, vector<16xi32>
      %reduce_sum3A_1989 = arith.constant true
      %reduce_sum3A_1990 = vector.broadcast %reduce_sum3A_1989 : i1 to vector<16xi1>
      %reduce_sum3A_1991 = tpu.scan <sum>, %select_n3A_1988 masked %reduce_sum3A_1990 : vector<16xi32>, vector<16xi1> -> vector<16xi32>
      %reduce_sum3A_1992 = vector.extract %reduce_sum3A_1991[15] : i32 from vector<16xi32>
      %add3A_1993 = arith.addi %add3A_1960, %reduce_sum3A_1992 : i32
      %get3A_1994 = arith.constant 7 : i32
      %get3A_1995 = arith.index_cast %get3A_1994 : i32 to index
      %get3A_1996 = arith.constant 48 : index
      %get3A_1997 = tpu.vector_load %arg15[%get3A_1995, %get3A_1996] {strides = array<i32>} : memref<8x128xi32, #tpu.memory_space<vmem>>, vector<16xi32>,
      %get3A_1998 = arith.constant 7 : i32
      %get3A_1999 = arith.index_cast %get3A_1998 : i32 to index
      %get3A_2000 = arith.constant 48 : index
      %get3A_2001 = tpu.vector_load %arg16[%get3A_1999, %get3A_2000] {strides = array<i32>} : memref<8x128xi32, #tpu.memory_space<vmem>>, vector<16xi32>,
      %masked_sort3A_2002 = arith.constant dense<true> : vector<16xi1>
      %masked_sort3A_2003 = arith.constant -2147483648 : i32
      %masked_sort3A_2004 = vector.broadcast %masked_sort3A_2003 : i32 to vector<16xi32>
      %masked_sort3A_2005 = arith.xori %get3A_2001, %masked_sort3A_2004 : vector<16xi32>
      %masked_sort3A_2006, %masked_sort3A_2007, %masked_sort3A_2008 = tpu.sort %masked_sort3A_2005, %get3A_1997 masked %masked_sort3A_2002 : (vector<16xi32>, vector<16xi32>, vector<16xi1>) -> (vector<16xi1>, vector<16xi32>, vector<16xi32>)
      %masked_sort3A_2009 = arith.xori %masked_sort3A_2007, %masked_sort3A_2004 : vector<16xi32>
      %swap3A_2010 = arith.index_cast %add3A_1993 : i32 to index
      %swap3A_2011 = tpu.vector_load %arg17[%swap3A_2010] {strides = array<i32>} : memref<1152xi32, #tpu.memory_space<vmem>>, vector<16xi32>,
      tpu.vector_store %arg17[%swap3A_2010], %masked_sort3A_2008 {strides = array<i32>} : memref<1152xi32, #tpu.memory_space<vmem>>, vector<16xi32>,
      %swap3A_2012 = arith.index_cast %add3A_1993 : i32 to index
      %swap3A_2013 = tpu.vector_load %arg18[%swap3A_2012] {strides = array<i32>} : memref<1152xi32, #tpu.memory_space<vmem>>, vector<16xi32>,
      tpu.vector_store %arg18[%swap3A_2012], %masked_sort3A_2009 {strides = array<i32>} : memref<1152xi32, #tpu.memory_space<vmem>>, vector<16xi32>,
      %lt3A_2014 = arith.constant 100000 : i32
      %lt3A_2015 = vector.broadcast %lt3A_2014 : i32 to vector<16xi32>
      %lt3A_2016 = arith.cmpi slt, %get3A_2001, %lt3A_2015 : vector<16xi32>
      %jit3A_2017 = arith.constant 1 : i32
      %jit3A_2018 = arith.constant 0 : i32
      %broadcast_in_dim3A_2019 = vector.broadcast %jit3A_2017 : i32 to vector<16xi32>
      %broadcast_in_dim3A_2020 = vector.broadcast %jit3A_2018 : i32 to vector<16xi32>
      %select_n3A_2021 = arith.select %lt3A_2016, %broadcast_in_dim3A_2019, %broadcast_in_dim3A_2020 : vector<16xi1>, vector<16xi32>
      %reduce_sum3A_2022 = arith.constant true
      %reduce_sum3A_2023 = vector.broadcast %reduce_sum3A_2022 : i1 to vector<16xi1>
      %reduce_sum3A_2024 = tpu.scan <sum>, %select_n3A_2021 masked %reduce_sum3A_2023 : vector<16xi32>, vector<16xi1> -> vector<16xi32>
      %reduce_sum3A_2025 = vector.extract %reduce_sum3A_2024[15] : i32 from vector<16xi32>
      %add3A_2026 = arith.addi %add3A_1993, %reduce_sum3A_2025 : i32
      %get3A_2027 = arith.constant 7 : i32
      %get3A_2028 = arith.index_cast %get3A_2027 : i32 to index
      %get3A_2029 = arith.constant 64 : index
      %get3A_2030 = tpu.vector_load %arg15[%get3A_2028, %get3A_2029] {strides = array<i32>} : memref<8x128xi32, #tpu.memory_space<vmem>>, vector<16xi32>,
      %get3A_2031 = arith.constant 7 : i32
      %get3A_2032 = arith.index_cast %get3A_2031 : i32 to index
      %get3A_2033 = arith.constant 64 : index
      %get3A_2034 = tpu.vector_load %arg16[%get3A_2032, %get3A_2033] {strides = array<i32>} : memref<8x128xi32, #tpu.memory_space<vmem>>, vector<16xi32>,
      %masked_sort3A_2035 = arith.constant dense<true> : vector<16xi1>
      %masked_sort3A_2036 = arith.constant -2147483648 : i32
      %masked_sort3A_2037 = vector.broadcast %masked_sort3A_2036 : i32 to vector<16xi32>
      %masked_sort3A_2038 = arith.xori %get3A_2034, %masked_sort3A_2037 : vector<16xi32>
      %masked_sort3A_2039, %masked_sort3A_2040, %masked_sort3A_2041 = tpu.sort %masked_sort3A_2038, %get3A_2030 masked %masked_sort3A_2035 : (vector<16xi32>, vector<16xi32>, vector<16xi1>) -> (vector<16xi1>, vector<16xi32>, vector<16xi32>)
      %masked_sort3A_2042 = arith.xori %masked_sort3A_2040, %masked_sort3A_2037 : vector<16xi32>
      %swap3A_2043 = arith.index_cast %add3A_2026 : i32 to index
      %swap3A_2044 = tpu.vector_load %arg17[%swap3A_2043] {strides = array<i32>} : memref<1152xi32, #tpu.memory_space<vmem>>, vector<16xi32>,
      tpu.vector_store %arg17[%swap3A_2043], %masked_sort3A_2041 {strides = array<i32>} : memref<1152xi32, #tpu.memory_space<vmem>>, vector<16xi32>,
      %swap3A_2045 = arith.index_cast %add3A_2026 : i32 to index
      %swap3A_2046 = tpu.vector_load %arg18[%swap3A_2045] {strides = array<i32>} : memref<1152xi32, #tpu.memory_space<vmem>>, vector<16xi32>,
      tpu.vector_store %arg18[%swap3A_2045], %masked_sort3A_2042 {strides = array<i32>} : memref<1152xi32, #tpu.memory_space<vmem>>, vector<16xi32>,
      %lt3A_2047 = arith.constant 100000 : i32
      %lt3A_2048 = vector.broadcast %lt3A_2047 : i32 to vector<16xi32>
      %lt3A_2049 = arith.cmpi slt, %get3A_2034, %lt3A_2048 : vector<16xi32>
      %jit3A_2050 = arith.constant 1 : i32
      %jit3A_2051 = arith.constant 0 : i32
      %broadcast_in_dim3A_2052 = vector.broadcast %jit3A_2050 : i32 to vector<16xi32>
      %broadcast_in_dim3A_2053 = vector.broadcast %jit3A_2051 : i32 to vector<16xi32>
      %select_n3A_2054 = arith.select %lt3A_2049, %broadcast_in_dim3A_2052, %broadcast_in_dim3A_2053 : vector<16xi1>, vector<16xi32>
      %reduce_sum3A_2055 = arith.constant true
      %reduce_sum3A_2056 = vector.broadcast %reduce_sum3A_2055 : i1 to vector<16xi1>
      %reduce_sum3A_2057 = tpu.scan <sum>, %select_n3A_2054 masked %reduce_sum3A_2056 : vector<16xi32>, vector<16xi1> -> vector<16xi32>
      %reduce_sum3A_2058 = vector.extract %reduce_sum3A_2057[15] : i32 from vector<16xi32>
      %add3A_2059 = arith.addi %add3A_2026, %reduce_sum3A_2058 : i32
      %get3A_2060 = arith.constant 7 : i32
      %get3A_2061 = arith.index_cast %get3A_2060 : i32 to index
      %get3A_2062 = arith.constant 80 : index
      %get3A_2063 = tpu.vector_load %arg15[%get3A_2061, %get3A_2062] {strides = array<i32>} : memref<8x128xi32, #tpu.memory_space<vmem>>, vector<16xi32>,
      %get3A_2064 = arith.constant 7 : i32
      %get3A_2065 = arith.index_cast %get3A_2064 : i32 to index
      %get3A_2066 = arith.constant 80 : index
      %get3A_2067 = tpu.vector_load %arg16[%get3A_2065, %get3A_2066] {strides = array<i32>} : memref<8x128xi32, #tpu.memory_space<vmem>>, vector<16xi32>,
      %masked_sort3A_2068 = arith.constant dense<true> : vector<16xi1>
      %masked_sort3A_2069 = arith.constant -2147483648 : i32
      %masked_sort3A_2070 = vector.broadcast %masked_sort3A_2069 : i32 to vector<16xi32>
      %masked_sort3A_2071 = arith.xori %get3A_2067, %masked_sort3A_2070 : vector<16xi32>
      %masked_sort3A_2072, %masked_sort3A_2073, %masked_sort3A_2074 = tpu.sort %masked_sort3A_2071, %get3A_2063 masked %masked_sort3A_2068 : (vector<16xi32>, vector<16xi32>, vector<16xi1>) -> (vector<16xi1>, vector<16xi32>, vector<16xi32>)
      %masked_sort3A_2075 = arith.xori %masked_sort3A_2073, %masked_sort3A_2070 : vector<16xi32>
      %swap3A_2076 = arith.index_cast %add3A_2059 : i32 to index
      %swap3A_2077 = tpu.vector_load %arg17[%swap3A_2076] {strides = array<i32>} : memref<1152xi32, #tpu.memory_space<vmem>>, vector<16xi32>,
      tpu.vector_store %arg17[%swap3A_2076], %masked_sort3A_2074 {strides = array<i32>} : memref<1152xi32, #tpu.memory_space<vmem>>, vector<16xi32>,
      %swap3A_2078 = arith.index_cast %add3A_2059 : i32 to index
      %swap3A_2079 = tpu.vector_load %arg18[%swap3A_2078] {strides = array<i32>} : memref<1152xi32, #tpu.memory_space<vmem>>, vector<16xi32>,
      tpu.vector_store %arg18[%swap3A_2078], %masked_sort3A_2075 {strides = array<i32>} : memref<1152xi32, #tpu.memory_space<vmem>>, vector<16xi32>,
      %lt3A_2080 = arith.constant 100000 : i32
      %lt3A_2081 = vector.broadcast %lt3A_2080 : i32 to vector<16xi32>
      %lt3A_2082 = arith.cmpi slt, %get3A_2067, %lt3A_2081 : vector<16xi32>
      %jit3A_2083 = arith.constant 1 : i32
      %jit3A_2084 = arith.constant 0 : i32
      %broadcast_in_dim3A_2085 = vector.broadcast %jit3A_2083 : i32 to vector<16xi32>
      %broadcast_in_dim3A_2086 = vector.broadcast %jit3A_2084 : i32 to vector<16xi32>
      %select_n3A_2087 = arith.select %lt3A_2082, %broadcast_in_dim3A_2085, %broadcast_in_dim3A_2086 : vector<16xi1>, vector<16xi32>
      %reduce_sum3A_2088 = arith.constant true
      %reduce_sum3A_2089 = vector.broadcast %reduce_sum3A_2088 : i1 to vector<16xi1>
      %reduce_sum3A_2090 = tpu.scan <sum>, %select_n3A_2087 masked %reduce_sum3A_2089 : vector<16xi32>, vector<16xi1> -> vector<16xi32>
      %reduce_sum3A_2091 = vector.extract %reduce_sum3A_2090[15] : i32 from vector<16xi32>
      %add3A_2092 = arith.addi %add3A_2059, %reduce_sum3A_2091 : i32
      %get3A_2093 = arith.constant 7 : i32
      %get3A_2094 = arith.index_cast %get3A_2093 : i32 to index
      %get3A_2095 = arith.constant 96 : index
      %get3A_2096 = tpu.vector_load %arg15[%get3A_2094, %get3A_2095] {strides = array<i32>} : memref<8x128xi32, #tpu.memory_space<vmem>>, vector<16xi32>,
      %get3A_2097 = arith.constant 7 : i32
      %get3A_2098 = arith.index_cast %get3A_2097 : i32 to index
      %get3A_2099 = arith.constant 96 : index
      %get3A_2100 = tpu.vector_load %arg16[%get3A_2098, %get3A_2099] {strides = array<i32>} : memref<8x128xi32, #tpu.memory_space<vmem>>, vector<16xi32>,
      %masked_sort3A_2101 = arith.constant dense<true> : vector<16xi1>
      %masked_sort3A_2102 = arith.constant -2147483648 : i32
      %masked_sort3A_2103 = vector.broadcast %masked_sort3A_2102 : i32 to vector<16xi32>
      %masked_sort3A_2104 = arith.xori %get3A_2100, %masked_sort3A_2103 : vector<16xi32>
      %masked_sort3A_2105, %masked_sort3A_2106, %masked_sort3A_2107 = tpu.sort %masked_sort3A_2104, %get3A_2096 masked %masked_sort3A_2101 : (vector<16xi32>, vector<16xi32>, vector<16xi1>) -> (vector<16xi1>, vector<16xi32>, vector<16xi32>)
      %masked_sort3A_2108 = arith.xori %masked_sort3A_2106, %masked_sort3A_2103 : vector<16xi32>
      %swap3A_2109 = arith.index_cast %add3A_2092 : i32 to index
      %swap3A_2110 = tpu.vector_load %arg17[%swap3A_2109] {strides = array<i32>} : memref<1152xi32, #tpu.memory_space<vmem>>, vector<16xi32>,
      tpu.vector_store %arg17[%swap3A_2109], %masked_sort3A_2107 {strides = array<i32>} : memref<1152xi32, #tpu.memory_space<vmem>>, vector<16xi32>,
      %swap3A_2111 = arith.index_cast %add3A_2092 : i32 to index
      %swap3A_2112 = tpu.vector_load %arg18[%swap3A_2111] {strides = array<i32>} : memref<1152xi32, #tpu.memory_space<vmem>>, vector<16xi32>,
      tpu.vector_store %arg18[%swap3A_2111], %masked_sort3A_2108 {strides = array<i32>} : memref<1152xi32, #tpu.memory_space<vmem>>, vector<16xi32>,
      %lt3A_2113 = arith.constant 100000 : i32
      %lt3A_2114 = vector.broadcast %lt3A_2113 : i32 to vector<16xi32>
      %lt3A_2115 = arith.cmpi slt, %get3A_2100, %lt3A_2114 : vector<16xi32>
      %jit3A_2116 = arith.constant 1 : i32
      %jit3A_2117 = arith.constant 0 : i32
      %broadcast_in_dim3A_2118 = vector.broadcast %jit3A_2116 : i32 to vector<16xi32>
      %broadcast_in_dim3A_2119 = vector.broadcast %jit3A_2117 : i32 to vector<16xi32>
      %select_n3A_2120 = arith.select %lt3A_2115, %broadcast_in_dim3A_2118, %broadcast_in_dim3A_2119 : vector<16xi1>, vector<16xi32>
      %reduce_sum3A_2121 = arith.constant true
      %reduce_sum3A_2122 = vector.broadcast %reduce_sum3A_2121 : i1 to vector<16xi1>
      %reduce_sum3A_2123 = tpu.scan <sum>, %select_n3A_2120 masked %reduce_sum3A_2122 : vector<16xi32>, vector<16xi1> -> vector<16xi32>
      %reduce_sum3A_2124 = vector.extract %reduce_sum3A_2123[15] : i32 from vector<16xi32>
      %add3A_2125 = arith.addi %add3A_2092, %reduce_sum3A_2124 : i32
      %get3A_2126 = arith.constant 7 : i32
      %get3A_2127 = arith.index_cast %get3A_2126 : i32 to index
      %get3A_2128 = arith.constant 112 : index
      %get3A_2129 = tpu.vector_load %arg15[%get3A_2127, %get3A_2128] {strides = array<i32>} : memref<8x128xi32, #tpu.memory_space<vmem>>, vector<16xi32>,
      %get3A_2130 = arith.constant 7 : i32
      %get3A_2131 = arith.index_cast %get3A_2130 : i32 to index
      %get3A_2132 = arith.constant 112 : index
      %get3A_2133 = tpu.vector_load %arg16[%get3A_2131, %get3A_2132] {strides = array<i32>} : memref<8x128xi32, #tpu.memory_space<vmem>>, vector<16xi32>,
      %masked_sort3A_2134 = arith.constant dense<true> : vector<16xi1>
      %masked_sort3A_2135 = arith.constant -2147483648 : i32
      %masked_sort3A_2136 = vector.broadcast %masked_sort3A_2135 : i32 to vector<16xi32>
      %masked_sort3A_2137 = arith.xori %get3A_2133, %masked_sort3A_2136 : vector<16xi32>
      %masked_sort3A_2138, %masked_sort3A_2139, %masked_sort3A_2140 = tpu.sort %masked_sort3A_2137, %get3A_2129 masked %masked_sort3A_2134 : (vector<16xi32>, vector<16xi32>, vector<16xi1>) -> (vector<16xi1>, vector<16xi32>, vector<16xi32>)
      %masked_sort3A_2141 = arith.xori %masked_sort3A_2139, %masked_sort3A_2136 : vector<16xi32>
      %swap3A_2142 = arith.index_cast %add3A_2125 : i32 to index
      %swap3A_2143 = tpu.vector_load %arg17[%swap3A_2142] {strides = array<i32>} : memref<1152xi32, #tpu.memory_space<vmem>>, vector<16xi32>,
      tpu.vector_store %arg17[%swap3A_2142], %masked_sort3A_2140 {strides = array<i32>} : memref<1152xi32, #tpu.memory_space<vmem>>, vector<16xi32>,
      %swap3A_2144 = arith.index_cast %add3A_2125 : i32 to index
      %swap3A_2145 = tpu.vector_load %arg18[%swap3A_2144] {strides = array<i32>} : memref<1152xi32, #tpu.memory_space<vmem>>, vector<16xi32>,
      tpu.vector_store %arg18[%swap3A_2144], %masked_sort3A_2141 {strides = array<i32>} : memref<1152xi32, #tpu.memory_space<vmem>>, vector<16xi32>,
      %lt3A_2146 = arith.constant 100000 : i32
      %lt3A_2147 = vector.broadcast %lt3A_2146 : i32 to vector<16xi32>
      %lt3A_2148 = arith.cmpi slt, %get3A_2133, %lt3A_2147 : vector<16xi32>
      %jit3A_2149 = arith.constant 1 : i32
      %jit3A_2150 = arith.constant 0 : i32
      %broadcast_in_dim3A_2151 = vector.broadcast %jit3A_2149 : i32 to vector<16xi32>
      %broadcast_in_dim3A_2152 = vector.broadcast %jit3A_2150 : i32 to vector<16xi32>
      %select_n3A_2153 = arith.select %lt3A_2148, %broadcast_in_dim3A_2151, %broadcast_in_dim3A_2152 : vector<16xi1>, vector<16xi32>
      %reduce_sum3A_2154 = arith.constant true
      %reduce_sum3A_2155 = vector.broadcast %reduce_sum3A_2154 : i1 to vector<16xi1>
      %reduce_sum3A_2156 = tpu.scan <sum>, %select_n3A_2153 masked %reduce_sum3A_2155 : vector<16xi32>, vector<16xi1> -> vector<16xi32>
      %reduce_sum3A_2157 = vector.extract %reduce_sum3A_2156[15] : i32 from vector<16xi32>
      %add3A_2158 = arith.addi %add3A_2125, %reduce_sum3A_2157 : i32
      %add3A_2159 = arith.constant 128 : i32
      %add3A_2160 = arith.addi %add3A_2158, %add3A_2159 : i32
      %sub3A = arith.constant 1 : i32
      %sub3A_2161 = arith.subi %add3A_2160, %sub3A : i32
      %shift_right_logical3A = arith.constant 7 : i32
      %shift_right_logical3A_2162 = arith.shrui %sub3A_2161, %shift_right_logical3A : i32
      %shift_left3A = arith.constant 7 : i32
      %shift_left3A_2163 = arith.shli %shift_right_logical3A_2162, %shift_left3A : i32
      %add3A_2164 = arith.constant 0 : i32
      %add3A_2165 = arith.addi %add3A_2158, %add3A_2164 : i32
      %lt3A_2166 = arith.cmpi slt, %add3A_2165, %shift_left3A_2163 : i32
      %convert_element_type3A = arith.extui %lt3A_2166 : i1 to i32
      %cond3A = arith.constant 0 : i32
      %cond3A_2167 = arith.cmpi ne, %convert_element_type3A, %cond3A : i32
      scf.if %cond3A_2167 {
        %broadcast_in_dim3A_2369 = arith.constant 100000 : i32
        %broadcast_in_dim3A_2370 = vector.broadcast %broadcast_in_dim3A_2369 : i32 to vector<16xi32>
        %add3A_2371 = arith.constant 0 : i32
        %add3A_2372 = arith.addi %add3A_2158, %add3A_2371 : i32
        %swap3A_2373 = arith.index_cast %add3A_2372 : i32 to index
        %swap3A_2374 = tpu.vector_load %arg18[%swap3A_2373] {strides = array<i32>} : memref<1152xi32, #tpu.memory_space<vmem>>, vector<16xi32>,
        tpu.vector_store %arg18[%swap3A_2373], %broadcast_in_dim3A_2370 {strides = array<i32>} : memref<1152xi32, #tpu.memory_space<vmem>>, vector<16xi32>,
        %mul3A_2375 = arith.constant 61 : i32
        %mul3A_2376 = vector.broadcast %mul3A_2375 : i32 to vector<16xi32>
        %mul3A_2377 = arith.muli %iota3A, %mul3A_2376 : vector<16xi32>
        %add3A_2378 = arith.constant 0 : i32
        %add3A_2379 = vector.broadcast %add3A_2378 : i32 to vector<16xi32>
        %add3A_2380 = arith.addi %mul3A_2377, %add3A_2379 : vector<16xi32>
        %add3A_2381 = arith.constant 0 : i32
        %add3A_2382 = arith.addi %add3A_2158, %add3A_2381 : i32
        %swap3A_2383 = arith.index_cast %add3A_2382 : i32 to index
        %swap3A_2384 = tpu.vector_load %arg17[%swap3A_2383] {strides = array<i32>} : memref<1152xi32, #tpu.memory_space<vmem>>, vector<16xi32>,
        tpu.vector_store %arg17[%swap3A_2383], %add3A_2380 {strides = array<i32>} : memref<1152xi32, #tpu.memory_space<vmem>>, vector<16xi32>,
      } else {
      }
      %add3A_2168 = arith.constant 16 : i32
      %add3A_2169 = arith.addi %add3A_2158, %add3A_2168 : i32
      %lt3A_2170 = arith.cmpi slt, %add3A_2169, %shift_left3A_2163 : i32
      %convert_element_type3A_2171 = arith.extui %lt3A_2170 : i1 to i32
      %cond3A_2172 = arith.constant 0 : i32
      %cond3A_2173 = arith.cmpi ne, %convert_element_type3A_2171, %cond3A_2172 : i32
      scf.if %cond3A_2173 {
        %broadcast_in_dim3A_2369 = arith.constant 100000 : i32
        %broadcast_in_dim3A_2370 = vector.broadcast %broadcast_in_dim3A_2369 : i32 to vector<16xi32>
        %add3A_2371 = arith.constant 16 : i32
        %add3A_2372 = arith.addi %add3A_2158, %add3A_2371 : i32
        %swap3A_2373 = arith.index_cast %add3A_2372 : i32 to index
        %swap3A_2374 = tpu.vector_load %arg18[%swap3A_2373] {strides = array<i32>} : memref<1152xi32, #tpu.memory_space<vmem>>, vector<16xi32>,
        tpu.vector_store %arg18[%swap3A_2373], %broadcast_in_dim3A_2370 {strides = array<i32>} : memref<1152xi32, #tpu.memory_space<vmem>>, vector<16xi32>,
        %mul3A_2375 = arith.constant 61 : i32
        %mul3A_2376 = vector.broadcast %mul3A_2375 : i32 to vector<16xi32>
        %mul3A_2377 = arith.muli %iota3A, %mul3A_2376 : vector<16xi32>
        %add3A_2378 = arith.constant 16 : i32
        %add3A_2379 = vector.broadcast %add3A_2378 : i32 to vector<16xi32>
        %add3A_2380 = arith.addi %mul3A_2377, %add3A_2379 : vector<16xi32>
        %add3A_2381 = arith.constant 16 : i32
        %add3A_2382 = arith.addi %add3A_2158, %add3A_2381 : i32
        %swap3A_2383 = arith.index_cast %add3A_2382 : i32 to index
        %swap3A_2384 = tpu.vector_load %arg17[%swap3A_2383] {strides = array<i32>} : memref<1152xi32, #tpu.memory_space<vmem>>, vector<16xi32>,
        tpu.vector_store %arg17[%swap3A_2383], %add3A_2380 {strides = array<i32>} : memref<1152xi32, #tpu.memory_space<vmem>>, vector<16xi32>,
      } else {
      }
      %add3A_2174 = arith.constant 32 : i32
      %add3A_2175 = arith.addi %add3A_2158, %add3A_2174 : i32
      %lt3A_2176 = arith.cmpi slt, %add3A_2175, %shift_left3A_2163 : i32
      %convert_element_type3A_2177 = arith.extui %lt3A_2176 : i1 to i32
      %cond3A_2178 = arith.constant 0 : i32
      %cond3A_2179 = arith.cmpi ne, %convert_element_type3A_2177, %cond3A_2178 : i32
      scf.if %cond3A_2179 {
        %broadcast_in_dim3A_2369 = arith.constant 100000 : i32
        %broadcast_in_dim3A_2370 = vector.broadcast %broadcast_in_dim3A_2369 : i32 to vector<16xi32>
        %add3A_2371 = arith.constant 32 : i32
        %add3A_2372 = arith.addi %add3A_2158, %add3A_2371 : i32
        %swap3A_2373 = arith.index_cast %add3A_2372 : i32 to index
        %swap3A_2374 = tpu.vector_load %arg18[%swap3A_2373] {strides = array<i32>} : memref<1152xi32, #tpu.memory_space<vmem>>, vector<16xi32>,
        tpu.vector_store %arg18[%swap3A_2373], %broadcast_in_dim3A_2370 {strides = array<i32>} : memref<1152xi32, #tpu.memory_space<vmem>>, vector<16xi32>,
        %mul3A_2375 = arith.constant 61 : i32
        %mul3A_2376 = vector.broadcast %mul3A_2375 : i32 to vector<16xi32>
        %mul3A_2377 = arith.muli %iota3A, %mul3A_2376 : vector<16xi32>
        %add3A_2378 = arith.constant 32 : i32
        %add3A_2379 = vector.broadcast %add3A_2378 : i32 to vector<16xi32>
        %add3A_2380 = arith.addi %mul3A_2377, %add3A_2379 : vector<16xi32>
        %add3A_2381 = arith.constant 32 : i32
        %add3A_2382 = arith.addi %add3A_2158, %add3A_2381 : i32
        %swap3A_2383 = arith.index_cast %add3A_2382 : i32 to index
        %swap3A_2384 = tpu.vector_load %arg17[%swap3A_2383] {strides = array<i32>} : memref<1152xi32, #tpu.memory_space<vmem>>, vector<16xi32>,
        tpu.vector_store %arg17[%swap3A_2383], %add3A_2380 {strides = array<i32>} : memref<1152xi32, #tpu.memory_space<vmem>>, vector<16xi32>,
      } else {
      }
      %add3A_2180 = arith.constant 48 : i32
      %add3A_2181 = arith.addi %add3A_2158, %add3A_2180 : i32
      %lt3A_2182 = arith.cmpi slt, %add3A_2181, %shift_left3A_2163 : i32
      %convert_element_type3A_2183 = arith.extui %lt3A_2182 : i1 to i32
      %cond3A_2184 = arith.constant 0 : i32
      %cond3A_2185 = arith.cmpi ne, %convert_element_type3A_2183, %cond3A_2184 : i32
      scf.if %cond3A_2185 {
        %broadcast_in_dim3A_2369 = arith.constant 100000 : i32
        %broadcast_in_dim3A_2370 = vector.broadcast %broadcast_in_dim3A_2369 : i32 to vector<16xi32>
        %add3A_2371 = arith.constant 48 : i32
        %add3A_2372 = arith.addi %add3A_2158, %add3A_2371 : i32
        %swap3A_2373 = arith.index_cast %add3A_2372 : i32 to index
        %swap3A_2374 = tpu.vector_load %arg18[%swap3A_2373] {strides = array<i32>} : memref<1152xi32, #tpu.memory_space<vmem>>, vector<16xi32>,
        tpu.vector_store %arg18[%swap3A_2373], %broadcast_in_dim3A_2370 {strides = array<i32>} : memref<1152xi32, #tpu.memory_space<vmem>>, vector<16xi32>,
        %mul3A_2375 = arith.constant 61 : i32
        %mul3A_2376 = vector.broadcast %mul3A_2375 : i32 to vector<16xi32>
        %mul3A_2377 = arith.muli %iota3A, %mul3A_2376 : vector<16xi32>
        %add3A_2378 = arith.constant 48 : i32
        %add3A_2379 = vector.broadcast %add3A_2378 : i32 to vector<16xi32>
        %add3A_2380 = arith.addi %mul3A_2377, %add3A_2379 : vector<16xi32>
        %add3A_2381 = arith.constant 48 : i32
        %add3A_2382 = arith.addi %add3A_2158, %add3A_2381 : i32
        %swap3A_2383 = arith.index_cast %add3A_2382 : i32 to index
        %swap3A_2384 = tpu.vector_load %arg17[%swap3A_2383] {strides = array<i32>} : memref<1152xi32, #tpu.memory_space<vmem>>, vector<16xi32>,
        tpu.vector_store %arg17[%swap3A_2383], %add3A_2380 {strides = array<i32>} : memref<1152xi32, #tpu.memory_space<vmem>>, vector<16xi32>,
      } else {
      }
      %add3A_2186 = arith.constant 64 : i32
      %add3A_2187 = arith.addi %add3A_2158, %add3A_2186 : i32
      %lt3A_2188 = arith.cmpi slt, %add3A_2187, %shift_left3A_2163 : i32
      %convert_element_type3A_2189 = arith.extui %lt3A_2188 : i1 to i32
      %cond3A_2190 = arith.constant 0 : i32
      %cond3A_2191 = arith.cmpi ne, %convert_element_type3A_2189, %cond3A_2190 : i32
      scf.if %cond3A_2191 {
        %broadcast_in_dim3A_2369 = arith.constant 100000 : i32
        %broadcast_in_dim3A_2370 = vector.broadcast %broadcast_in_dim3A_2369 : i32 to vector<16xi32>
        %add3A_2371 = arith.constant 64 : i32
        %add3A_2372 = arith.addi %add3A_2158, %add3A_2371 : i32
        %swap3A_2373 = arith.index_cast %add3A_2372 : i32 to index
        %swap3A_2374 = tpu.vector_load %arg18[%swap3A_2373] {strides = array<i32>} : memref<1152xi32, #tpu.memory_space<vmem>>, vector<16xi32>,
        tpu.vector_store %arg18[%swap3A_2373], %broadcast_in_dim3A_2370 {strides = array<i32>} : memref<1152xi32, #tpu.memory_space<vmem>>, vector<16xi32>,
        %mul3A_2375 = arith.constant 61 : i32
        %mul3A_2376 = vector.broadcast %mul3A_2375 : i32 to vector<16xi32>
        %mul3A_2377 = arith.muli %iota3A, %mul3A_2376 : vector<16xi32>
        %add3A_2378 = arith.constant 64 : i32
        %add3A_2379 = vector.broadcast %add3A_2378 : i32 to vector<16xi32>
        %add3A_2380 = arith.addi %mul3A_2377, %add3A_2379 : vector<16xi32>
        %add3A_2381 = arith.constant 64 : i32
        %add3A_2382 = arith.addi %add3A_2158, %add3A_2381 : i32
        %swap3A_2383 = arith.index_cast %add3A_2382 : i32 to index
        %swap3A_2384 = tpu.vector_load %arg17[%swap3A_2383] {strides = array<i32>} : memref<1152xi32, #tpu.memory_space<vmem>>, vector<16xi32>,
        tpu.vector_store %arg17[%swap3A_2383], %add3A_2380 {strides = array<i32>} : memref<1152xi32, #tpu.memory_space<vmem>>, vector<16xi32>,
      } else {
      }
      %add3A_2192 = arith.constant 80 : i32
      %add3A_2193 = arith.addi %add3A_2158, %add3A_2192 : i32
      %lt3A_2194 = arith.cmpi slt, %add3A_2193, %shift_left3A_2163 : i32
      %convert_element_type3A_2195 = arith.extui %lt3A_2194 : i1 to i32
      %cond3A_2196 = arith.constant 0 : i32
      %cond3A_2197 = arith.cmpi ne, %convert_element_type3A_2195, %cond3A_2196 : i32
      scf.if %cond3A_2197 {
        %broadcast_in_dim3A_2369 = arith.constant 100000 : i32
        %broadcast_in_dim3A_2370 = vector.broadcast %broadcast_in_dim3A_2369 : i32 to vector<16xi32>
        %add3A_2371 = arith.constant 80 : i32
        %add3A_2372 = arith.addi %add3A_2158, %add3A_2371 : i32
        %swap3A_2373 = arith.index_cast %add3A_2372 : i32 to index
        %swap3A_2374 = tpu.vector_load %arg18[%swap3A_2373] {strides = array<i32>} : memref<1152xi32, #tpu.memory_space<vmem>>, vector<16xi32>,
        tpu.vector_store %arg18[%swap3A_2373], %broadcast_in_dim3A_2370 {strides = array<i32>} : memref<1152xi32, #tpu.memory_space<vmem>>, vector<16xi32>,
        %mul3A_2375 = arith.constant 61 : i32
        %mul3A_2376 = vector.broadcast %mul3A_2375 : i32 to vector<16xi32>
        %mul3A_2377 = arith.muli %iota3A, %mul3A_2376 : vector<16xi32>
        %add3A_2378 = arith.constant 80 : i32
        %add3A_2379 = vector.broadcast %add3A_2378 : i32 to vector<16xi32>
        %add3A_2380 = arith.addi %mul3A_2377, %add3A_2379 : vector<16xi32>
        %add3A_2381 = arith.constant 80 : i32
        %add3A_2382 = arith.addi %add3A_2158, %add3A_2381 : i32
        %swap3A_2383 = arith.index_cast %add3A_2382 : i32 to index
        %swap3A_2384 = tpu.vector_load %arg17[%swap3A_2383] {strides = array<i32>} : memref<1152xi32, #tpu.memory_space<vmem>>, vector<16xi32>,
        tpu.vector_store %arg17[%swap3A_2383], %add3A_2380 {strides = array<i32>} : memref<1152xi32, #tpu.memory_space<vmem>>, vector<16xi32>,
      } else {
      }
      %add3A_2198 = arith.constant 96 : i32
      %add3A_2199 = arith.addi %add3A_2158, %add3A_2198 : i32
      %lt3A_2200 = arith.cmpi slt, %add3A_2199, %shift_left3A_2163 : i32
      %convert_element_type3A_2201 = arith.extui %lt3A_2200 : i1 to i32
      %cond3A_2202 = arith.constant 0 : i32
      %cond3A_2203 = arith.cmpi ne, %convert_element_type3A_2201, %cond3A_2202 : i32
      scf.if %cond3A_2203 {
        %broadcast_in_dim3A_2369 = arith.constant 100000 : i32
        %broadcast_in_dim3A_2370 = vector.broadcast %broadcast_in_dim3A_2369 : i32 to vector<16xi32>
        %add3A_2371 = arith.constant 96 : i32
        %add3A_2372 = arith.addi %add3A_2158, %add3A_2371 : i32
        %swap3A_2373 = arith.index_cast %add3A_2372 : i32 to index
        %swap3A_2374 = tpu.vector_load %arg18[%swap3A_2373] {strides = array<i32>} : memref<1152xi32, #tpu.memory_space<vmem>>, vector<16xi32>,
        tpu.vector_store %arg18[%swap3A_2373], %broadcast_in_dim3A_2370 {strides = array<i32>} : memref<1152xi32, #tpu.memory_space<vmem>>, vector<16xi32>,
        %mul3A_2375 = arith.constant 61 : i32
        %mul3A_2376 = vector.broadcast %mul3A_2375 : i32 to vector<16xi32>
        %mul3A_2377 = arith.muli %iota3A, %mul3A_2376 : vector<16xi32>
        %add3A_2378 = arith.constant 96 : i32
        %add3A_2379 = vector.broadcast %add3A_2378 : i32 to vector<16xi32>
        %add3A_2380 = arith.addi %mul3A_2377, %add3A_2379 : vector<16xi32>
        %add3A_2381 = arith.constant 96 : i32
        %add3A_2382 = arith.addi %add3A_2158, %add3A_2381 : i32
        %swap3A_2383 = arith.index_cast %add3A_2382 : i32 to index
        %swap3A_2384 = tpu.vector_load %arg17[%swap3A_2383] {strides = array<i32>} : memref<1152xi32, #tpu.memory_space<vmem>>, vector<16xi32>,
        tpu.vector_store %arg17[%swap3A_2383], %add3A_2380 {strides = array<i32>} : memref<1152xi32, #tpu.memory_space<vmem>>, vector<16xi32>,
      } else {
      }
      %add3A_2204 = arith.constant 112 : i32
      %add3A_2205 = arith.addi %add3A_2158, %add3A_2204 : i32
      %lt3A_2206 = arith.cmpi slt, %add3A_2205, %shift_left3A_2163 : i32
      %convert_element_type3A_2207 = arith.extui %lt3A_2206 : i1 to i32
      %cond3A_2208 = arith.constant 0 : i32
      %cond3A_2209 = arith.cmpi ne, %convert_element_type3A_2207, %cond3A_2208 : i32
      scf.if %cond3A_2209 {
        %broadcast_in_dim3A_2369 = arith.constant 100000 : i32
        %broadcast_in_dim3A_2370 = vector.broadcast %broadcast_in_dim3A_2369 : i32 to vector<16xi32>
        %add3A_2371 = arith.constant 112 : i32
        %add3A_2372 = arith.addi %add3A_2158, %add3A_2371 : i32
        %swap3A_2373 = arith.index_cast %add3A_2372 : i32 to index
        %swap3A_2374 = tpu.vector_load %arg18[%swap3A_2373] {strides = array<i32>} : memref<1152xi32, #tpu.memory_space<vmem>>, vector<16xi32>,
        tpu.vector_store %arg18[%swap3A_2373], %broadcast_in_dim3A_2370 {strides = array<i32>} : memref<1152xi32, #tpu.memory_space<vmem>>, vector<16xi32>,
        %mul3A_2375 = arith.constant 61 : i32
        %mul3A_2376 = vector.broadcast %mul3A_2375 : i32 to vector<16xi32>
        %mul3A_2377 = arith.muli %iota3A, %mul3A_2376 : vector<16xi32>
        %add3A_2378 = arith.constant 112 : i32
        %add3A_2379 = vector.broadcast %add3A_2378 : i32 to vector<16xi32>
        %add3A_2380 = arith.addi %mul3A_2377, %add3A_2379 : vector<16xi32>
        %add3A_2381 = arith.constant 112 : i32
        %add3A_2382 = arith.addi %add3A_2158, %add3A_2381 : i32
        %swap3A_2383 = arith.index_cast %add3A_2382 : i32 to index
        %swap3A_2384 = tpu.vector_load %arg17[%swap3A_2383] {strides = array<i32>} : memref<1152xi32, #tpu.memory_space<vmem>>, vector<16xi32>,
        tpu.vector_store %arg17[%swap3A_2383], %add3A_2380 {strides = array<i32>} : memref<1152xi32, #tpu.memory_space<vmem>>, vector<16xi32>,
      } else {
      }
      %gt3A = arith.constant 0 : i32
      %gt3A_2210 = arith.cmpi sgt, %add3A_2158, %gt3A : i32
      %convert_element_type3A_2211 = arith.extui %gt3A_2210 : i1 to i32
      %cond3A_2212 = arith.constant 0 : i32
      %cond3A_2213 = arith.cmpi ne, %convert_element_type3A_2211, %cond3A_2212 : i32
      scf.if %cond3A_2213 {
        %get3A_2369 = arith.constant 0 : index
        %get3A_2370 = tpu.vector_load %arg18[%get3A_2369] {strides = array<i32>} : memref<1152xi32, #tpu.memory_space<vmem>>, vector<16xi32>,
        %swap3A_2371 = arith.constant 0 : i32
        %swap3A_2372 = arith.index_cast %swap3A_2371 : i32 to index
        %swap3A_2373 = arith.constant 0 : index
        %swap3A_2374 = tpu.vector_load %arg19[%swap3A_2372, %swap3A_2373] {strides = array<i32>} : memref<8x128xi32, #tpu.memory_space<vmem>>, vector<16xi32>,
        tpu.vector_store %arg19[%swap3A_2372, %swap3A_2373], %get3A_2370 {strides = array<i32>} : memref<8x128xi32, #tpu.memory_space<vmem>>, vector<16xi32>,
        %get3A_2375 = arith.constant 16 : index
        %get3A_2376 = tpu.vector_load %arg18[%get3A_2375] {strides = array<i32>} : memref<1152xi32, #tpu.memory_space<vmem>>, vector<16xi32>,
        %swap3A_2377 = arith.constant 0 : i32
        %swap3A_2378 = arith.index_cast %swap3A_2377 : i32 to index
        %swap3A_2379 = arith.constant 16 : index
        %swap3A_2380 = tpu.vector_load %arg19[%swap3A_2378, %swap3A_2379] {strides = array<i32>} : memref<8x128xi32, #tpu.memory_space<vmem>>, vector<16xi32>,
        tpu.vector_store %arg19[%swap3A_2378, %swap3A_2379], %get3A_2376 {strides = array<i32>} : memref<8x128xi32, #tpu.memory_space<vmem>>, vector<16xi32>,
        %get3A_2381 = arith.constant 32 : index
        %get3A_2382 = tpu.vector_load %arg18[%get3A_2381] {strides = array<i32>} : memref<1152xi32, #tpu.memory_space<vmem>>, vector<16xi32>,
        %swap3A_2383 = arith.constant 0 : i32
        %swap3A_2384 = arith.index_cast %swap3A_2383 : i32 to index
        %swap3A_2385 = arith.constant 32 : index
        %swap3A_2386 = tpu.vector_load %arg19[%swap3A_2384, %swap3A_2385] {strides = array<i32>} : memref<8x128xi32, #tpu.memory_space<vmem>>, vector<16xi32>,
        tpu.vector_store %arg19[%swap3A_2384, %swap3A_2385], %get3A_2382 {strides = array<i32>} : memref<8x128xi32, #tpu.memory_space<vmem>>, vector<16xi32>,
        %get3A_2387 = arith.constant 48 : index
        %get3A_2388 = tpu.vector_load %arg18[%get3A_2387] {strides = array<i32>} : memref<1152xi32, #tpu.memory_space<vmem>>, vector<16xi32>,
        %swap3A_2389 = arith.constant 0 : i32
        %swap3A_2390 = arith.index_cast %swap3A_2389 : i32 to index
        %swap3A_2391 = arith.constant 48 : index
        %swap3A_2392 = tpu.vector_load %arg19[%swap3A_2390, %swap3A_2391] {strides = array<i32>} : memref<8x128xi32, #tpu.memory_space<vmem>>, vector<16xi32>,
        tpu.vector_store %arg19[%swap3A_2390, %swap3A_2391], %get3A_2388 {strides = array<i32>} : memref<8x128xi32, #tpu.memory_space<vmem>>, vector<16xi32>,
        %get3A_2393 = arith.constant 64 : index
        %get3A_2394 = tpu.vector_load %arg18[%get3A_2393] {strides = array<i32>} : memref<1152xi32, #tpu.memory_space<vmem>>, vector<16xi32>,
        %swap3A_2395 = arith.constant 0 : i32
        %swap3A_2396 = arith.index_cast %swap3A_2395 : i32 to index
        %swap3A_2397 = arith.constant 64 : index
        %swap3A_2398 = tpu.vector_load %arg19[%swap3A_2396, %swap3A_2397] {strides = array<i32>} : memref<8x128xi32, #tpu.memory_space<vmem>>, vector<16xi32>,
        tpu.vector_store %arg19[%swap3A_2396, %swap3A_2397], %get3A_2394 {strides = array<i32>} : memref<8x128xi32, #tpu.memory_space<vmem>>, vector<16xi32>,
        %get3A_2399 = arith.constant 80 : index
        %get3A_2400 = tpu.vector_load %arg18[%get3A_2399] {strides = array<i32>} : memref<1152xi32, #tpu.memory_space<vmem>>, vector<16xi32>,
        %swap3A_2401 = arith.constant 0 : i32
        %swap3A_2402 = arith.index_cast %swap3A_2401 : i32 to index
        %swap3A_2403 = arith.constant 80 : index
        %swap3A_2404 = tpu.vector_load %arg19[%swap3A_2402, %swap3A_2403] {strides = array<i32>} : memref<8x128xi32, #tpu.memory_space<vmem>>, vector<16xi32>,
        tpu.vector_store %arg19[%swap3A_2402, %swap3A_2403], %get3A_2400 {strides = array<i32>} : memref<8x128xi32, #tpu.memory_space<vmem>>, vector<16xi32>,
        %get3A_2405 = arith.constant 96 : index
        %get3A_2406 = tpu.vector_load %arg18[%get3A_2405] {strides = array<i32>} : memref<1152xi32, #tpu.memory_space<vmem>>, vector<16xi32>,
        %swap3A_2407 = arith.constant 0 : i32
        %swap3A_2408 = arith.index_cast %swap3A_2407 : i32 to index
        %swap3A_2409 = arith.constant 96 : index
        %swap3A_2410 = tpu.vector_load %arg19[%swap3A_2408, %swap3A_2409] {strides = array<i32>} : memref<8x128xi32, #tpu.memory_space<vmem>>, vector<16xi32>,
        tpu.vector_store %arg19[%swap3A_2408, %swap3A_2409], %get3A_2406 {strides = array<i32>} : memref<8x128xi32, #tpu.memory_space<vmem>>, vector<16xi32>,
        %get3A_2411 = arith.constant 112 : index
        %get3A_2412 = tpu.vector_load %arg18[%get3A_2411] {strides = array<i32>} : memref<1152xi32, #tpu.memory_space<vmem>>, vector<16xi32>,
        %swap3A_2413 = arith.constant 0 : i32
        %swap3A_2414 = arith.index_cast %swap3A_2413 : i32 to index
        %swap3A_2415 = arith.constant 112 : index
        %swap3A_2416 = tpu.vector_load %arg19[%swap3A_2414, %swap3A_2415] {strides = array<i32>} : memref<8x128xi32, #tpu.memory_space<vmem>>, vector<16xi32>,
        tpu.vector_store %arg19[%swap3A_2414, %swap3A_2415], %get3A_2412 {strides = array<i32>} : memref<8x128xi32, #tpu.memory_space<vmem>>, vector<16xi32>,
      } else {
      }
      %gt3A_2214 = arith.constant 128 : i32
      %gt3A_2215 = arith.cmpi sgt, %add3A_2158, %gt3A_2214 : i32
      %convert_element_type3A_2216 = arith.extui %gt3A_2215 : i1 to i32
      %cond3A_2217 = arith.constant 0 : i32
      %cond3A_2218 = arith.cmpi ne, %convert_element_type3A_2216, %cond3A_2217 : i32
      scf.if %cond3A_2218 {
        %get3A_2369 = arith.constant 128 : index
        %get3A_2370 = tpu.vector_load %arg18[%get3A_2369] {strides = array<i32>} : memref<1152xi32, #tpu.memory_space<vmem>>, vector<16xi32>,
        %swap3A_2371 = arith.constant 1 : i32
        %swap3A_2372 = arith.index_cast %swap3A_2371 : i32 to index
        %swap3A_2373 = arith.constant 0 : index
        %swap3A_2374 = tpu.vector_load %arg19[%swap3A_2372, %swap3A_2373] {strides = array<i32>} : memref<8x128xi32, #tpu.memory_space<vmem>>, vector<16xi32>,
        tpu.vector_store %arg19[%swap3A_2372, %swap3A_2373], %get3A_2370 {strides = array<i32>} : memref<8x128xi32, #tpu.memory_space<vmem>>, vector<16xi32>,
        %get3A_2375 = arith.constant 144 : index
        %get3A_2376 = tpu.vector_load %arg18[%get3A_2375] {strides = array<i32>} : memref<1152xi32, #tpu.memory_space<vmem>>, vector<16xi32>,
        %swap3A_2377 = arith.constant 1 : i32
        %swap3A_2378 = arith.index_cast %swap3A_2377 : i32 to index
        %swap3A_2379 = arith.constant 16 : index
        %swap3A_2380 = tpu.vector_load %arg19[%swap3A_2378, %swap3A_2379] {strides = array<i32>} : memref<8x128xi32, #tpu.memory_space<vmem>>, vector<16xi32>,
        tpu.vector_store %arg19[%swap3A_2378, %swap3A_2379], %get3A_2376 {strides = array<i32>} : memref<8x128xi32, #tpu.memory_space<vmem>>, vector<16xi32>,
        %get3A_2381 = arith.constant 160 : index
        %get3A_2382 = tpu.vector_load %arg18[%get3A_2381] {strides = array<i32>} : memref<1152xi32, #tpu.memory_space<vmem>>, vector<16xi32>,
        %swap3A_2383 = arith.constant 1 : i32
        %swap3A_2384 = arith.index_cast %swap3A_2383 : i32 to index
        %swap3A_2385 = arith.constant 32 : index
        %swap3A_2386 = tpu.vector_load %arg19[%swap3A_2384, %swap3A_2385] {strides = array<i32>} : memref<8x128xi32, #tpu.memory_space<vmem>>, vector<16xi32>,
        tpu.vector_store %arg19[%swap3A_2384, %swap3A_2385], %get3A_2382 {strides = array<i32>} : memref<8x128xi32, #tpu.memory_space<vmem>>, vector<16xi32>,
        %get3A_2387 = arith.constant 176 : index
        %get3A_2388 = tpu.vector_load %arg18[%get3A_2387] {strides = array<i32>} : memref<1152xi32, #tpu.memory_space<vmem>>, vector<16xi32>,
        %swap3A_2389 = arith.constant 1 : i32
        %swap3A_2390 = arith.index_cast %swap3A_2389 : i32 to index
        %swap3A_2391 = arith.constant 48 : index
        %swap3A_2392 = tpu.vector_load %arg19[%swap3A_2390, %swap3A_2391] {strides = array<i32>} : memref<8x128xi32, #tpu.memory_space<vmem>>, vector<16xi32>,
        tpu.vector_store %arg19[%swap3A_2390, %swap3A_2391], %get3A_2388 {strides = array<i32>} : memref<8x128xi32, #tpu.memory_space<vmem>>, vector<16xi32>,
        %get3A_2393 = arith.constant 192 : index
        %get3A_2394 = tpu.vector_load %arg18[%get3A_2393] {strides = array<i32>} : memref<1152xi32, #tpu.memory_space<vmem>>, vector<16xi32>,
        %swap3A_2395 = arith.constant 1 : i32
        %swap3A_2396 = arith.index_cast %swap3A_2395 : i32 to index
        %swap3A_2397 = arith.constant 64 : index
        %swap3A_2398 = tpu.vector_load %arg19[%swap3A_2396, %swap3A_2397] {strides = array<i32>} : memref<8x128xi32, #tpu.memory_space<vmem>>, vector<16xi32>,
        tpu.vector_store %arg19[%swap3A_2396, %swap3A_2397], %get3A_2394 {strides = array<i32>} : memref<8x128xi32, #tpu.memory_space<vmem>>, vector<16xi32>,
        %get3A_2399 = arith.constant 208 : index
        %get3A_2400 = tpu.vector_load %arg18[%get3A_2399] {strides = array<i32>} : memref<1152xi32, #tpu.memory_space<vmem>>, vector<16xi32>,
        %swap3A_2401 = arith.constant 1 : i32
        %swap3A_2402 = arith.index_cast %swap3A_2401 : i32 to index
        %swap3A_2403 = arith.constant 80 : index
        %swap3A_2404 = tpu.vector_load %arg19[%swap3A_2402, %swap3A_2403] {strides = array<i32>} : memref<8x128xi32, #tpu.memory_space<vmem>>, vector<16xi32>,
        tpu.vector_store %arg19[%swap3A_2402, %swap3A_2403], %get3A_2400 {strides = array<i32>} : memref<8x128xi32, #tpu.memory_space<vmem>>, vector<16xi32>,
        %get3A_2405 = arith.constant 224 : index
        %get3A_2406 = tpu.vector_load %arg18[%get3A_2405] {strides = array<i32>} : memref<1152xi32, #tpu.memory_space<vmem>>, vector<16xi32>,
        %swap3A_2407 = arith.constant 1 : i32
        %swap3A_2408 = arith.index_cast %swap3A_2407 : i32 to index
        %swap3A_2409 = arith.constant 96 : index
        %swap3A_2410 = tpu.vector_load %arg19[%swap3A_2408, %swap3A_2409] {strides = array<i32>} : memref<8x128xi32, #tpu.memory_space<vmem>>, vector<16xi32>,
        tpu.vector_store %arg19[%swap3A_2408, %swap3A_2409], %get3A_2406 {strides = array<i32>} : memref<8x128xi32, #tpu.memory_space<vmem>>, vector<16xi32>,
        %get3A_2411 = arith.constant 240 : index
        %get3A_2412 = tpu.vector_load %arg18[%get3A_2411] {strides = array<i32>} : memref<1152xi32, #tpu.memory_space<vmem>>, vector<16xi32>,
        %swap3A_2413 = arith.constant 1 : i32
        %swap3A_2414 = arith.index_cast %swap3A_2413 : i32 to index
        %swap3A_2415 = arith.constant 112 : index
        %swap3A_2416 = tpu.vector_load %arg19[%swap3A_2414, %swap3A_2415] {strides = array<i32>} : memref<8x128xi32, #tpu.memory_space<vmem>>, vector<16xi32>,
        tpu.vector_store %arg19[%swap3A_2414, %swap3A_2415], %get3A_2412 {strides = array<i32>} : memref<8x128xi32, #tpu.memory_space<vmem>>, vector<16xi32>,
      } else {
      }
      %gt3A_2219 = arith.constant 256 : i32
      %gt3A_2220 = arith.cmpi sgt, %add3A_2158, %gt3A_2219 : i32
      %convert_element_type3A_2221 = arith.extui %gt3A_2220 : i1 to i32
      %cond3A_2222 = arith.constant 0 : i32
      %cond3A_2223 = arith.cmpi ne, %convert_element_type3A_2221, %cond3A_2222 : i32
      scf.if %cond3A_2223 {
        %get3A_2369 = arith.constant 256 : index
        %get3A_2370 = tpu.vector_load %arg18[%get3A_2369] {strides = array<i32>} : memref<1152xi32, #tpu.memory_space<vmem>>, vector<16xi32>,
        %swap3A_2371 = arith.constant 2 : i32
        %swap3A_2372 = arith.index_cast %swap3A_2371 : i32 to index
        %swap3A_2373 = arith.constant 0 : index
        %swap3A_2374 = tpu.vector_load %arg19[%swap3A_2372, %swap3A_2373] {strides = array<i32>} : memref<8x128xi32, #tpu.memory_space<vmem>>, vector<16xi32>,
        tpu.vector_store %arg19[%swap3A_2372, %swap3A_2373], %get3A_2370 {strides = array<i32>} : memref<8x128xi32, #tpu.memory_space<vmem>>, vector<16xi32>,
        %get3A_2375 = arith.constant 272 : index
        %get3A_2376 = tpu.vector_load %arg18[%get3A_2375] {strides = array<i32>} : memref<1152xi32, #tpu.memory_space<vmem>>, vector<16xi32>,
        %swap3A_2377 = arith.constant 2 : i32
        %swap3A_2378 = arith.index_cast %swap3A_2377 : i32 to index
        %swap3A_2379 = arith.constant 16 : index
        %swap3A_2380 = tpu.vector_load %arg19[%swap3A_2378, %swap3A_2379] {strides = array<i32>} : memref<8x128xi32, #tpu.memory_space<vmem>>, vector<16xi32>,
        tpu.vector_store %arg19[%swap3A_2378, %swap3A_2379], %get3A_2376 {strides = array<i32>} : memref<8x128xi32, #tpu.memory_space<vmem>>, vector<16xi32>,
        %get3A_2381 = arith.constant 288 : index
        %get3A_2382 = tpu.vector_load %arg18[%get3A_2381] {strides = array<i32>} : memref<1152xi32, #tpu.memory_space<vmem>>, vector<16xi32>,
        %swap3A_2383 = arith.constant 2 : i32
        %swap3A_2384 = arith.index_cast %swap3A_2383 : i32 to index
        %swap3A_2385 = arith.constant 32 : index
        %swap3A_2386 = tpu.vector_load %arg19[%swap3A_2384, %swap3A_2385] {strides = array<i32>} : memref<8x128xi32, #tpu.memory_space<vmem>>, vector<16xi32>,
        tpu.vector_store %arg19[%swap3A_2384, %swap3A_2385], %get3A_2382 {strides = array<i32>} : memref<8x128xi32, #tpu.memory_space<vmem>>, vector<16xi32>,
        %get3A_2387 = arith.constant 304 : index
        %get3A_2388 = tpu.vector_load %arg18[%get3A_2387] {strides = array<i32>} : memref<1152xi32, #tpu.memory_space<vmem>>, vector<16xi32>,
        %swap3A_2389 = arith.constant 2 : i32
        %swap3A_2390 = arith.index_cast %swap3A_2389 : i32 to index
        %swap3A_2391 = arith.constant 48 : index
        %swap3A_2392 = tpu.vector_load %arg19[%swap3A_2390, %swap3A_2391] {strides = array<i32>} : memref<8x128xi32, #tpu.memory_space<vmem>>, vector<16xi32>,
        tpu.vector_store %arg19[%swap3A_2390, %swap3A_2391], %get3A_2388 {strides = array<i32>} : memref<8x128xi32, #tpu.memory_space<vmem>>, vector<16xi32>,
        %get3A_2393 = arith.constant 320 : index
        %get3A_2394 = tpu.vector_load %arg18[%get3A_2393] {strides = array<i32>} : memref<1152xi32, #tpu.memory_space<vmem>>, vector<16xi32>,
        %swap3A_2395 = arith.constant 2 : i32
        %swap3A_2396 = arith.index_cast %swap3A_2395 : i32 to index
        %swap3A_2397 = arith.constant 64 : index
        %swap3A_2398 = tpu.vector_load %arg19[%swap3A_2396, %swap3A_2397] {strides = array<i32>} : memref<8x128xi32, #tpu.memory_space<vmem>>, vector<16xi32>,
        tpu.vector_store %arg19[%swap3A_2396, %swap3A_2397], %get3A_2394 {strides = array<i32>} : memref<8x128xi32, #tpu.memory_space<vmem>>, vector<16xi32>,
        %get3A_2399 = arith.constant 336 : index
        %get3A_2400 = tpu.vector_load %arg18[%get3A_2399] {strides = array<i32>} : memref<1152xi32, #tpu.memory_space<vmem>>, vector<16xi32>,
        %swap3A_2401 = arith.constant 2 : i32
        %swap3A_2402 = arith.index_cast %swap3A_2401 : i32 to index
        %swap3A_2403 = arith.constant 80 : index
        %swap3A_2404 = tpu.vector_load %arg19[%swap3A_2402, %swap3A_2403] {strides = array<i32>} : memref<8x128xi32, #tpu.memory_space<vmem>>, vector<16xi32>,
        tpu.vector_store %arg19[%swap3A_2402, %swap3A_2403], %get3A_2400 {strides = array<i32>} : memref<8x128xi32, #tpu.memory_space<vmem>>, vector<16xi32>,
        %get3A_2405 = arith.constant 352 : index
        %get3A_2406 = tpu.vector_load %arg18[%get3A_2405] {strides = array<i32>} : memref<1152xi32, #tpu.memory_space<vmem>>, vector<16xi32>,
        %swap3A_2407 = arith.constant 2 : i32
        %swap3A_2408 = arith.index_cast %swap3A_2407 : i32 to index
        %swap3A_2409 = arith.constant 96 : index
        %swap3A_2410 = tpu.vector_load %arg19[%swap3A_2408, %swap3A_2409] {strides = array<i32>} : memref<8x128xi32, #tpu.memory_space<vmem>>, vector<16xi32>,
        tpu.vector_store %arg19[%swap3A_2408, %swap3A_2409], %get3A_2406 {strides = array<i32>} : memref<8x128xi32, #tpu.memory_space<vmem>>, vector<16xi32>,
        %get3A_2411 = arith.constant 368 : index
        %get3A_2412 = tpu.vector_load %arg18[%get3A_2411] {strides = array<i32>} : memref<1152xi32, #tpu.memory_space<vmem>>, vector<16xi32>,
        %swap3A_2413 = arith.constant 2 : i32
        %swap3A_2414 = arith.index_cast %swap3A_2413 : i32 to index
        %swap3A_2415 = arith.constant 112 : index
        %swap3A_2416 = tpu.vector_load %arg19[%swap3A_2414, %swap3A_2415] {strides = array<i32>} : memref<8x128xi32, #tpu.memory_space<vmem>>, vector<16xi32>,
        tpu.vector_store %arg19[%swap3A_2414, %swap3A_2415], %get3A_2412 {strides = array<i32>} : memref<8x128xi32, #tpu.memory_space<vmem>>, vector<16xi32>,
      } else {
      }
      %gt3A_2224 = arith.constant 384 : i32
      %gt3A_2225 = arith.cmpi sgt, %add3A_2158, %gt3A_2224 : i32
      %convert_element_type3A_2226 = arith.extui %gt3A_2225 : i1 to i32
      %cond3A_2227 = arith.constant 0 : i32
      %cond3A_2228 = arith.cmpi ne, %convert_element_type3A_2226, %cond3A_2227 : i32
      scf.if %cond3A_2228 {
        %get3A_2369 = arith.constant 384 : index
        %get3A_2370 = tpu.vector_load %arg18[%get3A_2369] {strides = array<i32>} : memref<1152xi32, #tpu.memory_space<vmem>>, vector<16xi32>,
        %swap3A_2371 = arith.constant 3 : i32
        %swap3A_2372 = arith.index_cast %swap3A_2371 : i32 to index
        %swap3A_2373 = arith.constant 0 : index
        %swap3A_2374 = tpu.vector_load %arg19[%swap3A_2372, %swap3A_2373] {strides = array<i32>} : memref<8x128xi32, #tpu.memory_space<vmem>>, vector<16xi32>,
        tpu.vector_store %arg19[%swap3A_2372, %swap3A_2373], %get3A_2370 {strides = array<i32>} : memref<8x128xi32, #tpu.memory_space<vmem>>, vector<16xi32>,
        %get3A_2375 = arith.constant 400 : index
        %get3A_2376 = tpu.vector_load %arg18[%get3A_2375] {strides = array<i32>} : memref<1152xi32, #tpu.memory_space<vmem>>, vector<16xi32>,
        %swap3A_2377 = arith.constant 3 : i32
        %swap3A_2378 = arith.index_cast %swap3A_2377 : i32 to index
        %swap3A_2379 = arith.constant 16 : index
        %swap3A_2380 = tpu.vector_load %arg19[%swap3A_2378, %swap3A_2379] {strides = array<i32>} : memref<8x128xi32, #tpu.memory_space<vmem>>, vector<16xi32>,
        tpu.vector_store %arg19[%swap3A_2378, %swap3A_2379], %get3A_2376 {strides = array<i32>} : memref<8x128xi32, #tpu.memory_space<vmem>>, vector<16xi32>,
        %get3A_2381 = arith.constant 416 : index
        %get3A_2382 = tpu.vector_load %arg18[%get3A_2381] {strides = array<i32>} : memref<1152xi32, #tpu.memory_space<vmem>>, vector<16xi32>,
        %swap3A_2383 = arith.constant 3 : i32
        %swap3A_2384 = arith.index_cast %swap3A_2383 : i32 to index
        %swap3A_2385 = arith.constant 32 : index
        %swap3A_2386 = tpu.vector_load %arg19[%swap3A_2384, %swap3A_2385] {strides = array<i32>} : memref<8x128xi32, #tpu.memory_space<vmem>>, vector<16xi32>,
        tpu.vector_store %arg19[%swap3A_2384, %swap3A_2385], %get3A_2382 {strides = array<i32>} : memref<8x128xi32, #tpu.memory_space<vmem>>, vector<16xi32>,
        %get3A_2387 = arith.constant 432 : index
        %get3A_2388 = tpu.vector_load %arg18[%get3A_2387] {strides = array<i32>} : memref<1152xi32, #tpu.memory_space<vmem>>, vector<16xi32>,
        %swap3A_2389 = arith.constant 3 : i32
        %swap3A_2390 = arith.index_cast %swap3A_2389 : i32 to index
        %swap3A_2391 = arith.constant 48 : index
        %swap3A_2392 = tpu.vector_load %arg19[%swap3A_2390, %swap3A_2391] {strides = array<i32>} : memref<8x128xi32, #tpu.memory_space<vmem>>, vector<16xi32>,
        tpu.vector_store %arg19[%swap3A_2390, %swap3A_2391], %get3A_2388 {strides = array<i32>} : memref<8x128xi32, #tpu.memory_space<vmem>>, vector<16xi32>,
        %get3A_2393 = arith.constant 448 : index
        %get3A_2394 = tpu.vector_load %arg18[%get3A_2393] {strides = array<i32>} : memref<1152xi32, #tpu.memory_space<vmem>>, vector<16xi32>,
        %swap3A_2395 = arith.constant 3 : i32
        %swap3A_2396 = arith.index_cast %swap3A_2395 : i32 to index
        %swap3A_2397 = arith.constant 64 : index
        %swap3A_2398 = tpu.vector_load %arg19[%swap3A_2396, %swap3A_2397] {strides = array<i32>} : memref<8x128xi32, #tpu.memory_space<vmem>>, vector<16xi32>,
        tpu.vector_store %arg19[%swap3A_2396, %swap3A_2397], %get3A_2394 {strides = array<i32>} : memref<8x128xi32, #tpu.memory_space<vmem>>, vector<16xi32>,
        %get3A_2399 = arith.constant 464 : index
        %get3A_2400 = tpu.vector_load %arg18[%get3A_2399] {strides = array<i32>} : memref<1152xi32, #tpu.memory_space<vmem>>, vector<16xi32>,
        %swap3A_2401 = arith.constant 3 : i32
        %swap3A_2402 = arith.index_cast %swap3A_2401 : i32 to index
        %swap3A_2403 = arith.constant 80 : index
        %swap3A_2404 = tpu.vector_load %arg19[%swap3A_2402, %swap3A_2403] {strides = array<i32>} : memref<8x128xi32, #tpu.memory_space<vmem>>, vector<16xi32>,
        tpu.vector_store %arg19[%swap3A_2402, %swap3A_2403], %get3A_2400 {strides = array<i32>} : memref<8x128xi32, #tpu.memory_space<vmem>>, vector<16xi32>,
        %get3A_2405 = arith.constant 480 : index
        %get3A_2406 = tpu.vector_load %arg18[%get3A_2405] {strides = array<i32>} : memref<1152xi32, #tpu.memory_space<vmem>>, vector<16xi32>,
        %swap3A_2407 = arith.constant 3 : i32
        %swap3A_2408 = arith.index_cast %swap3A_2407 : i32 to index
        %swap3A_2409 = arith.constant 96 : index
        %swap3A_2410 = tpu.vector_load %arg19[%swap3A_2408, %swap3A_2409] {strides = array<i32>} : memref<8x128xi32, #tpu.memory_space<vmem>>, vector<16xi32>,
        tpu.vector_store %arg19[%swap3A_2408, %swap3A_2409], %get3A_2406 {strides = array<i32>} : memref<8x128xi32, #tpu.memory_space<vmem>>, vector<16xi32>,
        %get3A_2411 = arith.constant 496 : index
        %get3A_2412 = tpu.vector_load %arg18[%get3A_2411] {strides = array<i32>} : memref<1152xi32, #tpu.memory_space<vmem>>, vector<16xi32>,
        %swap3A_2413 = arith.constant 3 : i32
        %swap3A_2414 = arith.index_cast %swap3A_2413 : i32 to index
        %swap3A_2415 = arith.constant 112 : index
        %swap3A_2416 = tpu.vector_load %arg19[%swap3A_2414, %swap3A_2415] {strides = array<i32>} : memref<8x128xi32, #tpu.memory_space<vmem>>, vector<16xi32>,
        tpu.vector_store %arg19[%swap3A_2414, %swap3A_2415], %get3A_2412 {strides = array<i32>} : memref<8x128xi32, #tpu.memory_space<vmem>>, vector<16xi32>,
      } else {
      }
      %gt3A_2229 = arith.constant 512 : i32
      %gt3A_2230 = arith.cmpi sgt, %add3A_2158, %gt3A_2229 : i32
      %convert_element_type3A_2231 = arith.extui %gt3A_2230 : i1 to i32
      %cond3A_2232 = arith.constant 0 : i32
      %cond3A_2233 = arith.cmpi ne, %convert_element_type3A_2231, %cond3A_2232 : i32
      scf.if %cond3A_2233 {
        %get3A_2369 = arith.constant 512 : index
        %get3A_2370 = tpu.vector_load %arg18[%get3A_2369] {strides = array<i32>} : memref<1152xi32, #tpu.memory_space<vmem>>, vector<16xi32>,
        %swap3A_2371 = arith.constant 4 : i32
        %swap3A_2372 = arith.index_cast %swap3A_2371 : i32 to index
        %swap3A_2373 = arith.constant 0 : index
        %swap3A_2374 = tpu.vector_load %arg19[%swap3A_2372, %swap3A_2373] {strides = array<i32>} : memref<8x128xi32, #tpu.memory_space<vmem>>, vector<16xi32>,
        tpu.vector_store %arg19[%swap3A_2372, %swap3A_2373], %get3A_2370 {strides = array<i32>} : memref<8x128xi32, #tpu.memory_space<vmem>>, vector<16xi32>,
        %get3A_2375 = arith.constant 528 : index
        %get3A_2376 = tpu.vector_load %arg18[%get3A_2375] {strides = array<i32>} : memref<1152xi32, #tpu.memory_space<vmem>>, vector<16xi32>,
        %swap3A_2377 = arith.constant 4 : i32
        %swap3A_2378 = arith.index_cast %swap3A_2377 : i32 to index
        %swap3A_2379 = arith.constant 16 : index
        %swap3A_2380 = tpu.vector_load %arg19[%swap3A_2378, %swap3A_2379] {strides = array<i32>} : memref<8x128xi32, #tpu.memory_space<vmem>>, vector<16xi32>,
        tpu.vector_store %arg19[%swap3A_2378, %swap3A_2379], %get3A_2376 {strides = array<i32>} : memref<8x128xi32, #tpu.memory_space<vmem>>, vector<16xi32>,
        %get3A_2381 = arith.constant 544 : index
        %get3A_2382 = tpu.vector_load %arg18[%get3A_2381] {strides = array<i32>} : memref<1152xi32, #tpu.memory_space<vmem>>, vector<16xi32>,
        %swap3A_2383 = arith.constant 4 : i32
        %swap3A_2384 = arith.index_cast %swap3A_2383 : i32 to index
        %swap3A_2385 = arith.constant 32 : index
        %swap3A_2386 = tpu.vector_load %arg19[%swap3A_2384, %swap3A_2385] {strides = array<i32>} : memref<8x128xi32, #tpu.memory_space<vmem>>, vector<16xi32>,
        tpu.vector_store %arg19[%swap3A_2384, %swap3A_2385], %get3A_2382 {strides = array<i32>} : memref<8x128xi32, #tpu.memory_space<vmem>>, vector<16xi32>,
        %get3A_2387 = arith.constant 560 : index
        %get3A_2388 = tpu.vector_load %arg18[%get3A_2387] {strides = array<i32>} : memref<1152xi32, #tpu.memory_space<vmem>>, vector<16xi32>,
        %swap3A_2389 = arith.constant 4 : i32
        %swap3A_2390 = arith.index_cast %swap3A_2389 : i32 to index
        %swap3A_2391 = arith.constant 48 : index
        %swap3A_2392 = tpu.vector_load %arg19[%swap3A_2390, %swap3A_2391] {strides = array<i32>} : memref<8x128xi32, #tpu.memory_space<vmem>>, vector<16xi32>,
        tpu.vector_store %arg19[%swap3A_2390, %swap3A_2391], %get3A_2388 {strides = array<i32>} : memref<8x128xi32, #tpu.memory_space<vmem>>, vector<16xi32>,
        %get3A_2393 = arith.constant 576 : index
        %get3A_2394 = tpu.vector_load %arg18[%get3A_2393] {strides = array<i32>} : memref<1152xi32, #tpu.memory_space<vmem>>, vector<16xi32>,
        %swap3A_2395 = arith.constant 4 : i32
        %swap3A_2396 = arith.index_cast %swap3A_2395 : i32 to index
        %swap3A_2397 = arith.constant 64 : index
        %swap3A_2398 = tpu.vector_load %arg19[%swap3A_2396, %swap3A_2397] {strides = array<i32>} : memref<8x128xi32, #tpu.memory_space<vmem>>, vector<16xi32>,
        tpu.vector_store %arg19[%swap3A_2396, %swap3A_2397], %get3A_2394 {strides = array<i32>} : memref<8x128xi32, #tpu.memory_space<vmem>>, vector<16xi32>,
        %get3A_2399 = arith.constant 592 : index
        %get3A_2400 = tpu.vector_load %arg18[%get3A_2399] {strides = array<i32>} : memref<1152xi32, #tpu.memory_space<vmem>>, vector<16xi32>,
        %swap3A_2401 = arith.constant 4 : i32
        %swap3A_2402 = arith.index_cast %swap3A_2401 : i32 to index
        %swap3A_2403 = arith.constant 80 : index
        %swap3A_2404 = tpu.vector_load %arg19[%swap3A_2402, %swap3A_2403] {strides = array<i32>} : memref<8x128xi32, #tpu.memory_space<vmem>>, vector<16xi32>,
        tpu.vector_store %arg19[%swap3A_2402, %swap3A_2403], %get3A_2400 {strides = array<i32>} : memref<8x128xi32, #tpu.memory_space<vmem>>, vector<16xi32>,
        %get3A_2405 = arith.constant 608 : index
        %get3A_2406 = tpu.vector_load %arg18[%get3A_2405] {strides = array<i32>} : memref<1152xi32, #tpu.memory_space<vmem>>, vector<16xi32>,
        %swap3A_2407 = arith.constant 4 : i32
        %swap3A_2408 = arith.index_cast %swap3A_2407 : i32 to index
        %swap3A_2409 = arith.constant 96 : index
        %swap3A_2410 = tpu.vector_load %arg19[%swap3A_2408, %swap3A_2409] {strides = array<i32>} : memref<8x128xi32, #tpu.memory_space<vmem>>, vector<16xi32>,
        tpu.vector_store %arg19[%swap3A_2408, %swap3A_2409], %get3A_2406 {strides = array<i32>} : memref<8x128xi32, #tpu.memory_space<vmem>>, vector<16xi32>,
        %get3A_2411 = arith.constant 624 : index
        %get3A_2412 = tpu.vector_load %arg18[%get3A_2411] {strides = array<i32>} : memref<1152xi32, #tpu.memory_space<vmem>>, vector<16xi32>,
        %swap3A_2413 = arith.constant 4 : i32
        %swap3A_2414 = arith.index_cast %swap3A_2413 : i32 to index
        %swap3A_2415 = arith.constant 112 : index
        %swap3A_2416 = tpu.vector_load %arg19[%swap3A_2414, %swap3A_2415] {strides = array<i32>} : memref<8x128xi32, #tpu.memory_space<vmem>>, vector<16xi32>,
        tpu.vector_store %arg19[%swap3A_2414, %swap3A_2415], %get3A_2412 {strides = array<i32>} : memref<8x128xi32, #tpu.memory_space<vmem>>, vector<16xi32>,
      } else {
      }
      %gt3A_2234 = arith.constant 640 : i32
      %gt3A_2235 = arith.cmpi sgt, %add3A_2158, %gt3A_2234 : i32
      %convert_element_type3A_2236 = arith.extui %gt3A_2235 : i1 to i32
      %cond3A_2237 = arith.constant 0 : i32
      %cond3A_2238 = arith.cmpi ne, %convert_element_type3A_2236, %cond3A_2237 : i32
      scf.if %cond3A_2238 {
        %get3A_2369 = arith.constant 640 : index
        %get3A_2370 = tpu.vector_load %arg18[%get3A_2369] {strides = array<i32>} : memref<1152xi32, #tpu.memory_space<vmem>>, vector<16xi32>,
        %swap3A_2371 = arith.constant 5 : i32
        %swap3A_2372 = arith.index_cast %swap3A_2371 : i32 to index
        %swap3A_2373 = arith.constant 0 : index
        %swap3A_2374 = tpu.vector_load %arg19[%swap3A_2372, %swap3A_2373] {strides = array<i32>} : memref<8x128xi32, #tpu.memory_space<vmem>>, vector<16xi32>,
        tpu.vector_store %arg19[%swap3A_2372, %swap3A_2373], %get3A_2370 {strides = array<i32>} : memref<8x128xi32, #tpu.memory_space<vmem>>, vector<16xi32>,
        %get3A_2375 = arith.constant 656 : index
        %get3A_2376 = tpu.vector_load %arg18[%get3A_2375] {strides = array<i32>} : memref<1152xi32, #tpu.memory_space<vmem>>, vector<16xi32>,
        %swap3A_2377 = arith.constant 5 : i32
        %swap3A_2378 = arith.index_cast %swap3A_2377 : i32 to index
        %swap3A_2379 = arith.constant 16 : index
        %swap3A_2380 = tpu.vector_load %arg19[%swap3A_2378, %swap3A_2379] {strides = array<i32>} : memref<8x128xi32, #tpu.memory_space<vmem>>, vector<16xi32>,
        tpu.vector_store %arg19[%swap3A_2378, %swap3A_2379], %get3A_2376 {strides = array<i32>} : memref<8x128xi32, #tpu.memory_space<vmem>>, vector<16xi32>,
        %get3A_2381 = arith.constant 672 : index
        %get3A_2382 = tpu.vector_load %arg18[%get3A_2381] {strides = array<i32>} : memref<1152xi32, #tpu.memory_space<vmem>>, vector<16xi32>,
        %swap3A_2383 = arith.constant 5 : i32
        %swap3A_2384 = arith.index_cast %swap3A_2383 : i32 to index
        %swap3A_2385 = arith.constant 32 : index
        %swap3A_2386 = tpu.vector_load %arg19[%swap3A_2384, %swap3A_2385] {strides = array<i32>} : memref<8x128xi32, #tpu.memory_space<vmem>>, vector<16xi32>,
        tpu.vector_store %arg19[%swap3A_2384, %swap3A_2385], %get3A_2382 {strides = array<i32>} : memref<8x128xi32, #tpu.memory_space<vmem>>, vector<16xi32>,
        %get3A_2387 = arith.constant 688 : index
        %get3A_2388 = tpu.vector_load %arg18[%get3A_2387] {strides = array<i32>} : memref<1152xi32, #tpu.memory_space<vmem>>, vector<16xi32>,
        %swap3A_2389 = arith.constant 5 : i32
        %swap3A_2390 = arith.index_cast %swap3A_2389 : i32 to index
        %swap3A_2391 = arith.constant 48 : index
        %swap3A_2392 = tpu.vector_load %arg19[%swap3A_2390, %swap3A_2391] {strides = array<i32>} : memref<8x128xi32, #tpu.memory_space<vmem>>, vector<16xi32>,
        tpu.vector_store %arg19[%swap3A_2390, %swap3A_2391], %get3A_2388 {strides = array<i32>} : memref<8x128xi32, #tpu.memory_space<vmem>>, vector<16xi32>,
        %get3A_2393 = arith.constant 704 : index
        %get3A_2394 = tpu.vector_load %arg18[%get3A_2393] {strides = array<i32>} : memref<1152xi32, #tpu.memory_space<vmem>>, vector<16xi32>,
        %swap3A_2395 = arith.constant 5 : i32
        %swap3A_2396 = arith.index_cast %swap3A_2395 : i32 to index
        %swap3A_2397 = arith.constant 64 : index
        %swap3A_2398 = tpu.vector_load %arg19[%swap3A_2396, %swap3A_2397] {strides = array<i32>} : memref<8x128xi32, #tpu.memory_space<vmem>>, vector<16xi32>,
        tpu.vector_store %arg19[%swap3A_2396, %swap3A_2397], %get3A_2394 {strides = array<i32>} : memref<8x128xi32, #tpu.memory_space<vmem>>, vector<16xi32>,
        %get3A_2399 = arith.constant 720 : index
        %get3A_2400 = tpu.vector_load %arg18[%get3A_2399] {strides = array<i32>} : memref<1152xi32, #tpu.memory_space<vmem>>, vector<16xi32>,
        %swap3A_2401 = arith.constant 5 : i32
        %swap3A_2402 = arith.index_cast %swap3A_2401 : i32 to index
        %swap3A_2403 = arith.constant 80 : index
        %swap3A_2404 = tpu.vector_load %arg19[%swap3A_2402, %swap3A_2403] {strides = array<i32>} : memref<8x128xi32, #tpu.memory_space<vmem>>, vector<16xi32>,
        tpu.vector_store %arg19[%swap3A_2402, %swap3A_2403], %get3A_2400 {strides = array<i32>} : memref<8x128xi32, #tpu.memory_space<vmem>>, vector<16xi32>,
        %get3A_2405 = arith.constant 736 : index
        %get3A_2406 = tpu.vector_load %arg18[%get3A_2405] {strides = array<i32>} : memref<1152xi32, #tpu.memory_space<vmem>>, vector<16xi32>,
        %swap3A_2407 = arith.constant 5 : i32
        %swap3A_2408 = arith.index_cast %swap3A_2407 : i32 to index
        %swap3A_2409 = arith.constant 96 : index
        %swap3A_2410 = tpu.vector_load %arg19[%swap3A_2408, %swap3A_2409] {strides = array<i32>} : memref<8x128xi32, #tpu.memory_space<vmem>>, vector<16xi32>,
        tpu.vector_store %arg19[%swap3A_2408, %swap3A_2409], %get3A_2406 {strides = array<i32>} : memref<8x128xi32, #tpu.memory_space<vmem>>, vector<16xi32>,
        %get3A_2411 = arith.constant 752 : index
        %get3A_2412 = tpu.vector_load %arg18[%get3A_2411] {strides = array<i32>} : memref<1152xi32, #tpu.memory_space<vmem>>, vector<16xi32>,
        %swap3A_2413 = arith.constant 5 : i32
        %swap3A_2414 = arith.index_cast %swap3A_2413 : i32 to index
        %swap3A_2415 = arith.constant 112 : index
        %swap3A_2416 = tpu.vector_load %arg19[%swap3A_2414, %swap3A_2415] {strides = array<i32>} : memref<8x128xi32, #tpu.memory_space<vmem>>, vector<16xi32>,
        tpu.vector_store %arg19[%swap3A_2414, %swap3A_2415], %get3A_2412 {strides = array<i32>} : memref<8x128xi32, #tpu.memory_space<vmem>>, vector<16xi32>,
      } else {
      }
      %gt3A_2239 = arith.constant 768 : i32
      %gt3A_2240 = arith.cmpi sgt, %add3A_2158, %gt3A_2239 : i32
      %convert_element_type3A_2241 = arith.extui %gt3A_2240 : i1 to i32
      %cond3A_2242 = arith.constant 0 : i32
      %cond3A_2243 = arith.cmpi ne, %convert_element_type3A_2241, %cond3A_2242 : i32
      scf.if %cond3A_2243 {
        %get3A_2369 = arith.constant 768 : index
        %get3A_2370 = tpu.vector_load %arg18[%get3A_2369] {strides = array<i32>} : memref<1152xi32, #tpu.memory_space<vmem>>, vector<16xi32>,
        %swap3A_2371 = arith.constant 6 : i32
        %swap3A_2372 = arith.index_cast %swap3A_2371 : i32 to index
        %swap3A_2373 = arith.constant 0 : index
        %swap3A_2374 = tpu.vector_load %arg19[%swap3A_2372, %swap3A_2373] {strides = array<i32>} : memref<8x128xi32, #tpu.memory_space<vmem>>, vector<16xi32>,
        tpu.vector_store %arg19[%swap3A_2372, %swap3A_2373], %get3A_2370 {strides = array<i32>} : memref<8x128xi32, #tpu.memory_space<vmem>>, vector<16xi32>,
        %get3A_2375 = arith.constant 784 : index
        %get3A_2376 = tpu.vector_load %arg18[%get3A_2375] {strides = array<i32>} : memref<1152xi32, #tpu.memory_space<vmem>>, vector<16xi32>,
        %swap3A_2377 = arith.constant 6 : i32
        %swap3A_2378 = arith.index_cast %swap3A_2377 : i32 to index
        %swap3A_2379 = arith.constant 16 : index
        %swap3A_2380 = tpu.vector_load %arg19[%swap3A_2378, %swap3A_2379] {strides = array<i32>} : memref<8x128xi32, #tpu.memory_space<vmem>>, vector<16xi32>,
        tpu.vector_store %arg19[%swap3A_2378, %swap3A_2379], %get3A_2376 {strides = array<i32>} : memref<8x128xi32, #tpu.memory_space<vmem>>, vector<16xi32>,
        %get3A_2381 = arith.constant 800 : index
        %get3A_2382 = tpu.vector_load %arg18[%get3A_2381] {strides = array<i32>} : memref<1152xi32, #tpu.memory_space<vmem>>, vector<16xi32>,
        %swap3A_2383 = arith.constant 6 : i32
        %swap3A_2384 = arith.index_cast %swap3A_2383 : i32 to index
        %swap3A_2385 = arith.constant 32 : index
        %swap3A_2386 = tpu.vector_load %arg19[%swap3A_2384, %swap3A_2385] {strides = array<i32>} : memref<8x128xi32, #tpu.memory_space<vmem>>, vector<16xi32>,
        tpu.vector_store %arg19[%swap3A_2384, %swap3A_2385], %get3A_2382 {strides = array<i32>} : memref<8x128xi32, #tpu.memory_space<vmem>>, vector<16xi32>,
        %get3A_2387 = arith.constant 816 : index
        %get3A_2388 = tpu.vector_load %arg18[%get3A_2387] {strides = array<i32>} : memref<1152xi32, #tpu.memory_space<vmem>>, vector<16xi32>,
        %swap3A_2389 = arith.constant 6 : i32
        %swap3A_2390 = arith.index_cast %swap3A_2389 : i32 to index
        %swap3A_2391 = arith.constant 48 : index
        %swap3A_2392 = tpu.vector_load %arg19[%swap3A_2390, %swap3A_2391] {strides = array<i32>} : memref<8x128xi32, #tpu.memory_space<vmem>>, vector<16xi32>,
        tpu.vector_store %arg19[%swap3A_2390, %swap3A_2391], %get3A_2388 {strides = array<i32>} : memref<8x128xi32, #tpu.memory_space<vmem>>, vector<16xi32>,
        %get3A_2393 = arith.constant 832 : index
        %get3A_2394 = tpu.vector_load %arg18[%get3A_2393] {strides = array<i32>} : memref<1152xi32, #tpu.memory_space<vmem>>, vector<16xi32>,
        %swap3A_2395 = arith.constant 6 : i32
        %swap3A_2396 = arith.index_cast %swap3A_2395 : i32 to index
        %swap3A_2397 = arith.constant 64 : index
        %swap3A_2398 = tpu.vector_load %arg19[%swap3A_2396, %swap3A_2397] {strides = array<i32>} : memref<8x128xi32, #tpu.memory_space<vmem>>, vector<16xi32>,
        tpu.vector_store %arg19[%swap3A_2396, %swap3A_2397], %get3A_2394 {strides = array<i32>} : memref<8x128xi32, #tpu.memory_space<vmem>>, vector<16xi32>,
        %get3A_2399 = arith.constant 848 : index
        %get3A_2400 = tpu.vector_load %arg18[%get3A_2399] {strides = array<i32>} : memref<1152xi32, #tpu.memory_space<vmem>>, vector<16xi32>,
        %swap3A_2401 = arith.constant 6 : i32
        %swap3A_2402 = arith.index_cast %swap3A_2401 : i32 to index
        %swap3A_2403 = arith.constant 80 : index
        %swap3A_2404 = tpu.vector_load %arg19[%swap3A_2402, %swap3A_2403] {strides = array<i32>} : memref<8x128xi32, #tpu.memory_space<vmem>>, vector<16xi32>,
        tpu.vector_store %arg19[%swap3A_2402, %swap3A_2403], %get3A_2400 {strides = array<i32>} : memref<8x128xi32, #tpu.memory_space<vmem>>, vector<16xi32>,
        %get3A_2405 = arith.constant 864 : index
        %get3A_2406 = tpu.vector_load %arg18[%get3A_2405] {strides = array<i32>} : memref<1152xi32, #tpu.memory_space<vmem>>, vector<16xi32>,
        %swap3A_2407 = arith.constant 6 : i32
        %swap3A_2408 = arith.index_cast %swap3A_2407 : i32 to index
        %swap3A_2409 = arith.constant 96 : index
        %swap3A_2410 = tpu.vector_load %arg19[%swap3A_2408, %swap3A_2409] {strides = array<i32>} : memref<8x128xi32, #tpu.memory_space<vmem>>, vector<16xi32>,
        tpu.vector_store %arg19[%swap3A_2408, %swap3A_2409], %get3A_2406 {strides = array<i32>} : memref<8x128xi32, #tpu.memory_space<vmem>>, vector<16xi32>,
        %get3A_2411 = arith.constant 880 : index
        %get3A_2412 = tpu.vector_load %arg18[%get3A_2411] {strides = array<i32>} : memref<1152xi32, #tpu.memory_space<vmem>>, vector<16xi32>,
        %swap3A_2413 = arith.constant 6 : i32
        %swap3A_2414 = arith.index_cast %swap3A_2413 : i32 to index
        %swap3A_2415 = arith.constant 112 : index
        %swap3A_2416 = tpu.vector_load %arg19[%swap3A_2414, %swap3A_2415] {strides = array<i32>} : memref<8x128xi32, #tpu.memory_space<vmem>>, vector<16xi32>,
        tpu.vector_store %arg19[%swap3A_2414, %swap3A_2415], %get3A_2412 {strides = array<i32>} : memref<8x128xi32, #tpu.memory_space<vmem>>, vector<16xi32>,
      } else {
      }
      %gt3A_2244 = arith.constant 896 : i32
      %gt3A_2245 = arith.cmpi sgt, %add3A_2158, %gt3A_2244 : i32
      %convert_element_type3A_2246 = arith.extui %gt3A_2245 : i1 to i32
      %cond3A_2247 = arith.constant 0 : i32
      %cond3A_2248 = arith.cmpi ne, %convert_element_type3A_2246, %cond3A_2247 : i32
      scf.if %cond3A_2248 {
        %get3A_2369 = arith.constant 896 : index
        %get3A_2370 = tpu.vector_load %arg18[%get3A_2369] {strides = array<i32>} : memref<1152xi32, #tpu.memory_space<vmem>>, vector<16xi32>,
        %swap3A_2371 = arith.constant 7 : i32
        %swap3A_2372 = arith.index_cast %swap3A_2371 : i32 to index
        %swap3A_2373 = arith.constant 0 : index
        %swap3A_2374 = tpu.vector_load %arg19[%swap3A_2372, %swap3A_2373] {strides = array<i32>} : memref<8x128xi32, #tpu.memory_space<vmem>>, vector<16xi32>,
        tpu.vector_store %arg19[%swap3A_2372, %swap3A_2373], %get3A_2370 {strides = array<i32>} : memref<8x128xi32, #tpu.memory_space<vmem>>, vector<16xi32>,
        %get3A_2375 = arith.constant 912 : index
        %get3A_2376 = tpu.vector_load %arg18[%get3A_2375] {strides = array<i32>} : memref<1152xi32, #tpu.memory_space<vmem>>, vector<16xi32>,
        %swap3A_2377 = arith.constant 7 : i32
        %swap3A_2378 = arith.index_cast %swap3A_2377 : i32 to index
        %swap3A_2379 = arith.constant 16 : index
        %swap3A_2380 = tpu.vector_load %arg19[%swap3A_2378, %swap3A_2379] {strides = array<i32>} : memref<8x128xi32, #tpu.memory_space<vmem>>, vector<16xi32>,
        tpu.vector_store %arg19[%swap3A_2378, %swap3A_2379], %get3A_2376 {strides = array<i32>} : memref<8x128xi32, #tpu.memory_space<vmem>>, vector<16xi32>,
        %get3A_2381 = arith.constant 928 : index
        %get3A_2382 = tpu.vector_load %arg18[%get3A_2381] {strides = array<i32>} : memref<1152xi32, #tpu.memory_space<vmem>>, vector<16xi32>,
        %swap3A_2383 = arith.constant 7 : i32
        %swap3A_2384 = arith.index_cast %swap3A_2383 : i32 to index
        %swap3A_2385 = arith.constant 32 : index
        %swap3A_2386 = tpu.vector_load %arg19[%swap3A_2384, %swap3A_2385] {strides = array<i32>} : memref<8x128xi32, #tpu.memory_space<vmem>>, vector<16xi32>,
        tpu.vector_store %arg19[%swap3A_2384, %swap3A_2385], %get3A_2382 {strides = array<i32>} : memref<8x128xi32, #tpu.memory_space<vmem>>, vector<16xi32>,
        %get3A_2387 = arith.constant 944 : index
        %get3A_2388 = tpu.vector_load %arg18[%get3A_2387] {strides = array<i32>} : memref<1152xi32, #tpu.memory_space<vmem>>, vector<16xi32>,
        %swap3A_2389 = arith.constant 7 : i32
        %swap3A_2390 = arith.index_cast %swap3A_2389 : i32 to index
        %swap3A_2391 = arith.constant 48 : index
        %swap3A_2392 = tpu.vector_load %arg19[%swap3A_2390, %swap3A_2391] {strides = array<i32>} : memref<8x128xi32, #tpu.memory_space<vmem>>, vector<16xi32>,
        tpu.vector_store %arg19[%swap3A_2390, %swap3A_2391], %get3A_2388 {strides = array<i32>} : memref<8x128xi32, #tpu.memory_space<vmem>>, vector<16xi32>,
        %get3A_2393 = arith.constant 960 : index
        %get3A_2394 = tpu.vector_load %arg18[%get3A_2393] {strides = array<i32>} : memref<1152xi32, #tpu.memory_space<vmem>>, vector<16xi32>,
        %swap3A_2395 = arith.constant 7 : i32
        %swap3A_2396 = arith.index_cast %swap3A_2395 : i32 to index
        %swap3A_2397 = arith.constant 64 : index
        %swap3A_2398 = tpu.vector_load %arg19[%swap3A_2396, %swap3A_2397] {strides = array<i32>} : memref<8x128xi32, #tpu.memory_space<vmem>>, vector<16xi32>,
        tpu.vector_store %arg19[%swap3A_2396, %swap3A_2397], %get3A_2394 {strides = array<i32>} : memref<8x128xi32, #tpu.memory_space<vmem>>, vector<16xi32>,
        %get3A_2399 = arith.constant 976 : index
        %get3A_2400 = tpu.vector_load %arg18[%get3A_2399] {strides = array<i32>} : memref<1152xi32, #tpu.memory_space<vmem>>, vector<16xi32>,
        %swap3A_2401 = arith.constant 7 : i32
        %swap3A_2402 = arith.index_cast %swap3A_2401 : i32 to index
        %swap3A_2403 = arith.constant 80 : index
        %swap3A_2404 = tpu.vector_load %arg19[%swap3A_2402, %swap3A_2403] {strides = array<i32>} : memref<8x128xi32, #tpu.memory_space<vmem>>, vector<16xi32>,
        tpu.vector_store %arg19[%swap3A_2402, %swap3A_2403], %get3A_2400 {strides = array<i32>} : memref<8x128xi32, #tpu.memory_space<vmem>>, vector<16xi32>,
        %get3A_2405 = arith.constant 992 : index
        %get3A_2406 = tpu.vector_load %arg18[%get3A_2405] {strides = array<i32>} : memref<1152xi32, #tpu.memory_space<vmem>>, vector<16xi32>,
        %swap3A_2407 = arith.constant 7 : i32
        %swap3A_2408 = arith.index_cast %swap3A_2407 : i32 to index
        %swap3A_2409 = arith.constant 96 : index
        %swap3A_2410 = tpu.vector_load %arg19[%swap3A_2408, %swap3A_2409] {strides = array<i32>} : memref<8x128xi32, #tpu.memory_space<vmem>>, vector<16xi32>,
        tpu.vector_store %arg19[%swap3A_2408, %swap3A_2409], %get3A_2406 {strides = array<i32>} : memref<8x128xi32, #tpu.memory_space<vmem>>, vector<16xi32>,
        %get3A_2411 = arith.constant 1008 : index
        %get3A_2412 = tpu.vector_load %arg18[%get3A_2411] {strides = array<i32>} : memref<1152xi32, #tpu.memory_space<vmem>>, vector<16xi32>,
        %swap3A_2413 = arith.constant 7 : i32
        %swap3A_2414 = arith.index_cast %swap3A_2413 : i32 to index
        %swap3A_2415 = arith.constant 112 : index
        %swap3A_2416 = tpu.vector_load %arg19[%swap3A_2414, %swap3A_2415] {strides = array<i32>} : memref<8x128xi32, #tpu.memory_space<vmem>>, vector<16xi32>,
        tpu.vector_store %arg19[%swap3A_2414, %swap3A_2415], %get3A_2412 {strides = array<i32>} : memref<8x128xi32, #tpu.memory_space<vmem>>, vector<16xi32>,
      } else {
      }
      %gt3A_2249 = arith.constant 0 : i32
      %gt3A_2250 = arith.cmpi sgt, %add3A_2158, %gt3A_2249 : i32
      %convert_element_type3A_2251 = arith.extui %gt3A_2250 : i1 to i32
      %cond3A_2252 = arith.constant 0 : i32
      %cond3A_2253 = arith.cmpi ne, %convert_element_type3A_2251, %cond3A_2252 : i32
      scf.if %cond3A_2253 {
        %dma_start3A = arith.constant 0 : i32
        %dma_start3A_2369 = arith.constant 0 : i32
        %dma_start3A_2370 = arith.constant 0 : i32
        %dma_start3A_2371 = tpu.memref_slice %arg20[%dma_start3A, %dma_start3A_2369, %dma_start3A_2370] : memref<8x128x16xf32, #tpu.memory_space<vmem>> -> memref<1x128x16xf32, #tpu.memory_space<vmem>>
        %dma_start3A_2372 = tpu.memref_squeeze %dma_start3A_2371 : memref<1x128x16xf32, #tpu.memory_space<vmem>> -> memref<128x16xf32, #tpu.memory_space<vmem>>
        %dma_start3A_2373 = arith.constant 0 : i32
        %dma_start3A_2374 = tpu.memref_slice %arg17[%dma_start3A_2373] : memref<1152xi32, #tpu.memory_space<vmem>> -> memref<128xi32, #tpu.memory_space<vmem>>
        %dma_start3A_2375 = arith.constant 0 : i32
        %dma_start3A_2376 = arith.constant 0 : i32
        %dma_start3A_2377 = tpu.memref_slice %arg2[%dma_start3A_2375, %dma_start3A_2376] : memref<100000x16xf32, #tpu.memory_space<hbm>> -> memref<100000x16xf32, #tpu.memory_space<hbm>>
        tpu.enqueue_indirect_dma source(%dma_start3A_2377 : memref<100000x16xf32, #tpu.memory_space<hbm>>) target(%dma_start3A_2372 : memref<128x16xf32, #tpu.memory_space<vmem>>) offsets(%dma_start3A_2374 : memref<128xi32, #tpu.memory_space<vmem>>) semaphore(%arg22 : memref<!tpu.dma_semaphore, #tpu.memory_space<semaphore_mem>>)
      } else {
      }
      %gt3A_2254 = arith.constant 128 : i32
      %gt3A_2255 = arith.cmpi sgt, %add3A_2158, %gt3A_2254 : i32
      %convert_element_type3A_2256 = arith.extui %gt3A_2255 : i1 to i32
      %cond3A_2257 = arith.constant 0 : i32
      %cond3A_2258 = arith.cmpi ne, %convert_element_type3A_2256, %cond3A_2257 : i32
      scf.if %cond3A_2258 {
        %dma_start3A = arith.constant 1 : i32
        %dma_start3A_2369 = arith.constant 0 : i32
        %dma_start3A_2370 = arith.constant 0 : i32
        %dma_start3A_2371 = tpu.memref_slice %arg20[%dma_start3A, %dma_start3A_2369, %dma_start3A_2370] : memref<8x128x16xf32, #tpu.memory_space<vmem>> -> memref<1x128x16xf32, #tpu.memory_space<vmem>>
        %dma_start3A_2372 = tpu.memref_squeeze %dma_start3A_2371 : memref<1x128x16xf32, #tpu.memory_space<vmem>> -> memref<128x16xf32, #tpu.memory_space<vmem>>
        %dma_start3A_2373 = arith.constant 128 : i32
        %dma_start3A_2374 = tpu.memref_slice %arg17[%dma_start3A_2373] : memref<1152xi32, #tpu.memory_space<vmem>> -> memref<128xi32, #tpu.memory_space<vmem>>
        %dma_start3A_2375 = arith.constant 0 : i32
        %dma_start3A_2376 = arith.constant 0 : i32
        %dma_start3A_2377 = tpu.memref_slice %arg2[%dma_start3A_2375, %dma_start3A_2376] : memref<100000x16xf32, #tpu.memory_space<hbm>> -> memref<100000x16xf32, #tpu.memory_space<hbm>>
        tpu.enqueue_indirect_dma source(%dma_start3A_2377 : memref<100000x16xf32, #tpu.memory_space<hbm>>) target(%dma_start3A_2372 : memref<128x16xf32, #tpu.memory_space<vmem>>) offsets(%dma_start3A_2374 : memref<128xi32, #tpu.memory_space<vmem>>) semaphore(%arg22 : memref<!tpu.dma_semaphore, #tpu.memory_space<semaphore_mem>>)
      } else {
      }
      %gt3A_2259 = arith.constant 256 : i32
      %gt3A_2260 = arith.cmpi sgt, %add3A_2158, %gt3A_2259 : i32
      %convert_element_type3A_2261 = arith.extui %gt3A_2260 : i1 to i32
      %cond3A_2262 = arith.constant 0 : i32
      %cond3A_2263 = arith.cmpi ne, %convert_element_type3A_2261, %cond3A_2262 : i32
      scf.if %cond3A_2263 {
        %dma_start3A = arith.constant 2 : i32
        %dma_start3A_2369 = arith.constant 0 : i32
        %dma_start3A_2370 = arith.constant 0 : i32
        %dma_start3A_2371 = tpu.memref_slice %arg20[%dma_start3A, %dma_start3A_2369, %dma_start3A_2370] : memref<8x128x16xf32, #tpu.memory_space<vmem>> -> memref<1x128x16xf32, #tpu.memory_space<vmem>>
        %dma_start3A_2372 = tpu.memref_squeeze %dma_start3A_2371 : memref<1x128x16xf32, #tpu.memory_space<vmem>> -> memref<128x16xf32, #tpu.memory_space<vmem>>
        %dma_start3A_2373 = arith.constant 256 : i32
        %dma_start3A_2374 = tpu.memref_slice %arg17[%dma_start3A_2373] : memref<1152xi32, #tpu.memory_space<vmem>> -> memref<128xi32, #tpu.memory_space<vmem>>
        %dma_start3A_2375 = arith.constant 0 : i32
        %dma_start3A_2376 = arith.constant 0 : i32
        %dma_start3A_2377 = tpu.memref_slice %arg2[%dma_start3A_2375, %dma_start3A_2376] : memref<100000x16xf32, #tpu.memory_space<hbm>> -> memref<100000x16xf32, #tpu.memory_space<hbm>>
        tpu.enqueue_indirect_dma source(%dma_start3A_2377 : memref<100000x16xf32, #tpu.memory_space<hbm>>) target(%dma_start3A_2372 : memref<128x16xf32, #tpu.memory_space<vmem>>) offsets(%dma_start3A_2374 : memref<128xi32, #tpu.memory_space<vmem>>) semaphore(%arg22 : memref<!tpu.dma_semaphore, #tpu.memory_space<semaphore_mem>>)
      } else {
      }
      %gt3A_2264 = arith.constant 384 : i32
      %gt3A_2265 = arith.cmpi sgt, %add3A_2158, %gt3A_2264 : i32
      %convert_element_type3A_2266 = arith.extui %gt3A_2265 : i1 to i32
      %cond3A_2267 = arith.constant 0 : i32
      %cond3A_2268 = arith.cmpi ne, %convert_element_type3A_2266, %cond3A_2267 : i32
      scf.if %cond3A_2268 {
        %dma_start3A = arith.constant 3 : i32
        %dma_start3A_2369 = arith.constant 0 : i32
        %dma_start3A_2370 = arith.constant 0 : i32
        %dma_start3A_2371 = tpu.memref_slice %arg20[%dma_start3A, %dma_start3A_2369, %dma_start3A_2370] : memref<8x128x16xf32, #tpu.memory_space<vmem>> -> memref<1x128x16xf32, #tpu.memory_space<vmem>>
        %dma_start3A_2372 = tpu.memref_squeeze %dma_start3A_2371 : memref<1x128x16xf32, #tpu.memory_space<vmem>> -> memref<128x16xf32, #tpu.memory_space<vmem>>
        %dma_start3A_2373 = arith.constant 384 : i32
        %dma_start3A_2374 = tpu.memref_slice %arg17[%dma_start3A_2373] : memref<1152xi32, #tpu.memory_space<vmem>> -> memref<128xi32, #tpu.memory_space<vmem>>
        %dma_start3A_2375 = arith.constant 0 : i32
        %dma_start3A_2376 = arith.constant 0 : i32
        %dma_start3A_2377 = tpu.memref_slice %arg2[%dma_start3A_2375, %dma_start3A_2376] : memref<100000x16xf32, #tpu.memory_space<hbm>> -> memref<100000x16xf32, #tpu.memory_space<hbm>>
        tpu.enqueue_indirect_dma source(%dma_start3A_2377 : memref<100000x16xf32, #tpu.memory_space<hbm>>) target(%dma_start3A_2372 : memref<128x16xf32, #tpu.memory_space<vmem>>) offsets(%dma_start3A_2374 : memref<128xi32, #tpu.memory_space<vmem>>) semaphore(%arg22 : memref<!tpu.dma_semaphore, #tpu.memory_space<semaphore_mem>>)
      } else {
      }
      %gt3A_2269 = arith.constant 512 : i32
      %gt3A_2270 = arith.cmpi sgt, %add3A_2158, %gt3A_2269 : i32
      %convert_element_type3A_2271 = arith.extui %gt3A_2270 : i1 to i32
      %cond3A_2272 = arith.constant 0 : i32
      %cond3A_2273 = arith.cmpi ne, %convert_element_type3A_2271, %cond3A_2272 : i32
      scf.if %cond3A_2273 {
        %dma_start3A = arith.constant 4 : i32
        %dma_start3A_2369 = arith.constant 0 : i32
        %dma_start3A_2370 = arith.constant 0 : i32
        %dma_start3A_2371 = tpu.memref_slice %arg20[%dma_start3A, %dma_start3A_2369, %dma_start3A_2370] : memref<8x128x16xf32, #tpu.memory_space<vmem>> -> memref<1x128x16xf32, #tpu.memory_space<vmem>>
        %dma_start3A_2372 = tpu.memref_squeeze %dma_start3A_2371 : memref<1x128x16xf32, #tpu.memory_space<vmem>> -> memref<128x16xf32, #tpu.memory_space<vmem>>
        %dma_start3A_2373 = arith.constant 512 : i32
        %dma_start3A_2374 = tpu.memref_slice %arg17[%dma_start3A_2373] : memref<1152xi32, #tpu.memory_space<vmem>> -> memref<128xi32, #tpu.memory_space<vmem>>
        %dma_start3A_2375 = arith.constant 0 : i32
        %dma_start3A_2376 = arith.constant 0 : i32
        %dma_start3A_2377 = tpu.memref_slice %arg2[%dma_start3A_2375, %dma_start3A_2376] : memref<100000x16xf32, #tpu.memory_space<hbm>> -> memref<100000x16xf32, #tpu.memory_space<hbm>>
        tpu.enqueue_indirect_dma source(%dma_start3A_2377 : memref<100000x16xf32, #tpu.memory_space<hbm>>) target(%dma_start3A_2372 : memref<128x16xf32, #tpu.memory_space<vmem>>) offsets(%dma_start3A_2374 : memref<128xi32, #tpu.memory_space<vmem>>) semaphore(%arg22 : memref<!tpu.dma_semaphore, #tpu.memory_space<semaphore_mem>>)
      } else {
      }
      %gt3A_2274 = arith.constant 640 : i32
      %gt3A_2275 = arith.cmpi sgt, %add3A_2158, %gt3A_2274 : i32
      %convert_element_type3A_2276 = arith.extui %gt3A_2275 : i1 to i32
      %cond3A_2277 = arith.constant 0 : i32
      %cond3A_2278 = arith.cmpi ne, %convert_element_type3A_2276, %cond3A_2277 : i32
      scf.if %cond3A_2278 {
        %dma_start3A = arith.constant 5 : i32
        %dma_start3A_2369 = arith.constant 0 : i32
        %dma_start3A_2370 = arith.constant 0 : i32
        %dma_start3A_2371 = tpu.memref_slice %arg20[%dma_start3A, %dma_start3A_2369, %dma_start3A_2370] : memref<8x128x16xf32, #tpu.memory_space<vmem>> -> memref<1x128x16xf32, #tpu.memory_space<vmem>>
        %dma_start3A_2372 = tpu.memref_squeeze %dma_start3A_2371 : memref<1x128x16xf32, #tpu.memory_space<vmem>> -> memref<128x16xf32, #tpu.memory_space<vmem>>
        %dma_start3A_2373 = arith.constant 640 : i32
        %dma_start3A_2374 = tpu.memref_slice %arg17[%dma_start3A_2373] : memref<1152xi32, #tpu.memory_space<vmem>> -> memref<128xi32, #tpu.memory_space<vmem>>
        %dma_start3A_2375 = arith.constant 0 : i32
        %dma_start3A_2376 = arith.constant 0 : i32
        %dma_start3A_2377 = tpu.memref_slice %arg2[%dma_start3A_2375, %dma_start3A_2376] : memref<100000x16xf32, #tpu.memory_space<hbm>> -> memref<100000x16xf32, #tpu.memory_space<hbm>>
        tpu.enqueue_indirect_dma source(%dma_start3A_2377 : memref<100000x16xf32, #tpu.memory_space<hbm>>) target(%dma_start3A_2372 : memref<128x16xf32, #tpu.memory_space<vmem>>) offsets(%dma_start3A_2374 : memref<128xi32, #tpu.memory_space<vmem>>) semaphore(%arg22 : memref<!tpu.dma_semaphore, #tpu.memory_space<semaphore_mem>>)
      } else {
      }
      %gt3A_2279 = arith.constant 768 : i32
      %gt3A_2280 = arith.cmpi sgt, %add3A_2158, %gt3A_2279 : i32
      %convert_element_type3A_2281 = arith.extui %gt3A_2280 : i1 to i32
      %cond3A_2282 = arith.constant 0 : i32
      %cond3A_2283 = arith.cmpi ne, %convert_element_type3A_2281, %cond3A_2282 : i32
      scf.if %cond3A_2283 {
        %dma_start3A = arith.constant 6 : i32
        %dma_start3A_2369 = arith.constant 0 : i32
        %dma_start3A_2370 = arith.constant 0 : i32
        %dma_start3A_2371 = tpu.memref_slice %arg20[%dma_start3A, %dma_start3A_2369, %dma_start3A_2370] : memref<8x128x16xf32, #tpu.memory_space<vmem>> -> memref<1x128x16xf32, #tpu.memory_space<vmem>>
        %dma_start3A_2372 = tpu.memref_squeeze %dma_start3A_2371 : memref<1x128x16xf32, #tpu.memory_space<vmem>> -> memref<128x16xf32, #tpu.memory_space<vmem>>
        %dma_start3A_2373 = arith.constant 768 : i32
        %dma_start3A_2374 = tpu.memref_slice %arg17[%dma_start3A_2373] : memref<1152xi32, #tpu.memory_space<vmem>> -> memref<128xi32, #tpu.memory_space<vmem>>
        %dma_start3A_2375 = arith.constant 0 : i32
        %dma_start3A_2376 = arith.constant 0 : i32
        %dma_start3A_2377 = tpu.memref_slice %arg2[%dma_start3A_2375, %dma_start3A_2376] : memref<100000x16xf32, #tpu.memory_space<hbm>> -> memref<100000x16xf32, #tpu.memory_space<hbm>>
        tpu.enqueue_indirect_dma source(%dma_start3A_2377 : memref<100000x16xf32, #tpu.memory_space<hbm>>) target(%dma_start3A_2372 : memref<128x16xf32, #tpu.memory_space<vmem>>) offsets(%dma_start3A_2374 : memref<128xi32, #tpu.memory_space<vmem>>) semaphore(%arg22 : memref<!tpu.dma_semaphore, #tpu.memory_space<semaphore_mem>>)
      } else {
      }
      %gt3A_2284 = arith.constant 896 : i32
      %gt3A_2285 = arith.cmpi sgt, %add3A_2158, %gt3A_2284 : i32
      %convert_element_type3A_2286 = arith.extui %gt3A_2285 : i1 to i32
      %cond3A_2287 = arith.constant 0 : i32
      %cond3A_2288 = arith.cmpi ne, %convert_element_type3A_2286, %cond3A_2287 : i32
      scf.if %cond3A_2288 {
        %dma_start3A = arith.constant 7 : i32
        %dma_start3A_2369 = arith.constant 0 : i32
        %dma_start3A_2370 = arith.constant 0 : i32
        %dma_start3A_2371 = tpu.memref_slice %arg20[%dma_start3A, %dma_start3A_2369, %dma_start3A_2370] : memref<8x128x16xf32, #tpu.memory_space<vmem>> -> memref<1x128x16xf32, #tpu.memory_space<vmem>>
        %dma_start3A_2372 = tpu.memref_squeeze %dma_start3A_2371 : memref<1x128x16xf32, #tpu.memory_space<vmem>> -> memref<128x16xf32, #tpu.memory_space<vmem>>
        %dma_start3A_2373 = arith.constant 896 : i32
        %dma_start3A_2374 = tpu.memref_slice %arg17[%dma_start3A_2373] : memref<1152xi32, #tpu.memory_space<vmem>> -> memref<128xi32, #tpu.memory_space<vmem>>
        %dma_start3A_2375 = arith.constant 0 : i32
        %dma_start3A_2376 = arith.constant 0 : i32
        %dma_start3A_2377 = tpu.memref_slice %arg2[%dma_start3A_2375, %dma_start3A_2376] : memref<100000x16xf32, #tpu.memory_space<hbm>> -> memref<100000x16xf32, #tpu.memory_space<hbm>>
        tpu.enqueue_indirect_dma source(%dma_start3A_2377 : memref<100000x16xf32, #tpu.memory_space<hbm>>) target(%dma_start3A_2372 : memref<128x16xf32, #tpu.memory_space<vmem>>) offsets(%dma_start3A_2374 : memref<128xi32, #tpu.memory_space<vmem>>) semaphore(%arg22 : memref<!tpu.dma_semaphore, #tpu.memory_space<semaphore_mem>>)
      } else {
      }
      %gt3A_2289 = arith.constant 0 : i32
      %gt3A_2290 = arith.cmpi sgt, %add3A_2158, %gt3A_2289 : i32
      %convert_element_type3A_2291 = arith.extui %gt3A_2290 : i1 to i32
      %cond3A_2292 = arith.constant 0 : i32
      %cond3A_2293 = arith.cmpi ne, %convert_element_type3A_2291, %cond3A_2292 : i32
      scf.if %cond3A_2293 {
        %dma_wait3A = arith.constant 0 : i32
        %dma_wait3A_2369 = arith.constant 0 : i32
        %dma_wait3A_2370 = tpu.memref_slice %arg20[%squeeze3A, %dma_wait3A, %dma_wait3A_2369] : memref<8x128x16xf32, #tpu.memory_space<vmem>> -> memref<1x128x16xf32, #tpu.memory_space<vmem>>
        %dma_wait3A_2371 = tpu.memref_squeeze %dma_wait3A_2370 : memref<1x128x16xf32, #tpu.memory_space<vmem>> -> memref<128x16xf32, #tpu.memory_space<vmem>>
        %dma_wait3A_2372 = arith.constant 0 : i32
        %dma_wait3A_2373 = tpu.memref_slice %arg17[%dma_wait3A_2372] : memref<1152xi32, #tpu.memory_space<vmem>> -> memref<128xi32, #tpu.memory_space<vmem>>
        %dma_wait3A_2374 = arith.constant 0 : i32
        %dma_wait3A_2375 = arith.constant 0 : i32
        %dma_wait3A_2376 = tpu.memref_slice %arg2[%dma_wait3A_2374, %dma_wait3A_2375] : memref<100000x16xf32, #tpu.memory_space<hbm>> -> memref<100000x16xf32, #tpu.memory_space<hbm>>
        tpu.wait_indirect_dma semaphore(%arg22 : memref<!tpu.dma_semaphore, #tpu.memory_space<semaphore_mem>>) src(%dma_wait3A_2376 : memref<100000x16xf32, #tpu.memory_space<hbm>>) dst(%dma_wait3A_2371 : memref<128x16xf32, #tpu.memory_space<vmem>>)
      } else {
      }
      %gt3A_2294 = arith.constant 128 : i32
      %gt3A_2295 = arith.cmpi sgt, %add3A_2158, %gt3A_2294 : i32
      %convert_element_type3A_2296 = arith.extui %gt3A_2295 : i1 to i32
      %cond3A_2297 = arith.constant 0 : i32
      %cond3A_2298 = arith.cmpi ne, %convert_element_type3A_2296, %cond3A_2297 : i32
      scf.if %cond3A_2298 {
        %dma_wait3A = arith.constant 0 : i32
        %dma_wait3A_2369 = arith.constant 0 : i32
        %dma_wait3A_2370 = tpu.memref_slice %arg20[%squeeze3A_11, %dma_wait3A, %dma_wait3A_2369] : memref<8x128x16xf32, #tpu.memory_space<vmem>> -> memref<1x128x16xf32, #tpu.memory_space<vmem>>
        %dma_wait3A_2371 = tpu.memref_squeeze %dma_wait3A_2370 : memref<1x128x16xf32, #tpu.memory_space<vmem>> -> memref<128x16xf32, #tpu.memory_space<vmem>>
        %dma_wait3A_2372 = arith.constant 128 : i32
        %dma_wait3A_2373 = tpu.memref_slice %arg17[%dma_wait3A_2372] : memref<1152xi32, #tpu.memory_space<vmem>> -> memref<128xi32, #tpu.memory_space<vmem>>
        %dma_wait3A_2374 = arith.constant 0 : i32
        %dma_wait3A_2375 = arith.constant 0 : i32
        %dma_wait3A_2376 = tpu.memref_slice %arg2[%dma_wait3A_2374, %dma_wait3A_2375] : memref<100000x16xf32, #tpu.memory_space<hbm>> -> memref<100000x16xf32, #tpu.memory_space<hbm>>
        tpu.wait_indirect_dma semaphore(%arg22 : memref<!tpu.dma_semaphore, #tpu.memory_space<semaphore_mem>>) src(%dma_wait3A_2376 : memref<100000x16xf32, #tpu.memory_space<hbm>>) dst(%dma_wait3A_2371 : memref<128x16xf32, #tpu.memory_space<vmem>>)
      } else {
      }
      %gt3A_2299 = arith.constant 256 : i32
      %gt3A_2300 = arith.cmpi sgt, %add3A_2158, %gt3A_2299 : i32
      %convert_element_type3A_2301 = arith.extui %gt3A_2300 : i1 to i32
      %cond3A_2302 = arith.constant 0 : i32
      %cond3A_2303 = arith.cmpi ne, %convert_element_type3A_2301, %cond3A_2302 : i32
      scf.if %cond3A_2303 {
        %dma_wait3A = arith.constant 0 : i32
        %dma_wait3A_2369 = arith.constant 0 : i32
        %dma_wait3A_2370 = tpu.memref_slice %arg20[%squeeze3A_15, %dma_wait3A, %dma_wait3A_2369] : memref<8x128x16xf32, #tpu.memory_space<vmem>> -> memref<1x128x16xf32, #tpu.memory_space<vmem>>
        %dma_wait3A_2371 = tpu.memref_squeeze %dma_wait3A_2370 : memref<1x128x16xf32, #tpu.memory_space<vmem>> -> memref<128x16xf32, #tpu.memory_space<vmem>>
        %dma_wait3A_2372 = arith.constant 256 : i32
        %dma_wait3A_2373 = tpu.memref_slice %arg17[%dma_wait3A_2372] : memref<1152xi32, #tpu.memory_space<vmem>> -> memref<128xi32, #tpu.memory_space<vmem>>
        %dma_wait3A_2374 = arith.constant 0 : i32
        %dma_wait3A_2375 = arith.constant 0 : i32
        %dma_wait3A_2376 = tpu.memref_slice %arg2[%dma_wait3A_2374, %dma_wait3A_2375] : memref<100000x16xf32, #tpu.memory_space<hbm>> -> memref<100000x16xf32, #tpu.memory_space<hbm>>
        tpu.wait_indirect_dma semaphore(%arg22 : memref<!tpu.dma_semaphore, #tpu.memory_space<semaphore_mem>>) src(%dma_wait3A_2376 : memref<100000x16xf32, #tpu.memory_space<hbm>>) dst(%dma_wait3A_2371 : memref<128x16xf32, #tpu.memory_space<vmem>>)
      } else {
      }
      %gt3A_2304 = arith.constant 384 : i32
      %gt3A_2305 = arith.cmpi sgt, %add3A_2158, %gt3A_2304 : i32
      %convert_element_type3A_2306 = arith.extui %gt3A_2305 : i1 to i32
      %cond3A_2307 = arith.constant 0 : i32
      %cond3A_2308 = arith.cmpi ne, %convert_element_type3A_2306, %cond3A_2307 : i32
      scf.if %cond3A_2308 {
        %dma_wait3A = arith.constant 0 : i32
        %dma_wait3A_2369 = arith.constant 0 : i32
        %dma_wait3A_2370 = tpu.memref_slice %arg20[%squeeze3A_19, %dma_wait3A, %dma_wait3A_2369] : memref<8x128x16xf32, #tpu.memory_space<vmem>> -> memref<1x128x16xf32, #tpu.memory_space<vmem>>
        %dma_wait3A_2371 = tpu.memref_squeeze %dma_wait3A_2370 : memref<1x128x16xf32, #tpu.memory_space<vmem>> -> memref<128x16xf32, #tpu.memory_space<vmem>>
        %dma_wait3A_2372 = arith.constant 384 : i32
        %dma_wait3A_2373 = tpu.memref_slice %arg17[%dma_wait3A_2372] : memref<1152xi32, #tpu.memory_space<vmem>> -> memref<128xi32, #tpu.memory_space<vmem>>
        %dma_wait3A_2374 = arith.constant 0 : i32
        %dma_wait3A_2375 = arith.constant 0 : i32
        %dma_wait3A_2376 = tpu.memref_slice %arg2[%dma_wait3A_2374, %dma_wait3A_2375] : memref<100000x16xf32, #tpu.memory_space<hbm>> -> memref<100000x16xf32, #tpu.memory_space<hbm>>
        tpu.wait_indirect_dma semaphore(%arg22 : memref<!tpu.dma_semaphore, #tpu.memory_space<semaphore_mem>>) src(%dma_wait3A_2376 : memref<100000x16xf32, #tpu.memory_space<hbm>>) dst(%dma_wait3A_2371 : memref<128x16xf32, #tpu.memory_space<vmem>>)
      } else {
      }
      %gt3A_2309 = arith.constant 512 : i32
      %gt3A_2310 = arith.cmpi sgt, %add3A_2158, %gt3A_2309 : i32
      %convert_element_type3A_2311 = arith.extui %gt3A_2310 : i1 to i32
      %cond3A_2312 = arith.constant 0 : i32
      %cond3A_2313 = arith.cmpi ne, %convert_element_type3A_2311, %cond3A_2312 : i32
      scf.if %cond3A_2313 {
        %dma_wait3A = arith.constant 0 : i32
        %dma_wait3A_2369 = arith.constant 0 : i32
        %dma_wait3A_2370 = tpu.memref_slice %arg20[%squeeze3A_23, %dma_wait3A, %dma_wait3A_2369] : memref<8x128x16xf32, #tpu.memory_space<vmem>> -> memref<1x128x16xf32, #tpu.memory_space<vmem>>
        %dma_wait3A_2371 = tpu.memref_squeeze %dma_wait3A_2370 : memref<1x128x16xf32, #tpu.memory_space<vmem>> -> memref<128x16xf32, #tpu.memory_space<vmem>>
        %dma_wait3A_2372 = arith.constant 512 : i32
        %dma_wait3A_2373 = tpu.memref_slice %arg17[%dma_wait3A_2372] : memref<1152xi32, #tpu.memory_space<vmem>> -> memref<128xi32, #tpu.memory_space<vmem>>
        %dma_wait3A_2374 = arith.constant 0 : i32
        %dma_wait3A_2375 = arith.constant 0 : i32
        %dma_wait3A_2376 = tpu.memref_slice %arg2[%dma_wait3A_2374, %dma_wait3A_2375] : memref<100000x16xf32, #tpu.memory_space<hbm>> -> memref<100000x16xf32, #tpu.memory_space<hbm>>
        tpu.wait_indirect_dma semaphore(%arg22 : memref<!tpu.dma_semaphore, #tpu.memory_space<semaphore_mem>>) src(%dma_wait3A_2376 : memref<100000x16xf32, #tpu.memory_space<hbm>>) dst(%dma_wait3A_2371 : memref<128x16xf32, #tpu.memory_space<vmem>>)
      } else {
      }
      %gt3A_2314 = arith.constant 640 : i32
      %gt3A_2315 = arith.cmpi sgt, %add3A_2158, %gt3A_2314 : i32
      %convert_element_type3A_2316 = arith.extui %gt3A_2315 : i1 to i32
      %cond3A_2317 = arith.constant 0 : i32
      %cond3A_2318 = arith.cmpi ne, %convert_element_type3A_2316, %cond3A_2317 : i32
      scf.if %cond3A_2318 {
        %dma_wait3A = arith.constant 0 : i32
        %dma_wait3A_2369 = arith.constant 0 : i32
        %dma_wait3A_2370 = tpu.memref_slice %arg20[%squeeze3A_27, %dma_wait3A, %dma_wait3A_2369] : memref<8x128x16xf32, #tpu.memory_space<vmem>> -> memref<1x128x16xf32, #tpu.memory_space<vmem>>
        %dma_wait3A_2371 = tpu.memref_squeeze %dma_wait3A_2370 : memref<1x128x16xf32, #tpu.memory_space<vmem>> -> memref<128x16xf32, #tpu.memory_space<vmem>>
        %dma_wait3A_2372 = arith.constant 640 : i32
        %dma_wait3A_2373 = tpu.memref_slice %arg17[%dma_wait3A_2372] : memref<1152xi32, #tpu.memory_space<vmem>> -> memref<128xi32, #tpu.memory_space<vmem>>
        %dma_wait3A_2374 = arith.constant 0 : i32
        %dma_wait3A_2375 = arith.constant 0 : i32
        %dma_wait3A_2376 = tpu.memref_slice %arg2[%dma_wait3A_2374, %dma_wait3A_2375] : memref<100000x16xf32, #tpu.memory_space<hbm>> -> memref<100000x16xf32, #tpu.memory_space<hbm>>
        tpu.wait_indirect_dma semaphore(%arg22 : memref<!tpu.dma_semaphore, #tpu.memory_space<semaphore_mem>>) src(%dma_wait3A_2376 : memref<100000x16xf32, #tpu.memory_space<hbm>>) dst(%dma_wait3A_2371 : memref<128x16xf32, #tpu.memory_space<vmem>>)
      } else {
      }
      %gt3A_2319 = arith.constant 768 : i32
      %gt3A_2320 = arith.cmpi sgt, %add3A_2158, %gt3A_2319 : i32
      %convert_element_type3A_2321 = arith.extui %gt3A_2320 : i1 to i32
      %cond3A_2322 = arith.constant 0 : i32
      %cond3A_2323 = arith.cmpi ne, %convert_element_type3A_2321, %cond3A_2322 : i32
      scf.if %cond3A_2323 {
        %dma_wait3A = arith.constant 0 : i32
        %dma_wait3A_2369 = arith.constant 0 : i32
        %dma_wait3A_2370 = tpu.memref_slice %arg20[%squeeze3A_31, %dma_wait3A, %dma_wait3A_2369] : memref<8x128x16xf32, #tpu.memory_space<vmem>> -> memref<1x128x16xf32, #tpu.memory_space<vmem>>
        %dma_wait3A_2371 = tpu.memref_squeeze %dma_wait3A_2370 : memref<1x128x16xf32, #tpu.memory_space<vmem>> -> memref<128x16xf32, #tpu.memory_space<vmem>>
        %dma_wait3A_2372 = arith.constant 768 : i32
        %dma_wait3A_2373 = tpu.memref_slice %arg17[%dma_wait3A_2372] : memref<1152xi32, #tpu.memory_space<vmem>> -> memref<128xi32, #tpu.memory_space<vmem>>
        %dma_wait3A_2374 = arith.constant 0 : i32
        %dma_wait3A_2375 = arith.constant 0 : i32
        %dma_wait3A_2376 = tpu.memref_slice %arg2[%dma_wait3A_2374, %dma_wait3A_2375] : memref<100000x16xf32, #tpu.memory_space<hbm>> -> memref<100000x16xf32, #tpu.memory_space<hbm>>
        tpu.wait_indirect_dma semaphore(%arg22 : memref<!tpu.dma_semaphore, #tpu.memory_space<semaphore_mem>>) src(%dma_wait3A_2376 : memref<100000x16xf32, #tpu.memory_space<hbm>>) dst(%dma_wait3A_2371 : memref<128x16xf32, #tpu.memory_space<vmem>>)
      } else {
      }
      %gt3A_2324 = arith.constant 896 : i32
      %gt3A_2325 = arith.cmpi sgt, %add3A_2158, %gt3A_2324 : i32
      %convert_element_type3A_2326 = arith.extui %gt3A_2325 : i1 to i32
      %cond3A_2327 = arith.constant 0 : i32
      %cond3A_2328 = arith.cmpi ne, %convert_element_type3A_2326, %cond3A_2327 : i32
      scf.if %cond3A_2328 {
        %dma_wait3A = arith.constant 0 : i32
        %dma_wait3A_2369 = arith.constant 0 : i32
        %dma_wait3A_2370 = tpu.memref_slice %arg20[%squeeze3A_35, %dma_wait3A, %dma_wait3A_2369] : memref<8x128x16xf32, #tpu.memory_space<vmem>> -> memref<1x128x16xf32, #tpu.memory_space<vmem>>
        %dma_wait3A_2371 = tpu.memref_squeeze %dma_wait3A_2370 : memref<1x128x16xf32, #tpu.memory_space<vmem>> -> memref<128x16xf32, #tpu.memory_space<vmem>>
        %dma_wait3A_2372 = arith.constant 896 : i32
        %dma_wait3A_2373 = tpu.memref_slice %arg17[%dma_wait3A_2372] : memref<1152xi32, #tpu.memory_space<vmem>> -> memref<128xi32, #tpu.memory_space<vmem>>
        %dma_wait3A_2374 = arith.constant 0 : i32
        %dma_wait3A_2375 = arith.constant 0 : i32
        %dma_wait3A_2376 = tpu.memref_slice %arg2[%dma_wait3A_2374, %dma_wait3A_2375] : memref<100000x16xf32, #tpu.memory_space<hbm>> -> memref<100000x16xf32, #tpu.memory_space<hbm>>
        tpu.wait_indirect_dma semaphore(%arg22 : memref<!tpu.dma_semaphore, #tpu.memory_space<semaphore_mem>>) src(%dma_wait3A_2376 : memref<100000x16xf32, #tpu.memory_space<hbm>>) dst(%dma_wait3A_2371 : memref<128x16xf32, #tpu.memory_space<vmem>>)
      } else {
      }
      %gt3A_2329 = arith.constant 0 : i32
      %gt3A_2330 = arith.cmpi sgt, %add3A_2158, %gt3A_2329 : i32
      %convert_element_type3A_2331 = arith.extui %gt3A_2330 : i1 to i32
      %cond3A_2332 = arith.constant 0 : i32
      %cond3A_2333 = arith.cmpi ne, %convert_element_type3A_2331, %cond3A_2332 : i32
      scf.if %cond3A_2333 {
        %run_scoped3A = arith.constant 0 : i32
        %run_scoped3A_2369 = arith.constant 0 : i32
        "tpu.region"() ({
          %run_scoped3A_2370 = tpu.sem_alloc : memref<!tpu.dma_semaphore, #tpu.memory_space<semaphore_mem>>
          %dma_start3A = arith.constant 0 : i32
          %dma_start3A_2371 = arith.constant 0 : i32
          %dma_start3A_2372 = tpu.memref_slice %arg20[%run_scoped3A, %dma_start3A, %dma_start3A_2371] : memref<8x128x16xf32, #tpu.memory_space<vmem>> -> memref<1x128x16xf32, #tpu.memory_space<vmem>>
          %dma_start3A_2373 = tpu.memref_squeeze %dma_start3A_2372 : memref<1x128x16xf32, #tpu.memory_space<vmem>> -> memref<128x16xf32, #tpu.memory_space<vmem>>
          %dma_start3A_2374 = arith.constant 0 : i32
          %dma_start3A_2375 = tpu.memref_slice %arg19[%run_scoped3A_2369, %dma_start3A_2374] : memref<8x128xi32, #tpu.memory_space<vmem>> -> memref<1x128xi32, #tpu.memory_space<vmem>>
          %dma_start3A_2376 = tpu.memref_squeeze %dma_start3A_2375 : memref<1x128xi32, #tpu.memory_space<vmem>> -> memref<128xi32, #tpu.memory_space<vmem>>
          %dma_start3A_2377 = arith.constant 0 : i32
          %dma_start3A_2378 = arith.constant 0 : i32
          %dma_start3A_2379 = tpu.memref_slice %arg21[%dma_start3A_2377, %dma_start3A_2378] : memref<100352x16xf32, #tpu.memory_space<vmem_shared>> -> memref<100352x16xf32, #tpu.memory_space<vmem_shared>>
          tpu.enqueue_indirect_dma source(%dma_start3A_2373 : memref<128x16xf32, #tpu.memory_space<vmem>>) target(%dma_start3A_2379 : memref<100352x16xf32, #tpu.memory_space<vmem_shared>>) offsets(%dma_start3A_2376 : memref<128xi32, #tpu.memory_space<vmem>>) semaphore(%run_scoped3A_2370 : memref<!tpu.dma_semaphore, #tpu.memory_space<semaphore_mem>>) {add = true}
          %dma_wait3A = arith.constant 0 : i32
          %dma_wait3A_2380 = arith.constant 0 : i32
          %dma_wait3A_2381 = tpu.memref_slice %arg20[%run_scoped3A, %dma_wait3A, %dma_wait3A_2380] : memref<8x128x16xf32, #tpu.memory_space<vmem>> -> memref<1x128x16xf32, #tpu.memory_space<vmem>>
          %dma_wait3A_2382 = tpu.memref_squeeze %dma_wait3A_2381 : memref<1x128x16xf32, #tpu.memory_space<vmem>> -> memref<128x16xf32, #tpu.memory_space<vmem>>
          %dma_wait3A_2383 = arith.constant 0 : i32
          %dma_wait3A_2384 = tpu.memref_slice %arg19[%run_scoped3A_2369, %dma_wait3A_2383] : memref<8x128xi32, #tpu.memory_space<vmem>> -> memref<1x128xi32, #tpu.memory_space<vmem>>
          %dma_wait3A_2385 = tpu.memref_squeeze %dma_wait3A_2384 : memref<1x128xi32, #tpu.memory_space<vmem>> -> memref<128xi32, #tpu.memory_space<vmem>>
          %dma_wait3A_2386 = arith.constant 0 : i32
          %dma_wait3A_2387 = arith.constant 0 : i32
          %dma_wait3A_2388 = tpu.memref_slice %arg21[%dma_wait3A_2386, %dma_wait3A_2387] : memref<100352x16xf32, #tpu.memory_space<vmem_shared>> -> memref<100352x16xf32, #tpu.memory_space<vmem_shared>>
          tpu.wait_indirect_dma semaphore(%run_scoped3A_2370 : memref<!tpu.dma_semaphore, #tpu.memory_space<semaphore_mem>>) src(%dma_wait3A_2382 : memref<128x16xf32, #tpu.memory_space<vmem>>) dst(%dma_wait3A_2388 : memref<100352x16xf32, #tpu.memory_space<vmem_shared>>)
          tpu.yield
        }) : () -> ()
      } else {
      }
      %gt3A_2334 = arith.constant 128 : i32
      %gt3A_2335 = arith.cmpi sgt, %add3A_2158, %gt3A_2334 : i32
      %convert_element_type3A_2336 = arith.extui %gt3A_2335 : i1 to i32
      %cond3A_2337 = arith.constant 0 : i32
      %cond3A_2338 = arith.cmpi ne, %convert_element_type3A_2336, %cond3A_2337 : i32
      scf.if %cond3A_2338 {
        %run_scoped3A = arith.constant 1 : i32
        %run_scoped3A_2369 = arith.constant 1 : i32
        "tpu.region"() ({
          %run_scoped3A_2370 = tpu.sem_alloc : memref<!tpu.dma_semaphore, #tpu.memory_space<semaphore_mem>>
          %dma_start3A = arith.constant 0 : i32
          %dma_start3A_2371 = arith.constant 0 : i32
          %dma_start3A_2372 = tpu.memref_slice %arg20[%run_scoped3A, %dma_start3A, %dma_start3A_2371] : memref<8x128x16xf32, #tpu.memory_space<vmem>> -> memref<1x128x16xf32, #tpu.memory_space<vmem>>
          %dma_start3A_2373 = tpu.memref_squeeze %dma_start3A_2372 : memref<1x128x16xf32, #tpu.memory_space<vmem>> -> memref<128x16xf32, #tpu.memory_space<vmem>>
          %dma_start3A_2374 = arith.constant 0 : i32
          %dma_start3A_2375 = tpu.memref_slice %arg19[%run_scoped3A_2369, %dma_start3A_2374] : memref<8x128xi32, #tpu.memory_space<vmem>> -> memref<1x128xi32, #tpu.memory_space<vmem>>
          %dma_start3A_2376 = tpu.memref_squeeze %dma_start3A_2375 : memref<1x128xi32, #tpu.memory_space<vmem>> -> memref<128xi32, #tpu.memory_space<vmem>>
          %dma_start3A_2377 = arith.constant 0 : i32
          %dma_start3A_2378 = arith.constant 0 : i32
          %dma_start3A_2379 = tpu.memref_slice %arg21[%dma_start3A_2377, %dma_start3A_2378] : memref<100352x16xf32, #tpu.memory_space<vmem_shared>> -> memref<100352x16xf32, #tpu.memory_space<vmem_shared>>
          tpu.enqueue_indirect_dma source(%dma_start3A_2373 : memref<128x16xf32, #tpu.memory_space<vmem>>) target(%dma_start3A_2379 : memref<100352x16xf32, #tpu.memory_space<vmem_shared>>) offsets(%dma_start3A_2376 : memref<128xi32, #tpu.memory_space<vmem>>) semaphore(%run_scoped3A_2370 : memref<!tpu.dma_semaphore, #tpu.memory_space<semaphore_mem>>) {add = true}
          %dma_wait3A = arith.constant 0 : i32
          %dma_wait3A_2380 = arith.constant 0 : i32
          %dma_wait3A_2381 = tpu.memref_slice %arg20[%run_scoped3A, %dma_wait3A, %dma_wait3A_2380] : memref<8x128x16xf32, #tpu.memory_space<vmem>> -> memref<1x128x16xf32, #tpu.memory_space<vmem>>
          %dma_wait3A_2382 = tpu.memref_squeeze %dma_wait3A_2381 : memref<1x128x16xf32, #tpu.memory_space<vmem>> -> memref<128x16xf32, #tpu.memory_space<vmem>>
          %dma_wait3A_2383 = arith.constant 0 : i32
          %dma_wait3A_2384 = tpu.memref_slice %arg19[%run_scoped3A_2369, %dma_wait3A_2383] : memref<8x128xi32, #tpu.memory_space<vmem>> -> memref<1x128xi32, #tpu.memory_space<vmem>>
          %dma_wait3A_2385 = tpu.memref_squeeze %dma_wait3A_2384 : memref<1x128xi32, #tpu.memory_space<vmem>> -> memref<128xi32, #tpu.memory_space<vmem>>
          %dma_wait3A_2386 = arith.constant 0 : i32
          %dma_wait3A_2387 = arith.constant 0 : i32
          %dma_wait3A_2388 = tpu.memref_slice %arg21[%dma_wait3A_2386, %dma_wait3A_2387] : memref<100352x16xf32, #tpu.memory_space<vmem_shared>> -> memref<100352x16xf32, #tpu.memory_space<vmem_shared>>
          tpu.wait_indirect_dma semaphore(%run_scoped3A_2370 : memref<!tpu.dma_semaphore, #tpu.memory_space<semaphore_mem>>) src(%dma_wait3A_2382 : memref<128x16xf32, #tpu.memory_space<vmem>>) dst(%dma_wait3A_2388 : memref<100352x16xf32, #tpu.memory_space<vmem_shared>>)
          tpu.yield
        }) : () -> ()
      } else {
      }
      %gt3A_2339 = arith.constant 256 : i32
      %gt3A_2340 = arith.cmpi sgt, %add3A_2158, %gt3A_2339 : i32
      %convert_element_type3A_2341 = arith.extui %gt3A_2340 : i1 to i32
      %cond3A_2342 = arith.constant 0 : i32
      %cond3A_2343 = arith.cmpi ne, %convert_element_type3A_2341, %cond3A_2342 : i32
      scf.if %cond3A_2343 {
        %run_scoped3A = arith.constant 2 : i32
        %run_scoped3A_2369 = arith.constant 2 : i32
        "tpu.region"() ({
          %run_scoped3A_2370 = tpu.sem_alloc : memref<!tpu.dma_semaphore, #tpu.memory_space<semaphore_mem>>
          %dma_start3A = arith.constant 0 : i32
          %dma_start3A_2371 = arith.constant 0 : i32
          %dma_start3A_2372 = tpu.memref_slice %arg20[%run_scoped3A, %dma_start3A, %dma_start3A_2371] : memref<8x128x16xf32, #tpu.memory_space<vmem>> -> memref<1x128x16xf32, #tpu.memory_space<vmem>>
          %dma_start3A_2373 = tpu.memref_squeeze %dma_start3A_2372 : memref<1x128x16xf32, #tpu.memory_space<vmem>> -> memref<128x16xf32, #tpu.memory_space<vmem>>
          %dma_start3A_2374 = arith.constant 0 : i32
          %dma_start3A_2375 = tpu.memref_slice %arg19[%run_scoped3A_2369, %dma_start3A_2374] : memref<8x128xi32, #tpu.memory_space<vmem>> -> memref<1x128xi32, #tpu.memory_space<vmem>>
          %dma_start3A_2376 = tpu.memref_squeeze %dma_start3A_2375 : memref<1x128xi32, #tpu.memory_space<vmem>> -> memref<128xi32, #tpu.memory_space<vmem>>
          %dma_start3A_2377 = arith.constant 0 : i32
          %dma_start3A_2378 = arith.constant 0 : i32
          %dma_start3A_2379 = tpu.memref_slice %arg21[%dma_start3A_2377, %dma_start3A_2378] : memref<100352x16xf32, #tpu.memory_space<vmem_shared>> -> memref<100352x16xf32, #tpu.memory_space<vmem_shared>>
          tpu.enqueue_indirect_dma source(%dma_start3A_2373 : memref<128x16xf32, #tpu.memory_space<vmem>>) target(%dma_start3A_2379 : memref<100352x16xf32, #tpu.memory_space<vmem_shared>>) offsets(%dma_start3A_2376 : memref<128xi32, #tpu.memory_space<vmem>>) semaphore(%run_scoped3A_2370 : memref<!tpu.dma_semaphore, #tpu.memory_space<semaphore_mem>>) {add = true}
          %dma_wait3A = arith.constant 0 : i32
          %dma_wait3A_2380 = arith.constant 0 : i32
          %dma_wait3A_2381 = tpu.memref_slice %arg20[%run_scoped3A, %dma_wait3A, %dma_wait3A_2380] : memref<8x128x16xf32, #tpu.memory_space<vmem>> -> memref<1x128x16xf32, #tpu.memory_space<vmem>>
          %dma_wait3A_2382 = tpu.memref_squeeze %dma_wait3A_2381 : memref<1x128x16xf32, #tpu.memory_space<vmem>> -> memref<128x16xf32, #tpu.memory_space<vmem>>
          %dma_wait3A_2383 = arith.constant 0 : i32
          %dma_wait3A_2384 = tpu.memref_slice %arg19[%run_scoped3A_2369, %dma_wait3A_2383] : memref<8x128xi32, #tpu.memory_space<vmem>> -> memref<1x128xi32, #tpu.memory_space<vmem>>
          %dma_wait3A_2385 = tpu.memref_squeeze %dma_wait3A_2384 : memref<1x128xi32, #tpu.memory_space<vmem>> -> memref<128xi32, #tpu.memory_space<vmem>>
          %dma_wait3A_2386 = arith.constant 0 : i32
          %dma_wait3A_2387 = arith.constant 0 : i32
          %dma_wait3A_2388 = tpu.memref_slice %arg21[%dma_wait3A_2386, %dma_wait3A_2387] : memref<100352x16xf32, #tpu.memory_space<vmem_shared>> -> memref<100352x16xf32, #tpu.memory_space<vmem_shared>>
          tpu.wait_indirect_dma semaphore(%run_scoped3A_2370 : memref<!tpu.dma_semaphore, #tpu.memory_space<semaphore_mem>>) src(%dma_wait3A_2382 : memref<128x16xf32, #tpu.memory_space<vmem>>) dst(%dma_wait3A_2388 : memref<100352x16xf32, #tpu.memory_space<vmem_shared>>)
          tpu.yield
        }) : () -> ()
      } else {
      }
      %gt3A_2344 = arith.constant 384 : i32
      %gt3A_2345 = arith.cmpi sgt, %add3A_2158, %gt3A_2344 : i32
      %convert_element_type3A_2346 = arith.extui %gt3A_2345 : i1 to i32
      %cond3A_2347 = arith.constant 0 : i32
      %cond3A_2348 = arith.cmpi ne, %convert_element_type3A_2346, %cond3A_2347 : i32
      scf.if %cond3A_2348 {
        %run_scoped3A = arith.constant 3 : i32
        %run_scoped3A_2369 = arith.constant 3 : i32
        "tpu.region"() ({
          %run_scoped3A_2370 = tpu.sem_alloc : memref<!tpu.dma_semaphore, #tpu.memory_space<semaphore_mem>>
          %dma_start3A = arith.constant 0 : i32
          %dma_start3A_2371 = arith.constant 0 : i32
          %dma_start3A_2372 = tpu.memref_slice %arg20[%run_scoped3A, %dma_start3A, %dma_start3A_2371] : memref<8x128x16xf32, #tpu.memory_space<vmem>> -> memref<1x128x16xf32, #tpu.memory_space<vmem>>
          %dma_start3A_2373 = tpu.memref_squeeze %dma_start3A_2372 : memref<1x128x16xf32, #tpu.memory_space<vmem>> -> memref<128x16xf32, #tpu.memory_space<vmem>>
          %dma_start3A_2374 = arith.constant 0 : i32
          %dma_start3A_2375 = tpu.memref_slice %arg19[%run_scoped3A_2369, %dma_start3A_2374] : memref<8x128xi32, #tpu.memory_space<vmem>> -> memref<1x128xi32, #tpu.memory_space<vmem>>
          %dma_start3A_2376 = tpu.memref_squeeze %dma_start3A_2375 : memref<1x128xi32, #tpu.memory_space<vmem>> -> memref<128xi32, #tpu.memory_space<vmem>>
          %dma_start3A_2377 = arith.constant 0 : i32
          %dma_start3A_2378 = arith.constant 0 : i32
          %dma_start3A_2379 = tpu.memref_slice %arg21[%dma_start3A_2377, %dma_start3A_2378] : memref<100352x16xf32, #tpu.memory_space<vmem_shared>> -> memref<100352x16xf32, #tpu.memory_space<vmem_shared>>
          tpu.enqueue_indirect_dma source(%dma_start3A_2373 : memref<128x16xf32, #tpu.memory_space<vmem>>) target(%dma_start3A_2379 : memref<100352x16xf32, #tpu.memory_space<vmem_shared>>) offsets(%dma_start3A_2376 : memref<128xi32, #tpu.memory_space<vmem>>) semaphore(%run_scoped3A_2370 : memref<!tpu.dma_semaphore, #tpu.memory_space<semaphore_mem>>) {add = true}
          %dma_wait3A = arith.constant 0 : i32
          %dma_wait3A_2380 = arith.constant 0 : i32
          %dma_wait3A_2381 = tpu.memref_slice %arg20[%run_scoped3A, %dma_wait3A, %dma_wait3A_2380] : memref<8x128x16xf32, #tpu.memory_space<vmem>> -> memref<1x128x16xf32, #tpu.memory_space<vmem>>
          %dma_wait3A_2382 = tpu.memref_squeeze %dma_wait3A_2381 : memref<1x128x16xf32, #tpu.memory_space<vmem>> -> memref<128x16xf32, #tpu.memory_space<vmem>>
          %dma_wait3A_2383 = arith.constant 0 : i32
          %dma_wait3A_2384 = tpu.memref_slice %arg19[%run_scoped3A_2369, %dma_wait3A_2383] : memref<8x128xi32, #tpu.memory_space<vmem>> -> memref<1x128xi32, #tpu.memory_space<vmem>>
          %dma_wait3A_2385 = tpu.memref_squeeze %dma_wait3A_2384 : memref<1x128xi32, #tpu.memory_space<vmem>> -> memref<128xi32, #tpu.memory_space<vmem>>
          %dma_wait3A_2386 = arith.constant 0 : i32
          %dma_wait3A_2387 = arith.constant 0 : i32
          %dma_wait3A_2388 = tpu.memref_slice %arg21[%dma_wait3A_2386, %dma_wait3A_2387] : memref<100352x16xf32, #tpu.memory_space<vmem_shared>> -> memref<100352x16xf32, #tpu.memory_space<vmem_shared>>
          tpu.wait_indirect_dma semaphore(%run_scoped3A_2370 : memref<!tpu.dma_semaphore, #tpu.memory_space<semaphore_mem>>) src(%dma_wait3A_2382 : memref<128x16xf32, #tpu.memory_space<vmem>>) dst(%dma_wait3A_2388 : memref<100352x16xf32, #tpu.memory_space<vmem_shared>>)
          tpu.yield
        }) : () -> ()
      } else {
      }
      %gt3A_2349 = arith.constant 512 : i32
      %gt3A_2350 = arith.cmpi sgt, %add3A_2158, %gt3A_2349 : i32
      %convert_element_type3A_2351 = arith.extui %gt3A_2350 : i1 to i32
      %cond3A_2352 = arith.constant 0 : i32
      %cond3A_2353 = arith.cmpi ne, %convert_element_type3A_2351, %cond3A_2352 : i32
      scf.if %cond3A_2353 {
        %run_scoped3A = arith.constant 4 : i32
        %run_scoped3A_2369 = arith.constant 4 : i32
        "tpu.region"() ({
          %run_scoped3A_2370 = tpu.sem_alloc : memref<!tpu.dma_semaphore, #tpu.memory_space<semaphore_mem>>
          %dma_start3A = arith.constant 0 : i32
          %dma_start3A_2371 = arith.constant 0 : i32
          %dma_start3A_2372 = tpu.memref_slice %arg20[%run_scoped3A, %dma_start3A, %dma_start3A_2371] : memref<8x128x16xf32, #tpu.memory_space<vmem>> -> memref<1x128x16xf32, #tpu.memory_space<vmem>>
          %dma_start3A_2373 = tpu.memref_squeeze %dma_start3A_2372 : memref<1x128x16xf32, #tpu.memory_space<vmem>> -> memref<128x16xf32, #tpu.memory_space<vmem>>
          %dma_start3A_2374 = arith.constant 0 : i32
          %dma_start3A_2375 = tpu.memref_slice %arg19[%run_scoped3A_2369, %dma_start3A_2374] : memref<8x128xi32, #tpu.memory_space<vmem>> -> memref<1x128xi32, #tpu.memory_space<vmem>>
          %dma_start3A_2376 = tpu.memref_squeeze %dma_start3A_2375 : memref<1x128xi32, #tpu.memory_space<vmem>> -> memref<128xi32, #tpu.memory_space<vmem>>
          %dma_start3A_2377 = arith.constant 0 : i32
          %dma_start3A_2378 = arith.constant 0 : i32
          %dma_start3A_2379 = tpu.memref_slice %arg21[%dma_start3A_2377, %dma_start3A_2378] : memref<100352x16xf32, #tpu.memory_space<vmem_shared>> -> memref<100352x16xf32, #tpu.memory_space<vmem_shared>>
          tpu.enqueue_indirect_dma source(%dma_start3A_2373 : memref<128x16xf32, #tpu.memory_space<vmem>>) target(%dma_start3A_2379 : memref<100352x16xf32, #tpu.memory_space<vmem_shared>>) offsets(%dma_start3A_2376 : memref<128xi32, #tpu.memory_space<vmem>>) semaphore(%run_scoped3A_2370 : memref<!tpu.dma_semaphore, #tpu.memory_space<semaphore_mem>>) {add = true}
          %dma_wait3A = arith.constant 0 : i32
          %dma_wait3A_2380 = arith.constant 0 : i32
          %dma_wait3A_2381 = tpu.memref_slice %arg20[%run_scoped3A, %dma_wait3A, %dma_wait3A_2380] : memref<8x128x16xf32, #tpu.memory_space<vmem>> -> memref<1x128x16xf32, #tpu.memory_space<vmem>>
          %dma_wait3A_2382 = tpu.memref_squeeze %dma_wait3A_2381 : memref<1x128x16xf32, #tpu.memory_space<vmem>> -> memref<128x16xf32, #tpu.memory_space<vmem>>
          %dma_wait3A_2383 = arith.constant 0 : i32
          %dma_wait3A_2384 = tpu.memref_slice %arg19[%run_scoped3A_2369, %dma_wait3A_2383] : memref<8x128xi32, #tpu.memory_space<vmem>> -> memref<1x128xi32, #tpu.memory_space<vmem>>
          %dma_wait3A_2385 = tpu.memref_squeeze %dma_wait3A_2384 : memref<1x128xi32, #tpu.memory_space<vmem>> -> memref<128xi32, #tpu.memory_space<vmem>>
          %dma_wait3A_2386 = arith.constant 0 : i32
          %dma_wait3A_2387 = arith.constant 0 : i32
          %dma_wait3A_2388 = tpu.memref_slice %arg21[%dma_wait3A_2386, %dma_wait3A_2387] : memref<100352x16xf32, #tpu.memory_space<vmem_shared>> -> memref<100352x16xf32, #tpu.memory_space<vmem_shared>>
          tpu.wait_indirect_dma semaphore(%run_scoped3A_2370 : memref<!tpu.dma_semaphore, #tpu.memory_space<semaphore_mem>>) src(%dma_wait3A_2382 : memref<128x16xf32, #tpu.memory_space<vmem>>) dst(%dma_wait3A_2388 : memref<100352x16xf32, #tpu.memory_space<vmem_shared>>)
          tpu.yield
        }) : () -> ()
      } else {
      }
      %gt3A_2354 = arith.constant 640 : i32
      %gt3A_2355 = arith.cmpi sgt, %add3A_2158, %gt3A_2354 : i32
      %convert_element_type3A_2356 = arith.extui %gt3A_2355 : i1 to i32
      %cond3A_2357 = arith.constant 0 : i32
      %cond3A_2358 = arith.cmpi ne, %convert_element_type3A_2356, %cond3A_2357 : i32
      scf.if %cond3A_2358 {
        %run_scoped3A = arith.constant 5 : i32
        %run_scoped3A_2369 = arith.constant 5 : i32
        "tpu.region"() ({
          %run_scoped3A_2370 = tpu.sem_alloc : memref<!tpu.dma_semaphore, #tpu.memory_space<semaphore_mem>>
          %dma_start3A = arith.constant 0 : i32
          %dma_start3A_2371 = arith.constant 0 : i32
          %dma_start3A_2372 = tpu.memref_slice %arg20[%run_scoped3A, %dma_start3A, %dma_start3A_2371] : memref<8x128x16xf32, #tpu.memory_space<vmem>> -> memref<1x128x16xf32, #tpu.memory_space<vmem>>
          %dma_start3A_2373 = tpu.memref_squeeze %dma_start3A_2372 : memref<1x128x16xf32, #tpu.memory_space<vmem>> -> memref<128x16xf32, #tpu.memory_space<vmem>>
          %dma_start3A_2374 = arith.constant 0 : i32
          %dma_start3A_2375 = tpu.memref_slice %arg19[%run_scoped3A_2369, %dma_start3A_2374] : memref<8x128xi32, #tpu.memory_space<vmem>> -> memref<1x128xi32, #tpu.memory_space<vmem>>
          %dma_start3A_2376 = tpu.memref_squeeze %dma_start3A_2375 : memref<1x128xi32, #tpu.memory_space<vmem>> -> memref<128xi32, #tpu.memory_space<vmem>>
          %dma_start3A_2377 = arith.constant 0 : i32
          %dma_start3A_2378 = arith.constant 0 : i32
          %dma_start3A_2379 = tpu.memref_slice %arg21[%dma_start3A_2377, %dma_start3A_2378] : memref<100352x16xf32, #tpu.memory_space<vmem_shared>> -> memref<100352x16xf32, #tpu.memory_space<vmem_shared>>
          tpu.enqueue_indirect_dma source(%dma_start3A_2373 : memref<128x16xf32, #tpu.memory_space<vmem>>) target(%dma_start3A_2379 : memref<100352x16xf32, #tpu.memory_space<vmem_shared>>) offsets(%dma_start3A_2376 : memref<128xi32, #tpu.memory_space<vmem>>) semaphore(%run_scoped3A_2370 : memref<!tpu.dma_semaphore, #tpu.memory_space<semaphore_mem>>) {add = true}
          %dma_wait3A = arith.constant 0 : i32
          %dma_wait3A_2380 = arith.constant 0 : i32
          %dma_wait3A_2381 = tpu.memref_slice %arg20[%run_scoped3A, %dma_wait3A, %dma_wait3A_2380] : memref<8x128x16xf32, #tpu.memory_space<vmem>> -> memref<1x128x16xf32, #tpu.memory_space<vmem>>
          %dma_wait3A_2382 = tpu.memref_squeeze %dma_wait3A_2381 : memref<1x128x16xf32, #tpu.memory_space<vmem>> -> memref<128x16xf32, #tpu.memory_space<vmem>>
          %dma_wait3A_2383 = arith.constant 0 : i32
          %dma_wait3A_2384 = tpu.memref_slice %arg19[%run_scoped3A_2369, %dma_wait3A_2383] : memref<8x128xi32, #tpu.memory_space<vmem>> -> memref<1x128xi32, #tpu.memory_space<vmem>>
          %dma_wait3A_2385 = tpu.memref_squeeze %dma_wait3A_2384 : memref<1x128xi32, #tpu.memory_space<vmem>> -> memref<128xi32, #tpu.memory_space<vmem>>
          %dma_wait3A_2386 = arith.constant 0 : i32
          %dma_wait3A_2387 = arith.constant 0 : i32
          %dma_wait3A_2388 = tpu.memref_slice %arg21[%dma_wait3A_2386, %dma_wait3A_2387] : memref<100352x16xf32, #tpu.memory_space<vmem_shared>> -> memref<100352x16xf32, #tpu.memory_space<vmem_shared>>
          tpu.wait_indirect_dma semaphore(%run_scoped3A_2370 : memref<!tpu.dma_semaphore, #tpu.memory_space<semaphore_mem>>) src(%dma_wait3A_2382 : memref<128x16xf32, #tpu.memory_space<vmem>>) dst(%dma_wait3A_2388 : memref<100352x16xf32, #tpu.memory_space<vmem_shared>>)
          tpu.yield
        }) : () -> ()
      } else {
      }
      %gt3A_2359 = arith.constant 768 : i32
      %gt3A_2360 = arith.cmpi sgt, %add3A_2158, %gt3A_2359 : i32
      %convert_element_type3A_2361 = arith.extui %gt3A_2360 : i1 to i32
      %cond3A_2362 = arith.constant 0 : i32
      %cond3A_2363 = arith.cmpi ne, %convert_element_type3A_2361, %cond3A_2362 : i32
      scf.if %cond3A_2363 {
        %run_scoped3A = arith.constant 6 : i32
        %run_scoped3A_2369 = arith.constant 6 : i32
        "tpu.region"() ({
          %run_scoped3A_2370 = tpu.sem_alloc : memref<!tpu.dma_semaphore, #tpu.memory_space<semaphore_mem>>
          %dma_start3A = arith.constant 0 : i32
          %dma_start3A_2371 = arith.constant 0 : i32
          %dma_start3A_2372 = tpu.memref_slice %arg20[%run_scoped3A, %dma_start3A, %dma_start3A_2371] : memref<8x128x16xf32, #tpu.memory_space<vmem>> -> memref<1x128x16xf32, #tpu.memory_space<vmem>>
          %dma_start3A_2373 = tpu.memref_squeeze %dma_start3A_2372 : memref<1x128x16xf32, #tpu.memory_space<vmem>> -> memref<128x16xf32, #tpu.memory_space<vmem>>
          %dma_start3A_2374 = arith.constant 0 : i32
          %dma_start3A_2375 = tpu.memref_slice %arg19[%run_scoped3A_2369, %dma_start3A_2374] : memref<8x128xi32, #tpu.memory_space<vmem>> -> memref<1x128xi32, #tpu.memory_space<vmem>>
          %dma_start3A_2376 = tpu.memref_squeeze %dma_start3A_2375 : memref<1x128xi32, #tpu.memory_space<vmem>> -> memref<128xi32, #tpu.memory_space<vmem>>
          %dma_start3A_2377 = arith.constant 0 : i32
          %dma_start3A_2378 = arith.constant 0 : i32
          %dma_start3A_2379 = tpu.memref_slice %arg21[%dma_start3A_2377, %dma_start3A_2378] : memref<100352x16xf32, #tpu.memory_space<vmem_shared>> -> memref<100352x16xf32, #tpu.memory_space<vmem_shared>>
          tpu.enqueue_indirect_dma source(%dma_start3A_2373 : memref<128x16xf32, #tpu.memory_space<vmem>>) target(%dma_start3A_2379 : memref<100352x16xf32, #tpu.memory_space<vmem_shared>>) offsets(%dma_start3A_2376 : memref<128xi32, #tpu.memory_space<vmem>>) semaphore(%run_scoped3A_2370 : memref<!tpu.dma_semaphore, #tpu.memory_space<semaphore_mem>>) {add = true}
          %dma_wait3A = arith.constant 0 : i32
          %dma_wait3A_2380 = arith.constant 0 : i32
          %dma_wait3A_2381 = tpu.memref_slice %arg20[%run_scoped3A, %dma_wait3A, %dma_wait3A_2380] : memref<8x128x16xf32, #tpu.memory_space<vmem>> -> memref<1x128x16xf32, #tpu.memory_space<vmem>>
          %dma_wait3A_2382 = tpu.memref_squeeze %dma_wait3A_2381 : memref<1x128x16xf32, #tpu.memory_space<vmem>> -> memref<128x16xf32, #tpu.memory_space<vmem>>
          %dma_wait3A_2383 = arith.constant 0 : i32
          %dma_wait3A_2384 = tpu.memref_slice %arg19[%run_scoped3A_2369, %dma_wait3A_2383] : memref<8x128xi32, #tpu.memory_space<vmem>> -> memref<1x128xi32, #tpu.memory_space<vmem>>
          %dma_wait3A_2385 = tpu.memref_squeeze %dma_wait3A_2384 : memref<1x128xi32, #tpu.memory_space<vmem>> -> memref<128xi32, #tpu.memory_space<vmem>>
          %dma_wait3A_2386 = arith.constant 0 : i32
          %dma_wait3A_2387 = arith.constant 0 : i32
          %dma_wait3A_2388 = tpu.memref_slice %arg21[%dma_wait3A_2386, %dma_wait3A_2387] : memref<100352x16xf32, #tpu.memory_space<vmem_shared>> -> memref<100352x16xf32, #tpu.memory_space<vmem_shared>>
          tpu.wait_indirect_dma semaphore(%run_scoped3A_2370 : memref<!tpu.dma_semaphore, #tpu.memory_space<semaphore_mem>>) src(%dma_wait3A_2382 : memref<128x16xf32, #tpu.memory_space<vmem>>) dst(%dma_wait3A_2388 : memref<100352x16xf32, #tpu.memory_space<vmem_shared>>)
          tpu.yield
        }) : () -> ()
      } else {
      }
      %gt3A_2364 = arith.constant 896 : i32
      %gt3A_2365 = arith.cmpi sgt, %add3A_2158, %gt3A_2364 : i32
      %convert_element_type3A_2366 = arith.extui %gt3A_2365 : i1 to i32
      %cond3A_2367 = arith.constant 0 : i32
      %cond3A_2368 = arith.cmpi ne, %convert_element_type3A_2366, %cond3A_2367 : i32
      scf.if %cond3A_2368 {
        %run_scoped3A = arith.constant 7 : i32
        %run_scoped3A_2369 = arith.constant 7 : i32
        "tpu.region"() ({
          %run_scoped3A_2370 = tpu.sem_alloc : memref<!tpu.dma_semaphore, #tpu.memory_space<semaphore_mem>>
          %dma_start3A = arith.constant 0 : i32
          %dma_start3A_2371 = arith.constant 0 : i32
          %dma_start3A_2372 = tpu.memref_slice %arg20[%run_scoped3A, %dma_start3A, %dma_start3A_2371] : memref<8x128x16xf32, #tpu.memory_space<vmem>> -> memref<1x128x16xf32, #tpu.memory_space<vmem>>
          %dma_start3A_2373 = tpu.memref_squeeze %dma_start3A_2372 : memref<1x128x16xf32, #tpu.memory_space<vmem>> -> memref<128x16xf32, #tpu.memory_space<vmem>>
          %dma_start3A_2374 = arith.constant 0 : i32
          %dma_start3A_2375 = tpu.memref_slice %arg19[%run_scoped3A_2369, %dma_start3A_2374] : memref<8x128xi32, #tpu.memory_space<vmem>> -> memref<1x128xi32, #tpu.memory_space<vmem>>
          %dma_start3A_2376 = tpu.memref_squeeze %dma_start3A_2375 : memref<1x128xi32, #tpu.memory_space<vmem>> -> memref<128xi32, #tpu.memory_space<vmem>>
          %dma_start3A_2377 = arith.constant 0 : i32
          %dma_start3A_2378 = arith.constant 0 : i32
          %dma_start3A_2379 = tpu.memref_slice %arg21[%dma_start3A_2377, %dma_start3A_2378] : memref<100352x16xf32, #tpu.memory_space<vmem_shared>> -> memref<100352x16xf32, #tpu.memory_space<vmem_shared>>
          tpu.enqueue_indirect_dma source(%dma_start3A_2373 : memref<128x16xf32, #tpu.memory_space<vmem>>) target(%dma_start3A_2379 : memref<100352x16xf32, #tpu.memory_space<vmem_shared>>) offsets(%dma_start3A_2376 : memref<128xi32, #tpu.memory_space<vmem>>) semaphore(%run_scoped3A_2370 : memref<!tpu.dma_semaphore, #tpu.memory_space<semaphore_mem>>) {add = true}
          %dma_wait3A = arith.constant 0 : i32
          %dma_wait3A_2380 = arith.constant 0 : i32
          %dma_wait3A_2381 = tpu.memref_slice %arg20[%run_scoped3A, %dma_wait3A, %dma_wait3A_2380] : memref<8x128x16xf32, #tpu.memory_space<vmem>> -> memref<1x128x16xf32, #tpu.memory_space<vmem>>
          %dma_wait3A_2382 = tpu.memref_squeeze %dma_wait3A_2381 : memref<1x128x16xf32, #tpu.memory_space<vmem>> -> memref<128x16xf32, #tpu.memory_space<vmem>>
          %dma_wait3A_2383 = arith.constant 0 : i32
          %dma_wait3A_2384 = tpu.memref_slice %arg19[%run_scoped3A_2369, %dma_wait3A_2383] : memref<8x128xi32, #tpu.memory_space<vmem>> -> memref<1x128xi32, #tpu.memory_space<vmem>>
          %dma_wait3A_2385 = tpu.memref_squeeze %dma_wait3A_2384 : memref<1x128xi32, #tpu.memory_space<vmem>> -> memref<128xi32, #tpu.memory_space<vmem>>
          %dma_wait3A_2386 = arith.constant 0 : i32
          %dma_wait3A_2387 = arith.constant 0 : i32
          %dma_wait3A_2388 = tpu.memref_slice %arg21[%dma_wait3A_2386, %dma_wait3A_2387] : memref<100352x16xf32, #tpu.memory_space<vmem_shared>> -> memref<100352x16xf32, #tpu.memory_space<vmem_shared>>
          tpu.wait_indirect_dma semaphore(%run_scoped3A_2370 : memref<!tpu.dma_semaphore, #tpu.memory_space<semaphore_mem>>) src(%dma_wait3A_2382 : memref<128x16xf32, #tpu.memory_space<vmem>>) dst(%dma_wait3A_2388 : memref<100352x16xf32, #tpu.memory_space<vmem_shared>>)
          tpu.yield
        }) : () -> ()
      } else {
      }
    }
    %scan3A_43 = arith.constant 49 : i32
    %barrier3A_44 = arith.constant 0 : index
    tpu.barrier barrier_id(%barrier3A_44)
    "tpu.region"() ({
      %run_scoped3A = tpu.sem_alloc : memref<!tpu.dma_semaphore, #tpu.memory_space<semaphore_mem>>
      %dma_start3A = arith.constant 0 : i32
      %dma_start3A_45 = arith.constant 0 : i32
      %dma_start3A_46 = tpu.memref_slice %arg14[%arg0, %dma_start3A, %dma_start3A_45] : memref<2x100352x16xf32, #tpu.memory_space<hbm>> -> memref<1x100352x16xf32, #tpu.memory_space<hbm>>
      %dma_start3A_47 = tpu.memref_squeeze %dma_start3A_46 : memref<1x100352x16xf32, #tpu.memory_space<hbm>> -> memref<100352x16xf32, #tpu.memory_space<hbm>>
      %dma_start3A_48 = arith.constant 0 : i32
      %dma_start3A_49 = tpu.memref_slice %dma_start3A_47[%mul3A_38, %dma_start3A_48] : memref<100352x16xf32, #tpu.memory_space<hbm>> -> memref<6272x16xf32, #tpu.memory_space<hbm>>
      %dma_start3A_50 = arith.constant 0 : i32
      %dma_start3A_51 = tpu.memref_slice %arg21[%mul3A_38, %dma_start3A_50] : memref<100352x16xf32, #tpu.memory_space<vmem_shared>> -> memref<6272x16xf32, #tpu.memory_space<vmem_shared>>
      tpu.enqueue_dma source(%dma_start3A_51 : memref<6272x16xf32, #tpu.memory_space<vmem_shared>>) target(%dma_start3A_49 : memref<6272x16xf32, #tpu.memory_space<hbm>>) target_semaphore(%run_scoped3A : memref<!tpu.dma_semaphore, #tpu.memory_space<semaphore_mem>>)
      %dma_wait3A = arith.constant 0 : i32
      %dma_wait3A_52 = arith.constant 0 : i32
      %dma_wait3A_53 = tpu.memref_slice %arg14[%arg0, %dma_wait3A, %dma_wait3A_52] : memref<2x100352x16xf32, #tpu.memory_space<hbm>> -> memref<1x100352x16xf32, #tpu.memory_space<hbm>>
      %dma_wait3A_54 = tpu.memref_squeeze %dma_wait3A_53 : memref<1x100352x16xf32, #tpu.memory_space<hbm>> -> memref<100352x16xf32, #tpu.memory_space<hbm>>
      %dma_wait3A_55 = arith.constant 0 : i32
      %dma_wait3A_56 = tpu.memref_slice %dma_wait3A_54[%mul3A_38, %dma_wait3A_55] : memref<100352x16xf32, #tpu.memory_space<hbm>> -> memref<6272x16xf32, #tpu.memory_space<hbm>>
      %dma_wait3A_57 = arith.constant 0 : i32
      %dma_wait3A_58 = tpu.memref_slice %arg21[%mul3A_38, %dma_wait3A_57] : memref<100352x16xf32, #tpu.memory_space<vmem_shared>> -> memref<6272x16xf32, #tpu.memory_space<vmem_shared>>
      tpu.wait_dma2 semaphore(%run_scoped3A : memref<!tpu.dma_semaphore, #tpu.memory_space<semaphore_mem>>) src(%dma_wait3A_58 : memref<6272x16xf32, #tpu.memory_space<vmem_shared>>) dst(%dma_wait3A_56 : memref<6272x16xf32, #tpu.memory_space<hbm>>)
      tpu.yield
    }) : () -> ()
    return
  }
}

module attributes {stable_mosaic.version = 14 : i64} {
  func.func @body(%arg0: i32, %arg1: memref<2048x16xf32, #tpu.memory_space<vmem>>, %arg2: memref<16x16xf32, #tpu.memory_space<vmem>>, %arg3: memref<1x16xf32, #tpu.memory_space<vmem>>, %arg4: memref<256x128xi32, #tpu.memory_space<vmem>>, %arg5: memref<256x128xi32, #tpu.memory_space<vmem>>, %arg6: memref<256x128xi32, #tpu.memory_space<vmem>>, %arg7: memref<2048x16xf32, #tpu.memory_space<vmem>>, %arg8: memref<256x128xi32, #tpu.memory_space<vmem>>, %arg9: memref<256x128xi32, #tpu.memory_space<vmem>>, %arg10: memref<8x128xi32, #tpu.memory_space<vmem>>) attributes {dimension_semantics = [#tpu.dimension_semantics<arbitrary>], iteration_bounds = array<i64: 49>, scalar_prefetch = 0 : i64, scratch_operands = 0 : i64, tpu.core_type = #tpu.core_type<tc>, window_params = [{transform_indices = @transform_0, window_bounds = array<i64: 2048, 16>}, {pipeline_mode = #tpu.pipeline_mode<synchronous>, transform_indices = @transform_1, window_bounds = array<i64: 16, 16>}, {pipeline_mode = #tpu.pipeline_mode<synchronous>, transform_indices = @transform_2, window_bounds = array<i64: 1, 16>}, {transform_indices = @transform_3, window_bounds = array<i64: 256, 128>}, {transform_indices = @transform_4, window_bounds = array<i64: 256, 128>}, {transform_indices = @transform_5, window_bounds = array<i64: 256, 128>}, {transform_indices = @transform_6, window_bounds = array<i64: 2048, 16>}, {transform_indices = @transform_7, window_bounds = array<i64: 256, 128>}, {transform_indices = @transform_8, window_bounds = array<i64: 256, 128>}, {pipeline_mode = #tpu.pipeline_mode<synchronous>, transform_indices = @transform_9, window_bounds = array<i64: 8, 128>}]} {
    %get3A = arith.constant 0 : index
    %get3A_0 = arith.constant 0 : index
    %get3A_1 = vector.load %arg1[%get3A, %get3A_0] : memref<2048x16xf32, #tpu.memory_space<vmem>>, vector<2048x16xf32>
    %get3A_2 = arith.constant 0 : index
    %get3A_3 = arith.constant 0 : index
    %get3A_4 = vector.load %arg2[%get3A_2, %get3A_3] : memref<16x16xf32, #tpu.memory_space<vmem>>, vector<16x16xf32>
    %dot_general3A = arith.constant dense<0.000000e+00> : vector<2048x16xf32>
    %dot_general3A_5 = tpu.matmul %get3A_1, %get3A_4, %dot_general3A {dimension_numbers = #tpu.dot_dimension_numbers<[1], [0], [0], [1], [0, 0, 1, 1], [], []>, transpose_lhs_hint = false} : vector<2048x16xf32>, vector<16x16xf32>, vector<2048x16xf32> -> vector<2048x16xf32>
    %get3A_6 = arith.constant 0 : index
    %get3A_7 = arith.constant 0 : index
    %get3A_8 = vector.load %arg3[%get3A_6, %get3A_7] : memref<1x16xf32, #tpu.memory_space<vmem>>, vector<1x16xf32>
    %add3A = vector.broadcast %get3A_8 : vector<1x16xf32> to vector<2048x16xf32>
    %add3A_9 = arith.addf %dot_general3A_5, %add3A : vector<2048x16xf32>
    %swap3A = arith.constant 0 : index
    %swap3A_10 = arith.constant 0 : index
    %swap3A_11 = vector.load %arg7[%swap3A, %swap3A_10] : memref<2048x16xf32, #tpu.memory_space<vmem>>, vector<2048x16xf32>
    tpu.vector_store %arg7[%swap3A, %swap3A_10], %add3A_9 {strides = array<i32>} : memref<2048x16xf32, #tpu.memory_space<vmem>>, vector<2048x16xf32>,
    %get3A_12 = arith.constant 0 : index
    %get3A_13 = arith.constant 0 : index
    %get3A_14 = vector.load %arg6[%get3A_12, %get3A_13] : memref<256x128xi32, #tpu.memory_space<vmem>>, vector<256x128xi32>
    %iota3A = tpu.iota {dimensions = array<i32: 0>} : vector<256x128xi32>
    %mul3A = arith.constant 256 : i32
    %mul3A_15 = arith.muli %arg0, %mul3A : i32
    %add3A_16 = vector.broadcast %mul3A_15 : i32 to vector<256x128xi32>
    %add3A_17 = arith.addi %iota3A, %add3A_16 : vector<256x128xi32>
    %iota3A_18 = tpu.iota {dimensions = array<i32: 1>} : vector<256x128xi32>
    %lt3A = arith.constant 12500 : i32
    %lt3A_19 = vector.broadcast %lt3A : i32 to vector<256x128xi32>
    %lt3A_20 = arith.cmpi slt, %add3A_17, %lt3A_19 : vector<256x128xi32>
    %mul3A_21 = arith.constant 256 : i32
    %mul3A_22 = arith.muli %arg0, %mul3A_21 : i32
    %sub3A = vector.broadcast %mul3A_22 : i32 to vector<256x128xi32>
    %sub3A_23 = arith.subi %add3A_17, %sub3A : vector<256x128xi32>
    %mul3A_24 = arith.constant 131 : i32
    %mul3A_25 = vector.broadcast %mul3A_24 : i32 to vector<256x128xi32>
    %mul3A_26 = arith.muli %sub3A_23, %mul3A_25 : vector<256x128xi32>
    %add3A_27 = arith.addi %mul3A_26, %iota3A_18 : vector<256x128xi32>
    %get3A_28 = arith.constant 0 : index
    %get3A_29 = arith.constant 0 : index
    %get3A_30 = vector.load %arg4[%get3A_28, %get3A_29] : memref<256x128xi32, #tpu.memory_space<vmem>>, vector<256x128xi32>
    %select_n3A = arith.select %lt3A_20, %get3A_30, %add3A_27 : vector<256x128xi1>, vector<256x128xi32>
    %swap3A_31 = arith.constant 0 : index
    %swap3A_32 = arith.constant 0 : index
    %swap3A_33 = vector.load %arg8[%swap3A_31, %swap3A_32] : memref<256x128xi32, #tpu.memory_space<vmem>>, vector<256x128xi32>
    tpu.vector_store %arg8[%swap3A_31, %swap3A_32], %select_n3A {strides = array<i32>} : memref<256x128xi32, #tpu.memory_space<vmem>>, vector<256x128xi32>,
    %eq3A = arith.constant 0 : i32
    %eq3A_34 = vector.broadcast %eq3A : i32 to vector<256x128xi32>
    %eq3A_35 = arith.cmpi eq, %get3A_14, %eq3A_34 : vector<256x128xi32>
    %and3A = arith.andi %lt3A_20, %eq3A_35 : vector<256x128xi1>
    %get3A_36 = arith.constant 0 : index
    %get3A_37 = arith.constant 0 : index
    %get3A_38 = vector.load %arg5[%get3A_36, %get3A_37] : memref<256x128xi32, #tpu.memory_space<vmem>>, vector<256x128xi32>
    %jit3A = arith.constant 100000 : i32
    %broadcast_in_dim3A = vector.broadcast %jit3A : i32 to vector<256x128xi32>
    %select_n3A_39 = arith.select %and3A, %get3A_38, %broadcast_in_dim3A : vector<256x128xi1>, vector<256x128xi32>
    %swap3A_40 = arith.constant 0 : index
    %swap3A_41 = arith.constant 0 : index
    %swap3A_42 = vector.load %arg9[%swap3A_40, %swap3A_41] : memref<256x128xi32, #tpu.memory_space<vmem>>, vector<256x128xi32>
    tpu.vector_store %arg9[%swap3A_40, %swap3A_41], %select_n3A_39 {strides = array<i32>} : memref<256x128xi32, #tpu.memory_space<vmem>>, vector<256x128xi32>,
    %eq3A_43 = arith.constant 0 : i32
    %eq3A_44 = arith.cmpi eq, %arg0, %eq3A_43 : i32
    %convert_element_type3A = arith.extui %eq3A_44 : i1 to i32
    %cond3A = arith.constant 0 : i32
    %cond3A_45 = arith.cmpi ne, %convert_element_type3A, %cond3A : i32
    scf.if %cond3A_45 {
      %broadcast_in_dim3A_61 = arith.constant 0 : i32
      %broadcast_in_dim3A_62 = vector.broadcast %broadcast_in_dim3A_61 : i32 to vector<8x128xi32>
      %swap3A_63 = arith.constant 0 : index
      %swap3A_64 = arith.constant 0 : index
      %swap3A_65 = vector.load %arg10[%swap3A_63, %swap3A_64] : memref<8x128xi32, #tpu.memory_space<vmem>>, vector<8x128xi32>
      tpu.vector_store %arg10[%swap3A_63, %swap3A_64], %broadcast_in_dim3A_62 {strides = array<i32>} : memref<8x128xi32, #tpu.memory_space<vmem>>, vector<8x128xi32>,
    } else {
    }
    %get3A_46 = arith.constant 0 : index
    %get3A_47 = arith.constant 0 : index
    %get3A_48 = vector.load %arg10[%get3A_46, %get3A_47] : memref<8x128xi32, #tpu.memory_space<vmem>>, vector<8x128xi32>
    %jit3A_49 = arith.constant 0 : i32
    %broadcast_in_dim3A_50 = vector.broadcast %jit3A_49 : i32 to vector<256x128xi32>
    %select_n3A_51 = arith.select %lt3A_20, %get3A_14, %broadcast_in_dim3A_50 : vector<256x128xi1>, vector<256x128xi32>
    %reduce_sum3A = vector.shape_cast %select_n3A_51 : vector<256x128xi32> to vector<1x256x128xi32>
    %reduce_sum3A_52 = arith.constant dense<0> : vector<1xi32>
    %reduce_sum3A_53 = vector.multi_reduction <add>, %reduce_sum3A, %reduce_sum3A_52 [1, 2] : vector<1x256x128xi32> to vector<1xi32>
    %reduce_sum3A_54 = vector.shape_cast %reduce_sum3A_53 : vector<1xi32> to vector<1x1x1xi32>
    %reduce_sum3A_55 = vector.extract %reduce_sum3A_54[0, 0, 0] : i32 from vector<1x1x1xi32>
    %add3A_56 = vector.broadcast %reduce_sum3A_55 : i32 to vector<8x128xi32>
    %add3A_57 = arith.addi %get3A_48, %add3A_56 : vector<8x128xi32>
    %swap3A_58 = arith.constant 0 : index
    %swap3A_59 = arith.constant 0 : index
    %swap3A_60 = vector.load %arg10[%swap3A_58, %swap3A_59] : memref<8x128xi32, #tpu.memory_space<vmem>>, vector<8x128xi32>
    tpu.vector_store %arg10[%swap3A_58, %swap3A_59], %add3A_57 {strides = array<i32>} : memref<8x128xi32, #tpu.memory_space<vmem>>, vector<8x128xi32>,
    return
  }
  func.func @transform_0(%arg0: i32) -> (i32, i32) {
    %min3A = arith.constant 48 : i32
    %min3A_0 = arith.minsi %arg0, %min3A : i32
    %c0_i32 = arith.constant 0 : i32
    %c0_i32_1 = arith.constant 0 : i32
    return %min3A_0, %c0_i32 : i32, i32
  }
  func.func @transform_1(%arg0: i32) -> (i32, i32) {
    %c0_i32 = arith.constant 0 : i32
    %c0_i32_0 = arith.constant 0 : i32
    %c0_i32_1 = arith.constant 0 : i32
    return %c0_i32, %c0_i32_0 : i32, i32
  }
  func.func @transform_2(%arg0: i32) -> (i32, i32) {
    %c0_i32 = arith.constant 0 : i32
    %c0_i32_0 = arith.constant 0 : i32
    %c0_i32_1 = arith.constant 0 : i32
    return %c0_i32, %c0_i32_0 : i32, i32
  }
  func.func @transform_3(%arg0: i32) -> (i32, i32) {
    %c0_i32 = arith.constant 0 : i32
    %c0_i32_0 = arith.constant 0 : i32
    return %arg0, %c0_i32 : i32, i32
  }
  func.func @transform_4(%arg0: i32) -> (i32, i32) {
    %c0_i32 = arith.constant 0 : i32
    %c0_i32_0 = arith.constant 0 : i32
    return %arg0, %c0_i32 : i32, i32
  }
  func.func @transform_5(%arg0: i32) -> (i32, i32) {
    %c0_i32 = arith.constant 0 : i32
    %c0_i32_0 = arith.constant 0 : i32
    return %arg0, %c0_i32 : i32, i32
  }
  func.func @transform_6(%arg0: i32) -> (i32, i32) {
    %min3A = arith.constant 48 : i32
    %min3A_0 = arith.minsi %arg0, %min3A : i32
    %c0_i32 = arith.constant 0 : i32
    %c0_i32_1 = arith.constant 0 : i32
    return %min3A_0, %c0_i32 : i32, i32
  }
  func.func @transform_7(%arg0: i32) -> (i32, i32) {
    %c0_i32 = arith.constant 0 : i32
    %c0_i32_0 = arith.constant 0 : i32
    return %arg0, %c0_i32 : i32, i32
  }
  func.func @transform_8(%arg0: i32) -> (i32, i32) {
    %c0_i32 = arith.constant 0 : i32
    %c0_i32_0 = arith.constant 0 : i32
    return %arg0, %c0_i32 : i32, i32
  }
  func.func @transform_9(%arg0: i32) -> (i32, i32) {
    %c0_i32 = arith.constant 0 : i32
    %c0_i32_0 = arith.constant 0 : i32
    %c0_i32_1 = arith.constant 0 : i32
    return %c0_i32, %c0_i32_0 : i32, i32
  }
}

module attributes {stable_mosaic.version = 14 : i64} {
  func.func @body(%arg0: i32, %arg1: memref<2x4096x16xf32, #tpu.memory_space<vmem>>, %arg2: memref<4096x16xf32, #tpu.memory_space<vmem>>, %arg3: memref<1x8xf32, #tpu.memory_space<vmem>>, %arg4: memref<2x16xf32, #tpu.memory_space<vmem>>, %arg5: memref<16x16xf32, #tpu.memory_space<vmem>>, %arg6: memref<1x16xf32, #tpu.memory_space<vmem>>, %arg7: memref<6x16x16xf32, #tpu.memory_space<vmem>>, %arg8: memref<6x16xf32, #tpu.memory_space<vmem>>, %arg9: memref<16x64xf32, #tpu.memory_space<vmem>>, %arg10: memref<1x64xf32, #tpu.memory_space<vmem>>, %arg11: memref<4096x64xf32, #tpu.memory_space<vmem>>) attributes {dimension_semantics = [#tpu.dimension_semantics<arbitrary>], iteration_bounds = array<i64: 25>, scalar_prefetch = 0 : i64, scratch_operands = 0 : i64, tpu.core_type = #tpu.core_type<tc>, window_params = [{transform_indices = @transform_0, window_bounds = array<i64: 2, 4096, 16>}, {transform_indices = @transform_1, window_bounds = array<i64: 4096, 16>}, {pipeline_mode = #tpu.pipeline_mode<synchronous>, transform_indices = @transform_2, window_bounds = array<i64: 1, 8>}, {pipeline_mode = #tpu.pipeline_mode<synchronous>, transform_indices = @transform_3, window_bounds = array<i64: 2, 16>}, {pipeline_mode = #tpu.pipeline_mode<synchronous>, transform_indices = @transform_4, window_bounds = array<i64: 16, 16>}, {pipeline_mode = #tpu.pipeline_mode<synchronous>, transform_indices = @transform_5, window_bounds = array<i64: 1, 16>}, {pipeline_mode = #tpu.pipeline_mode<synchronous>, transform_indices = @transform_6, window_bounds = array<i64: 6, 16, 16>}, {pipeline_mode = #tpu.pipeline_mode<synchronous>, transform_indices = @transform_7, window_bounds = array<i64: 6, 16>}, {pipeline_mode = #tpu.pipeline_mode<synchronous>, transform_indices = @transform_8, window_bounds = array<i64: 16, 64>}, {pipeline_mode = #tpu.pipeline_mode<synchronous>, transform_indices = @transform_9, window_bounds = array<i64: 1, 64>}, {transform_indices = @transform_10, window_bounds = array<i64: 4096, 64>}]} {
    %get3A = arith.constant 0 : index
    %get3A_0 = arith.constant 0 : index
    %get3A_1 = vector.load %arg2[%get3A, %get3A_0] : memref<4096x16xf32, #tpu.memory_space<vmem>>, vector<4096x16xf32>
    %get3A_2 = arith.constant 0 : index
    %get3A_3 = arith.constant 0 : index
    %get3A_4 = vector.load %arg3[%get3A_2, %get3A_3] : memref<1x8xf32, #tpu.memory_space<vmem>>, vector<1x1xf32>
    %get3A_5 = vector.extract %get3A_4[0, 0] : f32 from vector<1x1xf32>
    %get3A_6 = arith.constant 0 : index
    %get3A_7 = arith.constant 1 : index
    %get3A_8 = vector.load %arg3[%get3A_6, %get3A_7] : memref<1x8xf32, #tpu.memory_space<vmem>>, vector<1x1xf32>
    %get3A_9 = vector.extract %get3A_8[0, 0] : f32 from vector<1x1xf32>
    %get3A_10 = arith.constant 0 : index
    %get3A_11 = arith.constant 2 : index
    %get3A_12 = vector.load %arg3[%get3A_10, %get3A_11] : memref<1x8xf32, #tpu.memory_space<vmem>>, vector<1x1xf32>
    %get3A_13 = vector.extract %get3A_12[0, 0] : f32 from vector<1x1xf32>
    %get3A_14 = arith.constant 0 : index
    %get3A_15 = arith.constant 3 : index
    %get3A_16 = vector.load %arg3[%get3A_14, %get3A_15] : memref<1x8xf32, #tpu.memory_space<vmem>>, vector<1x1xf32>
    %get3A_17 = vector.extract %get3A_16[0, 0] : f32 from vector<1x1xf32>
    %get3A_18 = arith.constant 0 : index
    %get3A_19 = arith.constant 0 : index
    %get3A_20 = vector.load %arg4[%get3A_18, %get3A_19] : memref<2x16xf32, #tpu.memory_space<vmem>>, vector<1x16xf32>
    %get3A_21 = arith.constant 0 : index
    %get3A_22 = arith.constant 0 : index
    %get3A_23 = vector.load %arg5[%get3A_21, %get3A_22] : memref<16x16xf32, #tpu.memory_space<vmem>>, vector<16x16xf32>
    %dot_general3A = arith.constant dense<0.000000e+00> : vector<1x16xf32>
    %dot_general3A_24 = tpu.matmul %get3A_20, %get3A_23, %dot_general3A {dimension_numbers = #tpu.dot_dimension_numbers<[1], [0], [0], [1], [0, 0, 1, 1], [], []>, transpose_lhs_hint = false} : vector<1x16xf32>, vector<16x16xf32>, vector<1x16xf32> -> vector<1x16xf32>
    %get3A_25 = arith.constant 0 : index
    %get3A_26 = arith.constant 0 : index
    %get3A_27 = vector.load %arg6[%get3A_25, %get3A_26] : memref<1x16xf32, #tpu.memory_space<vmem>>, vector<1x16xf32>
    %add3A = arith.addf %dot_general3A_24, %get3A_27 : vector<1x16xf32>
    %get3A_28 = arith.constant 1 : index
    %get3A_29 = arith.constant 0 : index
    %get3A_30 = vector.load %arg4[%get3A_28, %get3A_29] : memref<2x16xf32, #tpu.memory_space<vmem>>, vector<1x16xf32>
    %get3A_31 = arith.constant 0 : index
    %get3A_32 = arith.constant 0 : index
    %get3A_33 = vector.load %arg5[%get3A_31, %get3A_32] : memref<16x16xf32, #tpu.memory_space<vmem>>, vector<16x16xf32>
    %dot_general3A_34 = arith.constant dense<0.000000e+00> : vector<1x16xf32>
    %dot_general3A_35 = tpu.matmul %get3A_30, %get3A_33, %dot_general3A_34 {dimension_numbers = #tpu.dot_dimension_numbers<[1], [0], [0], [1], [0, 0, 1, 1], [], []>, transpose_lhs_hint = false} : vector<1x16xf32>, vector<16x16xf32>, vector<1x16xf32> -> vector<1x16xf32>
    %get3A_36 = arith.constant 0 : index
    %get3A_37 = arith.constant 0 : index
    %get3A_38 = vector.load %arg6[%get3A_36, %get3A_37] : memref<1x16xf32, #tpu.memory_space<vmem>>, vector<1x16xf32>
    %add3A_39 = arith.addf %dot_general3A_35, %get3A_38 : vector<1x16xf32>
    %iota3A = tpu.iota {dimensions = array<i32: 0>} : vector<4096x1xi32>
    %mul3A = arith.constant 4096 : i32
    %mul3A_40 = arith.muli %arg0, %mul3A : i32
    %add3A_41 = vector.broadcast %mul3A_40 : i32 to vector<4096x1xi32>
    %add3A_42 = arith.addi %iota3A, %add3A_41 : vector<4096x1xi32>
    %convert_element_type3A = arith.sitofp %add3A_42 : vector<4096x1xi32> to vector<4096x1xf32>
    %eq3A = vector.broadcast %get3A_13 : f32 to vector<4096x1xf32>
    %eq3A_43 = arith.cmpf oeq, %convert_element_type3A, %eq3A : vector<4096x1xf32>
    %convert_element_type3A_44 = arith.extui %eq3A_43 : vector<4096x1xi1> to vector<4096x1xi32>
    %convert_element_type3A_45 = arith.sitofp %convert_element_type3A_44 : vector<4096x1xi32> to vector<4096x1xf32>
    %mul3A_46 = vector.broadcast %get3A_5 : f32 to vector<1x16xf32>
    %mul3A_47 = arith.mulf %mul3A_46, %add3A : vector<1x16xf32>
    %mul3A_48 = vector.broadcast %convert_element_type3A_45 : vector<4096x1xf32> to vector<4096x16xf32>
    %mul3A_49 = vector.broadcast %mul3A_47 : vector<1x16xf32> to vector<4096x16xf32>
    %mul3A_50 = arith.mulf %mul3A_48, %mul3A_49 : vector<4096x16xf32>
    %eq3A_51 = vector.broadcast %get3A_17 : f32 to vector<4096x1xf32>
    %eq3A_52 = arith.cmpf oeq, %convert_element_type3A, %eq3A_51 : vector<4096x1xf32>
    %convert_element_type3A_53 = arith.extui %eq3A_52 : vector<4096x1xi1> to vector<4096x1xi32>
    %convert_element_type3A_54 = arith.sitofp %convert_element_type3A_53 : vector<4096x1xi32> to vector<4096x1xf32>
    %mul3A_55 = vector.broadcast %get3A_9 : f32 to vector<1x16xf32>
    %mul3A_56 = arith.mulf %mul3A_55, %add3A_39 : vector<1x16xf32>
    %mul3A_57 = vector.broadcast %convert_element_type3A_54 : vector<4096x1xf32> to vector<4096x16xf32>
    %mul3A_58 = vector.broadcast %mul3A_56 : vector<1x16xf32> to vector<4096x16xf32>
    %mul3A_59 = arith.mulf %mul3A_57, %mul3A_58 : vector<4096x16xf32>
    %add3A_60 = arith.addf %mul3A_50, %mul3A_59 : vector<4096x16xf32>
    %get3A_61 = arith.constant 0 : index
    %get3A_62 = arith.constant 0 : index
    %get3A_63 = arith.constant 0 : index
    %get3A_64 = vector.load %arg1[%get3A_61, %get3A_62, %get3A_63] : memref<2x4096x16xf32, #tpu.memory_space<vmem>>, vector<1x4096x16xf32>
    %get3A_65 = vector.shape_cast %get3A_64 : vector<1x4096x16xf32> to vector<4096x16xf32>
    %get3A_66 = arith.constant 1 : index
    %get3A_67 = arith.constant 0 : index
    %get3A_68 = arith.constant 0 : index
    %get3A_69 = vector.load %arg1[%get3A_66, %get3A_67, %get3A_68] : memref<2x4096x16xf32, #tpu.memory_space<vmem>>, vector<1x4096x16xf32>
    %get3A_70 = vector.shape_cast %get3A_69 : vector<1x4096x16xf32> to vector<4096x16xf32>
    %add3A_71 = arith.addf %get3A_65, %get3A_70 : vector<4096x16xf32>
    %add3A_72 = arith.addf %add3A_71, %add3A_60 : vector<4096x16xf32>
    %get3A_73 = arith.constant 0 : index
    %get3A_74 = arith.constant 0 : index
    %get3A_75 = arith.constant 0 : index
    %get3A_76 = vector.load %arg7[%get3A_73, %get3A_74, %get3A_75] : memref<6x16x16xf32, #tpu.memory_space<vmem>>, vector<1x16x16xf32>
    %get3A_77 = vector.shape_cast %get3A_76 : vector<1x16x16xf32> to vector<16x16xf32>
    %dot_general3A_78 = arith.constant dense<0.000000e+00> : vector<4096x16xf32>
    %dot_general3A_79 = tpu.matmul %add3A_72, %get3A_77, %dot_general3A_78 {dimension_numbers = #tpu.dot_dimension_numbers<[1], [0], [0], [1], [0, 0, 1, 1], [], []>, transpose_lhs_hint = false} : vector<4096x16xf32>, vector<16x16xf32>, vector<4096x16xf32> -> vector<4096x16xf32>
    %get3A_80 = arith.constant 0 : index
    %get3A_81 = arith.constant 0 : index
    %get3A_82 = vector.load %arg8[%get3A_80, %get3A_81] : memref<6x16xf32, #tpu.memory_space<vmem>>, vector<1x16xf32>
    %add3A_83 = vector.broadcast %get3A_82 : vector<1x16xf32> to vector<4096x16xf32>
    %add3A_84 = arith.addf %dot_general3A_79, %add3A_83 : vector<4096x16xf32>
    %get3A_85 = arith.constant 1 : index
    %get3A_86 = arith.constant 0 : index
    %get3A_87 = arith.constant 0 : index
    %get3A_88 = vector.load %arg7[%get3A_85, %get3A_86, %get3A_87] : memref<6x16x16xf32, #tpu.memory_space<vmem>>, vector<1x16x16xf32>
    %get3A_89 = vector.shape_cast %get3A_88 : vector<1x16x16xf32> to vector<16x16xf32>
    %dot_general3A_90 = arith.constant dense<0.000000e+00> : vector<4096x16xf32>
    %dot_general3A_91 = tpu.matmul %add3A_72, %get3A_89, %dot_general3A_90 {dimension_numbers = #tpu.dot_dimension_numbers<[1], [0], [0], [1], [0, 0, 1, 1], [], []>, transpose_lhs_hint = false} : vector<4096x16xf32>, vector<16x16xf32>, vector<4096x16xf32> -> vector<4096x16xf32>
    %get3A_92 = arith.constant 1 : index
    %get3A_93 = arith.constant 0 : index
    %get3A_94 = vector.load %arg8[%get3A_92, %get3A_93] : memref<6x16xf32, #tpu.memory_space<vmem>>, vector<1x16xf32>
    %add3A_95 = vector.broadcast %get3A_94 : vector<1x16xf32> to vector<4096x16xf32>
    %add3A_96 = arith.addf %dot_general3A_91, %add3A_95 : vector<4096x16xf32>
    %get3A_97 = arith.constant 2 : index
    %get3A_98 = arith.constant 0 : index
    %get3A_99 = arith.constant 0 : index
    %get3A_100 = vector.load %arg7[%get3A_97, %get3A_98, %get3A_99] : memref<6x16x16xf32, #tpu.memory_space<vmem>>, vector<1x16x16xf32>
    %get3A_101 = vector.shape_cast %get3A_100 : vector<1x16x16xf32> to vector<16x16xf32>
    %dot_general3A_102 = arith.constant dense<0.000000e+00> : vector<4096x16xf32>
    %dot_general3A_103 = tpu.matmul %add3A_72, %get3A_101, %dot_general3A_102 {dimension_numbers = #tpu.dot_dimension_numbers<[1], [0], [0], [1], [0, 0, 1, 1], [], []>, transpose_lhs_hint = false} : vector<4096x16xf32>, vector<16x16xf32>, vector<4096x16xf32> -> vector<4096x16xf32>
    %get3A_104 = arith.constant 2 : index
    %get3A_105 = arith.constant 0 : index
    %get3A_106 = vector.load %arg8[%get3A_104, %get3A_105] : memref<6x16xf32, #tpu.memory_space<vmem>>, vector<1x16xf32>
    %add3A_107 = vector.broadcast %get3A_106 : vector<1x16xf32> to vector<4096x16xf32>
    %add3A_108 = arith.addf %dot_general3A_103, %add3A_107 : vector<4096x16xf32>
    %get3A_109 = arith.constant 3 : index
    %get3A_110 = arith.constant 0 : index
    %get3A_111 = arith.constant 0 : index
    %get3A_112 = vector.load %arg7[%get3A_109, %get3A_110, %get3A_111] : memref<6x16x16xf32, #tpu.memory_space<vmem>>, vector<1x16x16xf32>
    %get3A_113 = vector.shape_cast %get3A_112 : vector<1x16x16xf32> to vector<16x16xf32>
    %dot_general3A_114 = arith.constant dense<0.000000e+00> : vector<4096x16xf32>
    %dot_general3A_115 = tpu.matmul %get3A_1, %get3A_113, %dot_general3A_114 {dimension_numbers = #tpu.dot_dimension_numbers<[1], [0], [0], [1], [0, 0, 1, 1], [], []>, transpose_lhs_hint = false} : vector<4096x16xf32>, vector<16x16xf32>, vector<4096x16xf32> -> vector<4096x16xf32>
    %get3A_116 = arith.constant 3 : index
    %get3A_117 = arith.constant 0 : index
    %get3A_118 = vector.load %arg8[%get3A_116, %get3A_117] : memref<6x16xf32, #tpu.memory_space<vmem>>, vector<1x16xf32>
    %add3A_119 = vector.broadcast %get3A_118 : vector<1x16xf32> to vector<4096x16xf32>
    %add3A_120 = arith.addf %dot_general3A_115, %add3A_119 : vector<4096x16xf32>
    %get3A_121 = arith.constant 4 : index
    %get3A_122 = arith.constant 0 : index
    %get3A_123 = arith.constant 0 : index
    %get3A_124 = vector.load %arg7[%get3A_121, %get3A_122, %get3A_123] : memref<6x16x16xf32, #tpu.memory_space<vmem>>, vector<1x16x16xf32>
    %get3A_125 = vector.shape_cast %get3A_124 : vector<1x16x16xf32> to vector<16x16xf32>
    %dot_general3A_126 = arith.constant dense<0.000000e+00> : vector<4096x16xf32>
    %dot_general3A_127 = tpu.matmul %get3A_1, %get3A_125, %dot_general3A_126 {dimension_numbers = #tpu.dot_dimension_numbers<[1], [0], [0], [1], [0, 0, 1, 1], [], []>, transpose_lhs_hint = false} : vector<4096x16xf32>, vector<16x16xf32>, vector<4096x16xf32> -> vector<4096x16xf32>
    %get3A_128 = arith.constant 4 : index
    %get3A_129 = arith.constant 0 : index
    %get3A_130 = vector.load %arg8[%get3A_128, %get3A_129] : memref<6x16xf32, #tpu.memory_space<vmem>>, vector<1x16xf32>
    %add3A_131 = vector.broadcast %get3A_130 : vector<1x16xf32> to vector<4096x16xf32>
    %add3A_132 = arith.addf %dot_general3A_127, %add3A_131 : vector<4096x16xf32>
    %get3A_133 = arith.constant 5 : index
    %get3A_134 = arith.constant 0 : index
    %get3A_135 = arith.constant 0 : index
    %get3A_136 = vector.load %arg7[%get3A_133, %get3A_134, %get3A_135] : memref<6x16x16xf32, #tpu.memory_space<vmem>>, vector<1x16x16xf32>
    %get3A_137 = vector.shape_cast %get3A_136 : vector<1x16x16xf32> to vector<16x16xf32>
    %dot_general3A_138 = arith.constant dense<0.000000e+00> : vector<4096x16xf32>
    %dot_general3A_139 = tpu.matmul %get3A_1, %get3A_137, %dot_general3A_138 {dimension_numbers = #tpu.dot_dimension_numbers<[1], [0], [0], [1], [0, 0, 1, 1], [], []>, transpose_lhs_hint = false} : vector<4096x16xf32>, vector<16x16xf32>, vector<4096x16xf32> -> vector<4096x16xf32>
    %get3A_140 = arith.constant 5 : index
    %get3A_141 = arith.constant 0 : index
    %get3A_142 = vector.load %arg8[%get3A_140, %get3A_141] : memref<6x16xf32, #tpu.memory_space<vmem>>, vector<1x16xf32>
    %add3A_143 = vector.broadcast %get3A_142 : vector<1x16xf32> to vector<4096x16xf32>
    %add3A_144 = arith.addf %dot_general3A_139, %add3A_143 : vector<4096x16xf32>
    %add3A_145 = arith.addf %add3A_84, %add3A_120 : vector<4096x16xf32>
    %neg3A = arith.constant 0.000000e+00 : f32
    %neg3A_146 = vector.broadcast %neg3A : f32 to vector<4096x16xf32>
    %neg3A_147 = arith.subf %neg3A_146, %add3A_145 : vector<4096x16xf32>
    %exp3A = math.exp %neg3A_147 : vector<4096x16xf32>
    %add3A_148 = arith.constant 1.000000e+00 : f32
    %add3A_149 = vector.broadcast %add3A_148 : f32 to vector<4096x16xf32>
    %add3A_150 = arith.addf %add3A_149, %exp3A : vector<4096x16xf32>
    %div3A = arith.constant 1.000000e+00 : f32
    %div3A_151 = vector.broadcast %div3A : f32 to vector<4096x16xf32>
    %div3A_152 = arith.divf %div3A_151, %add3A_150 : vector<4096x16xf32>
    %add3A_153 = arith.addf %add3A_96, %add3A_132 : vector<4096x16xf32>
    %neg3A_154 = arith.constant 0.000000e+00 : f32
    %neg3A_155 = vector.broadcast %neg3A_154 : f32 to vector<4096x16xf32>
    %neg3A_156 = arith.subf %neg3A_155, %add3A_153 : vector<4096x16xf32>
    %exp3A_157 = math.exp %neg3A_156 : vector<4096x16xf32>
    %add3A_158 = arith.constant 1.000000e+00 : f32
    %add3A_159 = vector.broadcast %add3A_158 : f32 to vector<4096x16xf32>
    %add3A_160 = arith.addf %add3A_159, %exp3A_157 : vector<4096x16xf32>
    %div3A_161 = arith.constant 1.000000e+00 : f32
    %div3A_162 = vector.broadcast %div3A_161 : f32 to vector<4096x16xf32>
    %div3A_163 = arith.divf %div3A_162, %add3A_160 : vector<4096x16xf32>
    %mul3A_164 = arith.mulf %div3A_152, %add3A_144 : vector<4096x16xf32>
    %add3A_165 = arith.addf %add3A_108, %mul3A_164 : vector<4096x16xf32>
    %tanh3A = math.tanh %add3A_165 : vector<4096x16xf32>
    %sub3A = arith.constant 1.000000e+00 : f32
    %sub3A_166 = vector.broadcast %sub3A : f32 to vector<4096x16xf32>
    %sub3A_167 = arith.subf %sub3A_166, %div3A_163 : vector<4096x16xf32>
    %mul3A_168 = arith.mulf %sub3A_167, %tanh3A : vector<4096x16xf32>
    %mul3A_169 = arith.mulf %div3A_163, %get3A_1 : vector<4096x16xf32>
    %add3A_170 = arith.addf %mul3A_168, %mul3A_169 : vector<4096x16xf32>
    %get3A_171 = arith.constant 0 : index
    %get3A_172 = arith.constant 0 : index
    %get3A_173 = vector.load %arg9[%get3A_171, %get3A_172] : memref<16x64xf32, #tpu.memory_space<vmem>>, vector<16x64xf32>
    %dot_general3A_174 = arith.constant dense<0.000000e+00> : vector<4096x64xf32>
    %dot_general3A_175 = tpu.matmul %add3A_170, %get3A_173, %dot_general3A_174 {dimension_numbers = #tpu.dot_dimension_numbers<[1], [0], [0], [1], [0, 0, 1, 1], [], []>, transpose_lhs_hint = false} : vector<4096x16xf32>, vector<16x64xf32>, vector<4096x64xf32> -> vector<4096x64xf32>
    %get3A_176 = arith.constant 0 : index
    %get3A_177 = arith.constant 0 : index
    %get3A_178 = vector.load %arg10[%get3A_176, %get3A_177] : memref<1x64xf32, #tpu.memory_space<vmem>>, vector<1x64xf32>
    %add3A_179 = vector.broadcast %get3A_178 : vector<1x64xf32> to vector<4096x64xf32>
    %add3A_180 = arith.addf %dot_general3A_175, %add3A_179 : vector<4096x64xf32>
    %swap3A = arith.constant 0 : index
    %swap3A_181 = arith.constant 0 : index
    %swap3A_182 = vector.load %arg11[%swap3A, %swap3A_181] : memref<4096x64xf32, #tpu.memory_space<vmem>>, vector<4096x64xf32>
    tpu.vector_store %arg11[%swap3A, %swap3A_181], %add3A_180 {strides = array<i32>} : memref<4096x64xf32, #tpu.memory_space<vmem>>, vector<4096x64xf32>,
    return
  }
  func.func @transform_0(%arg0: i32) -> (i32, i32, i32) {
    %c0_i32 = arith.constant 0 : i32
    %c0_i32_0 = arith.constant 0 : i32
    %c0_i32_1 = arith.constant 0 : i32
    return %c0_i32, %arg0, %c0_i32_0 : i32, i32, i32
  }
  func.func @transform_1(%arg0: i32) -> (i32, i32) {
    %c0_i32 = arith.constant 0 : i32
    %c0_i32_0 = arith.constant 0 : i32
    return %arg0, %c0_i32 : i32, i32
  }
  func.func @transform_2(%arg0: i32) -> (i32, i32) {
    %c0_i32 = arith.constant 0 : i32
    %c0_i32_0 = arith.constant 0 : i32
    %c0_i32_1 = arith.constant 0 : i32
    return %c0_i32, %c0_i32_0 : i32, i32
  }
  func.func @transform_3(%arg0: i32) -> (i32, i32) {
    %c0_i32 = arith.constant 0 : i32
    %c0_i32_0 = arith.constant 0 : i32
    %c0_i32_1 = arith.constant 0 : i32
    return %c0_i32, %c0_i32_0 : i32, i32
  }
  func.func @transform_4(%arg0: i32) -> (i32, i32) {
    %c0_i32 = arith.constant 0 : i32
    %c0_i32_0 = arith.constant 0 : i32
    %c0_i32_1 = arith.constant 0 : i32
    return %c0_i32, %c0_i32_0 : i32, i32
  }
  func.func @transform_5(%arg0: i32) -> (i32, i32) {
    %c0_i32 = arith.constant 0 : i32
    %c0_i32_0 = arith.constant 0 : i32
    %c0_i32_1 = arith.constant 0 : i32
    return %c0_i32, %c0_i32_0 : i32, i32
  }
  func.func @transform_6(%arg0: i32) -> (i32, i32, i32) {
    %c0_i32 = arith.constant 0 : i32
    %c0_i32_0 = arith.constant 0 : i32
    %c0_i32_1 = arith.constant 0 : i32
    %c0_i32_2 = arith.constant 0 : i32
    return %c0_i32, %c0_i32_0, %c0_i32_1 : i32, i32, i32
  }
  func.func @transform_7(%arg0: i32) -> (i32, i32) {
    %c0_i32 = arith.constant 0 : i32
    %c0_i32_0 = arith.constant 0 : i32
    %c0_i32_1 = arith.constant 0 : i32
    return %c0_i32, %c0_i32_0 : i32, i32
  }
  func.func @transform_8(%arg0: i32) -> (i32, i32) {
    %c0_i32 = arith.constant 0 : i32
    %c0_i32_0 = arith.constant 0 : i32
    %c0_i32_1 = arith.constant 0 : i32
    return %c0_i32, %c0_i32_0 : i32, i32
  }
  func.func @transform_9(%arg0: i32) -> (i32, i32) {
    %c0_i32 = arith.constant 0 : i32
    %c0_i32_0 = arith.constant 0 : i32
    %c0_i32_1 = arith.constant 0 : i32
    return %c0_i32, %c0_i32_0 : i32, i32
  }
  func.func @transform_10(%arg0: i32) -> (i32, i32) {
    %c0_i32 = arith.constant 0 : i32
    %c0_i32_0 = arith.constant 0 : i32
    return %arg0, %c0_i32 : i32, i32
  }
}

</mosaic_0001>

<sc_bundles>
// kernel: kernel.5.cloned.1.call-start
scs
__scs_entry_jumppad:
0x0: {  	(pc) =	sbr.rel $0x88, $3  }
0x1: {  	(tag) =	ssettag $0x0;
	lr =	simm.s32 $0x1  }
0x2: {  	[smem:$0x3F8B] =	sst lr;
	_ =	strace $0xD0000000  }
0x3: {  	_ = 	snop  }
0x4: {  	_ = 	snop  }
0x5: {  	_ = 	snop  }
0x6: {  	_ = 	snop  }
0x7: {  	_ = 	snop  }
__scs_overlays_trampoline_lowered:
0x8: {  	[smem:$0x3F9A] =	sst s0  }
0x9: {  	[smem:$0x3F9B] =	sst s1  }
0xa: {  	[smem:$0x3F9C] =	sst s2  }
0xb: {  	[smem:$0x3F9D] =	sst s3  }
0xc: {  	[smem:$0x3F9E] =	sst s4  }
0xd: {  	[smem:$0x3F9F] =	sst s5  }
0xe: {  	[smem:$0x3FA0] =	sst s6  }
0xf: {  	[smem:$0x3FA1] =	sst s7  }
0x10: {  	[smem:$0x3FA2] =	sst s8  }
0x11: {  	[smem:$0x3FA3] =	sst s9;
	s0 =	simm.s32 @!p0 $0x0  }
0x12: {  	s1 =	sld [smem:$0x3F89];
	s0 =	simm.s32 @p0 $0x1  }
0x13: {  	[smem:$0x3FA4] =	sst s0;
	s0 =	simm.s32 @!p1 $0x0  }
0x14: {  	s2 =	sld [smem:$0x3F88];
	s0 =	simm.s32 @p1 $0x1  }
0x15: {  	[smem:$0x3FA5] =	sst s0;
	s0 =	simm.s32 @!p2 $0x0  }
0x16: {  	s3 =	sld [smem:$0x3FDB];
	s0 =	simm.s32 @p2 $0x1  }
0x17: {  	s4 =	simm.s32 $0x1BF5;
	[smem:$0x3FA7] =	sst s0  }
0x18: {  	s0 =	sld [smem:$0x3F8A];
	_ =	swait.ge [sflag:s4], $0x0  }
0x19: {  	s7 =	sld [smem:$0x3F8B]  }
0x1a: {  	s8 =	sadd.s32 $0xFFFFE003, lr  }
0x1b: {  	s9 =	sadd.s32 $0xFFFFFEF7, lr;
	s5 =	simm.s32 $0xFFFFFFFF;
	p2 =	slt.u32 s8, $0xFFFFF086  }
0x1c: {  	p1 =	slt.u32 s9, $0xF7A;
	s5 =	simm.s32 @!p2 $0x0  }
0x1d: {  	s5 =	simm.s32 @p1 $0x1;
	p0 =	seq.s32 s7, s2  }
0x1e: {  	s7 =	smul.u32 @!p0 $0xF7A, s2;
	p2 =	seq.s32 @!p0 s5, $0x0  }
0x1f: {  	s9 =	smul.u32 $0xF7A, s1;
	s8 =	simm.s32 @!p0 $0x1BF5;
	p2 =	por !p2, p0  }
0x20: {  	[sflag:s8] =	ssyncset.s32 @!p0 $0xFFFFF086;
	s6 =	sadd.s32 @!p0 s3, s7;
	s7 =	simm.s32 @!p0 $0x108  }
0x21: {  	s3 =	sadd.s32 s3, s9;
	s6 =	sadd.s32 @!p0 $0x88, s6;
	s7 =	simm.s32 @p2 $0x1082  }
0x22: {  	[simem:s7], [sflag:s8] =	dma.local @!p0 [hbm:s6], $0xF7A  }
0x23: {  	s9 =	sor.u32 $0xD0000000, s2;
	s6 =	simm.s32 $0x108;
	_ =	swait.ge @!p0 [sflag:s8], $0x0  }
0x24: {  	s3 =	sadd.s32 $0x88, s3;
	s6 =	simm.s32 @!p1 $0x1082;
	[sflag:s4] =	ssyncset.s32 $0xFFFFF086  }
0x25: {  	[simem:s6], [sflag:s4] =	dma.local [hbm:s3], $0xF7A  }
0x26: {  	[smem:$0x3F8B] =	sst s1;
	(tag) =	ssettag s2;
	_ =	strace s9  }
0x27: {  	s1 =	sld [smem:$0x3F9B]  }
0x28: {  	s2 =	sld [smem:$0x3F9C]  }
0x29: {  	s4 =	sld [smem:$0x3F9E]  }
0x2a: {  	p0 =	seq.s32 s5, $0x0;
	s5 =	sld [smem:$0x3F9F]  }
0x2b: {  	s6 =	sld [smem:$0x3FA0]  }
0x2c: {  	s7 =	sld [smem:$0x3FA1]  }
0x2d: {  	s3 =	simm.s32 $0x108;
	s8 =	sld [smem:$0x3FA2]  }
0x2e: {  	s3 =	simm.s32 @!p0 $0x1082;
	s9 =	sld [smem:$0x3FA3]  }
0x2f: {  	lr =	sadd.s32 s0, s3;
	s0 =	sld [smem:$0x3F9A]  }
0x30: {  	s3 =	sld [smem:$0x3F9D]  }
0x31: {  	[smem:$0x3FA6] =	sst s10  }
0x32: {  	s10 =	sld [smem:$0x3FA4];
	_ =	sdelay $0x3  }
0x33: {  	p0 =	seq.s32 s10, $0x1;
	s10 =	sld [smem:$0x3FA6];
	_ =	sdelay $0x3  }
0x34: {  	[smem:$0x3FA6] =	sst s10  }
0x35: {  	s10 =	sld [smem:$0x3FA5];
	_ =	sdelay $0x3  }
0x36: {  	p1 =	seq.s32 s10, $0x1;
	s10 =	sld [smem:$0x3FA6];
	_ =	sdelay $0x3  }
0x37: {  	[smem:$0x3FA6] =	sst s10  }
0x38: {  	s10 =	sld [smem:$0x3FA7]  }
0x39: {  	_ = 	snop;
	(pc) =	sbr.ind lr, $3  }
0x3a: {  	_ = 	snop  }
0x3b: {  	_ = 	snop  }
0x3c: {  	p2 =	seq.s32 s10, $0x1;
	s10 =	sld [smem:$0x3FA6]  }
0x3d: {  	_ =	shalt  }
0x3e: {  	_ =	shalt  }
0x3f: {  	_ =	shalt  }
0x40: {  	_ =	shalt  }
0x41: {  	_ =	shalt  }
0x42: {  	_ =	shalt  }
0x43: {  	_ =	shalt  }
0x44: {  	_ =	shalt  }
0x45: {  	_ =	shalt  }
0x46: {  	_ =	shalt  }
0x47: {  	_ =	shalt  }
0x48: {  	_ =	shalt  }
0x49: {  	_ =	shalt  }
0x4a: {  	_ =	shalt  }
0x4b: {  	_ =	shalt  }
0x4c: {  	_ =	shalt  }
0x4d: {  	_ =	shalt  }
0x4e: {  	_ =	shalt  }
0x4f: {  	_ =	shalt  }
0x50: {  	_ =	shalt  }
0x51: {  	_ =	shalt  }
0x52: {  	_ =	shalt  }
0x53: {  	_ =	shalt  }
0x54: {  	_ =	shalt  }
0x55: {  	_ =	shalt  }
0x56: {  	_ =	shalt  }
0x57: {  	_ =	shalt  }
0x58: {  	_ =	shalt  }
0x59: {  	_ =	shalt  }
0x5a: {  	_ =	shalt  }
0x5b: {  	_ =	shalt  }
0x5c: {  	_ =	shalt  }
0x5d: {  	_ =	shalt  }
0x5e: {  	_ =	shalt  }
0x5f: {  	_ =	shalt  }
0x60: {  	_ =	shalt  }
0x61: {  	_ =	shalt  }
0x62: {  	_ =	shalt  }
0x63: {  	_ =	shalt  }
0x64: {  	_ =	shalt  }
0x65: {  	_ =	shalt  }
0x66: {  	_ =	shalt  }
0x67: {  	_ =	shalt  }
0x68: {  	_ =	shalt  }
0x69: {  	_ =	shalt  }
0x6a: {  	_ =	shalt  }
0x6b: {  	_ =	shalt  }
0x6c: {  	_ =	shalt  }
0x6d: {  	_ =	shalt  }
0x6e: {  	_ =	shalt  }
0x6f: {  	_ =	shalt  }
0x70: {  	_ =	shalt  }
0x71: {  	_ =	shalt  }
0x72: {  	_ =	shalt  }
0x73: {  	_ =	shalt  }
0x74: {  	_ =	shalt  }
0x75: {  	_ =	shalt  }
0x76: {  	_ =	shalt  }
0x77: {  	_ =	shalt  }
0x78: {  	_ =	shalt  }
0x79: {  	_ =	shalt  }
0x7a: {  	_ =	shalt  }
0x7b: {  	_ =	shalt  }
0x7c: {  	_ =	shalt  }
0x7d: {  	_ =	shalt  }
0x7e: {  	_ =	shalt  }
0x7f: {  	_ =	shalt  }
0x80: {  	_ =	shalt  }
0x81: {  	_ =	shalt  }
0x82: {  	_ =	shalt  }
0x83: {  	_ =	shalt  }
0x84: {  	_ =	shalt  }
0x85: {  	_ =	shalt  }
0x86: {  	_ =	shalt  }
0x87: {  	_ =	shalt  }
.Lfunc_end0:
.L_simem_size_0:
called_computation_lowered:
.L_overlay_start_0:
0x88: {  	s2 =	sld [smem:$0x3FD9]  }
0x89: {  	s3 =	sld [smem:$0x3FFE];
	_ =	sdelay $0x1  }
0x8a: {  	s1 =	srdreg.scid  }
0x8b: {  	s0 =	sand.u32 $0x1, s1  }
0x8c: {  	s17 =	sshll.u32 s0, $0xA;
	s2 =	sadd.s32 s3, s2  }
0x8d: {  	s2 =	sadd.s32 s2, s17  }
0x8e: {  	[smem:$0x3FB2] =	sst s2  }
0x8f: {  	_ = 	snop  }
0x90: {  	s2 =	sld [smem:$0x3FC9]  }
0x91: {  	s18 =	sld [smem:$0x3FC8]  }
0x92: {  	s4 =	sld [smem:$0x3FC7]  }
0x93: {  	s5 =	sld [smem:$0x3FC6]  }
0x94: {  	s6 =	sld [smem:$0x3FC5]  }
0x95: {  	s7 =	sld [smem:$0x3FC4]  }
0x96: {  	s8 =	sld [smem:$0x3FC3]  }
0x97: {  	s9 =	sld [smem:$0x3FC2]  }
0x98: {  	s10 =	sld [smem:$0x3FD0];
	(tm) =	ssettm $0x1  }
0x99: {  	s11 =	sld [smem:$0x3FFB];
	_ =	sdelay $0x3  }
0x9a: {  	_ =	strace s11  }
0x9b: {  	s11 =	sld [smem:$0x3FFC];
	_ =	sdelay $0x3  }
0x9c: {  	_ =	strace s11  }
0x9d: {  	s11 =	sld [smem:$0x3FFD];
	_ =	sdelay $0x3  }
0x9e: {  	_ =	strace s11  }
0x9f: {  	_ =	strace $0x8FFFFFFF  }
0xa0: {  	s19 =	sld [smem:$0x3FDB];
	_ =	sdelay $0x1  }
0xa1: {  	s12 =	simm.s32 $_scs_section_size  }
0xa2: {  	s13 =	simm.s32 $_size__tile_overlayer_lowered;
	s14 =	simm.s32 $_tile_overlayer_lowered  }
0xa3: {  	s22 =	simm.s32 $0x1BFF;
	s21 =	sshll.u32 s14, $0x1;
	s11 =	sadd.s32 s12, s19  }
0xa4: {  	s15 =	simm.s32 $0x0;
	s20 =	sshll.u32 s13, $0x1;
	s13 =	sadd.s32 s21, s11  }
0xa5: {  	[timem:s15], [sflag:s22] =	dma.local [hbm:s13], s20  }
0xa6: {  	_ =	swait.ge [sflag:s22], s20  }
0xa7: {  	s12 =	ssub.s32 $0x0, s20;
	[sflag:s22] =	ssyncset.done $0x0  }
0xa8: {  	[sflag:s22] =	ssyncadd.s32 s12;
	_ =	sdelay $0x1  }
0xa9: {  	s23 =	simm.s32 $0x1B8B  }
0xaa: {  	_ =	swait.ge [sflag:s23], $0x1  }
0xab: {  	[sflag:s23] =	ssyncset.done $0x0  }
0xac: {  	s25 =	simm.s32 $0x1B8E;
	s24 =	sld [smem:$0x3FFE];
	[sflag:s23] =	ssyncadd.s32 $0xFFFFFFFF  }
0xad: {  	s26 =	simm.s32 $execute0_lowered;
	[smem:$0x3FD2] =	sst s25  }
0xae: {  	s13 =	sshll.u32 s26, $0x1;
	_ =	strace $0x80000046;
	[dreg:$0x1] =	wrdreg $0xFFFFFFFF  }
0xaf: {  	s28 =	simm.s32 $_size_execute0_lowered;
	s11 =	sadd.s32 s11, s13;
	[dreg:$0x0] =	wrdreg $0x0  }
0xb0: {  	s13 =	sshll.u32 s28, $0x1;
	[dreg:$0x2] =	wrdreg s11  }
0xb1: {  	[dreg:$0x3] =	wrdreg s13  }
0xb2: {  	[dreg:$0x4] =	wrdreg $0xC0  }
0xb3: {  	_ =	task [dreg:s15], $0x5FFFF  }
0xb4: {  	[dreg:$0x1] =	wrdreg $0xFFFFFFFF  }
0xb5: {  	[dreg:$0x0] =	wrdreg $0x60  }
0xb6: {  	[dreg:$0x2] =	wrdreg s24  }
0xb7: {  	[dreg:$0x3] =	wrdreg s2  }
0xb8: {  	[dreg:$0x4] =	wrdreg s18  }
0xb9: {  	[dreg:$0x5] =	wrdreg s4  }
0xba: {  	[dreg:$0x6] =	wrdreg s5  }
0xbb: {  	[dreg:$0x7] =	wrdreg s6  }
0xbc: {  	[dreg:$0x8] =	wrdreg s7  }
0xbd: {  	[dreg:$0x9] =	wrdreg s8  }
0xbe: {  	[dreg:$0xa] =	wrdreg s9  }
0xbf: {  	[dreg:$0xb] =	wrdreg s10  }
0xc0: {  	[dreg:$0xc] =	wrdreg $0x55000  }
0xc1: {  	[dreg:$0xd] =	wrdreg $0x9  }
0xc2: {  	_ =	task.clear_ibuf [dreg:s15], $0xEFFFF;
	_ =	strace $0x90000046  }
0xc3: {  	s29 =	simm.s32 $0x9;
	_ =	strace $0x80000048  }
0xc4: {  	_ =	swait.ge [sflag:s29], $0x1  }
0xc5: {  	[sflag:s29] =	ssyncadd.s32 $0xFFFFFFFF  }
0xc6: {  	_ =	strace $0x90000048  }
0xc7: {  	_ =	sfence  }
0xc8: {  	s30 =	sld [smem:$0x0];
	_ =	sdelay $0x2  }
0xc9: {  	s31 =	sshll.u32 s1, $0xD;
	s1 =	sshrl.u32 s1, $0x2  }
0xca: {  	s3 =	sand.u32 $0x4000, s31;
	s1 =	sadd.s32 s1, s30  }
0xcb: {  	s0 =	sor.u32 s3, s0;
	s1 =	sshll.u32 s1, $0x11  }
0xcc: {  	s0 =	sor.u32 s1, s0  }
0xcd: {  	s0 =	sadd.s32 $0x8F2B, s0  }
0xce: {  	[sflag:s0] =	ssyncadd.remote.s32 $0x1  }
0xcf: {  	_ =	sfence.sel $0xFFFF  }
0xd0: {  	[dreg:$0x0] =	wrdreg $0xFFFFFFFF;
	(pc) =	sbr.abs _section_cstart, $3  }
0xd1: {  	[dreg:$0x1] =	wrdreg $0xFFFFFFFF  }
0xd2: {  	_ =	task.clear_ibuf [dreg:s15], $0x2FFFF;
	_ =	strace $0x9FFFFFFF  }
0xd3: {  	(tm) =	ssettm $0x7FFFFFFF  }
tec
execute0_lowered:
.L_overlay_start_1:
0x0: {  	(tag) =	ssettag $0x1  }
0x1: {  	s0 =	rddreg [dreg:$0x0]  }
0x2: {  	s1 =	rddreg [dreg:$0x9]  }
0x3: {  	s9 =	rddreg [dreg:$0xa];
	s2 =	srdreg.scid;
	s11 =	simm.s32 $0x0  }
0x4: {  	s5 =	stileid.u32;
	s28 =	simm.s32 $0x2;
	s29 =	simm.s32 $0x3  }
0x5: {  	s30 =	simm.s32 $0x400;
	s31 =	simm.s32 $0x80;
	s7 =	simm.s32 $0x2D00  }
0x6: {  	s18 =	simm.s32 $0x3500;
	s20 =	simm.s32 $0x3D00;
	s10 =	simm.s32 $0x1100  }
0x7: {  	s13 =	simm.s32 $0x1380;
	s14 =	simm.s32 $0x1400;
	s4 =	smul.u32 $0xC400, s5  }
0x8: {  	s15 =	simm.s32 $0x1480;
	s2 =	sand.u32 $0x1, s2;
	s5 =	smul.u32 $0x18800, s5  }
0x9: {  	[smem:$0x7FF] =	sst s11;
	s12 =	sadd.s32 $0x371A00, s0;
	s3 =	smul.u32 $0xC4000, s2  }
0xa: {  	_ =	strace $0x80000047;
	s22 =	ssub.s32 $0x2, s2;
	s2 =	smul.u32 $0x31000, s2  }
0xb: {  	s6 =	sshrl.u32 s22, $0x1;
	s24 =	sadd.s32 s5, s9;
	s25 =	sshrl.u32 s5, $0x3  }
0xc: {  	s5 =	simm.s32 $0x800;
	s3 =	sadd.s32 s4, s3;
	s23 =	ssub.s32 s22, s6  }
0xd: {  	[dreg:$0xd] =	wrdreg s24;
	s1 =	sadd.s32 s1, s2;
	s2 =	simm.s32 $0x1D00  }
0xe: {  	s4 =	simm.s32 $0x2500;
	s22 =	simm.s32 $0x4500;
	s24 =	simm.s32 $0x0  }
.Ltmp0:
0xf: {  	s3 =	sshrl.u32 s3, $0x3;
	s26 =	sadd.s32 s25, s1;
	(pc) =	sbr.rel .LBB2_1-.Ltmp0, $4  }
0x10: {  	s3 =	sadd.s32 s3, s0;
	s0 =	sadd.s32 $0x189000, s0;
	[dreg:$0xf] =	wrdreg s26  }
0x11: {  	s25 =	simm.s32 $0x4D00;
	s26 =	simm.s32 $0x1;
	[dreg:$0xc] =	wrdreg s0  }
0x12: {  	s0 =	smax.u32 s23, $0x1;
	s16 =	sadd.s32 $0x340A00, s3;
	s17 =	sadd.s32 $0x30FA00, s3  }
0x13: {  	v0 =	vimm.s32 $0x0;
	s23 =	simm.s32 $0x1300;
	[dreg:$0xe] =	wrdreg s0;
	s0 =	simm.s32 $0x1500  }
.LBB2_44:
0x14: {  	[bflag:$0x0] =	sbarrier.arrive $0xFFFF  }
0x15: {  	s1 =	rddreg [dreg:$0xf]  }
0x16: {  	s3 =	rddreg [dreg:$0x10]  }
0x17: {  	s6 =	rddreg [dreg:$0x11]  }
0x18: {  	[hbm:s1], [sflag:s3] =	dma.local [spmem:s6], $0x3100  }
0x19: {  	_ =	swait.ge [sflag:s28], $0x3100  }
0x1a: {  	s24 =	sadd.s32 $0x1, s24;
	s21 =	rddreg [dreg:$0xe]  }
0x1b: {  	p0 =	sne.s32 s24, s21  }
.Ltmp1:
0x1c: {  	_ = 	snop;
	(pc) =	sbr.rel @!p0 .LBB2_45-.Ltmp1, $3  }
0x1d: {  	_ =	sdelay $0x1  }
0x1e: {  	[sflag:s28] =	ssyncset.done $0x0  }
0x1f: {  	[sflag:s28] =	ssyncadd.s32 $0xFFFFCF00  }
.LBB2_1:
0x20: {  	s1 =	rddreg [dreg:$0x1];
	s3 =	simm.s32 $0x1DD00  }
0x21: {  	[tilespmem:s3], [sflag:$0x2] =	stream.linear.gather [hbm4b:s1+s11], $0x1, $0x38;
	[tilespmem:$0x1DD80] =	vst v63  }
0x22: {  	s19 =	rddreg [dreg:$0x2];
	s21 =	simm.s32 $0x1DD10  }
0x23: {  	[tilespmem:s21], [sflag:$0x2] =	stream.linear.gather [hbm4b:s19+s11], $0x1, $0x38;
	[tilespmem:$0x1DD80] =	vst v63  }
0x24: {  	s6 =	rddreg [dreg:$0x3];
	s8 =	simm.s32 $0x1DD20  }
0x25: {  	[tilespmem:s8], [sflag:$0x2] =	stream.linear.gather [hbm4b:s6+s11], $0x1, $0x38;
	[tilespmem:$0x1DD80] =	vst v63  }
0x26: {  	s19 =	rddreg [dreg:$0x4];
	s21 =	simm.s32 $0x1DD30  }
0x27: {  	[tilespmem:s21], [sflag:$0x2] =	stream.linear.gather [hbm4b:s19+s11], $0x1, $0x38;
	[tilespmem:$0x1DD80] =	vst v63  }
0x28: {  	s6 =	rddreg [dreg:$0x5];
	s8 =	simm.s32 $0x1DD40  }
0x29: {  	[tilespmem:s8], [sflag:$0x2] =	stream.linear.gather [hbm4b:s6+s11], $0x1, $0x38;
	[tilespmem:$0x1DD80] =	vst v63  }
0x2a: {  	s19 =	rddreg [dreg:$0x6];
	s21 =	simm.s32 $0x1DD50  }
0x2b: {  	[tilespmem:s21], [sflag:$0x2] =	stream.linear.gather [hbm4b:s19+s11], $0x1, $0x38;
	[tilespmem:$0x1DD80] =	vst v63  }
0x2c: {  	s6 =	rddreg [dreg:$0x7];
	s8 =	simm.s32 $0x1DD60  }
0x2d: {  	[tilespmem:s8], [sflag:$0x2] =	stream.linear.gather [hbm4b:s6+s11], $0x1, $0x38;
	[tilespmem:$0x1DD80] =	vst v63  }
0x2e: {  	s19 =	rddreg [dreg:$0x8];
	s21 =	simm.s32 $0x1DD70  }
0x2f: {  	[tilespmem:s21], [sflag:$0x2] =	stream.linear.gather [hbm4b:s19+s11], $0x1, $0x38;
	[tilespmem:$0x1DD80] =	vst v63  }
0x30: {  	_ =	swait.ge [sflag:s28], $0x1  }
0x31: {  	[sflag:s28] =	ssyncset.done $0x0  }
0x32: {  	[sflag:s28] =	ssyncadd.s32 $0xFFFFFFFF  }
0x33: {  	_ =	swait.ge [sflag:s28], $0x1  }
0x34: {  	[sflag:s28] =	ssyncset.done $0x0  }
0x35: {  	[sflag:s28] =	ssyncadd.s32 $0xFFFFFFFF  }
0x36: {  	_ =	swait.ge [sflag:s28], $0x1  }
0x37: {  	[sflag:s28] =	ssyncset.done $0x0  }
0x38: {  	[sflag:s28] =	ssyncadd.s32 $0xFFFFFFFF  }
0x39: {  	_ =	swait.ge [sflag:s28], $0x1  }
0x3a: {  	[sflag:s28] =	ssyncset.done $0x0  }
0x3b: {  	[sflag:s28] =	ssyncadd.s32 $0xFFFFFFFF  }
0x3c: {  	_ =	swait.ge [sflag:s28], $0x1  }
0x3d: {  	[sflag:s28] =	ssyncset.done $0x0  }
0x3e: {  	[sflag:s28] =	ssyncadd.s32 $0xFFFFFFFF  }
0x3f: {  	_ =	swait.ge [sflag:s28], $0x1  }
0x40: {  	[sflag:s28] =	ssyncset.done $0x0  }
0x41: {  	[sflag:s28] =	ssyncadd.s32 $0xFFFFFFFF  }
0x42: {  	s6 =	stileid.u32;
	_ =	swait.ge [sflag:s28], $0x1  }
0x43: {  	s8 =	sshll.u32 s6, $0x6;
	[sflag:s28] =	ssyncset.done $0x0  }
0x44: {  	s3 =	sor.u32 $0x1C02, s8;
	[sflag:s28] =	ssyncadd.s32 $0xFFFFFFFF  }
0x45: {  	_ =	swait.ge [sflag:s28], $0x1;
	[dreg:$0x10] =	wrdreg s3  }
0x46: {  	s19 =	rddreg [dreg:$0xd]  }
0x47: {  	[sflag:s28] =	ssyncset.done $0x0;
	s21 =	rddreg [dreg:$0xc];
	s6 =	sshrl.u32 s19, $0x3  }
0x48: {  	[sflag:s28] =	ssyncadd.s32 $0xFFFFFFFF;
	[dreg:$0x11] =	wrdreg s6  }
0x49: {  	[spmem:s6], [sflag:s3] =	dma.local [hbm:s21], $0x3100  }
.Ltmp2:
0x4a: {  	_ =	swait.ge [sflag:s28], $0x3100;
	(pc) =	sbr.rel .LBB2_2-.Ltmp2, $4  }
0x4b: {  	[sflag:s28] =	ssyncset.done $0x0  }
0x4c: {  	[sflag:s28] =	ssyncadd.s32 $0xFFFFCF00  }
0x4d: {  	[bflag:$0x0] =	sbarrier.arrive $0xFFFF  }
0x4e: {  	s6 =	simm.s32 $0x0  }
.LBB2_42:
0x4f: {  	[spmem:s9] =	stream.indirect.scatter.add.f32 [tilespmem:s25], [sflag:$0x2], $0x10, s15, s31, $0xb8;
	[tilespmem:$0x1DD80] =	vst v63  }
0x50: {  	_ =	swait.ge [sflag:s28], $0x800  }
0x51: {  	[sflag:s28] =	ssyncset.done $0x0  }
0x52: {  	[sflag:s28] =	ssyncadd.s32 $0xFFFFF800  }
.LBB2_43:
0x53: {  	s6 =	sadd.s32 $0x80, s6  }
0x54: {  	p0 =	sne.s32 s6, $0x1880  }
.Ltmp3:
0x55: {  	_ = 	snop;
	(pc) =	sbr.rel @!p0 .LBB2_44-.Ltmp3, $1  }
0x56: {  	_ =	sdelay $0x3  }
.LBB2_2:
0x57: {  	s3 =	sadd.s32 s6, s17  }
0x58: {  	[tilespmem:s11], [sflag:$0x3] =	stream.linear.gather [hbm4b:s3+s11], $0x400, $0x38;
	[tilespmem:$0x1DD80] =	vst v63  }
0x59: {  	_ =	swait.ge [sflag:s29], $0x400  }
0x5a: {  	[sflag:s29] =	ssyncset.done $0x0  }
0x5b: {  	s1 =	sadd.s32 s6, s16;
	[sflag:s29] =	ssyncadd.s32 $0xFFFFFC00  }
0x5c: {  	[tilespmem:s30], [sflag:$0x3] =	stream.linear.gather [hbm4b:s1+s11], $0x400, $0x38;
	[tilespmem:$0x1DD80] =	vst v63  }
0x5d: {  	_ =	swait.ge [sflag:s29], $0x400  }
0x5e: {  	[sflag:s29] =	ssyncset.done $0x0  }
0x5f: {  	[sflag:s29] =	ssyncadd.s32 $0xFFFFFC00  }
0x60: {  	v1 =	vld [tilespmem:$0x400];
	_ =	sdelay $0x4  }
0x61: {  	vm0 =	vlt.s32 v1, $0x186A0  }
0x62: {  	v2 =	vsel vm0, $0x1, v0  }
0x63: {  	(xrf0) =	vadd.scan.msk.s32 $0xffff, v2;
	v2 =	vld [tilespmem:$0x0];
	_ =	sdelay $0x2  }
0x64: {  	v3 =	vld [tilespmem:$0x410]  }
0x65: {  	v4 =	vld [tilespmem:$0x10];
	v1 =	vxor.u32 $0x80000000, v1  }
0x66: {  	(xrf1) =	vsort.ascd.msk.u32 $0xffff, v1, v2;
	_ =	sdelay $0x1  }
0x67: {  	v1, _, _ =	vpop (xrf0)  }
0x68: {  	(v2sf) =	vpush v1, $0xF;
	v1 =	vxor.u32 $0x80000000, v3  }
0x69: {  	(xrf1) =	vsort.ascd.msk.u32 $0xffff, v1, v4;
	_ =	sdelay $0x9  }
0x6a: {  	v1, v2, _ =	vpop (xrf1)  }
0x6b: {  	v1 =	vxor.u32 $0x80000000, v1  }
0x6c: {  	vm13 =	vlt.s32 v3, $0x186A0  }
0x6d: {  	[tilespmem:$0x800] =	vst v2;
	v2 =	vsel vm13, $0x1, v0  }
0x6e: {  	[tilespmem:$0xC80] =	vst v1;
	(xrf0) =	vadd.scan.msk.s32 $0xffff, v2;
	s8 =	spop (v2sf);
	v1, v3, _ =	vpop (xrf1)  }
0x6f: {  	v1 =	vxor.u32 $0x80000000, v1;
	[tilespmem:s8+$0x800] =	vst v3  }
0x70: {  	[tilespmem:s8+$0xC80] =	vst v1  }
0x71: {  	v1 =	vld [tilespmem:$0x420]  }
0x72: {  	v2 =	vld [tilespmem:$0x20];
	_ =	sdelay $0x1  }
0x73: {  	v3, _, _ =	vpop (xrf0)  }
0x74: {  	(v2sf) =	vpush v3, $0xF  }
0x75: {  	v3 =	vxor.u32 $0x80000000, v1  }
0x76: {  	(xrf1) =	vsort.ascd.msk.u32 $0xffff, v3, v2;
	_ =	sdelay $0xb  }
0x77: {  	vm14 =	vlt.s32 v1, $0x186A0  }
0x78: {  	v1 =	vsel vm14, $0x1, v0;
	s1 =	spop (v2sf)  }
0x79: {  	(xrf0) =	vadd.scan.msk.s32 $0xffff, v1;
	s1 =	sadd.s32 s8, s1;
	v2, v3, _ =	vpop (xrf1)  }
0x7a: {  	v1 =	vxor.u32 $0x80000000, v2;
	[tilespmem:s1+$0x800] =	vst v3  }
0x7b: {  	[tilespmem:s1+$0xC80] =	vst v1  }
0x7c: {  	v1 =	vld [tilespmem:$0x430]  }
0x7d: {  	v2 =	vld [tilespmem:$0x30];
	_ =	sdelay $0x1  }
0x7e: {  	v3, _, _ =	vpop (xrf0)  }
0x7f: {  	(v2sf) =	vpush v3, $0xF  }
0x80: {  	v3 =	vxor.u32 $0x80000000, v1  }
0x81: {  	(xrf1) =	vsort.ascd.msk.u32 $0xffff, v3, v2;
	_ =	sdelay $0xb  }
0x82: {  	vm15 =	vlt.s32 v1, $0x186A0  }
0x83: {  	v1 =	vsel vm15, $0x1, v0;
	s19 =	spop (v2sf)  }
0x84: {  	(xrf0) =	vadd.scan.msk.s32 $0xffff, v1;
	s1 =	sadd.s32 s1, s19;
	v2, v3, _ =	vpop (xrf1)  }
0x85: {  	v1 =	vxor.u32 $0x80000000, v2;
	[tilespmem:s1+$0x800] =	vst v3  }
0x86: {  	[tilespmem:s1+$0xC80] =	vst v1  }
0x87: {  	v1 =	vld [tilespmem:$0x440]  }
0x88: {  	v2 =	vld [tilespmem:$0x40];
	_ =	sdelay $0x1  }
0x89: {  	v3, _, _ =	vpop (xrf0)  }
0x8a: {  	(v2sf) =	vpush v3, $0xF  }
0x8b: {  	v3 =	vxor.u32 $0x80000000, v1  }
0x8c: {  	(xrf1) =	vsort.ascd.msk.u32 $0xffff, v3, v2;
	_ =	sdelay $0xb  }
0x8d: {  	vm4 =	vlt.s32 v1, $0x186A0  }
0x8e: {  	v1 =	vsel vm4, $0x1, v0;
	s21 =	spop (v2sf)  }
0x8f: {  	(xrf0) =	vadd.scan.msk.s32 $0xffff, v1;
	s1 =	sadd.s32 s1, s21;
	v2, v3, _ =	vpop (xrf1)  }
0x90: {  	v1 =	vxor.u32 $0x80000000, v2;
	[tilespmem:s1+$0x800] =	vst v3  }
0x91: {  	[tilespmem:s1+$0xC80] =	vst v1  }
0x92: {  	v1 =	vld [tilespmem:$0x450]  }
0x93: {  	v2 =	vld [tilespmem:$0x50];
	_ =	sdelay $0x1  }
0x94: {  	v3, _, _ =	vpop (xrf0)  }
0x95: {  	(v2sf) =	vpush v3, $0xF  }
0x96: {  	v3 =	vxor.u32 $0x80000000, v1  }
0x97: {  	(xrf1) =	vsort.ascd.msk.u32 $0xffff, v3, v2;
	_ =	sdelay $0xb  }
0x98: {  	vm5 =	vlt.s32 v1, $0x186A0  }
0x99: {  	v1 =	vsel vm5, $0x1, v0;
	s8 =	spop (v2sf)  }
0x9a: {  	(xrf0) =	vadd.scan.msk.s32 $0xffff, v1;
	s1 =	sadd.s32 s1, s8;
	v2, v3, _ =	vpop (xrf1)  }
0x9b: {  	v1 =	vxor.u32 $0x80000000, v2;
	[tilespmem:s1+$0x800] =	vst v3  }
0x9c: {  	[tilespmem:s1+$0xC80] =	vst v1  }
0x9d: {  	v1 =	vld [tilespmem:$0x460]  }
0x9e: {  	v2 =	vld [tilespmem:$0x60];
	_ =	sdelay $0x1  }
0x9f: {  	v3, _, _ =	vpop (xrf0)  }
0xa0: {  	(v2sf) =	vpush v3, $0xF  }
0xa1: {  	v3 =	vxor.u32 $0x80000000, v1  }
0xa2: {  	(xrf1) =	vsort.ascd.msk.u32 $0xffff, v3, v2;
	_ =	sdelay $0xb  }
0xa3: {  	vm6 =	vlt.s32 v1, $0x186A0  }
0xa4: {  	v1 =	vsel vm6, $0x1, v0;
	s19 =	spop (v2sf)  }
0xa5: {  	(xrf0) =	vadd.scan.msk.s32 $0xffff, v1;
	s1 =	sadd.s32 s1, s19;
	v2, v3, _ =	vpop (xrf1)  }
0xa6: {  	v1 =	vxor.u32 $0x80000000, v2;
	[tilespmem:s1+$0x800] =	vst v3  }
0xa7: {  	[tilespmem:s1+$0xC80] =	vst v1  }
0xa8: {  	v1 =	vld [tilespmem:$0x470]  }
0xa9: {  	v2 =	vld [tilespmem:$0x70];
	_ =	sdelay $0x1  }
0xaa: {  	v3, _, _ =	vpop (xrf0)  }
0xab: {  	(v2sf) =	vpush v3, $0xF  }
0xac: {  	v3 =	vxor.u32 $0x80000000, v1  }
0xad: {  	(xrf1) =	vsort.ascd.msk.u32 $0xffff, v3, v2;
	_ =	sdelay $0xb  }
0xae: {  	vm7 =	vlt.s32 v1, $0x186A0  }
0xaf: {  	v1 =	vsel vm7, $0x1, v0;
	s21 =	spop (v2sf)  }
0xb0: {  	(xrf0) =	vadd.scan.msk.s32 $0xffff, v1;
	s1 =	sadd.s32 s1, s21;
	v2, v3, _ =	vpop (xrf1)  }
0xb1: {  	v1 =	vxor.u32 $0x80000000, v2;
	[tilespmem:s1+$0x800] =	vst v3  }
0xb2: {  	[tilespmem:s1+$0xC80] =	vst v1  }
0xb3: {  	v1 =	vld [tilespmem:$0x480]  }
0xb4: {  	v2 =	vld [tilespmem:$0x80];
	_ =	sdelay $0x1  }
0xb5: {  	v3, _, _ =	vpop (xrf0)  }
0xb6: {  	(v2sf) =	vpush v3, $0xF  }
0xb7: {  	v3 =	vxor.u32 $0x80000000, v1  }
0xb8: {  	(xrf1) =	vsort.ascd.msk.u32 $0xffff, v3, v2;
	_ =	sdelay $0xb  }
0xb9: {  	vm8 =	vlt.s32 v1, $0x186A0  }
0xba: {  	v1 =	vsel vm8, $0x1, v0;
	s8 =	spop (v2sf)  }
0xbb: {  	(xrf0) =	vadd.scan.msk.s32 $0xffff, v1;
	s1 =	sadd.s32 s1, s8;
	v2, v3, _ =	vpop (xrf1)  }
0xbc: {  	v1 =	vxor.u32 $0x80000000, v2;
	[tilespmem:s1+$0x800] =	vst v3  }
0xbd: {  	[tilespmem:s1+$0xC80] =	vst v1  }
0xbe: {  	v1 =	vld [tilespmem:$0x490]  }
0xbf: {  	v2 =	vld [tilespmem:$0x90];
	_ =	sdelay $0x1  }
0xc0: {  	v3, _, _ =	vpop (xrf0)  }
0xc1: {  	(v2sf) =	vpush v3, $0xF  }
0xc2: {  	v3 =	vxor.u32 $0x80000000, v1  }
0xc3: {  	(xrf1) =	vsort.ascd.msk.u32 $0xffff, v3, v2;
	_ =	sdelay $0xb  }
0xc4: {  	vm9 =	vlt.s32 v1, $0x186A0  }
0xc5: {  	v1 =	vsel vm9, $0x1, v0;
	s19 =	spop (v2sf)  }
0xc6: {  	(xrf0) =	vadd.scan.msk.s32 $0xffff, v1;
	s1 =	sadd.s32 s1, s19;
	v2, v3, _ =	vpop (xrf1)  }
0xc7: {  	v1 =	vxor.u32 $0x80000000, v2;
	[tilespmem:s1+$0x800] =	vst v3  }
0xc8: {  	[tilespmem:s1+$0xC80] =	vst v1  }
0xc9: {  	v1 =	vld [tilespmem:$0x4A0]  }
0xca: {  	v2 =	vld [tilespmem:$0xA0];
	_ =	sdelay $0x1  }
0xcb: {  	v3, _, _ =	vpop (xrf0)  }
0xcc: {  	(v2sf) =	vpush v3, $0xF  }
0xcd: {  	v3 =	vxor.u32 $0x80000000, v1  }
0xce: {  	(xrf1) =	vsort.ascd.msk.u32 $0xffff, v3, v2;
	_ =	sdelay $0xb  }
0xcf: {  	vm10 =	vlt.s32 v1, $0x186A0  }
0xd0: {  	v1 =	vsel vm10, $0x1, v0;
	s21 =	spop (v2sf)  }
0xd1: {  	(xrf0) =	vadd.scan.msk.s32 $0xffff, v1;
	s1 =	sadd.s32 s1, s21;
	v2, v3, _ =	vpop (xrf1)  }
0xd2: {  	v1 =	vxor.u32 $0x80000000, v2;
	[tilespmem:s1+$0x800] =	vst v3  }
0xd3: {  	[tilespmem:s1+$0xC80] =	vst v1  }
0xd4: {  	v1 =	vld [tilespmem:$0x4B0]  }
0xd5: {  	v2 =	vld [tilespmem:$0xB0];
	_ =	sdelay $0x1  }
0xd6: {  	v3, _, _ =	vpop (xrf0)  }
0xd7: {  	(v2sf) =	vpush v3, $0xF  }
0xd8: {  	v3 =	vxor.u32 $0x80000000, v1  }
0xd9: {  	(xrf1) =	vsort.ascd.msk.u32 $0xffff, v3, v2;
	_ =	sdelay $0xb  }
0xda: {  	vm11 =	vlt.s32 v1, $0x186A0  }
0xdb: {  	v1 =	vsel vm11, $0x1, v0;
	s8 =	spop (v2sf)  }
0xdc: {  	(xrf0) =	vadd.scan.msk.s32 $0xffff, v1;
	s1 =	sadd.s32 s1, s8;
	v2, v3, _ =	vpop (xrf1)  }
0xdd: {  	v1 =	vxor.u32 $0x80000000, v2;
	[tilespmem:s1+$0x800] =	vst v3  }
0xde: {  	[tilespmem:s1+$0xC80] =	vst v1  }
0xdf: {  	v1 =	vld [tilespmem:$0x4C0]  }
0xe0: {  	v2 =	vld [tilespmem:$0xC0];
	_ =	sdelay $0x1  }
0xe1: {  	v3, _, _ =	vpop (xrf0)  }
0xe2: {  	(v2sf) =	vpush v3, $0xF  }
0xe3: {  	v3 =	vxor.u32 $0x80000000, v1  }
0xe4: {  	(xrf1) =	vsort.ascd.msk.u32 $0xffff, v3, v2;
	_ =	sdelay $0xb  }
0xe5: {  	vm12 =	vlt.s32 v1, $0x186A0  }
0xe6: {  	v1 =	vsel vm12, $0x1, v0;
	s19 =	spop (v2sf)  }
0xe7: {  	(xrf0) =	vadd.scan.msk.s32 $0xffff, v1;
	s1 =	sadd.s32 s1, s19;
	v2, v3, _ =	vpop (xrf1)  }
0xe8: {  	v1 =	vxor.u32 $0x80000000, v2;
	[tilespmem:s1+$0x800] =	vst v3  }
0xe9: {  	[tilespmem:s1+$0xC80] =	vst v1  }
0xea: {  	v1 =	vld [tilespmem:$0x4D0]  }
0xeb: {  	v2 =	vld [tilespmem:$0xD0];
	_ =	sdelay $0x1  }
0xec: {  	v3, _, _ =	vpop (xrf0)  }
0xed: {  	(v2sf) =	vpush v3, $0xF  }
0xee: {  	v3 =	vxor.u32 $0x80000000, v1  }
0xef: {  	(xrf1) =	vsort.ascd.msk.u32 $0xffff, v3, v2;
	_ =	sdelay $0xb  }
0xf0: {  	vm13 =	vlt.s32 v1, $0x186A0  }
0xf1: {  	v1 =	vsel vm13, $0x1, v0;
	s21 =	spop (v2sf)  }
0xf2: {  	(xrf0) =	vadd.scan.msk.s32 $0xffff, v1;
	s1 =	sadd.s32 s1, s21;
	v2, v3, _ =	vpop (xrf1)  }
0xf3: {  	v1 =	vxor.u32 $0x80000000, v2;
	[tilespmem:s1+$0x800] =	vst v3  }
0xf4: {  	[tilespmem:s1+$0xC80] =	vst v1  }
0xf5: {  	v1 =	vld [tilespmem:$0x4E0]  }
0xf6: {  	v2 =	vld [tilespmem:$0xE0];
	_ =	sdelay $0x1  }
0xf7: {  	v3, _, _ =	vpop (xrf0)  }
0xf8: {  	(v2sf) =	vpush v3, $0xF  }
0xf9: {  	v3 =	vxor.u32 $0x80000000, v1  }
0xfa: {  	(xrf1) =	vsort.ascd.msk.u32 $0xffff, v3, v2;
	_ =	sdelay $0xb  }
0xfb: {  	vm14 =	vlt.s32 v1, $0x186A0  }
0xfc: {  	v1 =	vsel vm14, $0x1, v0;
	s8 =	spop (v2sf)  }
0xfd: {  	(xrf0) =	vadd.scan.msk.s32 $0xffff, v1;
	s1 =	sadd.s32 s1, s8;
	v2, v3, _ =	vpop (xrf1)  }
0xfe: {  	v1 =	vxor.u32 $0x80000000, v2;
	[tilespmem:s1+$0x800] =	vst v3  }
0xff: {  	[tilespmem:s1+$0xC80] =	vst v1  }
0x100: {  	v1 =	vld [tilespmem:$0x4F0]  }
0x101: {  	v2 =	vld [tilespmem:$0xF0];
	_ =	sdelay $0x1  }
0x102: {  	v3, _, _ =	vpop (xrf0)  }
0x103: {  	(v2sf) =	vpush v3, $0xF  }
0x104: {  	v3 =	vxor.u32 $0x80000000, v1  }
0x105: {  	(xrf1) =	vsort.ascd.msk.u32 $0xffff, v3, v2;
	_ =	sdelay $0xc  }
0x106: {  	s19 =	spop (v2sf)  }
0x107: {  	s1 =	sadd.s32 s1, s19;
	v2, v3, _ =	vpop (xrf1)  }
0x108: {  	vm15 =	vlt.s32 v1, $0x186A0;
	v2 =	vxor.u32 $0x80000000, v2;
	[tilespmem:s1+$0x800] =	vst v3  }
0x109: {  	v1 =	vsel vm15, $0x1, v0;
	[tilespmem:s1+$0xC80] =	vst v2  }
0x10a: {  	(xrf0) =	vadd.scan.msk.s32 $0xffff, v1;
	_ =	sdelay $0x2  }
0x10b: {  	v1 =	vld [tilespmem:$0x500]  }
0x10c: {  	v2 =	vld [tilespmem:$0x100];
	_ =	sdelay $0x1  }
0x10d: {  	v3, _, _ =	vpop (xrf0)  }
0x10e: {  	(v2sf) =	vpush v3, $0xF  }
0x10f: {  	v3 =	vxor.u32 $0x80000000, v1  }
0x110: {  	(xrf1) =	vsort.ascd.msk.u32 $0xffff, v3, v2;
	_ =	sdelay $0xb  }
0x111: {  	vm4 =	vlt.s32 v1, $0x186A0  }
0x112: {  	v1 =	vsel vm4, $0x1, v0;
	s21 =	spop (v2sf)  }
0x113: {  	(xrf0) =	vadd.scan.msk.s32 $0xffff, v1;
	v2, v3, _ =	vpop (xrf1);
	s1 =	sadd.s32 s1, s21  }
0x114: {  	v1 =	vxor.u32 $0x80000000, v2;
	[tilespmem:s1+$0x800] =	vst v3  }
0x115: {  	[tilespmem:s1+$0xC80] =	vst v1  }
0x116: {  	v1 =	vld [tilespmem:$0x510]  }
0x117: {  	v2 =	vld [tilespmem:$0x110];
	_ =	sdelay $0x1  }
0x118: {  	v3, _, _ =	vpop (xrf0)  }
0x119: {  	(v2sf) =	vpush v3, $0xF  }
0x11a: {  	v3 =	vxor.u32 $0x80000000, v1  }
0x11b: {  	(xrf1) =	vsort.ascd.msk.u32 $0xffff, v3, v2;
	_ =	sdelay $0xb  }
0x11c: {  	vm5 =	vlt.s32 v1, $0x186A0  }
0x11d: {  	v1 =	vsel vm5, $0x1, v0;
	s8 =	spop (v2sf)  }
0x11e: {  	(xrf0) =	vadd.scan.msk.s32 $0xffff, v1;
	s1 =	sadd.s32 s1, s8;
	v2, v3, _ =	vpop (xrf1)  }
0x11f: {  	v1 =	vxor.u32 $0x80000000, v2;
	[tilespmem:s1+$0x800] =	vst v3  }
0x120: {  	[tilespmem:s1+$0xC80] =	vst v1  }
0x121: {  	v1 =	vld [tilespmem:$0x520]  }
0x122: {  	v2 =	vld [tilespmem:$0x120];
	_ =	sdelay $0x1  }
0x123: {  	v3, _, _ =	vpop (xrf0)  }
0x124: {  	(v2sf) =	vpush v3, $0xF  }
0x125: {  	v3 =	vxor.u32 $0x80000000, v1  }
0x126: {  	(xrf1) =	vsort.ascd.msk.u32 $0xffff, v3, v2;
	_ =	sdelay $0xb  }
0x127: {  	vm6 =	vlt.s32 v1, $0x186A0  }
0x128: {  	v1 =	vsel vm6, $0x1, v0;
	s19 =	spop (v2sf)  }
0x129: {  	(xrf0) =	vadd.scan.msk.s32 $0xffff, v1;
	s1 =	sadd.s32 s1, s19;
	v2, v3, _ =	vpop (xrf1)  }
0x12a: {  	v1 =	vxor.u32 $0x80000000, v2;
	[tilespmem:s1+$0x800] =	vst v3  }
0x12b: {  	[tilespmem:s1+$0xC80] =	vst v1  }
0x12c: {  	v1 =	vld [tilespmem:$0x530]  }
0x12d: {  	v2 =	vld [tilespmem:$0x130];
	_ =	sdelay $0x1  }
0x12e: {  	v3, _, _ =	vpop (xrf0)  }
0x12f: {  	(v2sf) =	vpush v3, $0xF  }
0x130: {  	v3 =	vxor.u32 $0x80000000, v1  }
0x131: {  	(xrf1) =	vsort.ascd.msk.u32 $0xffff, v3, v2;
	_ =	sdelay $0xb  }
0x132: {  	vm7 =	vlt.s32 v1, $0x186A0  }
0x133: {  	v1 =	vsel vm7, $0x1, v0;
	s21 =	spop (v2sf)  }
0x134: {  	(xrf0) =	vadd.scan.msk.s32 $0xffff, v1;
	s1 =	sadd.s32 s1, s21;
	v2, v3, _ =	vpop (xrf1)  }
0x135: {  	v1 =	vxor.u32 $0x80000000, v2;
	[tilespmem:s1+$0x800] =	vst v3  }
0x136: {  	[tilespmem:s1+$0xC80] =	vst v1  }
0x137: {  	v1 =	vld [tilespmem:$0x540]  }
0x138: {  	v2 =	vld [tilespmem:$0x140];
	_ =	sdelay $0x1  }
0x139: {  	v3, _, _ =	vpop (xrf0)  }
0x13a: {  	(v2sf) =	vpush v3, $0xF  }
0x13b: {  	v3 =	vxor.u32 $0x80000000, v1  }
0x13c: {  	(xrf1) =	vsort.ascd.msk.u32 $0xffff, v3, v2;
	_ =	sdelay $0xb  }
0x13d: {  	vm8 =	vlt.s32 v1, $0x186A0  }
0x13e: {  	v1 =	vsel vm8, $0x1, v0;
	s8 =	spop (v2sf)  }
0x13f: {  	(xrf0) =	vadd.scan.msk.s32 $0xffff, v1;
	s1 =	sadd.s32 s1, s8;
	v2, v3, _ =	vpop (xrf1)  }
0x140: {  	v1 =	vxor.u32 $0x80000000, v2;
	[tilespmem:s1+$0x800] =	vst v3  }
0x141: {  	[tilespmem:s1+$0xC80] =	vst v1  }
0x142: {  	v1 =	vld [tilespmem:$0x550]  }
0x143: {  	v2 =	vld [tilespmem:$0x150];
	_ =	sdelay $0x1  }
0x144: {  	v3, _, _ =	vpop (xrf0)  }
0x145: {  	(v2sf) =	vpush v3, $0xF  }
0x146: {  	v3 =	vxor.u32 $0x80000000, v1  }
0x147: {  	(xrf1) =	vsort.ascd.msk.u32 $0xffff, v3, v2;
	_ =	sdelay $0xb  }
0x148: {  	vm9 =	vlt.s32 v1, $0x186A0  }
0x149: {  	v1 =	vsel vm9, $0x1, v0;
	s19 =	spop (v2sf)  }
0x14a: {  	(xrf0) =	vadd.scan.msk.s32 $0xffff, v1;
	s1 =	sadd.s32 s1, s19;
	v2, v3, _ =	vpop (xrf1)  }
0x14b: {  	v1 =	vxor.u32 $0x80000000, v2;
	[tilespmem:s1+$0x800] =	vst v3  }
0x14c: {  	[tilespmem:s1+$0xC80] =	vst v1  }
0x14d: {  	v1 =	vld [tilespmem:$0x560]  }
0x14e: {  	v2 =	vld [tilespmem:$0x160];
	_ =	sdelay $0x1  }
0x14f: {  	v3, _, _ =	vpop (xrf0)  }
0x150: {  	(v2sf) =	vpush v3, $0xF  }
0x151: {  	v3 =	vxor.u32 $0x80000000, v1  }
0x152: {  	(xrf1) =	vsort.ascd.msk.u32 $0xffff, v3, v2;
	_ =	sdelay $0xb  }
0x153: {  	vm10 =	vlt.s32 v1, $0x186A0  }
0x154: {  	v1 =	vsel vm10, $0x1, v0;
	s21 =	spop (v2sf)  }
0x155: {  	(xrf0) =	vadd.scan.msk.s32 $0xffff, v1;
	s1 =	sadd.s32 s1, s21;
	v2, v3, _ =	vpop (xrf1)  }
0x156: {  	v1 =	vxor.u32 $0x80000000, v2;
	[tilespmem:s1+$0x800] =	vst v3  }
0x157: {  	[tilespmem:s1+$0xC80] =	vst v1  }
0x158: {  	v1 =	vld [tilespmem:$0x570]  }
0x159: {  	v2 =	vld [tilespmem:$0x170];
	_ =	sdelay $0x1  }
0x15a: {  	v3, _, _ =	vpop (xrf0)  }
0x15b: {  	(v2sf) =	vpush v3, $0xF  }
0x15c: {  	v3 =	vxor.u32 $0x80000000, v1  }
0x15d: {  	(xrf1) =	vsort.ascd.msk.u32 $0xffff, v3, v2;
	_ =	sdelay $0xb  }
0x15e: {  	vm11 =	vlt.s32 v1, $0x186A0  }
0x15f: {  	v1 =	vsel vm11, $0x1, v0;
	s8 =	spop (v2sf)  }
0x160: {  	(xrf0) =	vadd.scan.msk.s32 $0xffff, v1;
	s1 =	sadd.s32 s1, s8;
	v2, v3, _ =	vpop (xrf1)  }
0x161: {  	v1 =	vxor.u32 $0x80000000, v2;
	[tilespmem:s1+$0x800] =	vst v3  }
0x162: {  	[tilespmem:s1+$0xC80] =	vst v1  }
0x163: {  	v1 =	vld [tilespmem:$0x580]  }
0x164: {  	v2 =	vld [tilespmem:$0x180];
	_ =	sdelay $0x1  }
0x165: {  	v3, _, _ =	vpop (xrf0)  }
0x166: {  	(v2sf) =	vpush v3, $0xF  }
0x167: {  	v3 =	vxor.u32 $0x80000000, v1  }
0x168: {  	(xrf1) =	vsort.ascd.msk.u32 $0xffff, v3, v2;
	_ =	sdelay $0xb  }
0x169: {  	vm12 =	vlt.s32 v1, $0x186A0  }
0x16a: {  	v1 =	vsel vm12, $0x1, v0;
	s19 =	spop (v2sf)  }
0x16b: {  	(xrf0) =	vadd.scan.msk.s32 $0xffff, v1;
	s1 =	sadd.s32 s1, s19;
	v2, v3, _ =	vpop (xrf1)  }
0x16c: {  	v1 =	vxor.u32 $0x80000000, v2;
	[tilespmem:s1+$0x800] =	vst v3  }
0x16d: {  	[tilespmem:s1+$0xC80] =	vst v1  }
0x16e: {  	v1 =	vld [tilespmem:$0x590]  }
0x16f: {  	v2 =	vld [tilespmem:$0x190];
	_ =	sdelay $0x1  }
0x170: {  	v3, _, _ =	vpop (xrf0)  }
0x171: {  	(v2sf) =	vpush v3, $0xF  }
0x172: {  	v3 =	vxor.u32 $0x80000000, v1  }
0x173: {  	(xrf1) =	vsort.ascd.msk.u32 $0xffff, v3, v2;
	_ =	sdelay $0xb  }
0x174: {  	vm13 =	vlt.s32 v1, $0x186A0  }
0x175: {  	v1 =	vsel vm13, $0x1, v0;
	s21 =	spop (v2sf)  }
0x176: {  	(xrf0) =	vadd.scan.msk.s32 $0xffff, v1;
	s1 =	sadd.s32 s1, s21;
	v2, v3, _ =	vpop (xrf1)  }
0x177: {  	v1 =	vxor.u32 $0x80000000, v2;
	[tilespmem:s1+$0x800] =	vst v3  }
0x178: {  	[tilespmem:s1+$0xC80] =	vst v1  }
0x179: {  	v1 =	vld [tilespmem:$0x5A0]  }
0x17a: {  	v2 =	vld [tilespmem:$0x1A0];
	_ =	sdelay $0x1  }
0x17b: {  	v3, _, _ =	vpop (xrf0)  }
0x17c: {  	(v2sf) =	vpush v3, $0xF  }
0x17d: {  	v3 =	vxor.u32 $0x80000000, v1  }
0x17e: {  	(xrf1) =	vsort.ascd.msk.u32 $0xffff, v3, v2;
	_ =	sdelay $0xb  }
0x17f: {  	vm14 =	vlt.s32 v1, $0x186A0  }
0x180: {  	v1 =	vsel vm14, $0x1, v0;
	s8 =	spop (v2sf)  }
0x181: {  	(xrf0) =	vadd.scan.msk.s32 $0xffff, v1;
	s1 =	sadd.s32 s1, s8;
	v2, v3, _ =	vpop (xrf1)  }
0x182: {  	v1 =	vxor.u32 $0x80000000, v2;
	[tilespmem:s1+$0x800] =	vst v3  }
0x183: {  	[tilespmem:s1+$0xC80] =	vst v1  }
0x184: {  	v1 =	vld [tilespmem:$0x5B0]  }
0x185: {  	v2 =	vld [tilespmem:$0x1B0];
	_ =	sdelay $0x1  }
0x186: {  	v3, _, _ =	vpop (xrf0)  }
0x187: {  	(v2sf) =	vpush v3, $0xF  }
0x188: {  	v3 =	vxor.u32 $0x80000000, v1  }
0x189: {  	(xrf1) =	vsort.ascd.msk.u32 $0xffff, v3, v2;
	_ =	sdelay $0xb  }
0x18a: {  	vm15 =	vlt.s32 v1, $0x186A0  }
0x18b: {  	v1 =	vsel vm15, $0x1, v0;
	s19 =	spop (v2sf)  }
0x18c: {  	(xrf0) =	vadd.scan.msk.s32 $0xffff, v1;
	s1 =	sadd.s32 s1, s19;
	v2, v3, _ =	vpop (xrf1)  }
0x18d: {  	v1 =	vxor.u32 $0x80000000, v2;
	[tilespmem:s1+$0x800] =	vst v3  }
0x18e: {  	[tilespmem:s1+$0xC80] =	vst v1  }
0x18f: {  	v1 =	vld [tilespmem:$0x5C0]  }
0x190: {  	v2 =	vld [tilespmem:$0x1C0];
	_ =	sdelay $0x1  }
0x191: {  	v3, _, _ =	vpop (xrf0)  }
0x192: {  	(v2sf) =	vpush v3, $0xF  }
0x193: {  	v3 =	vxor.u32 $0x80000000, v1  }
0x194: {  	(xrf1) =	vsort.ascd.msk.u32 $0xffff, v3, v2;
	_ =	sdelay $0xb  }
0x195: {  	vm4 =	vlt.s32 v1, $0x186A0  }
0x196: {  	v1 =	vsel vm4, $0x1, v0;
	s21 =	spop (v2sf)  }
0x197: {  	(xrf0) =	vadd.scan.msk.s32 $0xffff, v1;
	s1 =	sadd.s32 s1, s21;
	v2, v3, _ =	vpop (xrf1)  }
0x198: {  	v1 =	vxor.u32 $0x80000000, v2;
	[tilespmem:s1+$0x800] =	vst v3  }
0x199: {  	[tilespmem:s1+$0xC80] =	vst v1  }
0x19a: {  	v1 =	vld [tilespmem:$0x5D0]  }
0x19b: {  	v2 =	vld [tilespmem:$0x1D0];
	_ =	sdelay $0x1  }
0x19c: {  	v3, _, _ =	vpop (xrf0)  }
0x19d: {  	(v2sf) =	vpush v3, $0xF  }
0x19e: {  	v3 =	vxor.u32 $0x80000000, v1  }
0x19f: {  	(xrf1) =	vsort.ascd.msk.u32 $0xffff, v3, v2;
	_ =	sdelay $0xb  }
0x1a0: {  	vm5 =	vlt.s32 v1, $0x186A0  }
0x1a1: {  	v1 =	vsel vm5, $0x1, v0;
	s8 =	spop (v2sf)  }
0x1a2: {  	(xrf0) =	vadd.scan.msk.s32 $0xffff, v1;
	s1 =	sadd.s32 s1, s8;
	v2, v3, _ =	vpop (xrf1)  }
0x1a3: {  	v1 =	vxor.u32 $0x80000000, v2;
	[tilespmem:s1+$0x800] =	vst v3  }
0x1a4: {  	[tilespmem:s1+$0xC80] =	vst v1  }
0x1a5: {  	v1 =	vld [tilespmem:$0x5E0]  }
0x1a6: {  	v2 =	vld [tilespmem:$0x1E0];
	_ =	sdelay $0x1  }
0x1a7: {  	v3, _, _ =	vpop (xrf0)  }
0x1a8: {  	(v2sf) =	vpush v3, $0xF  }
0x1a9: {  	v3 =	vxor.u32 $0x80000000, v1  }
0x1aa: {  	(xrf1) =	vsort.ascd.msk.u32 $0xffff, v3, v2;
	_ =	sdelay $0xb  }
0x1ab: {  	vm6 =	vlt.s32 v1, $0x186A0  }
0x1ac: {  	v1 =	vsel vm6, $0x1, v0;
	s19 =	spop (v2sf)  }
0x1ad: {  	(xrf0) =	vadd.scan.msk.s32 $0xffff, v1;
	s1 =	sadd.s32 s1, s19;
	v2, v3, _ =	vpop (xrf1)  }
0x1ae: {  	v1 =	vxor.u32 $0x80000000, v2;
	[tilespmem:s1+$0x800] =	vst v3  }
0x1af: {  	[tilespmem:s1+$0xC80] =	vst v1  }
0x1b0: {  	v1 =	vld [tilespmem:$0x5F0]  }
0x1b1: {  	v2 =	vld [tilespmem:$0x1F0];
	_ =	sdelay $0x1  }
0x1b2: {  	v3, _, _ =	vpop (xrf0)  }
0x1b3: {  	(v2sf) =	vpush v3, $0xF  }
0x1b4: {  	v3 =	vxor.u32 $0x80000000, v1  }
0x1b5: {  	(xrf1) =	vsort.ascd.msk.u32 $0xffff, v3, v2;
	_ =	sdelay $0xb  }
0x1b6: {  	vm7 =	vlt.s32 v1, $0x186A0  }
0x1b7: {  	v1 =	vsel vm7, $0x1, v0;
	s21 =	spop (v2sf)  }
0x1b8: {  	(xrf0) =	vadd.scan.msk.s32 $0xffff, v1;
	s1 =	sadd.s32 s1, s21;
	v2, v3, _ =	vpop (xrf1)  }
0x1b9: {  	v1 =	vxor.u32 $0x80000000, v2;
	[tilespmem:s1+$0x800] =	vst v3  }
0x1ba: {  	[tilespmem:s1+$0xC80] =	vst v1  }
0x1bb: {  	v1 =	vld [tilespmem:$0x600]  }
0x1bc: {  	v2 =	vld [tilespmem:$0x200];
	_ =	sdelay $0x1  }
0x1bd: {  	v3, _, _ =	vpop (xrf0)  }
0x1be: {  	(v2sf) =	vpush v3, $0xF  }
0x1bf: {  	v3 =	vxor.u32 $0x80000000, v1  }
0x1c0: {  	(xrf1) =	vsort.ascd.msk.u32 $0xffff, v3, v2;
	_ =	sdelay $0xb  }
0x1c1: {  	vm8 =	vlt.s32 v1, $0x186A0  }
0x1c2: {  	v1 =	vsel vm8, $0x1, v0;
	s8 =	spop (v2sf)  }
0x1c3: {  	(xrf0) =	vadd.scan.msk.s32 $0xffff, v1;
	s1 =	sadd.s32 s1, s8;
	v2, v3, _ =	vpop (xrf1)  }
0x1c4: {  	v1 =	vxor.u32 $0x80000000, v2;
	[tilespmem:s1+$0x800] =	vst v3  }
0x1c5: {  	[tilespmem:s1+$0xC80] =	vst v1  }
0x1c6: {  	v1 =	vld [tilespmem:$0x610]  }
0x1c7: {  	v2 =	vld [tilespmem:$0x210];
	_ =	sdelay $0x1  }
0x1c8: {  	v3, _, _ =	vpop (xrf0)  }
0x1c9: {  	(v2sf) =	vpush v3, $0xF  }
0x1ca: {  	v3 =	vxor.u32 $0x80000000, v1  }
0x1cb: {  	(xrf1) =	vsort.ascd.msk.u32 $0xffff, v3, v2;
	_ =	sdelay $0xb  }
0x1cc: {  	vm9 =	vlt.s32 v1, $0x186A0  }
0x1cd: {  	v1 =	vsel vm9, $0x1, v0;
	s19 =	spop (v2sf)  }
0x1ce: {  	(xrf0) =	vadd.scan.msk.s32 $0xffff, v1;
	s1 =	sadd.s32 s1, s19;
	v2, v3, _ =	vpop (xrf1)  }
0x1cf: {  	v1 =	vxor.u32 $0x80000000, v2;
	[tilespmem:s1+$0x800] =	vst v3  }
0x1d0: {  	[tilespmem:s1+$0xC80] =	vst v1  }
0x1d1: {  	v1 =	vld [tilespmem:$0x620]  }
0x1d2: {  	v2 =	vld [tilespmem:$0x220];
	_ =	sdelay $0x1  }
0x1d3: {  	v3, _, _ =	vpop (xrf0)  }
0x1d4: {  	(v2sf) =	vpush v3, $0xF  }
0x1d5: {  	v3 =	vxor.u32 $0x80000000, v1  }
0x1d6: {  	(xrf1) =	vsort.ascd.msk.u32 $0xffff, v3, v2;
	_ =	sdelay $0xb  }
0x1d7: {  	vm10 =	vlt.s32 v1, $0x186A0  }
0x1d8: {  	v1 =	vsel vm10, $0x1, v0;
	s21 =	spop (v2sf)  }
0x1d9: {  	(xrf0) =	vadd.scan.msk.s32 $0xffff, v1;
	s1 =	sadd.s32 s1, s21;
	v2, v3, _ =	vpop (xrf1)  }
0x1da: {  	v1 =	vxor.u32 $0x80000000, v2;
	[tilespmem:s1+$0x800] =	vst v3  }
0x1db: {  	[tilespmem:s1+$0xC80] =	vst v1  }
0x1dc: {  	v1 =	vld [tilespmem:$0x630]  }
0x1dd: {  	v2 =	vld [tilespmem:$0x230];
	_ =	sdelay $0x1  }
0x1de: {  	v3, _, _ =	vpop (xrf0)  }
0x1df: {  	(v2sf) =	vpush v3, $0xF  }
0x1e0: {  	v3 =	vxor.u32 $0x80000000, v1  }
0x1e1: {  	(xrf1) =	vsort.ascd.msk.u32 $0xffff, v3, v2;
	_ =	sdelay $0xb  }
0x1e2: {  	vm11 =	vlt.s32 v1, $0x186A0  }
0x1e3: {  	v1 =	vsel vm11, $0x1, v0;
	s8 =	spop (v2sf)  }
0x1e4: {  	(xrf0) =	vadd.scan.msk.s32 $0xffff, v1;
	s1 =	sadd.s32 s1, s8;
	v2, v3, _ =	vpop (xrf1)  }
0x1e5: {  	v1 =	vxor.u32 $0x80000000, v2;
	[tilespmem:s1+$0x800] =	vst v3  }
0x1e6: {  	[tilespmem:s1+$0xC80] =	vst v1  }
0x1e7: {  	v1 =	vld [tilespmem:$0x640]  }
0x1e8: {  	v2 =	vld [tilespmem:$0x240];
	_ =	sdelay $0x1  }
0x1e9: {  	v3, _, _ =	vpop (xrf0)  }
0x1ea: {  	(v2sf) =	vpush v3, $0xF  }
0x1eb: {  	v3 =	vxor.u32 $0x80000000, v1  }
0x1ec: {  	(xrf1) =	vsort.ascd.msk.u32 $0xffff, v3, v2;
	_ =	sdelay $0xb  }
0x1ed: {  	vm12 =	vlt.s32 v1, $0x186A0  }
0x1ee: {  	v1 =	vsel vm12, $0x1, v0;
	s19 =	spop (v2sf)  }
0x1ef: {  	(xrf0) =	vadd.scan.msk.s32 $0xffff, v1;
	s1 =	sadd.s32 s1, s19;
	v2, v3, _ =	vpop (xrf1)  }
0x1f0: {  	v1 =	vxor.u32 $0x80000000, v2;
	[tilespmem:s1+$0x800] =	vst v3  }
0x1f1: {  	[tilespmem:s1+$0xC80] =	vst v1  }
0x1f2: {  	v1 =	vld [tilespmem:$0x650]  }
0x1f3: {  	v2 =	vld [tilespmem:$0x250];
	_ =	sdelay $0x1  }
0x1f4: {  	v3, _, _ =	vpop (xrf0)  }
0x1f5: {  	(v2sf) =	vpush v3, $0xF  }
0x1f6: {  	v3 =	vxor.u32 $0x80000000, v1  }
0x1f7: {  	(xrf1) =	vsort.ascd.msk.u32 $0xffff, v3, v2;
	_ =	sdelay $0xb  }
0x1f8: {  	vm13 =	vlt.s32 v1, $0x186A0  }
0x1f9: {  	v1 =	vsel vm13, $0x1, v0;
	s21 =	spop (v2sf)  }
0x1fa: {  	(xrf0) =	vadd.scan.msk.s32 $0xffff, v1;
	s1 =	sadd.s32 s1, s21;
	v2, v3, _ =	vpop (xrf1)  }
0x1fb: {  	v1 =	vxor.u32 $0x80000000, v2;
	[tilespmem:s1+$0x800] =	vst v3  }
0x1fc: {  	[tilespmem:s1+$0xC80] =	vst v1  }
0x1fd: {  	v1 =	vld [tilespmem:$0x660]  }
0x1fe: {  	v2 =	vld [tilespmem:$0x260];
	_ =	sdelay $0x1  }
0x1ff: {  	v3, _, _ =	vpop (xrf0)  }
0x200: {  	(v2sf) =	vpush v3, $0xF  }
0x201: {  	v3 =	vxor.u32 $0x80000000, v1  }
0x202: {  	(xrf1) =	vsort.ascd.msk.u32 $0xffff, v3, v2;
	_ =	sdelay $0xb  }
0x203: {  	vm14 =	vlt.s32 v1, $0x186A0  }
0x204: {  	v1 =	vsel vm14, $0x1, v0;
	s8 =	spop (v2sf)  }
0x205: {  	(xrf0) =	vadd.scan.msk.s32 $0xffff, v1;
	s1 =	sadd.s32 s1, s8;
	v2, v3, _ =	vpop (xrf1)  }
0x206: {  	v1 =	vxor.u32 $0x80000000, v2;
	[tilespmem:s1+$0x800] =	vst v3  }
0x207: {  	[tilespmem:s1+$0xC80] =	vst v1  }
0x208: {  	v1 =	vld [tilespmem:$0x670]  }
0x209: {  	v2 =	vld [tilespmem:$0x270];
	_ =	sdelay $0x1  }
0x20a: {  	v3, _, _ =	vpop (xrf0)  }
0x20b: {  	(v2sf) =	vpush v3, $0xF  }
0x20c: {  	v3 =	vxor.u32 $0x80000000, v1  }
0x20d: {  	(xrf1) =	vsort.ascd.msk.u32 $0xffff, v3, v2;
	_ =	sdelay $0xb  }
0x20e: {  	vm15 =	vlt.s32 v1, $0x186A0  }
0x20f: {  	v1 =	vsel vm15, $0x1, v0;
	s19 =	spop (v2sf)  }
0x210: {  	(xrf0) =	vadd.scan.msk.s32 $0xffff, v1;
	s1 =	sadd.s32 s1, s19;
	v2, v3, _ =	vpop (xrf1)  }
0x211: {  	v1 =	vxor.u32 $0x80000000, v2;
	[tilespmem:s1+$0x800] =	vst v3  }
0x212: {  	[tilespmem:s1+$0xC80] =	vst v1  }
0x213: {  	v1 =	vld [tilespmem:$0x680]  }
0x214: {  	v2 =	vld [tilespmem:$0x280];
	_ =	sdelay $0x1  }
0x215: {  	v3, _, _ =	vpop (xrf0)  }
0x216: {  	(v2sf) =	vpush v3, $0xF  }
0x217: {  	v3 =	vxor.u32 $0x80000000, v1  }
0x218: {  	(xrf1) =	vsort.ascd.msk.u32 $0xffff, v3, v2;
	_ =	sdelay $0xb  }
0x219: {  	vm4 =	vlt.s32 v1, $0x186A0  }
0x21a: {  	v1 =	vsel vm4, $0x1, v0;
	s21 =	spop (v2sf)  }
0x21b: {  	(xrf0) =	vadd.scan.msk.s32 $0xffff, v1;
	s1 =	sadd.s32 s1, s21;
	v2, v3, _ =	vpop (xrf1)  }
0x21c: {  	v1 =	vxor.u32 $0x80000000, v2;
	[tilespmem:s1+$0x800] =	vst v3  }
0x21d: {  	[tilespmem:s1+$0xC80] =	vst v1  }
0x21e: {  	v1 =	vld [tilespmem:$0x690]  }
0x21f: {  	v2 =	vld [tilespmem:$0x290];
	_ =	sdelay $0x1  }
0x220: {  	v3, _, _ =	vpop (xrf0)  }
0x221: {  	(v2sf) =	vpush v3, $0xF  }
0x222: {  	v3 =	vxor.u32 $0x80000000, v1  }
0x223: {  	(xrf1) =	vsort.ascd.msk.u32 $0xffff, v3, v2;
	_ =	sdelay $0xb  }
0x224: {  	vm5 =	vlt.s32 v1, $0x186A0  }
0x225: {  	v1 =	vsel vm5, $0x1, v0;
	s8 =	spop (v2sf)  }
0x226: {  	(xrf0) =	vadd.scan.msk.s32 $0xffff, v1;
	s1 =	sadd.s32 s1, s8;
	v2, v3, _ =	vpop (xrf1)  }
0x227: {  	v1 =	vxor.u32 $0x80000000, v2;
	[tilespmem:s1+$0x800] =	vst v3  }
0x228: {  	[tilespmem:s1+$0xC80] =	vst v1  }
0x229: {  	v1 =	vld [tilespmem:$0x6A0]  }
0x22a: {  	v2 =	vld [tilespmem:$0x2A0];
	_ =	sdelay $0x1  }
0x22b: {  	v3, _, _ =	vpop (xrf0)  }
0x22c: {  	(v2sf) =	vpush v3, $0xF  }
0x22d: {  	v3 =	vxor.u32 $0x80000000, v1  }
0x22e: {  	(xrf1) =	vsort.ascd.msk.u32 $0xffff, v3, v2;
	_ =	sdelay $0xb  }
0x22f: {  	vm6 =	vlt.s32 v1, $0x186A0  }
0x230: {  	v1 =	vsel vm6, $0x1, v0;
	s19 =	spop (v2sf)  }
0x231: {  	(xrf0) =	vadd.scan.msk.s32 $0xffff, v1;
	s1 =	sadd.s32 s1, s19;
	v2, v3, _ =	vpop (xrf1)  }
0x232: {  	v1 =	vxor.u32 $0x80000000, v2;
	[tilespmem:s1+$0x800] =	vst v3  }
0x233: {  	[tilespmem:s1+$0xC80] =	vst v1  }
0x234: {  	v1 =	vld [tilespmem:$0x6B0]  }
0x235: {  	v2 =	vld [tilespmem:$0x2B0];
	_ =	sdelay $0x1  }
0x236: {  	v3, _, _ =	vpop (xrf0)  }
0x237: {  	(v2sf) =	vpush v3, $0xF  }
0x238: {  	v3 =	vxor.u32 $0x80000000, v1  }
0x239: {  	(xrf1) =	vsort.ascd.msk.u32 $0xffff, v3, v2;
	_ =	sdelay $0xb  }
0x23a: {  	vm7 =	vlt.s32 v1, $0x186A0  }
0x23b: {  	v1 =	vsel vm7, $0x1, v0;
	s21 =	spop (v2sf)  }
0x23c: {  	(xrf0) =	vadd.scan.msk.s32 $0xffff, v1;
	s1 =	sadd.s32 s1, s21;
	v2, v3, _ =	vpop (xrf1)  }
0x23d: {  	v1 =	vxor.u32 $0x80000000, v2;
	[tilespmem:s1+$0x800] =	vst v3  }
0x23e: {  	[tilespmem:s1+$0xC80] =	vst v1  }
0x23f: {  	v1 =	vld [tilespmem:$0x6C0]  }
0x240: {  	v2 =	vld [tilespmem:$0x2C0];
	_ =	sdelay $0x1  }
0x241: {  	v3, _, _ =	vpop (xrf0)  }
0x242: {  	(v2sf) =	vpush v3, $0xF  }
0x243: {  	v3 =	vxor.u32 $0x80000000, v1  }
0x244: {  	(xrf1) =	vsort.ascd.msk.u32 $0xffff, v3, v2;
	_ =	sdelay $0xb  }
0x245: {  	vm8 =	vlt.s32 v1, $0x186A0  }
0x246: {  	v1 =	vsel vm8, $0x1, v0;
	s8 =	spop (v2sf)  }
0x247: {  	(xrf0) =	vadd.scan.msk.s32 $0xffff, v1;
	s1 =	sadd.s32 s1, s8;
	v2, v3, _ =	vpop (xrf1)  }
0x248: {  	v1 =	vxor.u32 $0x80000000, v2;
	[tilespmem:s1+$0x800] =	vst v3  }
0x249: {  	[tilespmem:s1+$0xC80] =	vst v1  }
0x24a: {  	v1 =	vld [tilespmem:$0x6D0]  }
0x24b: {  	v2 =	vld [tilespmem:$0x2D0];
	_ =	sdelay $0x1  }
0x24c: {  	v3, _, _ =	vpop (xrf0)  }
0x24d: {  	(v2sf) =	vpush v3, $0xF  }
0x24e: {  	v3 =	vxor.u32 $0x80000000, v1  }
0x24f: {  	(xrf1) =	vsort.ascd.msk.u32 $0xffff, v3, v2;
	_ =	sdelay $0xb  }
0x250: {  	vm9 =	vlt.s32 v1, $0x186A0  }
0x251: {  	v1 =	vsel vm9, $0x1, v0;
	s19 =	spop (v2sf)  }
0x252: {  	(xrf0) =	vadd.scan.msk.s32 $0xffff, v1;
	s1 =	sadd.s32 s1, s19;
	v2, v3, _ =	vpop (xrf1)  }
0x253: {  	v1 =	vxor.u32 $0x80000000, v2;
	[tilespmem:s1+$0x800] =	vst v3  }
0x254: {  	[tilespmem:s1+$0xC80] =	vst v1  }
0x255: {  	v1 =	vld [tilespmem:$0x6E0]  }
0x256: {  	v2 =	vld [tilespmem:$0x2E0];
	_ =	sdelay $0x1  }
0x257: {  	v3, _, _ =	vpop (xrf0)  }
0x258: {  	(v2sf) =	vpush v3, $0xF  }
0x259: {  	v3 =	vxor.u32 $0x80000000, v1  }
0x25a: {  	(xrf1) =	vsort.ascd.msk.u32 $0xffff, v3, v2;
	_ =	sdelay $0xb  }
0x25b: {  	vm10 =	vlt.s32 v1, $0x186A0  }
0x25c: {  	v1 =	vsel vm10, $0x1, v0;
	s21 =	spop (v2sf)  }
0x25d: {  	(xrf0) =	vadd.scan.msk.s32 $0xffff, v1;
	s1 =	sadd.s32 s1, s21;
	v2, v3, _ =	vpop (xrf1)  }
0x25e: {  	v1 =	vxor.u32 $0x80000000, v2;
	[tilespmem:s1+$0x800] =	vst v3  }
0x25f: {  	[tilespmem:s1+$0xC80] =	vst v1  }
0x260: {  	v1 =	vld [tilespmem:$0x6F0]  }
0x261: {  	v2 =	vld [tilespmem:$0x2F0];
	_ =	sdelay $0x1  }
0x262: {  	v3, _, _ =	vpop (xrf0)  }
0x263: {  	(v2sf) =	vpush v3, $0xF  }
0x264: {  	v3 =	vxor.u32 $0x80000000, v1  }
0x265: {  	(xrf1) =	vsort.ascd.msk.u32 $0xffff, v3, v2;
	_ =	sdelay $0xb  }
0x266: {  	vm11 =	vlt.s32 v1, $0x186A0  }
0x267: {  	v1 =	vsel vm11, $0x1, v0;
	s8 =	spop (v2sf)  }
0x268: {  	(xrf0) =	vadd.scan.msk.s32 $0xffff, v1;
	s1 =	sadd.s32 s1, s8;
	v2, v3, _ =	vpop (xrf1)  }
0x269: {  	v1 =	vxor.u32 $0x80000000, v2;
	[tilespmem:s1+$0x800] =	vst v3  }
0x26a: {  	[tilespmem:s1+$0xC80] =	vst v1  }
0x26b: {  	v1 =	vld [tilespmem:$0x700]  }
0x26c: {  	v2 =	vld [tilespmem:$0x300];
	_ =	sdelay $0x1  }
0x26d: {  	v3, _, _ =	vpop (xrf0)  }
0x26e: {  	(v2sf) =	vpush v3, $0xF  }
0x26f: {  	v3 =	vxor.u32 $0x80000000, v1  }
0x270: {  	(xrf1) =	vsort.ascd.msk.u32 $0xffff, v3, v2;
	_ =	sdelay $0xb  }
0x271: {  	vm12 =	vlt.s32 v1, $0x186A0  }
0x272: {  	v1 =	vsel vm12, $0x1, v0;
	s19 =	spop (v2sf)  }
0x273: {  	(xrf0) =	vadd.scan.msk.s32 $0xffff, v1;
	s1 =	sadd.s32 s1, s19;
	v2, v3, _ =	vpop (xrf1)  }
0x274: {  	v1 =	vxor.u32 $0x80000000, v2;
	[tilespmem:s1+$0x800] =	vst v3  }
0x275: {  	[tilespmem:s1+$0xC80] =	vst v1  }
0x276: {  	v1 =	vld [tilespmem:$0x710]  }
0x277: {  	v2 =	vld [tilespmem:$0x310];
	_ =	sdelay $0x1  }
0x278: {  	v3, _, _ =	vpop (xrf0)  }
0x279: {  	(v2sf) =	vpush v3, $0xF  }
0x27a: {  	v3 =	vxor.u32 $0x80000000, v1  }
0x27b: {  	(xrf1) =	vsort.ascd.msk.u32 $0xffff, v3, v2;
	_ =	sdelay $0xb  }
0x27c: {  	vm13 =	vlt.s32 v1, $0x186A0  }
0x27d: {  	v1 =	vsel vm13, $0x1, v0;
	s21 =	spop (v2sf)  }
0x27e: {  	(xrf0) =	vadd.scan.msk.s32 $0xffff, v1;
	s1 =	sadd.s32 s1, s21;
	v2, v3, _ =	vpop (xrf1)  }
0x27f: {  	v1 =	vxor.u32 $0x80000000, v2;
	[tilespmem:s1+$0x800] =	vst v3  }
0x280: {  	[tilespmem:s1+$0xC80] =	vst v1  }
0x281: {  	v1 =	vld [tilespmem:$0x720]  }
0x282: {  	v2 =	vld [tilespmem:$0x320];
	_ =	sdelay $0x1  }
0x283: {  	v3, _, _ =	vpop (xrf0)  }
0x284: {  	(v2sf) =	vpush v3, $0xF  }
0x285: {  	v3 =	vxor.u32 $0x80000000, v1  }
0x286: {  	(xrf1) =	vsort.ascd.msk.u32 $0xffff, v3, v2;
	_ =	sdelay $0xb  }
0x287: {  	vm14 =	vlt.s32 v1, $0x186A0  }
0x288: {  	v1 =	vsel vm14, $0x1, v0;
	s8 =	spop (v2sf)  }
0x289: {  	(xrf0) =	vadd.scan.msk.s32 $0xffff, v1;
	s1 =	sadd.s32 s1, s8;
	v2, v3, _ =	vpop (xrf1)  }
0x28a: {  	v1 =	vxor.u32 $0x80000000, v2;
	[tilespmem:s1+$0x800] =	vst v3  }
0x28b: {  	[tilespmem:s1+$0xC80] =	vst v1  }
0x28c: {  	v1 =	vld [tilespmem:$0x730]  }
0x28d: {  	v2 =	vld [tilespmem:$0x330];
	_ =	sdelay $0x1  }
0x28e: {  	v3, _, _ =	vpop (xrf0)  }
0x28f: {  	(v2sf) =	vpush v3, $0xF  }
0x290: {  	v3 =	vxor.u32 $0x80000000, v1  }
0x291: {  	(xrf1) =	vsort.ascd.msk.u32 $0xffff, v3, v2;
	_ =	sdelay $0xb  }
0x292: {  	vm15 =	vlt.s32 v1, $0x186A0  }
0x293: {  	v1 =	vsel vm15, $0x1, v0;
	s19 =	spop (v2sf)  }
0x294: {  	(xrf0) =	vadd.scan.msk.s32 $0xffff, v1;
	s1 =	sadd.s32 s1, s19;
	v2, v3, _ =	vpop (xrf1)  }
0x295: {  	v1 =	vxor.u32 $0x80000000, v2;
	[tilespmem:s1+$0x800] =	vst v3  }
0x296: {  	[tilespmem:s1+$0xC80] =	vst v1  }
0x297: {  	v1 =	vld [tilespmem:$0x740]  }
0x298: {  	v2 =	vld [tilespmem:$0x340];
	_ =	sdelay $0x1  }
0x299: {  	v3, _, _ =	vpop (xrf0)  }
0x29a: {  	(v2sf) =	vpush v3, $0xF  }
0x29b: {  	v3 =	vxor.u32 $0x80000000, v1  }
0x29c: {  	(xrf1) =	vsort.ascd.msk.u32 $0xffff, v3, v2;
	_ =	sdelay $0xb  }
0x29d: {  	vm4 =	vlt.s32 v1, $0x186A0  }
0x29e: {  	v1 =	vsel vm4, $0x1, v0;
	s21 =	spop (v2sf)  }
0x29f: {  	(xrf0) =	vadd.scan.msk.s32 $0xffff, v1;
	s1 =	sadd.s32 s1, s21;
	v2, v3, _ =	vpop (xrf1)  }
0x2a0: {  	v1 =	vxor.u32 $0x80000000, v2;
	[tilespmem:s1+$0x800] =	vst v3  }
0x2a1: {  	[tilespmem:s1+$0xC80] =	vst v1  }
0x2a2: {  	v1 =	vld [tilespmem:$0x750]  }
0x2a3: {  	v2 =	vld [tilespmem:$0x350];
	_ =	sdelay $0x1  }
0x2a4: {  	v3, _, _ =	vpop (xrf0)  }
0x2a5: {  	(v2sf) =	vpush v3, $0xF  }
0x2a6: {  	v3 =	vxor.u32 $0x80000000, v1  }
0x2a7: {  	(xrf1) =	vsort.ascd.msk.u32 $0xffff, v3, v2;
	_ =	sdelay $0xb  }
0x2a8: {  	vm5 =	vlt.s32 v1, $0x186A0  }
0x2a9: {  	v1 =	vsel vm5, $0x1, v0;
	s8 =	spop (v2sf)  }
0x2aa: {  	(xrf0) =	vadd.scan.msk.s32 $0xffff, v1;
	s1 =	sadd.s32 s1, s8;
	v2, v3, _ =	vpop (xrf1)  }
0x2ab: {  	v1 =	vxor.u32 $0x80000000, v2;
	[tilespmem:s1+$0x800] =	vst v3  }
0x2ac: {  	[tilespmem:s1+$0xC80] =	vst v1  }
0x2ad: {  	v1 =	vld [tilespmem:$0x760]  }
0x2ae: {  	v2 =	vld [tilespmem:$0x360];
	_ =	sdelay $0x1  }
0x2af: {  	v3, _, _ =	vpop (xrf0)  }
0x2b0: {  	(v2sf) =	vpush v3, $0xF  }
0x2b1: {  	v3 =	vxor.u32 $0x80000000, v1  }
0x2b2: {  	(xrf1) =	vsort.ascd.msk.u32 $0xffff, v3, v2;
	_ =	sdelay $0xb  }
0x2b3: {  	vm6 =	vlt.s32 v1, $0x186A0  }
0x2b4: {  	v1 =	vsel vm6, $0x1, v0;
	s19 =	spop (v2sf)  }
0x2b5: {  	(xrf0) =	vadd.scan.msk.s32 $0xffff, v1;
	s1 =	sadd.s32 s1, s19;
	v2, v3, _ =	vpop (xrf1)  }
0x2b6: {  	v1 =	vxor.u32 $0x80000000, v2;
	[tilespmem:s1+$0x800] =	vst v3  }
0x2b7: {  	[tilespmem:s1+$0xC80] =	vst v1  }
0x2b8: {  	v1 =	vld [tilespmem:$0x770]  }
0x2b9: {  	v2 =	vld [tilespmem:$0x370];
	_ =	sdelay $0x1  }
0x2ba: {  	v3, _, _ =	vpop (xrf0)  }
0x2bb: {  	(v2sf) =	vpush v3, $0xF  }
0x2bc: {  	v3 =	vxor.u32 $0x80000000, v1  }
0x2bd: {  	(xrf1) =	vsort.ascd.msk.u32 $0xffff, v3, v2;
	_ =	sdelay $0xb  }
0x2be: {  	vm7 =	vlt.s32 v1, $0x186A0  }
0x2bf: {  	v1 =	vsel vm7, $0x1, v0;
	s21 =	spop (v2sf)  }
0x2c0: {  	(xrf0) =	vadd.scan.msk.s32 $0xffff, v1;
	s1 =	sadd.s32 s1, s21;
	v2, v3, _ =	vpop (xrf1)  }
0x2c1: {  	v1 =	vxor.u32 $0x80000000, v2;
	[tilespmem:s1+$0x800] =	vst v3  }
0x2c2: {  	[tilespmem:s1+$0xC80] =	vst v1  }
0x2c3: {  	v1 =	vld [tilespmem:$0x780]  }
0x2c4: {  	v2 =	vld [tilespmem:$0x380];
	_ =	sdelay $0x1  }
0x2c5: {  	v3, _, _ =	vpop (xrf0)  }
0x2c6: {  	(v2sf) =	vpush v3, $0xF  }
0x2c7: {  	v3 =	vxor.u32 $0x80000000, v1  }
0x2c8: {  	(xrf1) =	vsort.ascd.msk.u32 $0xffff, v3, v2;
	_ =	sdelay $0xb  }
0x2c9: {  	vm8 =	vlt.s32 v1, $0x186A0  }
0x2ca: {  	v1 =	vsel vm8, $0x1, v0;
	s8 =	spop (v2sf)  }
0x2cb: {  	(xrf0) =	vadd.scan.msk.s32 $0xffff, v1;
	s1 =	sadd.s32 s1, s8;
	v2, v3, _ =	vpop (xrf1)  }
0x2cc: {  	v1 =	vxor.u32 $0x80000000, v2;
	[tilespmem:s1+$0x800] =	vst v3  }
0x2cd: {  	[tilespmem:s1+$0xC80] =	vst v1  }
0x2ce: {  	v1 =	vld [tilespmem:$0x790]  }
0x2cf: {  	v2 =	vld [tilespmem:$0x390];
	_ =	sdelay $0x1  }
0x2d0: {  	v3, _, _ =	vpop (xrf0)  }
0x2d1: {  	(v2sf) =	vpush v3, $0xF  }
0x2d2: {  	v3 =	vxor.u32 $0x80000000, v1  }
0x2d3: {  	(xrf1) =	vsort.ascd.msk.u32 $0xffff, v3, v2;
	_ =	sdelay $0xb  }
0x2d4: {  	vm9 =	vlt.s32 v1, $0x186A0  }
0x2d5: {  	v1 =	vsel vm9, $0x1, v0;
	s19 =	spop (v2sf)  }
0x2d6: {  	(xrf0) =	vadd.scan.msk.s32 $0xffff, v1;
	s1 =	sadd.s32 s1, s19;
	v2, v3, _ =	vpop (xrf1)  }
0x2d7: {  	v1 =	vxor.u32 $0x80000000, v2;
	[tilespmem:s1+$0x800] =	vst v3  }
0x2d8: {  	[tilespmem:s1+$0xC80] =	vst v1  }
0x2d9: {  	v1 =	vld [tilespmem:$0x7A0]  }
0x2da: {  	v2 =	vld [tilespmem:$0x3A0];
	_ =	sdelay $0x1  }
0x2db: {  	v3, _, _ =	vpop (xrf0)  }
0x2dc: {  	(v2sf) =	vpush v3, $0xF  }
0x2dd: {  	v3 =	vxor.u32 $0x80000000, v1  }
0x2de: {  	(xrf1) =	vsort.ascd.msk.u32 $0xffff, v3, v2;
	_ =	sdelay $0xb  }
0x2df: {  	vm10 =	vlt.s32 v1, $0x186A0  }
0x2e0: {  	v1 =	vsel vm10, $0x1, v0;
	s21 =	spop (v2sf)  }
0x2e1: {  	(xrf0) =	vadd.scan.msk.s32 $0xffff, v1;
	s1 =	sadd.s32 s1, s21;
	v2, v3, _ =	vpop (xrf1)  }
0x2e2: {  	v1 =	vxor.u32 $0x80000000, v2;
	[tilespmem:s1+$0x800] =	vst v3  }
0x2e3: {  	[tilespmem:s1+$0xC80] =	vst v1  }
0x2e4: {  	v1 =	vld [tilespmem:$0x7B0]  }
0x2e5: {  	v2 =	vld [tilespmem:$0x3B0];
	_ =	sdelay $0x1  }
0x2e6: {  	v3, _, _ =	vpop (xrf0)  }
0x2e7: {  	(v2sf) =	vpush v3, $0xF  }
0x2e8: {  	v3 =	vxor.u32 $0x80000000, v1  }
0x2e9: {  	(xrf1) =	vsort.ascd.msk.u32 $0xffff, v3, v2;
	_ =	sdelay $0xb  }
0x2ea: {  	vm11 =	vlt.s32 v1, $0x186A0  }
0x2eb: {  	v1 =	vsel vm11, $0x1, v0;
	s8 =	spop (v2sf)  }
0x2ec: {  	(xrf0) =	vadd.scan.msk.s32 $0xffff, v1;
	s1 =	sadd.s32 s1, s8;
	v2, v3, _ =	vpop (xrf1)  }
0x2ed: {  	v1 =	vxor.u32 $0x80000000, v2;
	[tilespmem:s1+$0x800] =	vst v3  }
0x2ee: {  	[tilespmem:s1+$0xC80] =	vst v1  }
0x2ef: {  	v1 =	vld [tilespmem:$0x7C0]  }
0x2f0: {  	v2 =	vld [tilespmem:$0x3C0];
	_ =	sdelay $0x1  }
0x2f1: {  	v3, _, _ =	vpop (xrf0)  }
0x2f2: {  	(v2sf) =	vpush v3, $0xF  }
0x2f3: {  	v3 =	vxor.u32 $0x80000000, v1  }
0x2f4: {  	(xrf1) =	vsort.ascd.msk.u32 $0xffff, v3, v2;
	_ =	sdelay $0xb  }
0x2f5: {  	vm12 =	vlt.s32 v1, $0x186A0  }
0x2f6: {  	v1 =	vsel vm12, $0x1, v0;
	s19 =	spop (v2sf)  }
0x2f7: {  	(xrf0) =	vadd.scan.msk.s32 $0xffff, v1;
	s1 =	sadd.s32 s1, s19;
	v2, v3, _ =	vpop (xrf1)  }
0x2f8: {  	v1 =	vxor.u32 $0x80000000, v2;
	[tilespmem:s1+$0x800] =	vst v3  }
0x2f9: {  	[tilespmem:s1+$0xC80] =	vst v1  }
0x2fa: {  	v1 =	vld [tilespmem:$0x7D0]  }
0x2fb: {  	v2 =	vld [tilespmem:$0x3D0];
	_ =	sdelay $0x1  }
0x2fc: {  	v3, _, _ =	vpop (xrf0)  }
0x2fd: {  	(v2sf) =	vpush v3, $0xF  }
0x2fe: {  	v3 =	vxor.u32 $0x80000000, v1  }
0x2ff: {  	(xrf1) =	vsort.ascd.msk.u32 $0xffff, v3, v2;
	_ =	sdelay $0xb  }
0x300: {  	vm13 =	vlt.s32 v1, $0x186A0  }
0x301: {  	v1 =	vsel vm13, $0x1, v0;
	s21 =	spop (v2sf)  }
0x302: {  	(xrf0) =	vadd.scan.msk.s32 $0xffff, v1;
	s1 =	sadd.s32 s1, s21;
	v2, v3, _ =	vpop (xrf1)  }
0x303: {  	v1 =	vxor.u32 $0x80000000, v2;
	[tilespmem:s1+$0x800] =	vst v3  }
0x304: {  	[tilespmem:s1+$0xC80] =	vst v1  }
0x305: {  	v1 =	vld [tilespmem:$0x7E0]  }
0x306: {  	v2 =	vld [tilespmem:$0x3E0];
	_ =	sdelay $0x1  }
0x307: {  	v3, _, _ =	vpop (xrf0)  }
0x308: {  	(v2sf) =	vpush v3, $0xF  }
0x309: {  	v3 =	vxor.u32 $0x80000000, v1  }
0x30a: {  	(xrf1) =	vsort.ascd.msk.u32 $0xffff, v3, v2;
	_ =	sdelay $0xc  }
0x30b: {  	s8 =	spop (v2sf)  }
0x30c: {  	s1 =	sadd.s32 s1, s8;
	v2, v3, _ =	vpop (xrf1)  }
0x30d: {  	v2 =	vxor.u32 $0x80000000, v2;
	[tilespmem:s1+$0x800] =	vst v3  }
0x30e: {  	[tilespmem:s1+$0xC80] =	vst v2  }
0x30f: {  	v2 =	vld [tilespmem:$0x7F0];
	_ =	sdelay $0x3  }
0x310: {  	vm14 =	vlt.s32 v1, $0x186A0  }
0x311: {  	v1 =	vsel vm14, $0x1, v0;
	vm15 =	vlt.s32 v2, $0x186A0  }
0x312: {  	(xrf0) =	vadd.scan.msk.s32 $0xffff, v1;
	v1 =	vsel vm15, $0x1, v0  }
0x313: {  	(xrf0) =	vadd.scan.msk.s32 $0xffff, v1;
	_ =	sdelay $0x4  }
0x314: {  	v1, _, _ =	vpop (xrf0)  }
0x315: {  	(v2sf) =	vpush v1, $0xF;
	v1, _, _ =	vpop (xrf0)  }
0x316: {  	v3 =	vld [tilespmem:$0x3F0];
	(v2sf) =	vpush v1, $0xF;
	_ =	sdelay $0x3  }
0x317: {  	v1 =	vxor.u32 $0x80000000, v2  }
0x318: {  	(xrf1) =	vsort.ascd.msk.u32 $0xffff, v1, v3;
	_ =	sdelay $0x8  }
0x319: {  	s19 =	spop (v2sf)  }
0x31a: {  	s1 =	sadd.s32 s1, s19;
	s21 =	spop (v2sf)  }
0x31b: {  	s3 =	sadd.s32 s1, s21  }
0x31c: {  	s8 =	sadd.s32 $0x7F, s3  }
0x31d: {  	s8 =	sand.u32 $0xFFFFFF80, s8  }
0x31e: {  	v1, v2, _ =	vpop (xrf1);
	s19 =	sadd.s32 $0x10, s3;
	p2 =	sge.s32 s3, s8  }
0x31f: {  	v1 =	vxor.u32 $0x80000000, v1;
	[tilespmem:s1+$0x800] =	vst v2;
	p0 =	sge.s32 s19, s8;
	v2 =	vlaneseq.u32 @!p2  }
0x320: {  	[tilespmem:s1+$0xC80] =	vst v1;
	s1 =	sadd.s32 $0x20, s3;
	v1 =	vimm.s32 @!p2 $0x186A0;
	v3 =	vlaneseq.u32 @!p0;
	v2 =	vmul.u32 @!p2 $0x3D, v2  }
0x321: {  	p1 =	sge.s32 s1, s8;
	[tilespmem:s3+$0xC80] =	vst @!p2 v1;
	v1 =	vmul.u32 @!p0 $0x3D, v3  }
0x322: {  	s21 =	sadd.s32 $0x30, s3;
	v3 =	vlaneseq.u32 @!p1;
	[tilespmem:s3+$0x800] =	vst @!p2 v2;
	v2 =	vimm.s32 @!p0 $0x186A0  }
0x323: {  	v1 =	vadd.s32 @!p0 $0x10, v1;
	p2 =	sge.s32 s21, s8;
	[tilespmem:s19+$0xC80] =	vst @!p0 v2;
	v2 =	vmul.u32 @!p1 $0x3D, v3  }
0x324: {  	[tilespmem:s19+$0x800] =	vst @!p0 v1;
	v1 =	vimm.s32 @!p1 $0x186A0;
	v3 =	vlaneseq.u32 @!p2;
	s19 =	sadd.s32 $0x40, s3  }
0x325: {  	[tilespmem:s1+$0xC80] =	vst @!p1 v1;
	p0 =	sge.s32 s19, s8;
	v1 =	vadd.s32 @!p1 $0x20, v2;
	v2 =	vmul.u32 @!p2 $0x3D, v3  }
0x326: {  	v3 =	vlaneseq.u32 @!p0;
	[tilespmem:s1+$0x800] =	vst @!p1 v1;
	v1 =	vimm.s32 @!p2 $0x186A0;
	s1 =	sadd.s32 $0x50, s3  }
0x327: {  	[tilespmem:s21+$0xC80] =	vst @!p2 v1;
	v1 =	vadd.s32 @!p2 $0x30, v2;
	v2 =	vmul.u32 @!p0 $0x3D, v3;
	p1 =	sge.s32 s1, s8  }
0x328: {  	[tilespmem:s21+$0x800] =	vst @!p2 v1;
	v1 =	vimm.s32 @!p0 $0x186A0;
	v3 =	vlaneseq.u32 @!p1  }
0x329: {  	s21 =	sadd.s32 $0x60, s3;
	[tilespmem:s19+$0xC80] =	vst @!p0 v1;
	v1 =	vadd.s32 @!p0 $0x40, v2;
	v2 =	vmul.u32 @!p1 $0x3D, v3  }
0x32a: {  	p2 =	sge.s32 s21, s8;
	[tilespmem:s19+$0x800] =	vst @!p0 v1;
	v1 =	vimm.s32 @!p1 $0x186A0  }
0x32b: {  	v3 =	vlaneseq.u32 @!p2;
	s19 =	sadd.s32 $0x70, s3;
	[tilespmem:s1+$0xC80] =	vst @!p1 v1;
	v1 =	vadd.s32 @!p1 $0x50, v2  }
0x32c: {  	p0 =	sge.s32 s19, s8;
	v2 =	vmul.u32 @!p2 $0x3D, v3;
	[tilespmem:s1+$0x800] =	vst @!p1 v1;
	p1 =	slt.s32 s3, $0x1  }
.Ltmp4:
0x32d: {  	v1 =	vimm.s32 @!p2 $0x186A0;
	v3 =	vlaneseq.u32 @!p0;
	(pc) =	sbr.rel @p1 .LBB2_43-.Ltmp4, $4  }
0x32e: {  	[tilespmem:s21+$0xC80] =	vst @!p2 v1;
	v1 =	vadd.s32 @!p2 $0x60, v2;
	v2 =	vmul.u32 @!p0 $0x3D, v3  }
0x32f: {  	[tilespmem:s21+$0x800] =	vst @!p2 v1;
	v1 =	vimm.s32 @!p0 $0x186A0  }
0x330: {  	[tilespmem:s19+$0xC80] =	vst @!p0 v1;
	v1 =	vadd.s32 @!p0 $0x70, v2  }
0x331: {  	[tilespmem:s19+$0x800] =	vst @!p0 v1  }
0x332: {  	v1 =	vld [tilespmem:$0xC80]  }
0x333: {  	v2 =	vld [tilespmem:$0xC90]  }
0x334: {  	v3 =	vld [tilespmem:$0xCA0]  }
0x335: {  	v4 =	vld [tilespmem:$0xCB0]  }
0x336: {  	v5 =	vld [tilespmem:$0xCC0]  }
0x337: {  	[tilespmem:$0x1100] =	vst v1;
	v1 =	vld [tilespmem:$0xCD0]  }
0x338: {  	[tilespmem:$0x1110] =	vst v2;
	v2 =	vld [tilespmem:$0xCE0]  }
0x339: {  	p0 =	slt.u32 s3, $0x81;
	[tilespmem:$0x1120] =	vst v3;
	v3 =	vld [tilespmem:$0xCF0]  }
.Ltmp5:
0x33a: {  	[tilespmem:$0x1130] =	vst v4;
	(pc) =	sbr.rel @p0 .LBB2_8-.Ltmp5, $4  }
0x33b: {  	[tilespmem:$0x1140] =	vst v5  }
0x33c: {  	s1 =	simm.s32 @!p0 $0x0;
	[tilespmem:$0x1150] =	vst v1  }
0x33d: {  	s1 =	simm.s32 @p0 $0x1;
	[tilespmem:$0x1160] =	vst v2  }
0x33e: {  	[smem:$0x7FD] =	sst s1;
	[tilespmem:$0x1170] =	vst v3  }
0x33f: {  	v1 =	vld [tilespmem:$0xD00]  }
0x340: {  	v2 =	vld [tilespmem:$0xD10]  }
0x341: {  	v3 =	vld [tilespmem:$0xD20]  }
0x342: {  	v4 =	vld [tilespmem:$0xD30]  }
0x343: {  	v5 =	vld [tilespmem:$0xD40]  }
0x344: {  	[tilespmem:$0x1180] =	vst v1;
	v1 =	vld [tilespmem:$0xD50]  }
0x345: {  	[tilespmem:$0x1190] =	vst v2;
	v2 =	vld [tilespmem:$0xD60]  }
0x346: {  	p1 =	slt.u32 s3, $0x101;
	[tilespmem:$0x11A0] =	vst v3;
	v3 =	vld [tilespmem:$0xD70]  }
.Ltmp6:
0x347: {  	[tilespmem:$0x11B0] =	vst v4;
	(pc) =	sbr.rel @p1 .LBB2_23-.Ltmp6, $4  }
0x348: {  	[tilespmem:$0x11C0] =	vst v5  }
0x349: {  	[tilespmem:$0x11D0] =	vst v1  }
0x34a: {  	[tilespmem:$0x11E0] =	vst v2  }
0x34b: {  	[tilespmem:$0x11F0] =	vst v3  }
0x34c: {  	v1 =	vld [tilespmem:$0xD80]  }
0x34d: {  	v2 =	vld [tilespmem:$0xD90]  }
0x34e: {  	v3 =	vld [tilespmem:$0xDA0]  }
0x34f: {  	v4 =	vld [tilespmem:$0xDB0]  }
0x350: {  	v5 =	vld [tilespmem:$0xDC0]  }
0x351: {  	[tilespmem:$0x1200] =	vst v1;
	v1 =	vld [tilespmem:$0xDD0]  }
0x352: {  	[tilespmem:$0x1210] =	vst v2;
	v2 =	vld [tilespmem:$0xDE0]  }
0x353: {  	p1 =	slt.u32 s3, $0x181;
	[tilespmem:$0x1220] =	vst v3;
	v3 =	vld [tilespmem:$0xDF0]  }
.Ltmp7:
0x354: {  	[tilespmem:$0x1230] =	vst v4;
	(pc) =	sbr.rel @p1 .LBB2_9-.Ltmp7, $4  }
0x355: {  	[tilespmem:$0x1240] =	vst v5  }
0x356: {  	[tilespmem:$0x1250] =	vst v1  }
0x357: {  	[tilespmem:$0x1260] =	vst v2  }
0x358: {  	[tilespmem:$0x1270] =	vst v3  }
0x359: {  	v1 =	vld [tilespmem:$0xE00]  }
0x35a: {  	v2 =	vld [tilespmem:$0xE10]  }
0x35b: {  	v3 =	vld [tilespmem:$0xE20]  }
0x35c: {  	v4 =	vld [tilespmem:$0xE30]  }
0x35d: {  	v5 =	vld [tilespmem:$0xE40]  }
0x35e: {  	[tilespmem:$0x1280] =	vst v1;
	v1 =	vld [tilespmem:$0xE50]  }
0x35f: {  	[tilespmem:$0x1290] =	vst v2;
	v2 =	vld [tilespmem:$0xE60]  }
0x360: {  	p1 =	slt.u32 s3, $0x201;
	[tilespmem:$0x12A0] =	vst v3;
	v3 =	vld [tilespmem:$0xE70]  }
0x361: {  	[tilespmem:$0x12B0] =	vst v4;
	v4 =	vld @!p1 [tilespmem:$0xE80]  }
0x362: {  	[tilespmem:$0x12C0] =	vst v5;
	v5 =	vld @!p1 [tilespmem:$0xE90]  }
0x363: {  	[tilespmem:$0x12D0] =	vst v1;
	v1 =	vld @!p1 [tilespmem:$0xEA0]  }
0x364: {  	[tilespmem:$0x12E0] =	vst v2;
	v2 =	vld @!p1 [tilespmem:$0xEB0]  }
0x365: {  	[tilespmem:$0x12F0] =	vst v3;
	v3 =	vld @!p1 [tilespmem:$0xEC0]  }
0x366: {  	[tilespmem:$0x1300] =	vst @!p1 v4;
	v4 =	vld @!p1 [tilespmem:$0xED0]  }
0x367: {  	p2 =	slt.u32 @!p1 s3, $0x281;
	[tilespmem:$0x1310] =	vst @!p1 v5;
	v5 =	vld @!p1 [tilespmem:$0xEE0]  }
0x368: {  	p2 =	por p1, p2;
	[tilespmem:$0x1320] =	vst @!p1 v1;
	v1 =	vld @!p1 [tilespmem:$0xEF0]  }
.Ltmp8:
0x369: {  	[tilespmem:$0x1330] =	vst @!p1 v2;
	(pc) =	sbr.rel @p2 .LBB2_7-.Ltmp8, $4  }
0x36a: {  	[tilespmem:$0x1340] =	vst @!p1 v3  }
0x36b: {  	[tilespmem:$0x1350] =	vst @!p1 v4  }
0x36c: {  	[tilespmem:$0x1360] =	vst @!p1 v5  }
0x36d: {  	[tilespmem:$0x1370] =	vst @!p1 v1  }
0x36e: {  	v1 =	vld [tilespmem:$0xF00]  }
0x36f: {  	v2 =	vld [tilespmem:$0xF10]  }
0x370: {  	v3 =	vld [tilespmem:$0xF20]  }
0x371: {  	v4 =	vld [tilespmem:$0xF30]  }
0x372: {  	v5 =	vld [tilespmem:$0xF40]  }
0x373: {  	[tilespmem:$0x1380] =	vst v1;
	v1 =	vld [tilespmem:$0xF50]  }
0x374: {  	[tilespmem:$0x1390] =	vst v2;
	v2 =	vld [tilespmem:$0xF60]  }
0x375: {  	p2 =	slt.u32 s3, $0x301;
	[tilespmem:$0x13A0] =	vst v3;
	v3 =	vld [tilespmem:$0xF70]  }
0x376: {  	[tilespmem:$0x13B0] =	vst v4;
	v4 =	vld @!p2 [tilespmem:$0xF80]  }
0x377: {  	[tilespmem:$0x13C0] =	vst v5;
	v5 =	vld @!p2 [tilespmem:$0xF90]  }
0x378: {  	[tilespmem:$0x13D0] =	vst v1;
	v1 =	vld @!p2 [tilespmem:$0xFA0]  }
0x379: {  	[tilespmem:$0x13E0] =	vst v2;
	v2 =	vld @!p2 [tilespmem:$0xFB0]  }
0x37a: {  	[tilespmem:$0x13F0] =	vst v3;
	v3 =	vld @!p2 [tilespmem:$0xFC0]  }
0x37b: {  	p4 =	slt.u32 @!p2 s3, $0x381;
	[tilespmem:$0x1400] =	vst @!p2 v4;
	v4 =	vld @!p2 [tilespmem:$0xFD0]  }
0x37c: {  	p3 =	por p4, p2;
	[tilespmem:$0x1410] =	vst @!p2 v5;
	v5 =	vld @!p2 [tilespmem:$0xFE0]  }
0x37d: {  	[tilespmem:$0x1420] =	vst @!p2 v1;
	v1 =	vld @!p3 [tilespmem:$0x1000]  }
0x37e: {  	[tilespmem:$0x1430] =	vst @!p2 v2;
	v2 =	vld @!p3 [tilespmem:$0x1010]  }
0x37f: {  	[tilespmem:$0x1440] =	vst @!p2 v3;
	v3 =	vld @!p3 [tilespmem:$0x1020]  }
0x380: {  	[tilespmem:$0x1450] =	vst @!p2 v4;
	v4 =	vld @!p3 [tilespmem:$0x1030]  }
0x381: {  	[tilespmem:$0x1460] =	vst @!p2 v5;
	v5 =	vld @!p3 [tilespmem:$0x1040]  }
0x382: {  	[tilespmem:$0x1480] =	vst @!p3 v1;
	v1 =	vld @!p3 [tilespmem:$0x1050]  }
0x383: {  	[tilespmem:$0x1490] =	vst @!p3 v2;
	v2 =	vld @!p3 [tilespmem:$0x1060]  }
0x384: {  	[tilespmem:$0x14A0] =	vst @!p3 v3;
	v3 =	vld @!p3 [tilespmem:$0x1070]  }
0x385: {  	p6 =	por @!p2 $0x1, $0x1;
	p0 =	por @!p3 $0x1, $0x1;
	[tilespmem:$0x14B0] =	vst @!p3 v4;
	v4 =	vld @!p2 [tilespmem:$0xFF0]  }
.Ltmp9:
0x386: {  	p4 =	por !p4, p2;
	p5 =	por p0, p0;
	[tilespmem:$0x14C0] =	vst @!p3 v5;
	(pc) =	sbr.rel .LBB2_11-.Ltmp9, $4  }
0x387: {  	p5 =	por @!p4 p6, p6;
	p6 =	por @!p2 $0x0, $0x0;
	[tilespmem:$0x14D0] =	vst @!p3 v1  }
0x388: {  	p0 =	por @!p4 p6, p6;
	[tilespmem:$0x14E0] =	vst @!p3 v2  }
0x389: {  	p4 =	por $0x0, $0x0;
	p6 =	por $0x0, $0x0;
	[tilespmem:$0x14F0] =	vst @!p3 v3;
	p3 =	por $0x1, $0x1  }
0x38a: {  	p4 =	por @!p2 p5, p5;
	p6 =	por @!p2 p0, p0;
	[tilespmem:$0x1470] =	vst @!p2 v4;
	p3 =	por @!p2 p5, p5  }
.LBB2_8:
.Ltmp10:
0x38b: {  	(pc) =	sbr.rel .LBB2_28-.Ltmp10, $4  }
0x38c: {  	_ = 	snop  }
0x38d: {  	[tilespmem:s0], [sflag:$0x1] =	stream.indirect.gather [hbm4b:s12+s31], $0x10, s5, s31, $0xb8;
	[tilespmem:$0x1DD80] =	vst v63  }
0x38e: {  	p1 =	por $0x0, $0x0  }
0x38f: {  	p2 =	por $0x0, $0x0;
	p6 =	por $0x0, $0x0;
	p3 =	por $0x0, $0x0  }
.LBB2_23:
.Ltmp11:
0x390: {  	(pc) =	sbr.rel .LBB2_24-.Ltmp11, $4  }
0x391: {  	_ = 	snop  }
0x392: {  	[tilespmem:s0], [sflag:$0x1] =	stream.indirect.gather [hbm4b:s12+s31], $0x10, s5, s31, $0xb8;
	[tilespmem:$0x1DD80] =	vst v63  }
0x393: {  	s1 =	simm.s32 $0x880  }
0x394: {  	[tilespmem:s2], [sflag:$0x1] =	stream.indirect.gather [hbm4b:s12+s31], $0x10, s1, s31, $0xb8;
	[tilespmem:$0x1DD80] =	vst v63  }
.LBB2_9:
0x395: {  	[tilespmem:s0], [sflag:$0x1] =	stream.indirect.gather [hbm4b:s12+s31], $0x10, s5, s31, $0xb8;
	[tilespmem:$0x1DD80] =	vst v63  }
0x396: {  	s1 =	simm.s32 $0x880  }
0x397: {  	[tilespmem:s2], [sflag:$0x1] =	stream.indirect.gather [hbm4b:s12+s31], $0x10, s1, s31, $0xb8;
	[tilespmem:$0x1DD80] =	vst v63  }
0x398: {  	s21 =	simm.s32 $0x900  }
0x399: {  	[tilespmem:s4], [sflag:$0x1] =	stream.indirect.gather [hbm4b:s12+s31], $0x10, s21, s31, $0xb8;
	[tilespmem:$0x1DD80] =	vst v63  }
.LBB2_24:
0x39a: {  	_ =	swait.ge [sflag:s26], $0x800;
	p0 =	sgt.u32 s3, $0x100  }
.Ltmp12:
0x39b: {  	[sflag:s26] =	ssyncset.done $0x0;
	(pc) =	sbr.rel @!p0 .LBB2_29-.Ltmp12, $4  }
0x39c: {  	[sflag:s26] =	ssyncadd.s32 $0xFFFFF800  }
0x39d: {  	p1 =	por $0x0, $0x0;
	p2 =	por $0x0, $0x0;
	_ =	swait.ge [sflag:s26], $0x800  }
0x39e: {  	p6 =	por $0x0, $0x0;
	p3 =	por $0x0, $0x0;
	[sflag:s26] =	ssyncset.done $0x0  }
0x39f: {  	p5 =	por $0x0, $0x0;
	p4 =	por $0x0, $0x0;
	[sflag:s26] =	ssyncadd.s32 $0xFFFFF800  }
.LBB2_28:
0x3a0: {  	_ =	swait.ge [sflag:s26], $0x800  }
0x3a1: {  	[sflag:s26] =	ssyncset.done $0x0  }
0x3a2: {  	p5 =	sgt.u32 s3, $0x80;
	p4 =	por p6, p6;
	[sflag:s26] =	ssyncadd.s32 $0xFFFFF800  }
.LBB2_29:
0x3a3: {  	[spmem:s9] =	stream.indirect.scatter.add.f32 [tilespmem:s0], [sflag:$0x3], $0x10, s10, s31, $0xb8;
	[tilespmem:$0x1DD80] =	vst v63  }
0x3a4: {  	_ =	swait.ge [sflag:s29], $0x800  }
0x3a5: {  	s1 =	sld [smem:$0x7FD];
	_ =	sdelay $0x2  }
0x3a6: {  	p0 =	seq.s32 s1, $0x1  }
.Ltmp13:
0x3a7: {  	_ = 	snop;
	(pc) =	sbr.rel @p0 .LBB2_36-.Ltmp13, $3  }
0x3a8: {  	_ =	sdelay $0x1  }
0x3a9: {  	[sflag:s29] =	ssyncset.done $0x0  }
0x3aa: {  	[sflag:s29] =	ssyncadd.s32 $0xFFFFF800  }
.Ltmp14:
0x3ab: {  	s1 =	simm.s32 $0x1180;
	(pc) =	sbr.rel @p5 .LBB2_37-.Ltmp14, $4  }
0x3ac: {  	[spmem:s9] =	stream.indirect.scatter.add.f32 [tilespmem:s2], [sflag:$0x3], $0x10, s1, s31, $0xb8;
	[tilespmem:$0x1DD80] =	vst v63  }
0x3ad: {  	_ =	swait.ge [sflag:s29], $0x800  }
0x3ae: {  	[sflag:s29] =	ssyncset.done $0x0  }
0x3af: {  	[sflag:s29] =	ssyncadd.s32 $0xFFFFF800  }
.LBB2_31:
.Ltmp15:
0x3b0: {  	(pc) =	sbr.rel @!p6 .LBB2_32-.Ltmp15, $1  }
0x3b1: {  	_ =	sdelay $0x3  }
.LBB2_38:
.Ltmp16:
0x3b2: {  	s1 =	simm.s32 $0x1280;
	(pc) =	sbr.rel @p2 .LBB2_39-.Ltmp16, $4  }
0x3b3: {  	[spmem:s9] =	stream.indirect.scatter.add.f32 [tilespmem:s7], [sflag:$0x3], $0x10, s1, s31, $0xb8;
	[tilespmem:$0x1DD80] =	vst v63  }
0x3b4: {  	_ =	swait.ge [sflag:s29], $0x800  }
0x3b5: {  	[sflag:s29] =	ssyncset.done $0x0  }
0x3b6: {  	[sflag:s29] =	ssyncadd.s32 $0xFFFFF800  }
.LBB2_33:
.Ltmp17:
0x3b7: {  	(pc) =	sbr.rel @!p3 .LBB2_34-.Ltmp17, $1  }
0x3b8: {  	_ =	sdelay $0x3  }
.LBB2_40:
.Ltmp18:
0x3b9: {  	(pc) =	sbr.rel @p1 .LBB2_41-.Ltmp18, $4  }
0x3ba: {  	[spmem:s9] =	stream.indirect.scatter.add.f32 [tilespmem:s20], [sflag:$0x3], $0x10, s13, s31, $0xb8;
	[tilespmem:$0x1DD80] =	vst v63  }
0x3bb: {  	_ =	swait.ge [sflag:s29], $0x800  }
0x3bc: {  	[sflag:s29] =	ssyncset.done $0x0  }
0x3bd: {  	[sflag:s29] =	ssyncadd.s32 $0xFFFFF800  }
.LBB2_35:
.Ltmp19:
0x3be: {  	(pc) =	sbr.rel @!p4 .LBB2_43-.Ltmp19, $4  }
.Ltmp20:
0x3bf: {  	(pc) =	sbr.rel @p4 .LBB2_42-.Ltmp20, $4  }
0x3c0: {  	_ = 	snop  }
0x3c1: {  	_ = 	snop  }
0x3c2: {  	_ = 	snop  }
0x3c3: {  	_ = 	snop  }
.LBB2_36:
.Ltmp21:
0x3c4: {  	(pc) =	sbr.rel @!p5 .LBB2_31-.Ltmp21, $1  }
0x3c5: {  	_ =	sdelay $0x3  }
.LBB2_37:
.Ltmp22:
0x3c6: {  	s1 =	simm.s32 $0x1200;
	(pc) =	sbr.rel @p6 .LBB2_38-.Ltmp22, $4  }
0x3c7: {  	[spmem:s9] =	stream.indirect.scatter.add.f32 [tilespmem:s4], [sflag:$0x3], $0x10, s1, s31, $0xb8;
	[tilespmem:$0x1DD80] =	vst v63  }
0x3c8: {  	_ =	swait.ge [sflag:s29], $0x800  }
0x3c9: {  	[sflag:s29] =	ssyncset.done $0x0  }
0x3ca: {  	[sflag:s29] =	ssyncadd.s32 $0xFFFFF800  }
.LBB2_32:
.Ltmp23:
0x3cb: {  	(pc) =	sbr.rel @!p2 .LBB2_33-.Ltmp23, $1  }
0x3cc: {  	_ =	sdelay $0x3  }
.LBB2_39:
.Ltmp24:
0x3cd: {  	(pc) =	sbr.rel @p3 .LBB2_40-.Ltmp24, $4  }
0x3ce: {  	[spmem:s9] =	stream.indirect.scatter.add.f32 [tilespmem:s18], [sflag:$0x3], $0x10, s23, s31, $0xb8;
	[tilespmem:$0x1DD80] =	vst v63  }
0x3cf: {  	_ =	swait.ge [sflag:s29], $0x800  }
0x3d0: {  	[sflag:s29] =	ssyncset.done $0x0  }
0x3d1: {  	[sflag:s29] =	ssyncadd.s32 $0xFFFFF800  }
.LBB2_34:
.Ltmp25:
0x3d2: {  	(pc) =	sbr.rel @!p1 .LBB2_35-.Ltmp25, $1  }
0x3d3: {  	_ =	sdelay $0x3  }
.LBB2_41:
0x3d4: {  	[spmem:s9] =	stream.indirect.scatter.add.f32 [tilespmem:s22], [sflag:$0x3], $0x10, s14, s31, $0xb8;
	[tilespmem:$0x1DD80] =	vst v63  }
.Ltmp26:
0x3d5: {  	_ = 	snop;
	(pc) =	sbr.rel @!p4 .LBB2_43-.Ltmp26, $4  }
.Ltmp27:
0x3d6: {  	_ = 	snop;
	(pc) =	sbr.rel @p4 .LBB2_42-.Ltmp27, $4  }
0x3d7: {  	_ =	swait.ge [sflag:s29], $0x800  }
0x3d8: {  	[sflag:s29] =	ssyncset.done $0x0  }
0x3d9: {  	[sflag:s29] =	ssyncadd.s32 $0xFFFFF800  }
0x3da: {  	_ = 	snop  }
.LBB2_7:
0x3db: {  	p2 =	por @!p1 $0x0, $0x0  }
0x3dc: {  	p4 =	por $0x0, $0x0;
	p3 =	por $0x0, $0x0;
	p6 =	por $0x0, $0x0  }
0x3dd: {  	p4 =	por @!p1 p2, p2;
	p3 =	por @!p1 p2, p2;
	p6 =	por @!p1 p2, p2  }
.LBB2_11:
0x3de: {  	[tilespmem:s0], [sflag:$0x1] =	stream.indirect.gather [hbm4b:s12+s31], $0x10, s5, s31, $0xb8;
	[tilespmem:$0x1DD80] =	vst v63  }
0x3df: {  	s1 =	simm.s32 $0x880  }
0x3e0: {  	[tilespmem:s2], [sflag:$0x1] =	stream.indirect.gather [hbm4b:s12+s31], $0x10, s1, s31, $0xb8;
	[tilespmem:$0x1DD80] =	vst v63  }
.Ltmp28:
0x3e1: {  	_ = 	snop;
	(pc) =	sbr.rel @p1 .LBB2_19-.Ltmp28, $4  }
0x3e2: {  	s19 =	simm.s32 $0x900  }
0x3e3: {  	[tilespmem:s4], [sflag:$0x1] =	stream.indirect.gather [hbm4b:s12+s31], $0x10, s19, s31, $0xb8;
	[tilespmem:$0x1DD80] =	vst v63  }
0x3e4: {  	s21 =	simm.s32 $0x980  }
0x3e5: {  	[tilespmem:s7], [sflag:$0x1] =	stream.indirect.gather [hbm4b:s12+s31], $0x10, s21, s31, $0xb8;
	[tilespmem:$0x1DD80] =	vst v63  }
.Ltmp29:
0x3e6: {  	(pc) =	sbr.rel @p3 .LBB2_20-.Ltmp29, $3  }
0x3e7: {  	_ =	sdelay $0x1  }
0x3e8: {  	s1 =	simm.s32 $0xA00  }
0x3e9: {  	[tilespmem:s18], [sflag:$0x1] =	stream.indirect.gather [hbm4b:s12+s31], $0x10, s1, s31, $0xb8;
	[tilespmem:$0x1DD80] =	vst v63  }
.LBB2_13:
.Ltmp30:
0x3ea: {  	(pc) =	sbr.rel @!p4 .LBB2_14-.Ltmp30, $2  }
0x3eb: {  	_ =	sdelay $0x2  }
0x3ec: {  	p3 =	por $0x0, $0x0  }
.LBB2_21:
.Ltmp31:
0x3ed: {  	(pc) =	sbr.rel @!p6 .LBB2_15-.Ltmp31, $4  }
.Ltmp32:
0x3ee: {  	(pc) =	sbr.rel @p6 .LBB2_22-.Ltmp32, $4  }
0x3ef: {  	_ = 	snop  }
0x3f0: {  	s1 =	simm.s32 $0xB00;
	p0 =	por $0x0, $0x0;
	p4 =	por $0x1, $0x1  }
0x3f1: {  	[tilespmem:s22], [sflag:$0x1] =	stream.indirect.gather [hbm4b:s12+s31], $0x10, s1, s31, $0xb8;
	[tilespmem:$0x1DD80] =	vst v63  }
0x3f2: {  	_ = 	snop  }
.LBB2_19:
.Ltmp33:
0x3f3: {  	(pc) =	sbr.rel @!p3 .LBB2_13-.Ltmp33, $1  }
0x3f4: {  	_ =	sdelay $0x3  }
.LBB2_20:
.Ltmp34:
0x3f5: {  	(pc) =	sbr.rel @p4 .LBB2_21-.Ltmp34, $3  }
0x3f6: {  	_ =	sdelay $0x1  }
0x3f7: {  	s1 =	simm.s32 $0xA80;
	p3 =	por $0x1, $0x1  }
0x3f8: {  	[tilespmem:s20], [sflag:$0x1] =	stream.indirect.gather [hbm4b:s12+s31], $0x10, s1, s31, $0xb8;
	[tilespmem:$0x1DD80] =	vst v63  }
.LBB2_14:
.Ltmp35:
0x3f9: {  	(pc) =	sbr.rel @!p6 .LBB2_15-.Ltmp35, $2  }
0x3fa: {  	_ =	sdelay $0x2  }
0x3fb: {  	p4 =	por $0x0, $0x0;
	p0 =	por $0x0, $0x0  }
.LBB2_22:
0x3fc: {  	s1 =	simm.s32 $0xB80;
	p0 =	por $0x1, $0x1  }
0x3fd: {  	[tilespmem:s25], [sflag:$0x1] =	stream.indirect.gather [hbm4b:s12+s31], $0x10, s1, s31, $0xb8;
	[tilespmem:$0x1DD80] =	vst v63  }
.LBB2_15:
0x3fe: {  	_ =	swait.ge [sflag:s26], $0x800  }
0x3ff: {  	[sflag:s26] =	ssyncset.done $0x0  }
0x400: {  	[sflag:s26] =	ssyncadd.s32 $0xFFFFF800  }
0x401: {  	_ =	swait.ge [sflag:s26], $0x800  }
0x402: {  	[sflag:s26] =	ssyncset.done $0x0  }
0x403: {  	[sflag:s26] =	ssyncadd.s32 $0xFFFFF800  }
0x404: {  	_ =	swait.ge [sflag:s26], $0x800  }
.Ltmp36:
0x405: {  	[sflag:s26] =	ssyncset.done $0x0;
	(pc) =	sbr.rel @p1 .LBB2_25-.Ltmp36, $4  }
0x406: {  	[sflag:s26] =	ssyncadd.s32 $0xFFFFF800  }
0x407: {  	_ =	swait.ge [sflag:s26], $0x800  }
0x408: {  	[sflag:s26] =	ssyncset.done $0x0  }
0x409: {  	p2 =	sgt.u32 s3, $0x200;
	[sflag:s26] =	ssyncadd.s32 $0xFFFFF800  }
.Ltmp37:
0x40a: {  	(pc) =	sbr.rel @p3 .LBB2_26-.Ltmp37, $4  }
0x40b: {  	_ = 	snop  }
0x40c: {  	_ =	swait.ge [sflag:s26], $0x800  }
0x40d: {  	[sflag:s26] =	ssyncset.done $0x0  }
0x40e: {  	[sflag:s26] =	ssyncadd.s32 $0xFFFFF800  }
.LBB2_17:
.Ltmp38:
0x40f: {  	(pc) =	sbr.rel @!p4 .LBB2_18-.Ltmp38, $2  }
0x410: {  	_ =	sdelay $0x2  }
0x411: {  	p3 =	por $0x0, $0x0  }
.LBB2_27:
.Ltmp39:
0x412: {  	(pc) =	sbr.rel @!p0 .LBB2_29-.Ltmp39, $4  }
.Ltmp40:
0x413: {  	(pc) =	sbr.rel @p0 .LBB2_28-.Ltmp40, $4  }
0x414: {  	_ =	swait.ge [sflag:s26], $0x800  }
0x415: {  	p4 =	por $0x0, $0x0;
	p1 =	por $0x1, $0x1;
	[sflag:s26] =	ssyncset.done $0x0  }
0x416: {  	p6 =	por $0x1, $0x1;
	p5 =	por $0x1, $0x1;
	[sflag:s26] =	ssyncadd.s32 $0xFFFFF800  }
0x417: {  	_ = 	snop  }
.LBB2_25:
.Ltmp41:
0x418: {  	(pc) =	sbr.rel @!p3 .LBB2_17-.Ltmp41, $1  }
0x419: {  	_ =	sdelay $0x3  }
.LBB2_26:
.Ltmp42:
0x41a: {  	(pc) =	sbr.rel @p4 .LBB2_27-.Ltmp42, $4  }
0x41b: {  	_ = 	snop  }
0x41c: {  	_ =	swait.ge [sflag:s26], $0x800  }
0x41d: {  	[sflag:s26] =	ssyncset.done $0x0  }
0x41e: {  	p3 =	por $0x1, $0x1;
	[sflag:s26] =	ssyncadd.s32 $0xFFFFF800  }
.LBB2_18:
.Ltmp43:
0x41f: {  	(pc) =	sbr.rel @!p0 .LBB2_29-.Ltmp43, $4  }
.Ltmp44:
0x420: {  	(pc) =	sbr.rel @p0 .LBB2_28-.Ltmp44, $4  }
0x421: {  	_ = 	snop  }
0x422: {  	p6 =	por $0x1, $0x1  }
0x423: {  	p1 =	por $0x0, $0x0;
	p5 =	por $0x1, $0x1;
	p4 =	por $0x0, $0x0  }
0x424: {  	_ = 	snop  }
.LBB2_45:
0x425: {  	_ =	sfence.sel $0x180000  }
0x426: {  	[bflag:$0x0] =	sbarrier.arrive $0xFFFF  }
0x427: {  	_ =	strace $0x90000047  }
0x428: {  	s0 =	stileid.u32;
	[bflag:$0x2] =	sbarrier.arrive $0xFFFF  }
0x429: {  	p0 =	sne.s32 s0, $0x0;
	s0 =	rddreg [dreg:$0xb]  }
0x42a: {  	s0 =	sadd.s32 @!p0 $0x100000, s0  }
0x42b: {  	[sflag:s0] =	ssyncadd.tile.s32 @!p0 $0x1;
	_ =	shalt  }
.Lfunc_end2:
_tile_overlayer_lowered:
.L_overlay_start_2:
0x42c: {  	(tag) =	ssettag $0x2  }
0x42d: {  	s0 =	rddreg [dreg:$0x0];
	s2 =	stileid.u32  }
0x42e: {  	s1 =	rddreg [dreg:$0x1];
	p0 =	sne.s32 s2, $0x0  }
0x42f: {  	s3 =	rddreg [dreg:$0x2];
	[bflag:$0x3] =	sbarrier.arrive $0xFFFF;
	s2 =	simm.s32 @!p0 $0x1C02  }
0x430: {  	[timem:s3], [sflag:s2] =	dma.local @!p0 [hbm:s0], s1  }
0x431: {  	s0 =	simm.s32 @!p0 $0x2  }
0x432: {  	_ =	swait.ge @!p0 [sflag:s0], s1  }
0x433: {  	s1 =	ssub.s32 @!p0 $0x0, s1;
	[sflag:s0] =	ssyncset.done @!p0 $0x0  }
0x434: {  	[sflag:s0] =	ssyncadd.s32 @!p0 s1  }
0x435: {  	[bflag:$0x3] =	sbarrier.arrive $0xFFFF  }
0x436: {  	_ =	shalt  }

</sc_bundles>
